<compile_context>
chip_gen: v7x
topology: tpu7x:2x2x1
jax: 0.10.2.dev20260603
libtpu: 0.0.44.dev20260713+nightly
codegen_flags: <defaults>
</compile_context>

<pallas_src>
import jax
import jax.numpy as jnp
from jax import lax
from jax.experimental import pallas as pl
from jax.experimental.pallas import tpu as pltpu
from jax.experimental.pallas import tpu_sc as plsc

N_A = 10000
N_S = 10000
E = 320000
EL = 100000
D = 128
H = 128

NC = 2
NS = 16
NW = NC * NS

EPT = E // NW
EPC = E // NS
K = 80
NCH = EPT // K
NCH2 = EPC // K
SCH = 25
ICH = NCH2 // SCH
SC_E = EPC // SCH
HH = H // 2

ELP = 100352
DPT = ELP // NW
ELT = EL - (NW - 1) * DPT
N_SP = 10240
RPT = N_SP // NS
ZR = 32

_HI = lax.Precision.HIGHEST



def _tc1_body(xa_ref, xst_ref, wsrc_ref, wdst_ref, asrc_ref, adst_ref, w1_ref,
              xs_ref, a_s_ref, a_d_ref, p_a_ref):
    xa = xa_ref[...]
    xs = jnp.dot(xa, wsrc_ref[...], precision=_HI)
    xs_ref[...] = xs
    a_s_ref[...] = jnp.sum(xs * asrc_ref[...][None, :], axis=1)
    v = jnp.sum(wdst_ref[...] * adst_ref[...][None, :], axis=1)
    a_d_ref[...] = jnp.sum(xst_ref[...] * v[None, :], axis=1)
    p_a_ref[...] = jnp.sum(xa * w1_ref[...][None, :], axis=1)


def _tc1(xa, xst, wsrc, wdst, asrc, adst, w1):
    return pl.pallas_call(
        _tc1_body,
        out_shape=[
            jax.ShapeDtypeStruct((N_A, H), jnp.float32),
            jax.ShapeDtypeStruct((N_A,), jnp.float32),
            jax.ShapeDtypeStruct((N_S,), jnp.float32),
            jax.ShapeDtypeStruct((N_A,), jnp.float32),
        ],
    )(xa, xst, wsrc, wdst, asrc, adst, w1)


def _tc2_body(parts_ref, dn_ref, bconv_ref, w2_ref, bh_ref, ps_ref):
    s = jnp.sum(dn_ref[...], axis=0)
    r = 1.0 / (s + 1e-16)
    z = jnp.maximum(parts_ref[...] * r[:, None] + bconv_ref[...][None, :], 0.0)
    ps_ref[...] = jnp.sum(z * w2_ref[...][None, :], axis=1) + bh_ref[...]


def _tc2(parts, dn, bconv, w2, bh):
    return pl.pallas_call(
        _tc2_body,
        out_shape=jax.ShapeDtypeStruct((N_SP,), jnp.float32),
    )(parts, dn, bconv, w2, bh)



def _mesh():
    return plsc.VectorSubcoreMesh(
        core_axis_name="c", subcore_axis_name="s",
        num_cores=NC, num_subcores=NS)


_SC_PARAMS = pltpu.CompilerParams(needs_layout_passes=False)


def _sca_body(a_s_hbm, a_d_hbm, src_hbm, dst_hbm, w_hbm, dn_hbm,
              as_v, ad_v, src_v, dst_v, w_v, dn_v, lsem):
    wid = lax.axis_index("s") * NC + lax.axis_index("c")
    pltpu.async_copy(a_s_hbm, as_v, lsem)
    pltpu.async_copy(a_d_hbm, ad_v, lsem)
    pltpu.async_copy(src_hbm.at[wid], src_v, lsem)
    pltpu.async_copy(dst_hbm.at[wid], dst_v, lsem)

    zeros = jnp.zeros((16,), jnp.float32)

    def zbody(i, _):
        dn_v[pl.ds(i * 16, 16)] = zeros
        return 0
    lax.fori_loop(0, N_SP // 16, zbody, 0)

    pltpu.make_async_copy(a_s_hbm, as_v, lsem).wait()
    pltpu.make_async_copy(a_d_hbm, ad_v, lsem).wait()
    pltpu.make_async_copy(src_hbm.at[wid], src_v, lsem).wait()
    pltpu.make_async_copy(dst_hbm.at[wid], dst_v, lsem).wait()

    def ebody(g, _):
        sl = pl.ds(g * 16, 16)
        sv = src_v[sl]
        dv = dst_v[sl]
        e = plsc.load_gather(as_v, [sv]) + plsc.load_gather(ad_v, [dv])
        e = jnp.where(e >= 0.0, e, 0.2 * e)
        w = jnp.exp(e)
        w_v[sl] = w
        plsc.addupdate_scatter(dn_v, [dv], w)
        return 0
    lax.fori_loop(0, EPT // 16, ebody, 0)

    pltpu.async_copy(w_v, w_hbm.at[wid], lsem)
    pltpu.async_copy(dn_v, dn_hbm.at[wid], lsem)
    pltpu.make_async_copy(w_v, w_hbm.at[wid], lsem).wait()
    pltpu.make_async_copy(dn_v, dn_hbm.at[wid], lsem).wait()


def _sca(a_s, a_d, src, dst):
    return pl.kernel(
        _sca_body,
        out_type=[
            jax.ShapeDtypeStruct((NW, EPT), jnp.float32),
            jax.ShapeDtypeStruct((NW, N_SP), jnp.float32),
        ],
        mesh=_mesh(),
        compiler_params=_SC_PARAMS,
        scratch_types=[
            pltpu.VMEM((N_A,), jnp.float32),
            pltpu.VMEM((N_S,), jnp.float32),
            pltpu.VMEM((EPT,), jnp.int32),
            pltpu.VMEM((EPT,), jnp.int32),
            pltpu.VMEM((EPT,), jnp.float32),
            pltpu.VMEM((N_SP,), jnp.float32),
            pltpu.SemaphoreType.DMA,
        ],
    )(a_s, a_d, src, dst)


def _scb_body(xs_hbm, src_hbm, dst_hbm, w_hbm, parts_hbm,
              src_a, src_b, dst_a, dst_b, w_a, w_b,
              rows_a, rows_b, acc, gsa, gsb, ssa, ssb, stsem):
    sid = lax.axis_index("s")

    zeros = jnp.zeros((16,), jnp.float32)

    def zbody(i, _):
        for h in range(H // 16):
            rows_a[i, pl.ds(h * 16, 16)] = zeros
        return 0
    lax.fori_loop(0, K, zbody, 0)
    base = sid * RPT
    for j in range(RPT // K):
        pltpu.async_copy(rows_a, acc.at[pl.ds(base + j * K, K)], gsa)
    for j in range(RPT // K):
        pltpu.make_async_copy(rows_a, acc.at[pl.ds(base + j * K, K)],
                              gsa).wait()
    plsc.subcore_barrier()

    bufs = (rows_a, rows_b)
    gsems = (gsa, gsb)
    ssems = (ssa, ssb)

    def _stage(s, stg):
        src_s, dst_s, w_s = stg
        pltpu.async_copy(src_hbm.at[sid, s], src_s, stsem)
        pltpu.async_copy(dst_hbm.at[sid, s], dst_s, stsem)
        pltpu.async_copy(w_hbm.at[sid, s], w_s, stsem)

    def _stage_wait(s, stg):
        src_s, dst_s, w_s = stg
        pltpu.make_async_copy(src_hbm.at[sid, s], src_s, stsem).wait()
        pltpu.make_async_copy(dst_hbm.at[sid, s], dst_s, stsem).wait()
        pltpu.make_async_copy(w_hbm.at[sid, s], w_s, stsem).wait()

    _stage(0, (src_a, dst_a, w_a))
    _stage_wait(0, (src_a, dst_a, w_a))
    pltpu.async_copy(xs_hbm.at[src_a.at[0]], rows_a, gsa)

    def _process(s, stg, stg_next):
        src_s, dst_s, w_s = stg

        @pl.when(s + 1 < SCH)
        def _():
            _stage(s + 1, stg_next)

        def ibody(i, _):
            for b in range(2):
                cc = 2 * i + b
                buf, oth = bufs[b], bufs[1 - b]
                pltpu.make_async_copy(
                    xs_hbm.at[src_s.at[cc]], buf, gsems[b]).wait()
                if b == 1:
                    pltpu.make_async_copy(
                        oth, acc.at[dst_s.at[cc - 1]], ssems[0]).wait()
                else:
                    @pl.when(i >= 1)
                    def _():
                        pltpu.make_async_copy(
                            oth, acc.at[dst_s.at[cc - 1]], ssems[1]).wait()
                if b == 0:
                    pltpu.async_copy(
                        xs_hbm.at[src_s.at[cc + 1]], oth, gsems[1])
                else:
                    @pl.when(i < ICH // 2 - 1)
                    def _():
                        pltpu.async_copy(
                            xs_hbm.at[src_s.at[cc + 1]], oth, gsems[0])

                c16 = jnp.full((16,), cc, jnp.int32)

                def rbody(r_g, _):
                    for u in range(4):
                        r_i = r_g * 4 + u
                        i16 = jnp.full((16,), r_i, jnp.int32)
                        cv = plsc.load_gather(w_s, [c16, i16])
                        for h in range(H // 16):
                            sl = pl.ds(h * 16, 16)
                            buf[r_i, sl] = buf[r_i, sl] * cv
                    return 0
                lax.fori_loop(0, K // 4, rbody, 0)

                pltpu.async_copy(buf, acc.at[dst_s.at[cc]],
                                 ssems[b], add=True)
            return 0
        lax.fori_loop(0, ICH // 2, ibody, 0)
        pltpu.make_async_copy(
            rows_b, acc.at[dst_s.at[ICH - 1]], ssb).wait()
        @pl.when(s + 1 < SCH)
        def _():
            ns, nd, nw = stg_next
            _stage_wait(s + 1, stg_next)
            pltpu.async_copy(xs_hbm.at[ns.at[0]], rows_a, gsa)

    def sbody(s, _):
        p = s % 2

        @pl.when(p == 0)
        def _():
            _process(s, (src_a, dst_a, w_a), (src_b, dst_b, w_b))

        @pl.when(p == 1)
        def _():
            _process(s, (src_b, dst_b, w_b), (src_a, dst_a, w_a))
        return 0
    lax.fori_loop(0, SCH, sbody, 0)

    plsc.subcore_barrier()
    pltpu.sync_copy(acc.at[pl.ds(base, RPT)], parts_hbm.at[pl.ds(base, RPT)])


def _scb(xs, src, dst, w):
    return pl.kernel(
        _scb_body,
        out_type=jax.ShapeDtypeStruct((N_SP, H), jnp.float32),
        mesh=plsc.VectorSubcoreMesh(
            core_axis_name="c", subcore_axis_name="s",
            num_cores=1, num_subcores=NS),
        compiler_params=_SC_PARAMS,
        scratch_types=[
            pltpu.VMEM((ICH, K), jnp.int32),
            pltpu.VMEM((ICH, K), jnp.int32),
            pltpu.VMEM((ICH, K), jnp.int32),
            pltpu.VMEM((ICH, K), jnp.int32),
            pltpu.VMEM((ICH, K), jnp.float32),
            pltpu.VMEM((ICH, K), jnp.float32),
            pltpu.VMEM((K, H), jnp.float32),
            pltpu.VMEM((K, H), jnp.float32),
            pltpu.VMEM_SHARED((N_SP, H), jnp.float32),
            pltpu.SemaphoreType.DMA,
            pltpu.SemaphoreType.DMA,
            pltpu.SemaphoreType.DMA,
            pltpu.SemaphoreType.DMA,
            pltpu.SemaphoreType.DMA,
        ],
    )(xs, src, dst, w)


def _scc_body(pa_hbm, ps_hbm, row_hbm, col_hbm, out_hbm,
              pa_v, ps_v, row_v, col_v, o_v, lsem):
    wid = lax.axis_index("s") * NC + lax.axis_index("c")
    start = wid * DPT
    pltpu.async_copy(pa_hbm, pa_v, lsem)
    pltpu.async_copy(ps_hbm, ps_v, lsem)
    pltpu.async_copy(row_hbm.at[pl.ds(start, ELT)], row_v.at[pl.ds(0, ELT)],
                     lsem)
    pltpu.async_copy(col_hbm.at[pl.ds(start, ELT)], col_v.at[pl.ds(0, ELT)],
                     lsem)

    @pl.when(wid < NW - 1)
    def _():
        pltpu.async_copy(row_hbm.at[pl.ds(start + ELT, DPT - ELT)],
                         row_v.at[pl.ds(ELT, DPT - ELT)], lsem)
        pltpu.async_copy(col_hbm.at[pl.ds(start + ELT, DPT - ELT)],
                         col_v.at[pl.ds(ELT, DPT - ELT)], lsem)
        pltpu.make_async_copy(row_hbm.at[pl.ds(start + ELT, DPT - ELT)],
                              row_v.at[pl.ds(ELT, DPT - ELT)], lsem).wait()
        pltpu.make_async_copy(col_hbm.at[pl.ds(start + ELT, DPT - ELT)],
                              col_v.at[pl.ds(ELT, DPT - ELT)], lsem).wait()

    pltpu.make_async_copy(pa_hbm, pa_v, lsem).wait()
    pltpu.make_async_copy(ps_hbm, ps_v, lsem).wait()
    pltpu.make_async_copy(row_hbm.at[pl.ds(start, ELT)],
                          row_v.at[pl.ds(0, ELT)], lsem).wait()
    pltpu.make_async_copy(col_hbm.at[pl.ds(start, ELT)],
                          col_v.at[pl.ds(0, ELT)], lsem).wait()

    zeros16 = jnp.zeros((16,), jnp.int32)

    @pl.when(wid == NW - 1)
    def _():
        def tzero(i, _):
            sl = pl.ds(ELT + i * 16, 16)
            row_v[sl] = zeros16
            col_v[sl] = zeros16
            return 0
        lax.fori_loop(0, (DPT - ELT) // 16, tzero, 0)

    def gbody(g, _):
        sl = pl.ds(g * 16, 16)
        rv = row_v[sl]
        cv = col_v[sl]
        logit = plsc.load_gather(pa_v, [rv]) + plsc.load_gather(ps_v, [cv])
        o_v[sl] = 1.0 / (1.0 + jnp.exp(-logit))
        return 0
    lax.fori_loop(0, DPT // 16, gbody, 0)

    pltpu.sync_copy(o_v, out_hbm.at[wid])


def _scc(pa, ps, row, col):
    return pl.kernel(
        _scc_body,
        out_type=jax.ShapeDtypeStruct((NW, DPT), jnp.float32),
        mesh=_mesh(),
        compiler_params=_SC_PARAMS,
        scratch_types=[
            pltpu.VMEM((N_A,), jnp.float32),
            pltpu.VMEM((N_SP,), jnp.float32),
            pltpu.VMEM((DPT,), jnp.int32),
            pltpu.VMEM((DPT,), jnp.int32),
            pltpu.VMEM((DPT,), jnp.float32),
            pltpu.SemaphoreType.DMA,
        ],
    )(pa, ps, row, col)



def kernel(x_artwork, x_style, edge_index, edge_label_index,
           W_src, W_dst, att_src, att_dst, b_conv, W_head, b_head):
    src = edge_index[0].astype(jnp.int32)
    dst = edge_index[1].astype(jnp.int32)
    row = edge_label_index[0].astype(jnp.int32)
    col = edge_label_index[1].astype(jnp.int32)

    w1 = W_head[:H, 0]
    w2 = W_head[H:, 0]
    bh = jnp.broadcast_to(b_head, (N_SP,))

    xs, a_s, a_d, p_a = _tc1(x_artwork, x_style, W_src, W_dst,
                             att_src, att_dst, w1)

    src2 = src.reshape(NW, EPT)
    dst2 = dst.reshape(NW, EPT)
    w_e, dn = _sca(a_s, a_d, src2, dst2)

    parts = _scb(xs,
                 src.reshape(NS, SCH, ICH, K), dst.reshape(NS, SCH, ICH, K),
                 w_e.reshape(NS, SCH, ICH, K))

    ps = _tc2(parts, dn, b_conv, w2, bh)

    out = _scc(p_a, ps, row, col)

    return out.reshape(ELP)[:EL].reshape(EL, 1)

# --- scband reference (transcript-rebuilt; emitter-appended) ---
"""Pipeline reference for scband-model-85461259256122 (READ-ONLY COPY).

The authoritative reference and input builder live on the scoring server;
editing this copy changes nothing except your own understanding.
"""

import jax, jax.numpy as jnp
import numpy as np

N_A = 10000   # artwork nodes
N_S = 10000   # style nodes
E = 320000    # message edges (artwork -> style)
EL = 100000   # supervision edges for the decoder
D = 128       # input feature dim (== hidden_channels so decoder concat dim = 2*H)
H = 128       # hidden_channels


def setup_inputs(seed: int = 0) -> dict:
    key = jax.random.key(seed)
    ks = jax.random.split(key, 12)
    x_artwork = jax.random.normal(ks[0], (N_A, D), dtype=jnp.float32)
    x_style = jax.random.normal(ks[1], (N_S, D), dtype=jnp.float32)
    edge_index = jax.random.randint(ks[2], (2, E), 0, N_A, dtype=jnp.int64)
    edge_label_index = jax.random.randint(ks[3], (2, EL), 0, N_A, dtype=jnp.int64)
    # GATConv (heads=1, bipartite lazy dims) parameters
    s = 1.0 / np.sqrt(D)
    W_src = jax.random.normal(ks[4], (D, H), dtype=jnp.float32) * s
    W_dst = jax.random.normal(ks[5], (D, H), dtype=jnp.float32) * s
    att_src = jax.random.normal(ks[6], (H,), dtype=jnp.float32) * (1.0 / np.sqrt(H))
    att_dst = jax.random.normal(ks[7], (H,), dtype=jnp.float32) * (1.0 / np.sqrt(H))
    b_conv = jnp.zeros((H,), dtype=jnp.float32)
    # EdgeDecoder head: Linear(2H -> 1) + Sigmoid
    W_head = jax.random.normal(ks[8], (2 * H, 1), dtype=jnp.float32) * (1.0 / np.sqrt(2 * H))
    b_head = jnp.zeros((1,), dtype=jnp.float32)
    return {
        "x_artwork": x_artwork,
        "x_style": x_style,
        "edge_index": edge_index,
        "edge_label_index": edge_label_index,
        "W_src": W_src,
        "W_dst": W_dst,
        "att_src": att_src,
        "att_dst": att_dst,
        "b_conv": b_conv,
        "W_head": W_head,
        "b_head": b_head,
    }


def reference(x_artwork, x_style, edge_index, edge_label_index,
              W_src, W_dst, att_src, att_dst, b_conv, W_head, b_head):
    # --- GNNEncoder: HeteroConv({('artwork','to','style'): GATConv((-1,-1), H)}, aggr='sum'), 1 layer ---
    src = edge_index[0]
    dst = edge_index[1]
    xs = x_artwork @ W_src            # [N_A, H] transformed source features
    xd = x_style @ W_dst              # [N_S, H] transformed dest features
    a_s = xs @ att_src                # [N_A]
    a_d = xd @ att_dst                # [N_S]
    e = jax.nn.leaky_relu(a_s[src] + a_d[dst], 0.2)   # [E] attention logits
    # segment softmax over destination nodes
    m = jax.ops.segment_max(e, dst, num_segments=N_S)
    m = jnp.where(jnp.isfinite(m), m, 0.0)
    w = jnp.exp(e - m[dst])
    denom = jax.ops.segment_sum(w, dst, num_segments=N_S) + 1e-16
    alpha = w / denom[dst]            # [E]
    msg = alpha[:, None] * xs[src]    # [E, H]
    out = jax.ops.segment_sum(msg, dst, num_segments=N_S) + b_conv  # [N_S, H]
    z_style = jax.nn.relu(out)        # gnn_activation='relu'
    # --- EdgeDecoder (combined=True -> uses raw x_dict for the subject side) ---
    row = edge_label_index[0]
    col = edge_label_index[1]
    z = jnp.concatenate([x_artwork[row], z_style[col]], axis=-1)  # [EL, 2H]
    logits = z @ W_head + b_head
    return jax.nn.sigmoid(logits)     # [EL, 1]

if __name__ == "__main__":
    import jax
    _d = setup_inputs()
    print(jax.jit(kernel)(*tuple(_d.values())))

</pallas_src>

<mosaic_0001>
#map = affine_map<(d0, d1) -> (0)>
#map1 = affine_map<(d0, d1) -> (0, 0)>
module attributes {stable_mosaic.version = 14 : i64} {
  func.func @_scc_body(%arg0: i32, %arg1: i32, %arg2: memref<10000xf32, #tpu.memory_space<hbm>>, %arg3: memref<10240xf32, #tpu.memory_space<hbm>>, %arg4: memref<100000xi32, #tpu.memory_space<hbm>>, %arg5: memref<100000xi32, #tpu.memory_space<hbm>>, %arg6: memref<32x3136xf32, #tpu.memory_space<hbm>>, %arg7: memref<10000xf32, #tpu.memory_space<vmem>>, %arg8: memref<10240xf32, #tpu.memory_space<vmem>>, %arg9: memref<3136xi32, #tpu.memory_space<vmem>>, %arg10: memref<3136xi32, #tpu.memory_space<vmem>>, %arg11: memref<3136xf32, #tpu.memory_space<vmem>>, %arg12: memref<!tpu.dma_semaphore, #tpu.memory_space<semaphore_mem>>) attributes {dimension_semantics = [#tpu.dimension_semantics<core_parallel>, #tpu.dimension_semantics<subcore_parallel>], iteration_bounds = array<i64: 2, 16>, scalar_prefetch = 0 : i64, scratch_operands = 6 : i64, tpu.core_type = #tpu.core_type<sc_vector_subcore>, window_params = [{transform_indices = #map}, {transform_indices = #map}, {transform_indices = #map}, {transform_indices = #map}, {transform_indices = #map1}]} {
    %mul3A = arith.constant 2 : i32
    %mul3A_0 = arith.muli %arg1, %mul3A : i32
    %add3A = arith.addi %mul3A_0, %arg0 : i32
    %mul3A_1 = arith.constant 3136 : i32
    %mul3A_2 = arith.muli %add3A, %mul3A_1 : i32
    tpu.enqueue_dma source(%arg2 : memref<10000xf32, #tpu.memory_space<hbm>>) target(%arg7 : memref<10000xf32, #tpu.memory_space<vmem>>) target_semaphore(%arg12 : memref<!tpu.dma_semaphore, #tpu.memory_space<semaphore_mem>>)
    tpu.enqueue_dma source(%arg3 : memref<10240xf32, #tpu.memory_space<hbm>>) target(%arg8 : memref<10240xf32, #tpu.memory_space<vmem>>) target_semaphore(%arg12 : memref<!tpu.dma_semaphore, #tpu.memory_space<semaphore_mem>>)
    %dma_start3A = arith.constant 0 : i32
    %dma_start3A_3 = tpu.memref_slice %arg9[%dma_start3A] : memref<3136xi32, #tpu.memory_space<vmem>> -> memref<2784xi32, #tpu.memory_space<vmem>>
    %dma_start3A_4 = tpu.memref_slice %arg4[%mul3A_2] : memref<100000xi32, #tpu.memory_space<hbm>> -> memref<2784xi32, #tpu.memory_space<hbm>>
    %dma_start3A_5 = arith.constant 0 : i32
    %dma_start3A_6 = tpu.memref_slice %arg9[%dma_start3A_5] : memref<3136xi32, #tpu.memory_space<vmem>> -> memref<2784xi32, #tpu.memory_space<vmem>>
    %dma_start3A_7 = tpu.memref_slice %arg4[%mul3A_2] : memref<100000xi32, #tpu.memory_space<hbm>> -> memref<2784xi32, #tpu.memory_space<hbm>>
    tpu.enqueue_dma source(%dma_start3A_7 : memref<2784xi32, #tpu.memory_space<hbm>>) target(%dma_start3A_6 : memref<2784xi32, #tpu.memory_space<vmem>>) target_semaphore(%arg12 : memref<!tpu.dma_semaphore, #tpu.memory_space<semaphore_mem>>)
    %dma_start3A_8 = arith.constant 0 : i32
    %dma_start3A_9 = tpu.memref_slice %arg10[%dma_start3A_8] : memref<3136xi32, #tpu.memory_space<vmem>> -> memref<2784xi32, #tpu.memory_space<vmem>>
    %dma_start3A_10 = tpu.memref_slice %arg5[%mul3A_2] : memref<100000xi32, #tpu.memory_space<hbm>> -> memref<2784xi32, #tpu.memory_space<hbm>>
    %dma_start3A_11 = arith.constant 0 : i32
    %dma_start3A_12 = tpu.memref_slice %arg10[%dma_start3A_11] : memref<3136xi32, #tpu.memory_space<vmem>> -> memref<2784xi32, #tpu.memory_space<vmem>>
    %dma_start3A_13 = tpu.memref_slice %arg5[%mul3A_2] : memref<100000xi32, #tpu.memory_space<hbm>> -> memref<2784xi32, #tpu.memory_space<hbm>>
    tpu.enqueue_dma source(%dma_start3A_13 : memref<2784xi32, #tpu.memory_space<hbm>>) target(%dma_start3A_12 : memref<2784xi32, #tpu.memory_space<vmem>>) target_semaphore(%arg12 : memref<!tpu.dma_semaphore, #tpu.memory_space<semaphore_mem>>)
    %lt3A = arith.constant 31 : i32
    %lt3A_14 = arith.cmpi slt, %add3A, %lt3A : i32
    %convert_element_type3A = arith.extui %lt3A_14 : i1 to i32
    %cond3A = arith.constant 0 : i32
    %cond3A_15 = arith.cmpi ne, %convert_element_type3A, %cond3A : i32
    scf.if %cond3A_15 {
      %add3A_38 = arith.constant 2784 : i32
      %add3A_39 = arith.addi %mul3A_2, %add3A_38 : i32
      %dma_start3A_40 = arith.constant 2784 : i32
      %dma_start3A_41 = tpu.memref_slice %arg9[%dma_start3A_40] : memref<3136xi32, #tpu.memory_space<vmem>> -> memref<352xi32, #tpu.memory_space<vmem>>
      %dma_start3A_42 = tpu.memref_slice %arg4[%add3A_39] : memref<100000xi32, #tpu.memory_space<hbm>> -> memref<352xi32, #tpu.memory_space<hbm>>
      %dma_start3A_43 = arith.constant 2784 : i32
      %dma_start3A_44 = tpu.memref_slice %arg9[%dma_start3A_43] : memref<3136xi32, #tpu.memory_space<vmem>> -> memref<352xi32, #tpu.memory_space<vmem>>
      %dma_start3A_45 = tpu.memref_slice %arg4[%add3A_39] : memref<100000xi32, #tpu.memory_space<hbm>> -> memref<352xi32, #tpu.memory_space<hbm>>
      tpu.enqueue_dma source(%dma_start3A_45 : memref<352xi32, #tpu.memory_space<hbm>>) target(%dma_start3A_44 : memref<352xi32, #tpu.memory_space<vmem>>) target_semaphore(%arg12 : memref<!tpu.dma_semaphore, #tpu.memory_space<semaphore_mem>>)
      %add3A_46 = arith.constant 2784 : i32
      %add3A_47 = arith.addi %mul3A_2, %add3A_46 : i32
      %dma_start3A_48 = arith.constant 2784 : i32
      %dma_start3A_49 = tpu.memref_slice %arg10[%dma_start3A_48] : memref<3136xi32, #tpu.memory_space<vmem>> -> memref<352xi32, #tpu.memory_space<vmem>>
      %dma_start3A_50 = tpu.memref_slice %arg5[%add3A_47] : memref<100000xi32, #tpu.memory_space<hbm>> -> memref<352xi32, #tpu.memory_space<hbm>>
      %dma_start3A_51 = arith.constant 2784 : i32
      %dma_start3A_52 = tpu.memref_slice %arg10[%dma_start3A_51] : memref<3136xi32, #tpu.memory_space<vmem>> -> memref<352xi32, #tpu.memory_space<vmem>>
      %dma_start3A_53 = tpu.memref_slice %arg5[%add3A_47] : memref<100000xi32, #tpu.memory_space<hbm>> -> memref<352xi32, #tpu.memory_space<hbm>>
      tpu.enqueue_dma source(%dma_start3A_53 : memref<352xi32, #tpu.memory_space<hbm>>) target(%dma_start3A_52 : memref<352xi32, #tpu.memory_space<vmem>>) target_semaphore(%arg12 : memref<!tpu.dma_semaphore, #tpu.memory_space<semaphore_mem>>)
      %add3A_54 = arith.constant 2784 : i32
      %add3A_55 = arith.addi %mul3A_2, %add3A_54 : i32
      %dma_wait3A_56 = arith.constant 2784 : i32
      %dma_wait3A_57 = tpu.memref_slice %arg9[%dma_wait3A_56] : memref<3136xi32, #tpu.memory_space<vmem>> -> memref<352xi32, #tpu.memory_space<vmem>>
      %dma_wait3A_58 = tpu.memref_slice %arg4[%add3A_55] : memref<100000xi32, #tpu.memory_space<hbm>> -> memref<352xi32, #tpu.memory_space<hbm>>
      %dma_wait3A_59 = arith.constant 2784 : i32
      %dma_wait3A_60 = tpu.memref_slice %arg9[%dma_wait3A_59] : memref<3136xi32, #tpu.memory_space<vmem>> -> memref<352xi32, #tpu.memory_space<vmem>>
      %dma_wait3A_61 = tpu.memref_slice %arg4[%add3A_55] : memref<100000xi32, #tpu.memory_space<hbm>> -> memref<352xi32, #tpu.memory_space<hbm>>
      tpu.wait_dma2 semaphore(%arg12 : memref<!tpu.dma_semaphore, #tpu.memory_space<semaphore_mem>>) src(%dma_wait3A_61 : memref<352xi32, #tpu.memory_space<hbm>>) dst(%dma_wait3A_60 : memref<352xi32, #tpu.memory_space<vmem>>)
      %add3A_62 = arith.constant 2784 : i32
      %add3A_63 = arith.addi %mul3A_2, %add3A_62 : i32
      %dma_wait3A_64 = arith.constant 2784 : i32
      %dma_wait3A_65 = tpu.memref_slice %arg10[%dma_wait3A_64] : memref<3136xi32, #tpu.memory_space<vmem>> -> memref<352xi32, #tpu.memory_space<vmem>>
      %dma_wait3A_66 = tpu.memref_slice %arg5[%add3A_63] : memref<100000xi32, #tpu.memory_space<hbm>> -> memref<352xi32, #tpu.memory_space<hbm>>
      %dma_wait3A_67 = arith.constant 2784 : i32
      %dma_wait3A_68 = tpu.memref_slice %arg10[%dma_wait3A_67] : memref<3136xi32, #tpu.memory_space<vmem>> -> memref<352xi32, #tpu.memory_space<vmem>>
      %dma_wait3A_69 = tpu.memref_slice %arg5[%add3A_63] : memref<100000xi32, #tpu.memory_space<hbm>> -> memref<352xi32, #tpu.memory_space<hbm>>
      tpu.wait_dma2 semaphore(%arg12 : memref<!tpu.dma_semaphore, #tpu.memory_space<semaphore_mem>>) src(%dma_wait3A_69 : memref<352xi32, #tpu.memory_space<hbm>>) dst(%dma_wait3A_68 : memref<352xi32, #tpu.memory_space<vmem>>)
    } else {
    }
    tpu.wait_dma2 semaphore(%arg12 : memref<!tpu.dma_semaphore, #tpu.memory_space<semaphore_mem>>) src(%arg2 : memref<10000xf32, #tpu.memory_space<hbm>>) dst(%arg7 : memref<10000xf32, #tpu.memory_space<vmem>>)
    tpu.wait_dma2 semaphore(%arg12 : memref<!tpu.dma_semaphore, #tpu.memory_space<semaphore_mem>>) src(%arg3 : memref<10240xf32, #tpu.memory_space<hbm>>) dst(%arg8 : memref<10240xf32, #tpu.memory_space<vmem>>)
    %dma_wait3A = arith.constant 0 : i32
    %dma_wait3A_16 = tpu.memref_slice %arg9[%dma_wait3A] : memref<3136xi32, #tpu.memory_space<vmem>> -> memref<2784xi32, #tpu.memory_space<vmem>>
    %dma_wait3A_17 = tpu.memref_slice %arg4[%mul3A_2] : memref<100000xi32, #tpu.memory_space<hbm>> -> memref<2784xi32, #tpu.memory_space<hbm>>
    %dma_wait3A_18 = arith.constant 0 : i32
    %dma_wait3A_19 = tpu.memref_slice %arg9[%dma_wait3A_18] : memref<3136xi32, #tpu.memory_space<vmem>> -> memref<2784xi32, #tpu.memory_space<vmem>>
    %dma_wait3A_20 = tpu.memref_slice %arg4[%mul3A_2] : memref<100000xi32, #tpu.memory_space<hbm>> -> memref<2784xi32, #tpu.memory_space<hbm>>
    tpu.wait_dma2 semaphore(%arg12 : memref<!tpu.dma_semaphore, #tpu.memory_space<semaphore_mem>>) src(%dma_wait3A_20 : memref<2784xi32, #tpu.memory_space<hbm>>) dst(%dma_wait3A_19 : memref<2784xi32, #tpu.memory_space<vmem>>)
    %dma_wait3A_21 = arith.constant 0 : i32
    %dma_wait3A_22 = tpu.memref_slice %arg10[%dma_wait3A_21] : memref<3136xi32, #tpu.memory_space<vmem>> -> memref<2784xi32, #tpu.memory_space<vmem>>
    %dma_wait3A_23 = tpu.memref_slice %arg5[%mul3A_2] : memref<100000xi32, #tpu.memory_space<hbm>> -> memref<2784xi32, #tpu.memory_space<hbm>>
    %dma_wait3A_24 = arith.constant 0 : i32
    %dma_wait3A_25 = tpu.memref_slice %arg10[%dma_wait3A_24] : memref<3136xi32, #tpu.memory_space<vmem>> -> memref<2784xi32, #tpu.memory_space<vmem>>
    %dma_wait3A_26 = tpu.memref_slice %arg5[%mul3A_2] : memref<100000xi32, #tpu.memory_space<hbm>> -> memref<2784xi32, #tpu.memory_space<hbm>>
    tpu.wait_dma2 semaphore(%arg12 : memref<!tpu.dma_semaphore, #tpu.memory_space<semaphore_mem>>) src(%dma_wait3A_26 : memref<2784xi32, #tpu.memory_space<hbm>>) dst(%dma_wait3A_25 : memref<2784xi32, #tpu.memory_space<vmem>>)
    %broadcast_in_dim3A = arith.constant 0 : i32
    %broadcast_in_dim3A_27 = vector.broadcast %broadcast_in_dim3A : i32 to vector<16xi32>
    %eq3A = arith.constant 31 : i32
    %eq3A_28 = arith.cmpi eq, %add3A, %eq3A : i32
    %convert_element_type3A_29 = arith.extui %eq3A_28 : i1 to i32
    %cond3A_30 = arith.constant 0 : i32
    %cond3A_31 = arith.cmpi ne, %convert_element_type3A_29, %cond3A_30 : i32
    scf.if %cond3A_31 {
      %scan3A_38 = arith.constant 0 : i32
      %scan3A_39 = arith.constant 0 : i32
      %scan3A_40 = arith.constant 22 : i32
      %scan3A_41 = arith.addi %scan3A_39, %scan3A_40 : i32
      %scan3A_42 = arith.constant 1 : i32
      %scan3A_43 = scf.for %scan3A_45 = %scan3A_39 to %scan3A_41 step %scan3A_42 iter_args(%scan3A_46 = %scan3A_38) -> (i32)  : i32 {
        %mul3A_47 = arith.constant 16 : i32
        %mul3A_48 = arith.muli %scan3A_45, %mul3A_47 : i32
        %add3A_49 = arith.constant 2784 : i32
        %add3A_50 = arith.addi %add3A_49, %mul3A_48 : i32
        %swap3A = arith.index_cast %add3A_50 : i32 to index
        %swap3A_51 = tpu.vector_load %arg9[%swap3A] {strides = array<i32>} : memref<3136xi32, #tpu.memory_space<vmem>>, vector<16xi32>,
        tpu.vector_store %arg9[%swap3A], %broadcast_in_dim3A_27 {strides = array<i32>} : memref<3136xi32, #tpu.memory_space<vmem>>, vector<16xi32>,
        %swap3A_52 = arith.index_cast %add3A_50 : i32 to index
        %swap3A_53 = tpu.vector_load %arg10[%swap3A_52] {strides = array<i32>} : memref<3136xi32, #tpu.memory_space<vmem>>, vector<16xi32>,
        tpu.vector_store %arg10[%swap3A_52], %broadcast_in_dim3A_27 {strides = array<i32>} : memref<3136xi32, #tpu.memory_space<vmem>>, vector<16xi32>,
        %scan3A_54 = arith.constant 0 : i32
        scf.yield %scan3A_54 : i32
      }
      %scan3A_44 = arith.constant 22 : i32
    } else {
    }
    %scan3A = arith.constant 0 : i32
    %scan3A_32 = arith.constant 0 : i32
    %scan3A_33 = arith.constant 196 : i32
    %scan3A_34 = arith.addi %scan3A_32, %scan3A_33 : i32
    %scan3A_35 = arith.constant 1 : i32
    %scan3A_36 = scf.for %scan3A_38 = %scan3A_32 to %scan3A_34 step %scan3A_35 iter_args(%scan3A_39 = %scan3A) -> (i32)  : i32 {
      %mul3A_40 = arith.constant 16 : i32
      %mul3A_41 = arith.muli %scan3A_38, %mul3A_40 : i32
      %get3A = arith.index_cast %mul3A_41 : i32 to index
      %get3A_42 = tpu.vector_load %arg9[%get3A] {strides = array<i32>} : memref<3136xi32, #tpu.memory_space<vmem>>, vector<16xi32>,
      %get3A_43 = arith.index_cast %mul3A_41 : i32 to index
      %get3A_44 = tpu.vector_load %arg10[%get3A_43] {strides = array<i32>} : memref<3136xi32, #tpu.memory_space<vmem>>, vector<16xi32>,
      %gather3A = tpu.vector_load_idx %arg7[%get3A_42] : memref<10000xf32, #tpu.memory_space<vmem>>[vector<16xi32>], vector<16xf32>,
      %gather3A_45 = tpu.vector_load_idx %arg8[%get3A_44] : memref<10240xf32, #tpu.memory_space<vmem>>[vector<16xi32>], vector<16xf32>,
      %add3A_46 = arith.addf %gather3A, %gather3A_45 : vector<16xf32>
      %neg3A = arith.constant 0.000000e+00 : f32
      %neg3A_47 = vector.broadcast %neg3A : f32 to vector<16xf32>
      %neg3A_48 = arith.subf %neg3A_47, %add3A_46 : vector<16xf32>
      %exp3A = math.exp %neg3A_48 : vector<16xf32>
      %add3A_49 = arith.constant 1.000000e+00 : f32
      %add3A_50 = vector.broadcast %add3A_49 : f32 to vector<16xf32>
      %add3A_51 = arith.addf %add3A_50, %exp3A : vector<16xf32>
      %div3A = arith.constant 1.000000e+00 : f32
      %div3A_52 = vector.broadcast %div3A : f32 to vector<16xf32>
      %div3A_53 = arith.divf %div3A_52, %add3A_51 : vector<16xf32>
      %swap3A = arith.index_cast %mul3A_41 : i32 to index
      %swap3A_54 = tpu.vector_load %arg11[%swap3A] {strides = array<i32>} : memref<3136xf32, #tpu.memory_space<vmem>>, vector<16xf32>,
      tpu.vector_store %arg11[%swap3A], %div3A_53 {strides = array<i32>} : memref<3136xf32, #tpu.memory_space<vmem>>, vector<16xf32>,
      %scan3A_55 = arith.constant 0 : i32
      scf.yield %scan3A_55 : i32
    }
    %scan3A_37 = arith.constant 196 : i32
    "tpu.region"() ({
      %run_scoped3A = tpu.sem_alloc : memref<!tpu.dma_semaphore, #tpu.memory_space<semaphore_mem>>
      %dma_start3A_38 = arith.constant 0 : i32
      %dma_start3A_39 = tpu.memref_slice %arg6[%add3A, %dma_start3A_38] : memref<32x3136xf32, #tpu.memory_space<hbm>> -> memref<1x3136xf32, #tpu.memory_space<hbm>>
      %dma_start3A_40 = tpu.memref_squeeze %dma_start3A_39 : memref<1x3136xf32, #tpu.memory_space<hbm>> -> memref<3136xf32, #tpu.memory_space<hbm>>
      %dma_start3A_41 = arith.constant 0 : i32
      %dma_start3A_42 = tpu.memref_slice %arg6[%add3A, %dma_start3A_41] : memref<32x3136xf32, #tpu.memory_space<hbm>> -> memref<1x3136xf32, #tpu.memory_space<hbm>>
      %dma_start3A_43 = tpu.memref_squeeze %dma_start3A_42 : memref<1x3136xf32, #tpu.memory_space<hbm>> -> memref<3136xf32, #tpu.memory_space<hbm>>
      tpu.enqueue_dma source(%arg11 : memref<3136xf32, #tpu.memory_space<vmem>>) target(%dma_start3A_43 : memref<3136xf32, #tpu.memory_space<hbm>>) target_semaphore(%run_scoped3A : memref<!tpu.dma_semaphore, #tpu.memory_space<semaphore_mem>>)
      %dma_wait3A_44 = arith.constant 0 : i32
      %dma_wait3A_45 = tpu.memref_slice %arg6[%add3A, %dma_wait3A_44] : memref<32x3136xf32, #tpu.memory_space<hbm>> -> memref<1x3136xf32, #tpu.memory_space<hbm>>
      %dma_wait3A_46 = tpu.memref_squeeze %dma_wait3A_45 : memref<1x3136xf32, #tpu.memory_space<hbm>> -> memref<3136xf32, #tpu.memory_space<hbm>>
      %dma_wait3A_47 = arith.constant 0 : i32
      %dma_wait3A_48 = tpu.memref_slice %arg6[%add3A, %dma_wait3A_47] : memref<32x3136xf32, #tpu.memory_space<hbm>> -> memref<1x3136xf32, #tpu.memory_space<hbm>>
      %dma_wait3A_49 = tpu.memref_squeeze %dma_wait3A_48 : memref<1x3136xf32, #tpu.memory_space<hbm>> -> memref<3136xf32, #tpu.memory_space<hbm>>
      tpu.wait_dma2 semaphore(%run_scoped3A : memref<!tpu.dma_semaphore, #tpu.memory_space<semaphore_mem>>) src(%arg11 : memref<3136xf32, #tpu.memory_space<vmem>>) dst(%dma_wait3A_49 : memref<3136xf32, #tpu.memory_space<hbm>>)
      tpu.yield
    }) : () -> ()
    return
  }
}

#map = affine_map<(d0, d1) -> (0, 0)>
#map1 = affine_map<(d0, d1) -> (0, 0, 0, 0)>
module attributes {stable_mosaic.version = 14 : i64} {
  func.func @_scb_body(%arg0: i32, %arg1: i32, %arg2: memref<10000x128xf32, #tpu.memory_space<hbm>>, %arg3: memref<16x25x10x80xi32, #tpu.memory_space<hbm>>, %arg4: memref<16x25x10x80xi32, #tpu.memory_space<hbm>>, %arg5: memref<16x25x10x80xf32, #tpu.memory_space<hbm>>, %arg6: memref<10240x128xf32, #tpu.memory_space<hbm>>, %arg7: memref<10x80xi32, #tpu.memory_space<vmem>>, %arg8: memref<10x80xi32, #tpu.memory_space<vmem>>, %arg9: memref<10x80xi32, #tpu.memory_space<vmem>>, %arg10: memref<10x80xi32, #tpu.memory_space<vmem>>, %arg11: memref<10x80xf32, #tpu.memory_space<vmem>>, %arg12: memref<10x80xf32, #tpu.memory_space<vmem>>, %arg13: memref<80x128xf32, #tpu.memory_space<vmem>>, %arg14: memref<80x128xf32, #tpu.memory_space<vmem>>, %arg15: memref<10240x128xf32, #tpu.memory_space<vmem_shared>>, %arg16: memref<!tpu.dma_semaphore, #tpu.memory_space<semaphore_mem>>, %arg17: memref<!tpu.dma_semaphore, #tpu.memory_space<semaphore_mem>>, %arg18: memref<!tpu.dma_semaphore, #tpu.memory_space<semaphore_mem>>, %arg19: memref<!tpu.dma_semaphore, #tpu.memory_space<semaphore_mem>>, %arg20: memref<!tpu.dma_semaphore, #tpu.memory_space<semaphore_mem>>) attributes {dimension_semantics = [#tpu.dimension_semantics<core_parallel>, #tpu.dimension_semantics<subcore_parallel>], iteration_bounds = array<i64: 1, 16>, scalar_prefetch = 0 : i64, scratch_operands = 14 : i64, tpu.core_type = #tpu.core_type<sc_vector_subcore>, window_params = [{transform_indices = #map}, {transform_indices = #map1}, {transform_indices = #map1}, {transform_indices = #map1}, {transform_indices = #map}]} {
    %broadcast_in_dim3A = arith.constant 0.000000e+00 : f32
    %broadcast_in_dim3A_0 = vector.broadcast %broadcast_in_dim3A : f32 to vector<16xf32>
    %scan3A = arith.constant 0 : i32
    %scan3A_1 = arith.constant 0 : i32
    %scan3A_2 = arith.constant 80 : i32
    %scan3A_3 = arith.addi %scan3A_1, %scan3A_2 : i32
    %scan3A_4 = arith.constant 1 : i32
    %scan3A_5 = scf.for %scan3A_170 = %scan3A_1 to %scan3A_3 step %scan3A_4 iter_args(%scan3A_171 = %scan3A) -> (i32)  : i32 {
      %swap3A = arith.index_cast %scan3A_170 : i32 to index
      %swap3A_172 = arith.constant 0 : index
      %swap3A_173 = tpu.vector_load %arg13[%swap3A, %swap3A_172] {strides = array<i32>} : memref<80x128xf32, #tpu.memory_space<vmem>>, vector<16xf32>,
      tpu.vector_store %arg13[%swap3A, %swap3A_172], %broadcast_in_dim3A_0 {strides = array<i32>} : memref<80x128xf32, #tpu.memory_space<vmem>>, vector<16xf32>,
      %swap3A_174 = arith.index_cast %scan3A_170 : i32 to index
      %swap3A_175 = arith.constant 16 : index
      %swap3A_176 = tpu.vector_load %arg13[%swap3A_174, %swap3A_175] {strides = array<i32>} : memref<80x128xf32, #tpu.memory_space<vmem>>, vector<16xf32>,
      tpu.vector_store %arg13[%swap3A_174, %swap3A_175], %broadcast_in_dim3A_0 {strides = array<i32>} : memref<80x128xf32, #tpu.memory_space<vmem>>, vector<16xf32>,
      %swap3A_177 = arith.index_cast %scan3A_170 : i32 to index
      %swap3A_178 = arith.constant 32 : index
      %swap3A_179 = tpu.vector_load %arg13[%swap3A_177, %swap3A_178] {strides = array<i32>} : memref<80x128xf32, #tpu.memory_space<vmem>>, vector<16xf32>,
      tpu.vector_store %arg13[%swap3A_177, %swap3A_178], %broadcast_in_dim3A_0 {strides = array<i32>} : memref<80x128xf32, #tpu.memory_space<vmem>>, vector<16xf32>,
      %swap3A_180 = arith.index_cast %scan3A_170 : i32 to index
      %swap3A_181 = arith.constant 48 : index
      %swap3A_182 = tpu.vector_load %arg13[%swap3A_180, %swap3A_181] {strides = array<i32>} : memref<80x128xf32, #tpu.memory_space<vmem>>, vector<16xf32>,
      tpu.vector_store %arg13[%swap3A_180, %swap3A_181], %broadcast_in_dim3A_0 {strides = array<i32>} : memref<80x128xf32, #tpu.memory_space<vmem>>, vector<16xf32>,
      %swap3A_183 = arith.index_cast %scan3A_170 : i32 to index
      %swap3A_184 = arith.constant 64 : index
      %swap3A_185 = tpu.vector_load %arg13[%swap3A_183, %swap3A_184] {strides = array<i32>} : memref<80x128xf32, #tpu.memory_space<vmem>>, vector<16xf32>,
      tpu.vector_store %arg13[%swap3A_183, %swap3A_184], %broadcast_in_dim3A_0 {strides = array<i32>} : memref<80x128xf32, #tpu.memory_space<vmem>>, vector<16xf32>,
      %swap3A_186 = arith.index_cast %scan3A_170 : i32 to index
      %swap3A_187 = arith.constant 80 : index
      %swap3A_188 = tpu.vector_load %arg13[%swap3A_186, %swap3A_187] {strides = array<i32>} : memref<80x128xf32, #tpu.memory_space<vmem>>, vector<16xf32>,
      tpu.vector_store %arg13[%swap3A_186, %swap3A_187], %broadcast_in_dim3A_0 {strides = array<i32>} : memref<80x128xf32, #tpu.memory_space<vmem>>, vector<16xf32>,
      %swap3A_189 = arith.index_cast %scan3A_170 : i32 to index
      %swap3A_190 = arith.constant 96 : index
      %swap3A_191 = tpu.vector_load %arg13[%swap3A_189, %swap3A_190] {strides = array<i32>} : memref<80x128xf32, #tpu.memory_space<vmem>>, vector<16xf32>,
      tpu.vector_store %arg13[%swap3A_189, %swap3A_190], %broadcast_in_dim3A_0 {strides = array<i32>} : memref<80x128xf32, #tpu.memory_space<vmem>>, vector<16xf32>,
      %swap3A_192 = arith.index_cast %scan3A_170 : i32 to index
      %swap3A_193 = arith.constant 112 : index
      %swap3A_194 = tpu.vector_load %arg13[%swap3A_192, %swap3A_193] {strides = array<i32>} : memref<80x128xf32, #tpu.memory_space<vmem>>, vector<16xf32>,
      tpu.vector_store %arg13[%swap3A_192, %swap3A_193], %broadcast_in_dim3A_0 {strides = array<i32>} : memref<80x128xf32, #tpu.memory_space<vmem>>, vector<16xf32>,
      %scan3A_195 = arith.constant 0 : i32
      scf.yield %scan3A_195 : i32
    }
    %scan3A_6 = arith.constant 80 : i32
    %mul3A = arith.constant 640 : i32
    %mul3A_7 = arith.muli %arg1, %mul3A : i32
    %add3A = arith.constant 0 : i32
    %add3A_8 = arith.addi %mul3A_7, %add3A : i32
    %dma_start3A = arith.constant 0 : i32
    %dma_start3A_9 = tpu.memref_slice %arg15[%add3A_8, %dma_start3A] : memref<10240x128xf32, #tpu.memory_space<vmem_shared>> -> memref<80x128xf32, #tpu.memory_space<vmem_shared>>
    %dma_start3A_10 = arith.constant 0 : i32
    %dma_start3A_11 = tpu.memref_slice %arg15[%add3A_8, %dma_start3A_10] : memref<10240x128xf32, #tpu.memory_space<vmem_shared>> -> memref<80x128xf32, #tpu.memory_space<vmem_shared>>
    tpu.enqueue_dma source(%arg13 : memref<80x128xf32, #tpu.memory_space<vmem>>) target(%dma_start3A_11 : memref<80x128xf32, #tpu.memory_space<vmem_shared>>) target_semaphore(%arg16 : memref<!tpu.dma_semaphore, #tpu.memory_space<semaphore_mem>>)
    %add3A_12 = arith.constant 80 : i32
    %add3A_13 = arith.addi %mul3A_7, %add3A_12 : i32
    %dma_start3A_14 = arith.constant 0 : i32
    %dma_start3A_15 = tpu.memref_slice %arg15[%add3A_13, %dma_start3A_14] : memref<10240x128xf32, #tpu.memory_space<vmem_shared>> -> memref<80x128xf32, #tpu.memory_space<vmem_shared>>
    %dma_start3A_16 = arith.constant 0 : i32
    %dma_start3A_17 = tpu.memref_slice %arg15[%add3A_13, %dma_start3A_16] : memref<10240x128xf32, #tpu.memory_space<vmem_shared>> -> memref<80x128xf32, #tpu.memory_space<vmem_shared>>
    tpu.enqueue_dma source(%arg13 : memref<80x128xf32, #tpu.memory_space<vmem>>) target(%dma_start3A_17 : memref<80x128xf32, #tpu.memory_space<vmem_shared>>) target_semaphore(%arg16 : memref<!tpu.dma_semaphore, #tpu.memory_space<semaphore_mem>>)
    %add3A_18 = arith.constant 160 : i32
    %add3A_19 = arith.addi %mul3A_7, %add3A_18 : i32
    %dma_start3A_20 = arith.constant 0 : i32
    %dma_start3A_21 = tpu.memref_slice %arg15[%add3A_19, %dma_start3A_20] : memref<10240x128xf32, #tpu.memory_space<vmem_shared>> -> memref<80x128xf32, #tpu.memory_space<vmem_shared>>
    %dma_start3A_22 = arith.constant 0 : i32
    %dma_start3A_23 = tpu.memref_slice %arg15[%add3A_19, %dma_start3A_22] : memref<10240x128xf32, #tpu.memory_space<vmem_shared>> -> memref<80x128xf32, #tpu.memory_space<vmem_shared>>
    tpu.enqueue_dma source(%arg13 : memref<80x128xf32, #tpu.memory_space<vmem>>) target(%dma_start3A_23 : memref<80x128xf32, #tpu.memory_space<vmem_shared>>) target_semaphore(%arg16 : memref<!tpu.dma_semaphore, #tpu.memory_space<semaphore_mem>>)
    %add3A_24 = arith.constant 240 : i32
    %add3A_25 = arith.addi %mul3A_7, %add3A_24 : i32
    %dma_start3A_26 = arith.constant 0 : i32
    %dma_start3A_27 = tpu.memref_slice %arg15[%add3A_25, %dma_start3A_26] : memref<10240x128xf32, #tpu.memory_space<vmem_shared>> -> memref<80x128xf32, #tpu.memory_space<vmem_shared>>
    %dma_start3A_28 = arith.constant 0 : i32
    %dma_start3A_29 = tpu.memref_slice %arg15[%add3A_25, %dma_start3A_28] : memref<10240x128xf32, #tpu.memory_space<vmem_shared>> -> memref<80x128xf32, #tpu.memory_space<vmem_shared>>
    tpu.enqueue_dma source(%arg13 : memref<80x128xf32, #tpu.memory_space<vmem>>) target(%dma_start3A_29 : memref<80x128xf32, #tpu.memory_space<vmem_shared>>) target_semaphore(%arg16 : memref<!tpu.dma_semaphore, #tpu.memory_space<semaphore_mem>>)
    %add3A_30 = arith.constant 320 : i32
    %add3A_31 = arith.addi %mul3A_7, %add3A_30 : i32
    %dma_start3A_32 = arith.constant 0 : i32
    %dma_start3A_33 = tpu.memref_slice %arg15[%add3A_31, %dma_start3A_32] : memref<10240x128xf32, #tpu.memory_space<vmem_shared>> -> memref<80x128xf32, #tpu.memory_space<vmem_shared>>
    %dma_start3A_34 = arith.constant 0 : i32
    %dma_start3A_35 = tpu.memref_slice %arg15[%add3A_31, %dma_start3A_34] : memref<10240x128xf32, #tpu.memory_space<vmem_shared>> -> memref<80x128xf32, #tpu.memory_space<vmem_shared>>
    tpu.enqueue_dma source(%arg13 : memref<80x128xf32, #tpu.memory_space<vmem>>) target(%dma_start3A_35 : memref<80x128xf32, #tpu.memory_space<vmem_shared>>) target_semaphore(%arg16 : memref<!tpu.dma_semaphore, #tpu.memory_space<semaphore_mem>>)
    %add3A_36 = arith.constant 400 : i32
    %add3A_37 = arith.addi %mul3A_7, %add3A_36 : i32
    %dma_start3A_38 = arith.constant 0 : i32
    %dma_start3A_39 = tpu.memref_slice %arg15[%add3A_37, %dma_start3A_38] : memref<10240x128xf32, #tpu.memory_space<vmem_shared>> -> memref<80x128xf32, #tpu.memory_space<vmem_shared>>
    %dma_start3A_40 = arith.constant 0 : i32
    %dma_start3A_41 = tpu.memref_slice %arg15[%add3A_37, %dma_start3A_40] : memref<10240x128xf32, #tpu.memory_space<vmem_shared>> -> memref<80x128xf32, #tpu.memory_space<vmem_shared>>
    tpu.enqueue_dma source(%arg13 : memref<80x128xf32, #tpu.memory_space<vmem>>) target(%dma_start3A_41 : memref<80x128xf32, #tpu.memory_space<vmem_shared>>) target_semaphore(%arg16 : memref<!tpu.dma_semaphore, #tpu.memory_space<semaphore_mem>>)
    %add3A_42 = arith.constant 480 : i32
    %add3A_43 = arith.addi %mul3A_7, %add3A_42 : i32
    %dma_start3A_44 = arith.constant 0 : i32
    %dma_start3A_45 = tpu.memref_slice %arg15[%add3A_43, %dma_start3A_44] : memref<10240x128xf32, #tpu.memory_space<vmem_shared>> -> memref<80x128xf32, #tpu.memory_space<vmem_shared>>
    %dma_start3A_46 = arith.constant 0 : i32
    %dma_start3A_47 = tpu.memref_slice %arg15[%add3A_43, %dma_start3A_46] : memref<10240x128xf32, #tpu.memory_space<vmem_shared>> -> memref<80x128xf32, #tpu.memory_space<vmem_shared>>
    tpu.enqueue_dma source(%arg13 : memref<80x128xf32, #tpu.memory_space<vmem>>) target(%dma_start3A_47 : memref<80x128xf32, #tpu.memory_space<vmem_shared>>) target_semaphore(%arg16 : memref<!tpu.dma_semaphore, #tpu.memory_space<semaphore_mem>>)
    %add3A_48 = arith.constant 560 : i32
    %add3A_49 = arith.addi %mul3A_7, %add3A_48 : i32
    %dma_start3A_50 = arith.constant 0 : i32
    %dma_start3A_51 = tpu.memref_slice %arg15[%add3A_49, %dma_start3A_50] : memref<10240x128xf32, #tpu.memory_space<vmem_shared>> -> memref<80x128xf32, #tpu.memory_space<vmem_shared>>
    %dma_start3A_52 = arith.constant 0 : i32
    %dma_start3A_53 = tpu.memref_slice %arg15[%add3A_49, %dma_start3A_52] : memref<10240x128xf32, #tpu.memory_space<vmem_shared>> -> memref<80x128xf32, #tpu.memory_space<vmem_shared>>
    tpu.enqueue_dma source(%arg13 : memref<80x128xf32, #tpu.memory_space<vmem>>) target(%dma_start3A_53 : memref<80x128xf32, #tpu.memory_space<vmem_shared>>) target_semaphore(%arg16 : memref<!tpu.dma_semaphore, #tpu.memory_space<semaphore_mem>>)
    %add3A_54 = arith.constant 0 : i32
    %add3A_55 = arith.addi %mul3A_7, %add3A_54 : i32
    %dma_wait3A = arith.constant 0 : i32
    %dma_wait3A_56 = tpu.memref_slice %arg15[%add3A_55, %dma_wait3A] : memref<10240x128xf32, #tpu.memory_space<vmem_shared>> -> memref<80x128xf32, #tpu.memory_space<vmem_shared>>
    %dma_wait3A_57 = arith.constant 0 : i32
    %dma_wait3A_58 = tpu.memref_slice %arg15[%add3A_55, %dma_wait3A_57] : memref<10240x128xf32, #tpu.memory_space<vmem_shared>> -> memref<80x128xf32, #tpu.memory_space<vmem_shared>>
    tpu.wait_dma2 semaphore(%arg16 : memref<!tpu.dma_semaphore, #tpu.memory_space<semaphore_mem>>) src(%arg13 : memref<80x128xf32, #tpu.memory_space<vmem>>) dst(%dma_wait3A_58 : memref<80x128xf32, #tpu.memory_space<vmem_shared>>)
    %add3A_59 = arith.constant 80 : i32
    %add3A_60 = arith.addi %mul3A_7, %add3A_59 : i32
    %dma_wait3A_61 = arith.constant 0 : i32
    %dma_wait3A_62 = tpu.memref_slice %arg15[%add3A_60, %dma_wait3A_61] : memref<10240x128xf32, #tpu.memory_space<vmem_shared>> -> memref<80x128xf32, #tpu.memory_space<vmem_shared>>
    %dma_wait3A_63 = arith.constant 0 : i32
    %dma_wait3A_64 = tpu.memref_slice %arg15[%add3A_60, %dma_wait3A_63] : memref<10240x128xf32, #tpu.memory_space<vmem_shared>> -> memref<80x128xf32, #tpu.memory_space<vmem_shared>>
    tpu.wait_dma2 semaphore(%arg16 : memref<!tpu.dma_semaphore, #tpu.memory_space<semaphore_mem>>) src(%arg13 : memref<80x128xf32, #tpu.memory_space<vmem>>) dst(%dma_wait3A_64 : memref<80x128xf32, #tpu.memory_space<vmem_shared>>)
    %add3A_65 = arith.constant 160 : i32
    %add3A_66 = arith.addi %mul3A_7, %add3A_65 : i32
    %dma_wait3A_67 = arith.constant 0 : i32
    %dma_wait3A_68 = tpu.memref_slice %arg15[%add3A_66, %dma_wait3A_67] : memref<10240x128xf32, #tpu.memory_space<vmem_shared>> -> memref<80x128xf32, #tpu.memory_space<vmem_shared>>
    %dma_wait3A_69 = arith.constant 0 : i32
    %dma_wait3A_70 = tpu.memref_slice %arg15[%add3A_66, %dma_wait3A_69] : memref<10240x128xf32, #tpu.memory_space<vmem_shared>> -> memref<80x128xf32, #tpu.memory_space<vmem_shared>>
    tpu.wait_dma2 semaphore(%arg16 : memref<!tpu.dma_semaphore, #tpu.memory_space<semaphore_mem>>) src(%arg13 : memref<80x128xf32, #tpu.memory_space<vmem>>) dst(%dma_wait3A_70 : memref<80x128xf32, #tpu.memory_space<vmem_shared>>)
    %add3A_71 = arith.constant 240 : i32
    %add3A_72 = arith.addi %mul3A_7, %add3A_71 : i32
    %dma_wait3A_73 = arith.constant 0 : i32
    %dma_wait3A_74 = tpu.memref_slice %arg15[%add3A_72, %dma_wait3A_73] : memref<10240x128xf32, #tpu.memory_space<vmem_shared>> -> memref<80x128xf32, #tpu.memory_space<vmem_shared>>
    %dma_wait3A_75 = arith.constant 0 : i32
    %dma_wait3A_76 = tpu.memref_slice %arg15[%add3A_72, %dma_wait3A_75] : memref<10240x128xf32, #tpu.memory_space<vmem_shared>> -> memref<80x128xf32, #tpu.memory_space<vmem_shared>>
    tpu.wait_dma2 semaphore(%arg16 : memref<!tpu.dma_semaphore, #tpu.memory_space<semaphore_mem>>) src(%arg13 : memref<80x128xf32, #tpu.memory_space<vmem>>) dst(%dma_wait3A_76 : memref<80x128xf32, #tpu.memory_space<vmem_shared>>)
    %add3A_77 = arith.constant 320 : i32
    %add3A_78 = arith.addi %mul3A_7, %add3A_77 : i32
    %dma_wait3A_79 = arith.constant 0 : i32
    %dma_wait3A_80 = tpu.memref_slice %arg15[%add3A_78, %dma_wait3A_79] : memref<10240x128xf32, #tpu.memory_space<vmem_shared>> -> memref<80x128xf32, #tpu.memory_space<vmem_shared>>
    %dma_wait3A_81 = arith.constant 0 : i32
    %dma_wait3A_82 = tpu.memref_slice %arg15[%add3A_78, %dma_wait3A_81] : memref<10240x128xf32, #tpu.memory_space<vmem_shared>> -> memref<80x128xf32, #tpu.memory_space<vmem_shared>>
    tpu.wait_dma2 semaphore(%arg16 : memref<!tpu.dma_semaphore, #tpu.memory_space<semaphore_mem>>) src(%arg13 : memref<80x128xf32, #tpu.memory_space<vmem>>) dst(%dma_wait3A_82 : memref<80x128xf32, #tpu.memory_space<vmem_shared>>)
    %add3A_83 = arith.constant 400 : i32
    %add3A_84 = arith.addi %mul3A_7, %add3A_83 : i32
    %dma_wait3A_85 = arith.constant 0 : i32
    %dma_wait3A_86 = tpu.memref_slice %arg15[%add3A_84, %dma_wait3A_85] : memref<10240x128xf32, #tpu.memory_space<vmem_shared>> -> memref<80x128xf32, #tpu.memory_space<vmem_shared>>
    %dma_wait3A_87 = arith.constant 0 : i32
    %dma_wait3A_88 = tpu.memref_slice %arg15[%add3A_84, %dma_wait3A_87] : memref<10240x128xf32, #tpu.memory_space<vmem_shared>> -> memref<80x128xf32, #tpu.memory_space<vmem_shared>>
    tpu.wait_dma2 semaphore(%arg16 : memref<!tpu.dma_semaphore, #tpu.memory_space<semaphore_mem>>) src(%arg13 : memref<80x128xf32, #tpu.memory_space<vmem>>) dst(%dma_wait3A_88 : memref<80x128xf32, #tpu.memory_space<vmem_shared>>)
    %add3A_89 = arith.constant 480 : i32
    %add3A_90 = arith.addi %mul3A_7, %add3A_89 : i32
    %dma_wait3A_91 = arith.constant 0 : i32
    %dma_wait3A_92 = tpu.memref_slice %arg15[%add3A_90, %dma_wait3A_91] : memref<10240x128xf32, #tpu.memory_space<vmem_shared>> -> memref<80x128xf32, #tpu.memory_space<vmem_shared>>
    %dma_wait3A_93 = arith.constant 0 : i32
    %dma_wait3A_94 = tpu.memref_slice %arg15[%add3A_90, %dma_wait3A_93] : memref<10240x128xf32, #tpu.memory_space<vmem_shared>> -> memref<80x128xf32, #tpu.memory_space<vmem_shared>>
    tpu.wait_dma2 semaphore(%arg16 : memref<!tpu.dma_semaphore, #tpu.memory_space<semaphore_mem>>) src(%arg13 : memref<80x128xf32, #tpu.memory_space<vmem>>) dst(%dma_wait3A_94 : memref<80x128xf32, #tpu.memory_space<vmem_shared>>)
    %add3A_95 = arith.constant 560 : i32
    %add3A_96 = arith.addi %mul3A_7, %add3A_95 : i32
    %dma_wait3A_97 = arith.constant 0 : i32
    %dma_wait3A_98 = tpu.memref_slice %arg15[%add3A_96, %dma_wait3A_97] : memref<10240x128xf32, #tpu.memory_space<vmem_shared>> -> memref<80x128xf32, #tpu.memory_space<vmem_shared>>
    %dma_wait3A_99 = arith.constant 0 : i32
    %dma_wait3A_100 = tpu.memref_slice %arg15[%add3A_96, %dma_wait3A_99] : memref<10240x128xf32, #tpu.memory_space<vmem_shared>> -> memref<80x128xf32, #tpu.memory_space<vmem_shared>>
    tpu.wait_dma2 semaphore(%arg16 : memref<!tpu.dma_semaphore, #tpu.memory_space<semaphore_mem>>) src(%arg13 : memref<80x128xf32, #tpu.memory_space<vmem>>) dst(%dma_wait3A_100 : memref<80x128xf32, #tpu.memory_space<vmem_shared>>)
    %barrier3A = arith.constant 0 : index
    tpu.barrier barrier_id(%barrier3A)
    %dma_start3A_101 = arith.constant 0 : i32
    %dma_start3A_102 = arith.constant 0 : i32
    %dma_start3A_103 = arith.constant 0 : i32
    %dma_start3A_104 = tpu.memref_slice %arg3[%arg1, %dma_start3A_101, %dma_start3A_102, %dma_start3A_103] : memref<16x25x10x80xi32, #tpu.memory_space<hbm>> -> memref<1x1x10x80xi32, #tpu.memory_space<hbm>>
    %dma_start3A_105 = tpu.memref_squeeze %dma_start3A_104 : memref<1x1x10x80xi32, #tpu.memory_space<hbm>> -> memref<10x80xi32, #tpu.memory_space<hbm>>
    %dma_start3A_106 = arith.constant 0 : i32
    %dma_start3A_107 = arith.constant 0 : i32
    %dma_start3A_108 = tpu.memref_slice %arg3[%arg1, %dma_start3A_101, %dma_start3A_106, %dma_start3A_107] : memref<16x25x10x80xi32, #tpu.memory_space<hbm>> -> memref<1x1x10x80xi32, #tpu.memory_space<hbm>>
    %dma_start3A_109 = tpu.memref_squeeze %dma_start3A_108 : memref<1x1x10x80xi32, #tpu.memory_space<hbm>> -> memref<10x80xi32, #tpu.memory_space<hbm>>
    tpu.enqueue_dma source(%dma_start3A_109 : memref<10x80xi32, #tpu.memory_space<hbm>>) target(%arg7 : memref<10x80xi32, #tpu.memory_space<vmem>>) target_semaphore(%arg20 : memref<!tpu.dma_semaphore, #tpu.memory_space<semaphore_mem>>)
    %dma_start3A_110 = arith.constant 0 : i32
    %dma_start3A_111 = arith.constant 0 : i32
    %dma_start3A_112 = arith.constant 0 : i32
    %dma_start3A_113 = tpu.memref_slice %arg4[%arg1, %dma_start3A_110, %dma_start3A_111, %dma_start3A_112] : memref<16x25x10x80xi32, #tpu.memory_space<hbm>> -> memref<1x1x10x80xi32, #tpu.memory_space<hbm>>
    %dma_start3A_114 = tpu.memref_squeeze %dma_start3A_113 : memref<1x1x10x80xi32, #tpu.memory_space<hbm>> -> memref<10x80xi32, #tpu.memory_space<hbm>>
    %dma_start3A_115 = arith.constant 0 : i32
    %dma_start3A_116 = arith.constant 0 : i32
    %dma_start3A_117 = tpu.memref_slice %arg4[%arg1, %dma_start3A_110, %dma_start3A_115, %dma_start3A_116] : memref<16x25x10x80xi32, #tpu.memory_space<hbm>> -> memref<1x1x10x80xi32, #tpu.memory_space<hbm>>
    %dma_start3A_118 = tpu.memref_squeeze %dma_start3A_117 : memref<1x1x10x80xi32, #tpu.memory_space<hbm>> -> memref<10x80xi32, #tpu.memory_space<hbm>>
    tpu.enqueue_dma source(%dma_start3A_118 : memref<10x80xi32, #tpu.memory_space<hbm>>) target(%arg9 : memref<10x80xi32, #tpu.memory_space<vmem>>) target_semaphore(%arg20 : memref<!tpu.dma_semaphore, #tpu.memory_space<semaphore_mem>>)
    %dma_start3A_119 = arith.constant 0 : i32
    %dma_start3A_120 = arith.constant 0 : i32
    %dma_start3A_121 = arith.constant 0 : i32
    %dma_start3A_122 = tpu.memref_slice %arg5[%arg1, %dma_start3A_119, %dma_start3A_120, %dma_start3A_121] : memref<16x25x10x80xf32, #tpu.memory_space<hbm>> -> memref<1x1x10x80xf32, #tpu.memory_space<hbm>>
    %dma_start3A_123 = tpu.memref_squeeze %dma_start3A_122 : memref<1x1x10x80xf32, #tpu.memory_space<hbm>> -> memref<10x80xf32, #tpu.memory_space<hbm>>
    %dma_start3A_124 = arith.constant 0 : i32
    %dma_start3A_125 = arith.constant 0 : i32
    %dma_start3A_126 = tpu.memref_slice %arg5[%arg1, %dma_start3A_119, %dma_start3A_124, %dma_start3A_125] : memref<16x25x10x80xf32, #tpu.memory_space<hbm>> -> memref<1x1x10x80xf32, #tpu.memory_space<hbm>>
    %dma_start3A_127 = tpu.memref_squeeze %dma_start3A_126 : memref<1x1x10x80xf32, #tpu.memory_space<hbm>> -> memref<10x80xf32, #tpu.memory_space<hbm>>
    tpu.enqueue_dma source(%dma_start3A_127 : memref<10x80xf32, #tpu.memory_space<hbm>>) target(%arg11 : memref<10x80xf32, #tpu.memory_space<vmem>>) target_semaphore(%arg20 : memref<!tpu.dma_semaphore, #tpu.memory_space<semaphore_mem>>)
    %dma_wait3A_128 = arith.constant 0 : i32
    %dma_wait3A_129 = arith.constant 0 : i32
    %dma_wait3A_130 = arith.constant 0 : i32
    %dma_wait3A_131 = tpu.memref_slice %arg3[%arg1, %dma_wait3A_128, %dma_wait3A_129, %dma_wait3A_130] : memref<16x25x10x80xi32, #tpu.memory_space<hbm>> -> memref<1x1x10x80xi32, #tpu.memory_space<hbm>>
    %dma_wait3A_132 = tpu.memref_squeeze %dma_wait3A_131 : memref<1x1x10x80xi32, #tpu.memory_space<hbm>> -> memref<10x80xi32, #tpu.memory_space<hbm>>
    %dma_wait3A_133 = arith.constant 0 : i32
    %dma_wait3A_134 = arith.constant 0 : i32
    %dma_wait3A_135 = tpu.memref_slice %arg3[%arg1, %dma_wait3A_128, %dma_wait3A_133, %dma_wait3A_134] : memref<16x25x10x80xi32, #tpu.memory_space<hbm>> -> memref<1x1x10x80xi32, #tpu.memory_space<hbm>>
    %dma_wait3A_136 = tpu.memref_squeeze %dma_wait3A_135 : memref<1x1x10x80xi32, #tpu.memory_space<hbm>> -> memref<10x80xi32, #tpu.memory_space<hbm>>
    tpu.wait_dma2 semaphore(%arg20 : memref<!tpu.dma_semaphore, #tpu.memory_space<semaphore_mem>>) src(%dma_wait3A_136 : memref<10x80xi32, #tpu.memory_space<hbm>>) dst(%arg7 : memref<10x80xi32, #tpu.memory_space<vmem>>)
    %dma_wait3A_137 = arith.constant 0 : i32
    %dma_wait3A_138 = arith.constant 0 : i32
    %dma_wait3A_139 = arith.constant 0 : i32
    %dma_wait3A_140 = tpu.memref_slice %arg4[%arg1, %dma_wait3A_137, %dma_wait3A_138, %dma_wait3A_139] : memref<16x25x10x80xi32, #tpu.memory_space<hbm>> -> memref<1x1x10x80xi32, #tpu.memory_space<hbm>>
    %dma_wait3A_141 = tpu.memref_squeeze %dma_wait3A_140 : memref<1x1x10x80xi32, #tpu.memory_space<hbm>> -> memref<10x80xi32, #tpu.memory_space<hbm>>
    %dma_wait3A_142 = arith.constant 0 : i32
    %dma_wait3A_143 = arith.constant 0 : i32
    %dma_wait3A_144 = tpu.memref_slice %arg4[%arg1, %dma_wait3A_137, %dma_wait3A_142, %dma_wait3A_143] : memref<16x25x10x80xi32, #tpu.memory_space<hbm>> -> memref<1x1x10x80xi32, #tpu.memory_space<hbm>>
    %dma_wait3A_145 = tpu.memref_squeeze %dma_wait3A_144 : memref<1x1x10x80xi32, #tpu.memory_space<hbm>> -> memref<10x80xi32, #tpu.memory_space<hbm>>
    tpu.wait_dma2 semaphore(%arg20 : memref<!tpu.dma_semaphore, #tpu.memory_space<semaphore_mem>>) src(%dma_wait3A_145 : memref<10x80xi32, #tpu.memory_space<hbm>>) dst(%arg9 : memref<10x80xi32, #tpu.memory_space<vmem>>)
    %dma_wait3A_146 = arith.constant 0 : i32
    %dma_wait3A_147 = arith.constant 0 : i32
    %dma_wait3A_148 = arith.constant 0 : i32
    %dma_wait3A_149 = tpu.memref_slice %arg5[%arg1, %dma_wait3A_146, %dma_wait3A_147, %dma_wait3A_148] : memref<16x25x10x80xf32, #tpu.memory_space<hbm>> -> memref<1x1x10x80xf32, #tpu.memory_space<hbm>>
    %dma_wait3A_150 = tpu.memref_squeeze %dma_wait3A_149 : memref<1x1x10x80xf32, #tpu.memory_space<hbm>> -> memref<10x80xf32, #tpu.memory_space<hbm>>
    %dma_wait3A_151 = arith.constant 0 : i32
    %dma_wait3A_152 = arith.constant 0 : i32
    %dma_wait3A_153 = tpu.memref_slice %arg5[%arg1, %dma_wait3A_146, %dma_wait3A_151, %dma_wait3A_152] : memref<16x25x10x80xf32, #tpu.memory_space<hbm>> -> memref<1x1x10x80xf32, #tpu.memory_space<hbm>>
    %dma_wait3A_154 = tpu.memref_squeeze %dma_wait3A_153 : memref<1x1x10x80xf32, #tpu.memory_space<hbm>> -> memref<10x80xf32, #tpu.memory_space<hbm>>
    tpu.wait_dma2 semaphore(%arg20 : memref<!tpu.dma_semaphore, #tpu.memory_space<semaphore_mem>>) src(%dma_wait3A_154 : memref<10x80xf32, #tpu.memory_space<hbm>>) dst(%arg11 : memref<10x80xf32, #tpu.memory_space<vmem>>)
    %dma_start3A_155 = arith.constant 0 : i32
    %dma_start3A_156 = arith.constant 0 : i32
    %dma_start3A_157 = tpu.memref_slice %arg7[%dma_start3A_155, %dma_start3A_156] : memref<10x80xi32, #tpu.memory_space<vmem>> -> memref<1x80xi32, #tpu.memory_space<vmem>>
    %dma_start3A_158 = tpu.memref_squeeze %dma_start3A_157 : memref<1x80xi32, #tpu.memory_space<vmem>> -> memref<80xi32, #tpu.memory_space<vmem>>
    %dma_start3A_159 = arith.constant 0 : i32
    %dma_start3A_160 = arith.constant 0 : i32
    %dma_start3A_161 = tpu.memref_slice %arg2[%dma_start3A_159, %dma_start3A_160] : memref<10000x128xf32, #tpu.memory_space<hbm>> -> memref<10000x128xf32, #tpu.memory_space<hbm>>
    tpu.enqueue_indirect_dma source(%dma_start3A_161 : memref<10000x128xf32, #tpu.memory_space<hbm>>) target(%arg13 : memref<80x128xf32, #tpu.memory_space<vmem>>) offsets(%dma_start3A_158 : memref<80xi32, #tpu.memory_space<vmem>>) semaphore(%arg16 : memref<!tpu.dma_semaphore, #tpu.memory_space<semaphore_mem>>)
    %scan3A_162 = arith.constant 0 : i32
    %scan3A_163 = arith.constant 0 : i32
    %scan3A_164 = arith.constant 25 : i32
    %scan3A_165 = arith.addi %scan3A_163, %scan3A_164 : i32
    %scan3A_166 = arith.constant 1 : i32
    %scan3A_167 = scf.for %scan3A_170 = %scan3A_163 to %scan3A_165 step %scan3A_166 iter_args(%scan3A_171 = %scan3A_162) -> (i32)  : i32 {
      %jit3A = arith.constant 2 : i32
      %eq3A = arith.constant 0 : i32
      %eq3A_172 = arith.cmpi eq, %jit3A, %eq3A : i32
      %jit3A_173 = arith.constant 1 : i32
      %select_n3A = arith.select %eq3A_172, %jit3A_173, %jit3A : i32
      %rem3A = arith.remsi %scan3A_170, %select_n3A : i32
      %ne3A = arith.constant 0 : i32
      %ne3A_174 = arith.cmpi ne, %rem3A, %ne3A : i32
      %lt3A = arith.constant 0 : i32
      %lt3A_175 = arith.cmpi slt, %rem3A, %lt3A : i32
      %lt3A_176 = arith.constant 0 : i32
      %lt3A_177 = arith.cmpi slt, %select_n3A, %lt3A_176 : i32
      %ne3A_178 = arith.xori %lt3A_175, %lt3A_177 : i1
      %and3A = arith.andi %ne3A_178, %ne3A_174 : i1
      %add3A_179 = arith.addi %rem3A, %select_n3A : i32
      %select_n3A_180 = arith.select %and3A, %add3A_179, %rem3A : i32
      %eq3A_181 = arith.constant 0 : i32
      %eq3A_182 = arith.cmpi eq, %select_n3A_180, %eq3A_181 : i32
      %convert_element_type3A = arith.extui %eq3A_182 : i1 to i32
      %cond3A = arith.constant 0 : i32
      %cond3A_183 = arith.cmpi ne, %convert_element_type3A, %cond3A : i32
      scf.if %cond3A_183 {
        %add3A_190 = arith.constant 1 : i32
        %add3A_191 = arith.addi %scan3A_170, %add3A_190 : i32
        %lt3A_192 = arith.constant 25 : i32
        %lt3A_193 = arith.cmpi slt, %add3A_191, %lt3A_192 : i32
        %convert_element_type3A_194 = arith.extui %lt3A_193 : i1 to i32
        %cond3A_195 = arith.constant 0 : i32
        %cond3A_196 = arith.cmpi ne, %convert_element_type3A_194, %cond3A_195 : i32
        scf.if %cond3A_196 {
          %add3A_218 = arith.constant 1 : i32
          %add3A_219 = arith.addi %scan3A_170, %add3A_218 : i32
          %dma_start3A_220 = arith.constant 0 : i32
          %dma_start3A_221 = arith.constant 0 : i32
          %dma_start3A_222 = tpu.memref_slice %arg3[%arg1, %add3A_219, %dma_start3A_220, %dma_start3A_221] : memref<16x25x10x80xi32, #tpu.memory_space<hbm>> -> memref<1x1x10x80xi32, #tpu.memory_space<hbm>>
          %dma_start3A_223 = tpu.memref_squeeze %dma_start3A_222 : memref<1x1x10x80xi32, #tpu.memory_space<hbm>> -> memref<10x80xi32, #tpu.memory_space<hbm>>
          %dma_start3A_224 = arith.constant 0 : i32
          %dma_start3A_225 = arith.constant 0 : i32
          %dma_start3A_226 = tpu.memref_slice %arg3[%arg1, %add3A_219, %dma_start3A_224, %dma_start3A_225] : memref<16x25x10x80xi32, #tpu.memory_space<hbm>> -> memref<1x1x10x80xi32, #tpu.memory_space<hbm>>
          %dma_start3A_227 = tpu.memref_squeeze %dma_start3A_226 : memref<1x1x10x80xi32, #tpu.memory_space<hbm>> -> memref<10x80xi32, #tpu.memory_space<hbm>>
          tpu.enqueue_dma source(%dma_start3A_227 : memref<10x80xi32, #tpu.memory_space<hbm>>) target(%arg8 : memref<10x80xi32, #tpu.memory_space<vmem>>) target_semaphore(%arg20 : memref<!tpu.dma_semaphore, #tpu.memory_space<semaphore_mem>>)
          %dma_start3A_228 = arith.constant 0 : i32
          %dma_start3A_229 = arith.constant 0 : i32
          %dma_start3A_230 = tpu.memref_slice %arg4[%arg1, %add3A_219, %dma_start3A_228, %dma_start3A_229] : memref<16x25x10x80xi32, #tpu.memory_space<hbm>> -> memref<1x1x10x80xi32, #tpu.memory_space<hbm>>
          %dma_start3A_231 = tpu.memref_squeeze %dma_start3A_230 : memref<1x1x10x80xi32, #tpu.memory_space<hbm>> -> memref<10x80xi32, #tpu.memory_space<hbm>>
          %dma_start3A_232 = arith.constant 0 : i32
          %dma_start3A_233 = arith.constant 0 : i32
          %dma_start3A_234 = tpu.memref_slice %arg4[%arg1, %add3A_219, %dma_start3A_232, %dma_start3A_233] : memref<16x25x10x80xi32, #tpu.memory_space<hbm>> -> memref<1x1x10x80xi32, #tpu.memory_space<hbm>>
          %dma_start3A_235 = tpu.memref_squeeze %dma_start3A_234 : memref<1x1x10x80xi32, #tpu.memory_space<hbm>> -> memref<10x80xi32, #tpu.memory_space<hbm>>
          tpu.enqueue_dma source(%dma_start3A_235 : memref<10x80xi32, #tpu.memory_space<hbm>>) target(%arg10 : memref<10x80xi32, #tpu.memory_space<vmem>>) target_semaphore(%arg20 : memref<!tpu.dma_semaphore, #tpu.memory_space<semaphore_mem>>)
          %dma_start3A_236 = arith.constant 0 : i32
          %dma_start3A_237 = arith.constant 0 : i32
          %dma_start3A_238 = tpu.memref_slice %arg5[%arg1, %add3A_219, %dma_start3A_236, %dma_start3A_237] : memref<16x25x10x80xf32, #tpu.memory_space<hbm>> -> memref<1x1x10x80xf32, #tpu.memory_space<hbm>>
          %dma_start3A_239 = tpu.memref_squeeze %dma_start3A_238 : memref<1x1x10x80xf32, #tpu.memory_space<hbm>> -> memref<10x80xf32, #tpu.memory_space<hbm>>
          %dma_start3A_240 = arith.constant 0 : i32
          %dma_start3A_241 = arith.constant 0 : i32
          %dma_start3A_242 = tpu.memref_slice %arg5[%arg1, %add3A_219, %dma_start3A_240, %dma_start3A_241] : memref<16x25x10x80xf32, #tpu.memory_space<hbm>> -> memref<1x1x10x80xf32, #tpu.memory_space<hbm>>
          %dma_start3A_243 = tpu.memref_squeeze %dma_start3A_242 : memref<1x1x10x80xf32, #tpu.memory_space<hbm>> -> memref<10x80xf32, #tpu.memory_space<hbm>>
          tpu.enqueue_dma source(%dma_start3A_243 : memref<10x80xf32, #tpu.memory_space<hbm>>) target(%arg12 : memref<10x80xf32, #tpu.memory_space<vmem>>) target_semaphore(%arg20 : memref<!tpu.dma_semaphore, #tpu.memory_space<semaphore_mem>>)
        } else {
        }
        %scan3A_197 = arith.constant 0 : i32
        %scan3A_198 = arith.constant 0 : i32
        %scan3A_199 = arith.constant 5 : i32
        %scan3A_200 = arith.addi %scan3A_198, %scan3A_199 : i32
        %scan3A_201 = arith.constant 1 : i32
        %scan3A_202 = scf.for %scan3A_218 = %scan3A_198 to %scan3A_200 step %scan3A_201 iter_args(%scan3A_219 = %scan3A_197) -> (i32)  : i32 {
          %mul3A_220 = arith.constant 2 : i32
          %mul3A_221 = arith.muli %mul3A_220, %scan3A_218 : i32
          %add3A_222 = arith.constant 0 : i32
          %add3A_223 = arith.addi %mul3A_221, %add3A_222 : i32
          %dma_wait3A_224 = arith.constant 0 : i32
          %dma_wait3A_225 = tpu.memref_slice %arg7[%add3A_223, %dma_wait3A_224] : memref<10x80xi32, #tpu.memory_space<vmem>> -> memref<1x80xi32, #tpu.memory_space<vmem>>
          %dma_wait3A_226 = tpu.memref_squeeze %dma_wait3A_225 : memref<1x80xi32, #tpu.memory_space<vmem>> -> memref<80xi32, #tpu.memory_space<vmem>>
          %dma_wait3A_227 = arith.constant 0 : i32
          %dma_wait3A_228 = arith.constant 0 : i32
          %dma_wait3A_229 = tpu.memref_slice %arg2[%dma_wait3A_227, %dma_wait3A_228] : memref<10000x128xf32, #tpu.memory_space<hbm>> -> memref<10000x128xf32, #tpu.memory_space<hbm>>
          tpu.wait_indirect_dma semaphore(%arg16 : memref<!tpu.dma_semaphore, #tpu.memory_space<semaphore_mem>>) src(%dma_wait3A_229 : memref<10000x128xf32, #tpu.memory_space<hbm>>) dst(%arg13 : memref<80x128xf32, #tpu.memory_space<vmem>>)
          %ge3A = arith.constant 1 : i32
          %ge3A_230 = arith.cmpi sge, %scan3A_218, %ge3A : i32
          %convert_element_type3A_231 = arith.extui %ge3A_230 : i1 to i32
          %cond3A_232 = arith.constant 0 : i32
          %cond3A_233 = arith.cmpi ne, %convert_element_type3A_231, %cond3A_232 : i32
          scf.if %cond3A_233 {
            %sub3A_293 = arith.constant 1 : i32
            %sub3A_294 = arith.subi %add3A_223, %sub3A_293 : i32
            %dma_wait3A_295 = arith.constant 0 : i32
            %dma_wait3A_296 = tpu.memref_slice %arg9[%sub3A_294, %dma_wait3A_295] : memref<10x80xi32, #tpu.memory_space<vmem>> -> memref<1x80xi32, #tpu.memory_space<vmem>>
            %dma_wait3A_297 = tpu.memref_squeeze %dma_wait3A_296 : memref<1x80xi32, #tpu.memory_space<vmem>> -> memref<80xi32, #tpu.memory_space<vmem>>
            %dma_wait3A_298 = arith.constant 0 : i32
            %dma_wait3A_299 = arith.constant 0 : i32
            %dma_wait3A_300 = tpu.memref_slice %arg15[%dma_wait3A_298, %dma_wait3A_299] : memref<10240x128xf32, #tpu.memory_space<vmem_shared>> -> memref<10240x128xf32, #tpu.memory_space<vmem_shared>>
            tpu.wait_indirect_dma semaphore(%arg19 : memref<!tpu.dma_semaphore, #tpu.memory_space<semaphore_mem>>) src(%arg14 : memref<80x128xf32, #tpu.memory_space<vmem>>) dst(%dma_wait3A_300 : memref<10240x128xf32, #tpu.memory_space<vmem_shared>>)
          } else {
          }
          %add3A_234 = arith.constant 1 : i32
          %add3A_235 = arith.addi %add3A_223, %add3A_234 : i32
          %dma_start3A_236 = arith.constant 0 : i32
          %dma_start3A_237 = tpu.memref_slice %arg7[%add3A_235, %dma_start3A_236] : memref<10x80xi32, #tpu.memory_space<vmem>> -> memref<1x80xi32, #tpu.memory_space<vmem>>
          %dma_start3A_238 = tpu.memref_squeeze %dma_start3A_237 : memref<1x80xi32, #tpu.memory_space<vmem>> -> memref<80xi32, #tpu.memory_space<vmem>>
          %dma_start3A_239 = arith.constant 0 : i32
          %dma_start3A_240 = arith.constant 0 : i32
          %dma_start3A_241 = tpu.memref_slice %arg2[%dma_start3A_239, %dma_start3A_240] : memref<10000x128xf32, #tpu.memory_space<hbm>> -> memref<10000x128xf32, #tpu.memory_space<hbm>>
          tpu.enqueue_indirect_dma source(%dma_start3A_241 : memref<10000x128xf32, #tpu.memory_space<hbm>>) target(%arg14 : memref<80x128xf32, #tpu.memory_space<vmem>>) offsets(%dma_start3A_238 : memref<80xi32, #tpu.memory_space<vmem>>) semaphore(%arg17 : memref<!tpu.dma_semaphore, #tpu.memory_space<semaphore_mem>>)
          %broadcast_in_dim3A_242 = vector.broadcast %add3A_223 : i32 to vector<16xi32>
          %scan3A_243 = arith.constant 0 : i32
          %scan3A_244 = arith.constant 0 : i32
          %scan3A_245 = arith.constant 20 : i32
          %scan3A_246 = arith.addi %scan3A_244, %scan3A_245 : i32
          %scan3A_247 = arith.constant 1 : i32
          %scan3A_248 = scf.for %scan3A_293 = %scan3A_244 to %scan3A_246 step %scan3A_247 iter_args(%scan3A_294 = %scan3A_243) -> (i32)  : i32 {
            %mul3A_295 = arith.constant 4 : i32
            %mul3A_296 = arith.muli %scan3A_293, %mul3A_295 : i32
            %add3A_297 = arith.constant 0 : i32
            %add3A_298 = arith.addi %mul3A_296, %add3A_297 : i32
            %broadcast_in_dim3A_299 = vector.broadcast %add3A_298 : i32 to vector<16xi32>
            %gather3A = tpu.vector_load_idx %arg11[%broadcast_in_dim3A_242, %broadcast_in_dim3A_299] : memref<10x80xf32, #tpu.memory_space<vmem>>[vector<16xi32>, vector<16xi32>], vector<16xf32>,
            %get3A = arith.index_cast %add3A_298 : i32 to index
            %get3A_300 = arith.constant 0 : index
            %get3A_301 = tpu.vector_load %arg13[%get3A, %get3A_300] {strides = array<i32>} : memref<80x128xf32, #tpu.memory_space<vmem>>, vector<16xf32>,
            %mul3A_302 = arith.mulf %get3A_301, %gather3A : vector<16xf32>
            %swap3A = arith.index_cast %add3A_298 : i32 to index
            %swap3A_303 = arith.constant 0 : index
            %swap3A_304 = tpu.vector_load %arg13[%swap3A, %swap3A_303] {strides = array<i32>} : memref<80x128xf32, #tpu.memory_space<vmem>>, vector<16xf32>,
            tpu.vector_store %arg13[%swap3A, %swap3A_303], %mul3A_302 {strides = array<i32>} : memref<80x128xf32, #tpu.memory_space<vmem>>, vector<16xf32>,
            %get3A_305 = arith.index_cast %add3A_298 : i32 to index
            %get3A_306 = arith.constant 16 : index
            %get3A_307 = tpu.vector_load %arg13[%get3A_305, %get3A_306] {strides = array<i32>} : memref<80x128xf32, #tpu.memory_space<vmem>>, vector<16xf32>,
            %mul3A_308 = arith.mulf %get3A_307, %gather3A : vector<16xf32>
            %swap3A_309 = arith.index_cast %add3A_298 : i32 to index
            %swap3A_310 = arith.constant 16 : index
            %swap3A_311 = tpu.vector_load %arg13[%swap3A_309, %swap3A_310] {strides = array<i32>} : memref<80x128xf32, #tpu.memory_space<vmem>>, vector<16xf32>,
            tpu.vector_store %arg13[%swap3A_309, %swap3A_310], %mul3A_308 {strides = array<i32>} : memref<80x128xf32, #tpu.memory_space<vmem>>, vector<16xf32>,
            %get3A_312 = arith.index_cast %add3A_298 : i32 to index
            %get3A_313 = arith.constant 32 : index
            %get3A_314 = tpu.vector_load %arg13[%get3A_312, %get3A_313] {strides = array<i32>} : memref<80x128xf32, #tpu.memory_space<vmem>>, vector<16xf32>,
            %mul3A_315 = arith.mulf %get3A_314, %gather3A : vector<16xf32>
            %swap3A_316 = arith.index_cast %add3A_298 : i32 to index
            %swap3A_317 = arith.constant 32 : index
            %swap3A_318 = tpu.vector_load %arg13[%swap3A_316, %swap3A_317] {strides = array<i32>} : memref<80x128xf32, #tpu.memory_space<vmem>>, vector<16xf32>,
            tpu.vector_store %arg13[%swap3A_316, %swap3A_317], %mul3A_315 {strides = array<i32>} : memref<80x128xf32, #tpu.memory_space<vmem>>, vector<16xf32>,
            %get3A_319 = arith.index_cast %add3A_298 : i32 to index
            %get3A_320 = arith.constant 48 : index
            %get3A_321 = tpu.vector_load %arg13[%get3A_319, %get3A_320] {strides = array<i32>} : memref<80x128xf32, #tpu.memory_space<vmem>>, vector<16xf32>,
            %mul3A_322 = arith.mulf %get3A_321, %gather3A : vector<16xf32>
            %swap3A_323 = arith.index_cast %add3A_298 : i32 to index
            %swap3A_324 = arith.constant 48 : index
            %swap3A_325 = tpu.vector_load %arg13[%swap3A_323, %swap3A_324] {strides = array<i32>} : memref<80x128xf32, #tpu.memory_space<vmem>>, vector<16xf32>,
            tpu.vector_store %arg13[%swap3A_323, %swap3A_324], %mul3A_322 {strides = array<i32>} : memref<80x128xf32, #tpu.memory_space<vmem>>, vector<16xf32>,
            %get3A_326 = arith.index_cast %add3A_298 : i32 to index
            %get3A_327 = arith.constant 64 : index
            %get3A_328 = tpu.vector_load %arg13[%get3A_326, %get3A_327] {strides = array<i32>} : memref<80x128xf32, #tpu.memory_space<vmem>>, vector<16xf32>,
            %mul3A_329 = arith.mulf %get3A_328, %gather3A : vector<16xf32>
            %swap3A_330 = arith.index_cast %add3A_298 : i32 to index
            %swap3A_331 = arith.constant 64 : index
            %swap3A_332 = tpu.vector_load %arg13[%swap3A_330, %swap3A_331] {strides = array<i32>} : memref<80x128xf32, #tpu.memory_space<vmem>>, vector<16xf32>,
            tpu.vector_store %arg13[%swap3A_330, %swap3A_331], %mul3A_329 {strides = array<i32>} : memref<80x128xf32, #tpu.memory_space<vmem>>, vector<16xf32>,
            %get3A_333 = arith.index_cast %add3A_298 : i32 to index
            %get3A_334 = arith.constant 80 : index
            %get3A_335 = tpu.vector_load %arg13[%get3A_333, %get3A_334] {strides = array<i32>} : memref<80x128xf32, #tpu.memory_space<vmem>>, vector<16xf32>,
            %mul3A_336 = arith.mulf %get3A_335, %gather3A : vector<16xf32>
            %swap3A_337 = arith.index_cast %add3A_298 : i32 to index
            %swap3A_338 = arith.constant 80 : index
            %swap3A_339 = tpu.vector_load %arg13[%swap3A_337, %swap3A_338] {strides = array<i32>} : memref<80x128xf32, #tpu.memory_space<vmem>>, vector<16xf32>,
            tpu.vector_store %arg13[%swap3A_337, %swap3A_338], %mul3A_336 {strides = array<i32>} : memref<80x128xf32, #tpu.memory_space<vmem>>, vector<16xf32>,
            %get3A_340 = arith.index_cast %add3A_298 : i32 to index
            %get3A_341 = arith.constant 96 : index
            %get3A_342 = tpu.vector_load %arg13[%get3A_340, %get3A_341] {strides = array<i32>} : memref<80x128xf32, #tpu.memory_space<vmem>>, vector<16xf32>,
            %mul3A_343 = arith.mulf %get3A_342, %gather3A : vector<16xf32>
            %swap3A_344 = arith.index_cast %add3A_298 : i32 to index
            %swap3A_345 = arith.constant 96 : index
            %swap3A_346 = tpu.vector_load %arg13[%swap3A_344, %swap3A_345] {strides = array<i32>} : memref<80x128xf32, #tpu.memory_space<vmem>>, vector<16xf32>,
            tpu.vector_store %arg13[%swap3A_344, %swap3A_345], %mul3A_343 {strides = array<i32>} : memref<80x128xf32, #tpu.memory_space<vmem>>, vector<16xf32>,
            %get3A_347 = arith.index_cast %add3A_298 : i32 to index
            %get3A_348 = arith.constant 112 : index
            %get3A_349 = tpu.vector_load %arg13[%get3A_347, %get3A_348] {strides = array<i32>} : memref<80x128xf32, #tpu.memory_space<vmem>>, vector<16xf32>,
            %mul3A_350 = arith.mulf %get3A_349, %gather3A : vector<16xf32>
            %swap3A_351 = arith.index_cast %add3A_298 : i32 to index
            %swap3A_352 = arith.constant 112 : index
            %swap3A_353 = tpu.vector_load %arg13[%swap3A_351, %swap3A_352] {strides = array<i32>} : memref<80x128xf32, #tpu.memory_space<vmem>>, vector<16xf32>,
            tpu.vector_store %arg13[%swap3A_351, %swap3A_352], %mul3A_350 {strides = array<i32>} : memref<80x128xf32, #tpu.memory_space<vmem>>, vector<16xf32>,
            %mul3A_354 = arith.constant 4 : i32
            %mul3A_355 = arith.muli %scan3A_293, %mul3A_354 : i32
            %add3A_356 = arith.constant 1 : i32
            %add3A_357 = arith.addi %mul3A_355, %add3A_356 : i32
            %broadcast_in_dim3A_358 = vector.broadcast %add3A_357 : i32 to vector<16xi32>
            %gather3A_359 = tpu.vector_load_idx %arg11[%broadcast_in_dim3A_242, %broadcast_in_dim3A_358] : memref<10x80xf32, #tpu.memory_space<vmem>>[vector<16xi32>, vector<16xi32>], vector<16xf32>,
            %get3A_360 = arith.index_cast %add3A_357 : i32 to index
            %get3A_361 = arith.constant 0 : index
            %get3A_362 = tpu.vector_load %arg13[%get3A_360, %get3A_361] {strides = array<i32>} : memref<80x128xf32, #tpu.memory_space<vmem>>, vector<16xf32>,
            %mul3A_363 = arith.mulf %get3A_362, %gather3A_359 : vector<16xf32>
            %swap3A_364 = arith.index_cast %add3A_357 : i32 to index
            %swap3A_365 = arith.constant 0 : index
            %swap3A_366 = tpu.vector_load %arg13[%swap3A_364, %swap3A_365] {strides = array<i32>} : memref<80x128xf32, #tpu.memory_space<vmem>>, vector<16xf32>,
            tpu.vector_store %arg13[%swap3A_364, %swap3A_365], %mul3A_363 {strides = array<i32>} : memref<80x128xf32, #tpu.memory_space<vmem>>, vector<16xf32>,
            %get3A_367 = arith.index_cast %add3A_357 : i32 to index
            %get3A_368 = arith.constant 16 : index
            %get3A_369 = tpu.vector_load %arg13[%get3A_367, %get3A_368] {strides = array<i32>} : memref<80x128xf32, #tpu.memory_space<vmem>>, vector<16xf32>,
            %mul3A_370 = arith.mulf %get3A_369, %gather3A_359 : vector<16xf32>
            %swap3A_371 = arith.index_cast %add3A_357 : i32 to index
            %swap3A_372 = arith.constant 16 : index
            %swap3A_373 = tpu.vector_load %arg13[%swap3A_371, %swap3A_372] {strides = array<i32>} : memref<80x128xf32, #tpu.memory_space<vmem>>, vector<16xf32>,
            tpu.vector_store %arg13[%swap3A_371, %swap3A_372], %mul3A_370 {strides = array<i32>} : memref<80x128xf32, #tpu.memory_space<vmem>>, vector<16xf32>,
            %get3A_374 = arith.index_cast %add3A_357 : i32 to index
            %get3A_375 = arith.constant 32 : index
            %get3A_376 = tpu.vector_load %arg13[%get3A_374, %get3A_375] {strides = array<i32>} : memref<80x128xf32, #tpu.memory_space<vmem>>, vector<16xf32>,
            %mul3A_377 = arith.mulf %get3A_376, %gather3A_359 : vector<16xf32>
            %swap3A_378 = arith.index_cast %add3A_357 : i32 to index
            %swap3A_379 = arith.constant 32 : index
            %swap3A_380 = tpu.vector_load %arg13[%swap3A_378, %swap3A_379] {strides = array<i32>} : memref<80x128xf32, #tpu.memory_space<vmem>>, vector<16xf32>,
            tpu.vector_store %arg13[%swap3A_378, %swap3A_379], %mul3A_377 {strides = array<i32>} : memref<80x128xf32, #tpu.memory_space<vmem>>, vector<16xf32>,
            %get3A_381 = arith.index_cast %add3A_357 : i32 to index
            %get3A_382 = arith.constant 48 : index
            %get3A_383 = tpu.vector_load %arg13[%get3A_381, %get3A_382] {strides = array<i32>} : memref<80x128xf32, #tpu.memory_space<vmem>>, vector<16xf32>,
            %mul3A_384 = arith.mulf %get3A_383, %gather3A_359 : vector<16xf32>
            %swap3A_385 = arith.index_cast %add3A_357 : i32 to index
            %swap3A_386 = arith.constant 48 : index
            %swap3A_387 = tpu.vector_load %arg13[%swap3A_385, %swap3A_386] {strides = array<i32>} : memref<80x128xf32, #tpu.memory_space<vmem>>, vector<16xf32>,
            tpu.vector_store %arg13[%swap3A_385, %swap3A_386], %mul3A_384 {strides = array<i32>} : memref<80x128xf32, #tpu.memory_space<vmem>>, vector<16xf32>,
            %get3A_388 = arith.index_cast %add3A_357 : i32 to index
            %get3A_389 = arith.constant 64 : index
            %get3A_390 = tpu.vector_load %arg13[%get3A_388, %get3A_389] {strides = array<i32>} : memref<80x128xf32, #tpu.memory_space<vmem>>, vector<16xf32>,
            %mul3A_391 = arith.mulf %get3A_390, %gather3A_359 : vector<16xf32>
            %swap3A_392 = arith.index_cast %add3A_357 : i32 to index
            %swap3A_393 = arith.constant 64 : index
            %swap3A_394 = tpu.vector_load %arg13[%swap3A_392, %swap3A_393] {strides = array<i32>} : memref<80x128xf32, #tpu.memory_space<vmem>>, vector<16xf32>,
            tpu.vector_store %arg13[%swap3A_392, %swap3A_393], %mul3A_391 {strides = array<i32>} : memref<80x128xf32, #tpu.memory_space<vmem>>, vector<16xf32>,
            %get3A_395 = arith.index_cast %add3A_357 : i32 to index
            %get3A_396 = arith.constant 80 : index
            %get3A_397 = tpu.vector_load %arg13[%get3A_395, %get3A_396] {strides = array<i32>} : memref<80x128xf32, #tpu.memory_space<vmem>>, vector<16xf32>,
            %mul3A_398 = arith.mulf %get3A_397, %gather3A_359 : vector<16xf32>
            %swap3A_399 = arith.index_cast %add3A_357 : i32 to index
            %swap3A_400 = arith.constant 80 : index
            %swap3A_401 = tpu.vector_load %arg13[%swap3A_399, %swap3A_400] {strides = array<i32>} : memref<80x128xf32, #tpu.memory_space<vmem>>, vector<16xf32>,
            tpu.vector_store %arg13[%swap3A_399, %swap3A_400], %mul3A_398 {strides = array<i32>} : memref<80x128xf32, #tpu.memory_space<vmem>>, vector<16xf32>,
            %get3A_402 = arith.index_cast %add3A_357 : i32 to index
            %get3A_403 = arith.constant 96 : index
            %get3A_404 = tpu.vector_load %arg13[%get3A_402, %get3A_403] {strides = array<i32>} : memref<80x128xf32, #tpu.memory_space<vmem>>, vector<16xf32>,
            %mul3A_405 = arith.mulf %get3A_404, %gather3A_359 : vector<16xf32>
            %swap3A_406 = arith.index_cast %add3A_357 : i32 to index
            %swap3A_407 = arith.constant 96 : index
            %swap3A_408 = tpu.vector_load %arg13[%swap3A_406, %swap3A_407] {strides = array<i32>} : memref<80x128xf32, #tpu.memory_space<vmem>>, vector<16xf32>,
            tpu.vector_store %arg13[%swap3A_406, %swap3A_407], %mul3A_405 {strides = array<i32>} : memref<80x128xf32, #tpu.memory_space<vmem>>, vector<16xf32>,
            %get3A_409 = arith.index_cast %add3A_357 : i32 to index
            %get3A_410 = arith.constant 112 : index
            %get3A_411 = tpu.vector_load %arg13[%get3A_409, %get3A_410] {strides = array<i32>} : memref<80x128xf32, #tpu.memory_space<vmem>>, vector<16xf32>,
            %mul3A_412 = arith.mulf %get3A_411, %gather3A_359 : vector<16xf32>
            %swap3A_413 = arith.index_cast %add3A_357 : i32 to index
            %swap3A_414 = arith.constant 112 : index
            %swap3A_415 = tpu.vector_load %arg13[%swap3A_413, %swap3A_414] {strides = array<i32>} : memref<80x128xf32, #tpu.memory_space<vmem>>, vector<16xf32>,
            tpu.vector_store %arg13[%swap3A_413, %swap3A_414], %mul3A_412 {strides = array<i32>} : memref<80x128xf32, #tpu.memory_space<vmem>>, vector<16xf32>,
            %mul3A_416 = arith.constant 4 : i32
            %mul3A_417 = arith.muli %scan3A_293, %mul3A_416 : i32
            %add3A_418 = arith.constant 2 : i32
            %add3A_419 = arith.addi %mul3A_417, %add3A_418 : i32
            %broadcast_in_dim3A_420 = vector.broadcast %add3A_419 : i32 to vector<16xi32>
            %gather3A_421 = tpu.vector_load_idx %arg11[%broadcast_in_dim3A_242, %broadcast_in_dim3A_420] : memref<10x80xf32, #tpu.memory_space<vmem>>[vector<16xi32>, vector<16xi32>], vector<16xf32>,
            %get3A_422 = arith.index_cast %add3A_419 : i32 to index
            %get3A_423 = arith.constant 0 : index
            %get3A_424 = tpu.vector_load %arg13[%get3A_422, %get3A_423] {strides = array<i32>} : memref<80x128xf32, #tpu.memory_space<vmem>>, vector<16xf32>,
            %mul3A_425 = arith.mulf %get3A_424, %gather3A_421 : vector<16xf32>
            %swap3A_426 = arith.index_cast %add3A_419 : i32 to index
            %swap3A_427 = arith.constant 0 : index
            %swap3A_428 = tpu.vector_load %arg13[%swap3A_426, %swap3A_427] {strides = array<i32>} : memref<80x128xf32, #tpu.memory_space<vmem>>, vector<16xf32>,
            tpu.vector_store %arg13[%swap3A_426, %swap3A_427], %mul3A_425 {strides = array<i32>} : memref<80x128xf32, #tpu.memory_space<vmem>>, vector<16xf32>,
            %get3A_429 = arith.index_cast %add3A_419 : i32 to index
            %get3A_430 = arith.constant 16 : index
            %get3A_431 = tpu.vector_load %arg13[%get3A_429, %get3A_430] {strides = array<i32>} : memref<80x128xf32, #tpu.memory_space<vmem>>, vector<16xf32>,
            %mul3A_432 = arith.mulf %get3A_431, %gather3A_421 : vector<16xf32>
            %swap3A_433 = arith.index_cast %add3A_419 : i32 to index
            %swap3A_434 = arith.constant 16 : index
            %swap3A_435 = tpu.vector_load %arg13[%swap3A_433, %swap3A_434] {strides = array<i32>} : memref<80x128xf32, #tpu.memory_space<vmem>>, vector<16xf32>,
            tpu.vector_store %arg13[%swap3A_433, %swap3A_434], %mul3A_432 {strides = array<i32>} : memref<80x128xf32, #tpu.memory_space<vmem>>, vector<16xf32>,
            %get3A_436 = arith.index_cast %add3A_419 : i32 to index
            %get3A_437 = arith.constant 32 : index
            %get3A_438 = tpu.vector_load %arg13[%get3A_436, %get3A_437] {strides = array<i32>} : memref<80x128xf32, #tpu.memory_space<vmem>>, vector<16xf32>,
            %mul3A_439 = arith.mulf %get3A_438, %gather3A_421 : vector<16xf32>
            %swap3A_440 = arith.index_cast %add3A_419 : i32 to index
            %swap3A_441 = arith.constant 32 : index
            %swap3A_442 = tpu.vector_load %arg13[%swap3A_440, %swap3A_441] {strides = array<i32>} : memref<80x128xf32, #tpu.memory_space<vmem>>, vector<16xf32>,
            tpu.vector_store %arg13[%swap3A_440, %swap3A_441], %mul3A_439 {strides = array<i32>} : memref<80x128xf32, #tpu.memory_space<vmem>>, vector<16xf32>,
            %get3A_443 = arith.index_cast %add3A_419 : i32 to index
            %get3A_444 = arith.constant 48 : index
            %get3A_445 = tpu.vector_load %arg13[%get3A_443, %get3A_444] {strides = array<i32>} : memref<80x128xf32, #tpu.memory_space<vmem>>, vector<16xf32>,
            %mul3A_446 = arith.mulf %get3A_445, %gather3A_421 : vector<16xf32>
            %swap3A_447 = arith.index_cast %add3A_419 : i32 to index
            %swap3A_448 = arith.constant 48 : index
            %swap3A_449 = tpu.vector_load %arg13[%swap3A_447, %swap3A_448] {strides = array<i32>} : memref<80x128xf32, #tpu.memory_space<vmem>>, vector<16xf32>,
            tpu.vector_store %arg13[%swap3A_447, %swap3A_448], %mul3A_446 {strides = array<i32>} : memref<80x128xf32, #tpu.memory_space<vmem>>, vector<16xf32>,
            %get3A_450 = arith.index_cast %add3A_419 : i32 to index
            %get3A_451 = arith.constant 64 : index
            %get3A_452 = tpu.vector_load %arg13[%get3A_450, %get3A_451] {strides = array<i32>} : memref<80x128xf32, #tpu.memory_space<vmem>>, vector<16xf32>,
            %mul3A_453 = arith.mulf %get3A_452, %gather3A_421 : vector<16xf32>
            %swap3A_454 = arith.index_cast %add3A_419 : i32 to index
            %swap3A_455 = arith.constant 64 : index
            %swap3A_456 = tpu.vector_load %arg13[%swap3A_454, %swap3A_455] {strides = array<i32>} : memref<80x128xf32, #tpu.memory_space<vmem>>, vector<16xf32>,
            tpu.vector_store %arg13[%swap3A_454, %swap3A_455], %mul3A_453 {strides = array<i32>} : memref<80x128xf32, #tpu.memory_space<vmem>>, vector<16xf32>,
            %get3A_457 = arith.index_cast %add3A_419 : i32 to index
            %get3A_458 = arith.constant 80 : index
            %get3A_459 = tpu.vector_load %arg13[%get3A_457, %get3A_458] {strides = array<i32>} : memref<80x128xf32, #tpu.memory_space<vmem>>, vector<16xf32>,
            %mul3A_460 = arith.mulf %get3A_459, %gather3A_421 : vector<16xf32>
            %swap3A_461 = arith.index_cast %add3A_419 : i32 to index
            %swap3A_462 = arith.constant 80 : index
            %swap3A_463 = tpu.vector_load %arg13[%swap3A_461, %swap3A_462] {strides = array<i32>} : memref<80x128xf32, #tpu.memory_space<vmem>>, vector<16xf32>,
            tpu.vector_store %arg13[%swap3A_461, %swap3A_462], %mul3A_460 {strides = array<i32>} : memref<80x128xf32, #tpu.memory_space<vmem>>, vector<16xf32>,
            %get3A_464 = arith.index_cast %add3A_419 : i32 to index
            %get3A_465 = arith.constant 96 : index
            %get3A_466 = tpu.vector_load %arg13[%get3A_464, %get3A_465] {strides = array<i32>} : memref<80x128xf32, #tpu.memory_space<vmem>>, vector<16xf32>,
            %mul3A_467 = arith.mulf %get3A_466, %gather3A_421 : vector<16xf32>
            %swap3A_468 = arith.index_cast %add3A_419 : i32 to index
            %swap3A_469 = arith.constant 96 : index
            %swap3A_470 = tpu.vector_load %arg13[%swap3A_468, %swap3A_469] {strides = array<i32>} : memref<80x128xf32, #tpu.memory_space<vmem>>, vector<16xf32>,
            tpu.vector_store %arg13[%swap3A_468, %swap3A_469], %mul3A_467 {strides = array<i32>} : memref<80x128xf32, #tpu.memory_space<vmem>>, vector<16xf32>,
            %get3A_471 = arith.index_cast %add3A_419 : i32 to index
            %get3A_472 = arith.constant 112 : index
            %get3A_473 = tpu.vector_load %arg13[%get3A_471, %get3A_472] {strides = array<i32>} : memref<80x128xf32, #tpu.memory_space<vmem>>, vector<16xf32>,
            %mul3A_474 = arith.mulf %get3A_473, %gather3A_421 : vector<16xf32>
            %swap3A_475 = arith.index_cast %add3A_419 : i32 to index
            %swap3A_476 = arith.constant 112 : index
            %swap3A_477 = tpu.vector_load %arg13[%swap3A_475, %swap3A_476] {strides = array<i32>} : memref<80x128xf32, #tpu.memory_space<vmem>>, vector<16xf32>,
            tpu.vector_store %arg13[%swap3A_475, %swap3A_476], %mul3A_474 {strides = array<i32>} : memref<80x128xf32, #tpu.memory_space<vmem>>, vector<16xf32>,
            %mul3A_478 = arith.constant 4 : i32
            %mul3A_479 = arith.muli %scan3A_293, %mul3A_478 : i32
            %add3A_480 = arith.constant 3 : i32
            %add3A_481 = arith.addi %mul3A_479, %add3A_480 : i32
            %broadcast_in_dim3A_482 = vector.broadcast %add3A_481 : i32 to vector<16xi32>
            %gather3A_483 = tpu.vector_load_idx %arg11[%broadcast_in_dim3A_242, %broadcast_in_dim3A_482] : memref<10x80xf32, #tpu.memory_space<vmem>>[vector<16xi32>, vector<16xi32>], vector<16xf32>,
            %get3A_484 = arith.index_cast %add3A_481 : i32 to index
            %get3A_485 = arith.constant 0 : index
            %get3A_486 = tpu.vector_load %arg13[%get3A_484, %get3A_485] {strides = array<i32>} : memref<80x128xf32, #tpu.memory_space<vmem>>, vector<16xf32>,
            %mul3A_487 = arith.mulf %get3A_486, %gather3A_483 : vector<16xf32>
            %swap3A_488 = arith.index_cast %add3A_481 : i32 to index
            %swap3A_489 = arith.constant 0 : index
            %swap3A_490 = tpu.vector_load %arg13[%swap3A_488, %swap3A_489] {strides = array<i32>} : memref<80x128xf32, #tpu.memory_space<vmem>>, vector<16xf32>,
            tpu.vector_store %arg13[%swap3A_488, %swap3A_489], %mul3A_487 {strides = array<i32>} : memref<80x128xf32, #tpu.memory_space<vmem>>, vector<16xf32>,
            %get3A_491 = arith.index_cast %add3A_481 : i32 to index
            %get3A_492 = arith.constant 16 : index
            %get3A_493 = tpu.vector_load %arg13[%get3A_491, %get3A_492] {strides = array<i32>} : memref<80x128xf32, #tpu.memory_space<vmem>>, vector<16xf32>,
            %mul3A_494 = arith.mulf %get3A_493, %gather3A_483 : vector<16xf32>
            %swap3A_495 = arith.index_cast %add3A_481 : i32 to index
            %swap3A_496 = arith.constant 16 : index
            %swap3A_497 = tpu.vector_load %arg13[%swap3A_495, %swap3A_496] {strides = array<i32>} : memref<80x128xf32, #tpu.memory_space<vmem>>, vector<16xf32>,
            tpu.vector_store %arg13[%swap3A_495, %swap3A_496], %mul3A_494 {strides = array<i32>} : memref<80x128xf32, #tpu.memory_space<vmem>>, vector<16xf32>,
            %get3A_498 = arith.index_cast %add3A_481 : i32 to index
            %get3A_499 = arith.constant 32 : index
            %get3A_500 = tpu.vector_load %arg13[%get3A_498, %get3A_499] {strides = array<i32>} : memref<80x128xf32, #tpu.memory_space<vmem>>, vector<16xf32>,
            %mul3A_501 = arith.mulf %get3A_500, %gather3A_483 : vector<16xf32>
            %swap3A_502 = arith.index_cast %add3A_481 : i32 to index
            %swap3A_503 = arith.constant 32 : index
            %swap3A_504 = tpu.vector_load %arg13[%swap3A_502, %swap3A_503] {strides = array<i32>} : memref<80x128xf32, #tpu.memory_space<vmem>>, vector<16xf32>,
            tpu.vector_store %arg13[%swap3A_502, %swap3A_503], %mul3A_501 {strides = array<i32>} : memref<80x128xf32, #tpu.memory_space<vmem>>, vector<16xf32>,
            %get3A_505 = arith.index_cast %add3A_481 : i32 to index
            %get3A_506 = arith.constant 48 : index
            %get3A_507 = tpu.vector_load %arg13[%get3A_505, %get3A_506] {strides = array<i32>} : memref<80x128xf32, #tpu.memory_space<vmem>>, vector<16xf32>,
            %mul3A_508 = arith.mulf %get3A_507, %gather3A_483 : vector<16xf32>
            %swap3A_509 = arith.index_cast %add3A_481 : i32 to index
            %swap3A_510 = arith.constant 48 : index
            %swap3A_511 = tpu.vector_load %arg13[%swap3A_509, %swap3A_510] {strides = array<i32>} : memref<80x128xf32, #tpu.memory_space<vmem>>, vector<16xf32>,
            tpu.vector_store %arg13[%swap3A_509, %swap3A_510], %mul3A_508 {strides = array<i32>} : memref<80x128xf32, #tpu.memory_space<vmem>>, vector<16xf32>,
            %get3A_512 = arith.index_cast %add3A_481 : i32 to index
            %get3A_513 = arith.constant 64 : index
            %get3A_514 = tpu.vector_load %arg13[%get3A_512, %get3A_513] {strides = array<i32>} : memref<80x128xf32, #tpu.memory_space<vmem>>, vector<16xf32>,
            %mul3A_515 = arith.mulf %get3A_514, %gather3A_483 : vector<16xf32>
            %swap3A_516 = arith.index_cast %add3A_481 : i32 to index
            %swap3A_517 = arith.constant 64 : index
            %swap3A_518 = tpu.vector_load %arg13[%swap3A_516, %swap3A_517] {strides = array<i32>} : memref<80x128xf32, #tpu.memory_space<vmem>>, vector<16xf32>,
            tpu.vector_store %arg13[%swap3A_516, %swap3A_517], %mul3A_515 {strides = array<i32>} : memref<80x128xf32, #tpu.memory_space<vmem>>, vector<16xf32>,
            %get3A_519 = arith.index_cast %add3A_481 : i32 to index
            %get3A_520 = arith.constant 80 : index
            %get3A_521 = tpu.vector_load %arg13[%get3A_519, %get3A_520] {strides = array<i32>} : memref<80x128xf32, #tpu.memory_space<vmem>>, vector<16xf32>,
            %mul3A_522 = arith.mulf %get3A_521, %gather3A_483 : vector<16xf32>
            %swap3A_523 = arith.index_cast %add3A_481 : i32 to index
            %swap3A_524 = arith.constant 80 : index
            %swap3A_525 = tpu.vector_load %arg13[%swap3A_523, %swap3A_524] {strides = array<i32>} : memref<80x128xf32, #tpu.memory_space<vmem>>, vector<16xf32>,
            tpu.vector_store %arg13[%swap3A_523, %swap3A_524], %mul3A_522 {strides = array<i32>} : memref<80x128xf32, #tpu.memory_space<vmem>>, vector<16xf32>,
            %get3A_526 = arith.index_cast %add3A_481 : i32 to index
            %get3A_527 = arith.constant 96 : index
            %get3A_528 = tpu.vector_load %arg13[%get3A_526, %get3A_527] {strides = array<i32>} : memref<80x128xf32, #tpu.memory_space<vmem>>, vector<16xf32>,
            %mul3A_529 = arith.mulf %get3A_528, %gather3A_483 : vector<16xf32>
            %swap3A_530 = arith.index_cast %add3A_481 : i32 to index
            %swap3A_531 = arith.constant 96 : index
            %swap3A_532 = tpu.vector_load %arg13[%swap3A_530, %swap3A_531] {strides = array<i32>} : memref<80x128xf32, #tpu.memory_space<vmem>>, vector<16xf32>,
            tpu.vector_store %arg13[%swap3A_530, %swap3A_531], %mul3A_529 {strides = array<i32>} : memref<80x128xf32, #tpu.memory_space<vmem>>, vector<16xf32>,
            %get3A_533 = arith.index_cast %add3A_481 : i32 to index
            %get3A_534 = arith.constant 112 : index
            %get3A_535 = tpu.vector_load %arg13[%get3A_533, %get3A_534] {strides = array<i32>} : memref<80x128xf32, #tpu.memory_space<vmem>>, vector<16xf32>,
            %mul3A_536 = arith.mulf %get3A_535, %gather3A_483 : vector<16xf32>
            %swap3A_537 = arith.index_cast %add3A_481 : i32 to index
            %swap3A_538 = arith.constant 112 : index
            %swap3A_539 = tpu.vector_load %arg13[%swap3A_537, %swap3A_538] {strides = array<i32>} : memref<80x128xf32, #tpu.memory_space<vmem>>, vector<16xf32>,
            tpu.vector_store %arg13[%swap3A_537, %swap3A_538], %mul3A_536 {strides = array<i32>} : memref<80x128xf32, #tpu.memory_space<vmem>>, vector<16xf32>,
            %scan3A_540 = arith.constant 0 : i32
            scf.yield %scan3A_540 : i32
          }
          %scan3A_249 = arith.constant 20 : i32
          %dma_start3A_250 = arith.constant 0 : i32
          %dma_start3A_251 = tpu.memref_slice %arg9[%add3A_223, %dma_start3A_250] : memref<10x80xi32, #tpu.memory_space<vmem>> -> memref<1x80xi32, #tpu.memory_space<vmem>>
          %dma_start3A_252 = tpu.memref_squeeze %dma_start3A_251 : memref<1x80xi32, #tpu.memory_space<vmem>> -> memref<80xi32, #tpu.memory_space<vmem>>
          %dma_start3A_253 = arith.constant 0 : i32
          %dma_start3A_254 = arith.constant 0 : i32
          %dma_start3A_255 = tpu.memref_slice %arg15[%dma_start3A_253, %dma_start3A_254] : memref<10240x128xf32, #tpu.memory_space<vmem_shared>> -> memref<10240x128xf32, #tpu.memory_space<vmem_shared>>
          tpu.enqueue_indirect_dma source(%arg13 : memref<80x128xf32, #tpu.memory_space<vmem>>) target(%dma_start3A_255 : memref<10240x128xf32, #tpu.memory_space<vmem_shared>>) offsets(%dma_start3A_252 : memref<80xi32, #tpu.memory_space<vmem>>) semaphore(%arg18 : memref<!tpu.dma_semaphore, #tpu.memory_space<semaphore_mem>>) {add = true}
          %mul3A_256 = arith.constant 2 : i32
          %mul3A_257 = arith.muli %mul3A_256, %scan3A_218 : i32
          %add3A_258 = arith.constant 1 : i32
          %add3A_259 = arith.addi %mul3A_257, %add3A_258 : i32
          %dma_wait3A_260 = arith.constant 0 : i32
          %dma_wait3A_261 = tpu.memref_slice %arg7[%add3A_259, %dma_wait3A_260] : memref<10x80xi32, #tpu.memory_space<vmem>> -> memref<1x80xi32, #tpu.memory_space<vmem>>
          %dma_wait3A_262 = tpu.memref_squeeze %dma_wait3A_261 : memref<1x80xi32, #tpu.memory_space<vmem>> -> memref<80xi32, #tpu.memory_space<vmem>>
          %dma_wait3A_263 = arith.constant 0 : i32
          %dma_wait3A_264 = arith.constant 0 : i32
          %dma_wait3A_265 = tpu.memref_slice %arg2[%dma_wait3A_263, %dma_wait3A_264] : memref<10000x128xf32, #tpu.memory_space<hbm>> -> memref<10000x128xf32, #tpu.memory_space<hbm>>
          tpu.wait_indirect_dma semaphore(%arg17 : memref<!tpu.dma_semaphore, #tpu.memory_space<semaphore_mem>>) src(%dma_wait3A_265 : memref<10000x128xf32, #tpu.memory_space<hbm>>) dst(%arg14 : memref<80x128xf32, #tpu.memory_space<vmem>>)
          %sub3A = arith.constant 1 : i32
          %sub3A_266 = arith.subi %add3A_259, %sub3A : i32
          %dma_wait3A_267 = arith.constant 0 : i32
          %dma_wait3A_268 = tpu.memref_slice %arg9[%sub3A_266, %dma_wait3A_267] : memref<10x80xi32, #tpu.memory_space<vmem>> -> memref<1x80xi32, #tpu.memory_space<vmem>>
          %dma_wait3A_269 = tpu.memref_squeeze %dma_wait3A_268 : memref<1x80xi32, #tpu.memory_space<vmem>> -> memref<80xi32, #tpu.memory_space<vmem>>
          %dma_wait3A_270 = arith.constant 0 : i32
          %dma_wait3A_271 = arith.constant 0 : i32
          %dma_wait3A_272 = tpu.memref_slice %arg15[%dma_wait3A_270, %dma_wait3A_271] : memref<10240x128xf32, #tpu.memory_space<vmem_shared>> -> memref<10240x128xf32, #tpu.memory_space<vmem_shared>>
          tpu.wait_indirect_dma semaphore(%arg18 : memref<!tpu.dma_semaphore, #tpu.memory_space<semaphore_mem>>) src(%arg13 : memref<80x128xf32, #tpu.memory_space<vmem>>) dst(%dma_wait3A_272 : memref<10240x128xf32, #tpu.memory_space<vmem_shared>>)
          %lt3A_273 = arith.constant 4 : i32
          %lt3A_274 = arith.cmpi slt, %scan3A_218, %lt3A_273 : i32
          %convert_element_type3A_275 = arith.extui %lt3A_274 : i1 to i32
          %cond3A_276 = arith.constant 0 : i32
          %cond3A_277 = arith.cmpi ne, %convert_element_type3A_275, %cond3A_276 : i32
          scf.if %cond3A_277 {
            %add3A_293 = arith.constant 1 : i32
            %add3A_294 = arith.addi %add3A_259, %add3A_293 : i32
            %dma_start3A_295 = arith.constant 0 : i32
            %dma_start3A_296 = tpu.memref_slice %arg7[%add3A_294, %dma_start3A_295] : memref<10x80xi32, #tpu.memory_space<vmem>> -> memref<1x80xi32, #tpu.memory_space<vmem>>
            %dma_start3A_297 = tpu.memref_squeeze %dma_start3A_296 : memref<1x80xi32, #tpu.memory_space<vmem>> -> memref<80xi32, #tpu.memory_space<vmem>>
            %dma_start3A_298 = arith.constant 0 : i32
            %dma_start3A_299 = arith.constant 0 : i32
            %dma_start3A_300 = tpu.memref_slice %arg2[%dma_start3A_298, %dma_start3A_299] : memref<10000x128xf32, #tpu.memory_space<hbm>> -> memref<10000x128xf32, #tpu.memory_space<hbm>>
            tpu.enqueue_indirect_dma source(%dma_start3A_300 : memref<10000x128xf32, #tpu.memory_space<hbm>>) target(%arg13 : memref<80x128xf32, #tpu.memory_space<vmem>>) offsets(%dma_start3A_297 : memref<80xi32, #tpu.memory_space<vmem>>) semaphore(%arg16 : memref<!tpu.dma_semaphore, #tpu.memory_space<semaphore_mem>>)
          } else {
          }
          %broadcast_in_dim3A_278 = vector.broadcast %add3A_259 : i32 to vector<16xi32>
          %scan3A_279 = arith.constant 0 : i32
          %scan3A_280 = arith.constant 0 : i32
          %scan3A_281 = arith.constant 20 : i32
          %scan3A_282 = arith.addi %scan3A_280, %scan3A_281 : i32
          %scan3A_283 = arith.constant 1 : i32
          %scan3A_284 = scf.for %scan3A_293 = %scan3A_280 to %scan3A_282 step %scan3A_283 iter_args(%scan3A_294 = %scan3A_279) -> (i32)  : i32 {
            %mul3A_295 = arith.constant 4 : i32
            %mul3A_296 = arith.muli %scan3A_293, %mul3A_295 : i32
            %add3A_297 = arith.constant 0 : i32
            %add3A_298 = arith.addi %mul3A_296, %add3A_297 : i32
            %broadcast_in_dim3A_299 = vector.broadcast %add3A_298 : i32 to vector<16xi32>
            %gather3A = tpu.vector_load_idx %arg11[%broadcast_in_dim3A_278, %broadcast_in_dim3A_299] : memref<10x80xf32, #tpu.memory_space<vmem>>[vector<16xi32>, vector<16xi32>], vector<16xf32>,
            %get3A = arith.index_cast %add3A_298 : i32 to index
            %get3A_300 = arith.constant 0 : index
            %get3A_301 = tpu.vector_load %arg14[%get3A, %get3A_300] {strides = array<i32>} : memref<80x128xf32, #tpu.memory_space<vmem>>, vector<16xf32>,
            %mul3A_302 = arith.mulf %get3A_301, %gather3A : vector<16xf32>
            %swap3A = arith.index_cast %add3A_298 : i32 to index
            %swap3A_303 = arith.constant 0 : index
            %swap3A_304 = tpu.vector_load %arg14[%swap3A, %swap3A_303] {strides = array<i32>} : memref<80x128xf32, #tpu.memory_space<vmem>>, vector<16xf32>,
            tpu.vector_store %arg14[%swap3A, %swap3A_303], %mul3A_302 {strides = array<i32>} : memref<80x128xf32, #tpu.memory_space<vmem>>, vector<16xf32>,
            %get3A_305 = arith.index_cast %add3A_298 : i32 to index
            %get3A_306 = arith.constant 16 : index
            %get3A_307 = tpu.vector_load %arg14[%get3A_305, %get3A_306] {strides = array<i32>} : memref<80x128xf32, #tpu.memory_space<vmem>>, vector<16xf32>,
            %mul3A_308 = arith.mulf %get3A_307, %gather3A : vector<16xf32>
            %swap3A_309 = arith.index_cast %add3A_298 : i32 to index
            %swap3A_310 = arith.constant 16 : index
            %swap3A_311 = tpu.vector_load %arg14[%swap3A_309, %swap3A_310] {strides = array<i32>} : memref<80x128xf32, #tpu.memory_space<vmem>>, vector<16xf32>,
            tpu.vector_store %arg14[%swap3A_309, %swap3A_310], %mul3A_308 {strides = array<i32>} : memref<80x128xf32, #tpu.memory_space<vmem>>, vector<16xf32>,
            %get3A_312 = arith.index_cast %add3A_298 : i32 to index
            %get3A_313 = arith.constant 32 : index
            %get3A_314 = tpu.vector_load %arg14[%get3A_312, %get3A_313] {strides = array<i32>} : memref<80x128xf32, #tpu.memory_space<vmem>>, vector<16xf32>,
            %mul3A_315 = arith.mulf %get3A_314, %gather3A : vector<16xf32>
            %swap3A_316 = arith.index_cast %add3A_298 : i32 to index
            %swap3A_317 = arith.constant 32 : index
            %swap3A_318 = tpu.vector_load %arg14[%swap3A_316, %swap3A_317] {strides = array<i32>} : memref<80x128xf32, #tpu.memory_space<vmem>>, vector<16xf32>,
            tpu.vector_store %arg14[%swap3A_316, %swap3A_317], %mul3A_315 {strides = array<i32>} : memref<80x128xf32, #tpu.memory_space<vmem>>, vector<16xf32>,
            %get3A_319 = arith.index_cast %add3A_298 : i32 to index
            %get3A_320 = arith.constant 48 : index
            %get3A_321 = tpu.vector_load %arg14[%get3A_319, %get3A_320] {strides = array<i32>} : memref<80x128xf32, #tpu.memory_space<vmem>>, vector<16xf32>,
            %mul3A_322 = arith.mulf %get3A_321, %gather3A : vector<16xf32>
            %swap3A_323 = arith.index_cast %add3A_298 : i32 to index
            %swap3A_324 = arith.constant 48 : index
            %swap3A_325 = tpu.vector_load %arg14[%swap3A_323, %swap3A_324] {strides = array<i32>} : memref<80x128xf32, #tpu.memory_space<vmem>>, vector<16xf32>,
            tpu.vector_store %arg14[%swap3A_323, %swap3A_324], %mul3A_322 {strides = array<i32>} : memref<80x128xf32, #tpu.memory_space<vmem>>, vector<16xf32>,
            %get3A_326 = arith.index_cast %add3A_298 : i32 to index
            %get3A_327 = arith.constant 64 : index
            %get3A_328 = tpu.vector_load %arg14[%get3A_326, %get3A_327] {strides = array<i32>} : memref<80x128xf32, #tpu.memory_space<vmem>>, vector<16xf32>,
            %mul3A_329 = arith.mulf %get3A_328, %gather3A : vector<16xf32>
            %swap3A_330 = arith.index_cast %add3A_298 : i32 to index
            %swap3A_331 = arith.constant 64 : index
            %swap3A_332 = tpu.vector_load %arg14[%swap3A_330, %swap3A_331] {strides = array<i32>} : memref<80x128xf32, #tpu.memory_space<vmem>>, vector<16xf32>,
            tpu.vector_store %arg14[%swap3A_330, %swap3A_331], %mul3A_329 {strides = array<i32>} : memref<80x128xf32, #tpu.memory_space<vmem>>, vector<16xf32>,
            %get3A_333 = arith.index_cast %add3A_298 : i32 to index
            %get3A_334 = arith.constant 80 : index
            %get3A_335 = tpu.vector_load %arg14[%get3A_333, %get3A_334] {strides = array<i32>} : memref<80x128xf32, #tpu.memory_space<vmem>>, vector<16xf32>,
            %mul3A_336 = arith.mulf %get3A_335, %gather3A : vector<16xf32>
            %swap3A_337 = arith.index_cast %add3A_298 : i32 to index
            %swap3A_338 = arith.constant 80 : index
            %swap3A_339 = tpu.vector_load %arg14[%swap3A_337, %swap3A_338] {strides = array<i32>} : memref<80x128xf32, #tpu.memory_space<vmem>>, vector<16xf32>,
            tpu.vector_store %arg14[%swap3A_337, %swap3A_338], %mul3A_336 {strides = array<i32>} : memref<80x128xf32, #tpu.memory_space<vmem>>, vector<16xf32>,
            %get3A_340 = arith.index_cast %add3A_298 : i32 to index
            %get3A_341 = arith.constant 96 : index
            %get3A_342 = tpu.vector_load %arg14[%get3A_340, %get3A_341] {strides = array<i32>} : memref<80x128xf32, #tpu.memory_space<vmem>>, vector<16xf32>,
            %mul3A_343 = arith.mulf %get3A_342, %gather3A : vector<16xf32>
            %swap3A_344 = arith.index_cast %add3A_298 : i32 to index
            %swap3A_345 = arith.constant 96 : index
            %swap3A_346 = tpu.vector_load %arg14[%swap3A_344, %swap3A_345] {strides = array<i32>} : memref<80x128xf32, #tpu.memory_space<vmem>>, vector<16xf32>,
            tpu.vector_store %arg14[%swap3A_344, %swap3A_345], %mul3A_343 {strides = array<i32>} : memref<80x128xf32, #tpu.memory_space<vmem>>, vector<16xf32>,
            %get3A_347 = arith.index_cast %add3A_298 : i32 to index
            %get3A_348 = arith.constant 112 : index
            %get3A_349 = tpu.vector_load %arg14[%get3A_347, %get3A_348] {strides = array<i32>} : memref<80x128xf32, #tpu.memory_space<vmem>>, vector<16xf32>,
            %mul3A_350 = arith.mulf %get3A_349, %gather3A : vector<16xf32>
            %swap3A_351 = arith.index_cast %add3A_298 : i32 to index
            %swap3A_352 = arith.constant 112 : index
            %swap3A_353 = tpu.vector_load %arg14[%swap3A_351, %swap3A_352] {strides = array<i32>} : memref<80x128xf32, #tpu.memory_space<vmem>>, vector<16xf32>,
            tpu.vector_store %arg14[%swap3A_351, %swap3A_352], %mul3A_350 {strides = array<i32>} : memref<80x128xf32, #tpu.memory_space<vmem>>, vector<16xf32>,
            %mul3A_354 = arith.constant 4 : i32
            %mul3A_355 = arith.muli %scan3A_293, %mul3A_354 : i32
            %add3A_356 = arith.constant 1 : i32
            %add3A_357 = arith.addi %mul3A_355, %add3A_356 : i32
            %broadcast_in_dim3A_358 = vector.broadcast %add3A_357 : i32 to vector<16xi32>
            %gather3A_359 = tpu.vector_load_idx %arg11[%broadcast_in_dim3A_278, %broadcast_in_dim3A_358] : memref<10x80xf32, #tpu.memory_space<vmem>>[vector<16xi32>, vector<16xi32>], vector<16xf32>,
            %get3A_360 = arith.index_cast %add3A_357 : i32 to index
            %get3A_361 = arith.constant 0 : index
            %get3A_362 = tpu.vector_load %arg14[%get3A_360, %get3A_361] {strides = array<i32>} : memref<80x128xf32, #tpu.memory_space<vmem>>, vector<16xf32>,
            %mul3A_363 = arith.mulf %get3A_362, %gather3A_359 : vector<16xf32>
            %swap3A_364 = arith.index_cast %add3A_357 : i32 to index
            %swap3A_365 = arith.constant 0 : index
            %swap3A_366 = tpu.vector_load %arg14[%swap3A_364, %swap3A_365] {strides = array<i32>} : memref<80x128xf32, #tpu.memory_space<vmem>>, vector<16xf32>,
            tpu.vector_store %arg14[%swap3A_364, %swap3A_365], %mul3A_363 {strides = array<i32>} : memref<80x128xf32, #tpu.memory_space<vmem>>, vector<16xf32>,
            %get3A_367 = arith.index_cast %add3A_357 : i32 to index
            %get3A_368 = arith.constant 16 : index
            %get3A_369 = tpu.vector_load %arg14[%get3A_367, %get3A_368] {strides = array<i32>} : memref<80x128xf32, #tpu.memory_space<vmem>>, vector<16xf32>,
            %mul3A_370 = arith.mulf %get3A_369, %gather3A_359 : vector<16xf32>
            %swap3A_371 = arith.index_cast %add3A_357 : i32 to index
            %swap3A_372 = arith.constant 16 : index
            %swap3A_373 = tpu.vector_load %arg14[%swap3A_371, %swap3A_372] {strides = array<i32>} : memref<80x128xf32, #tpu.memory_space<vmem>>, vector<16xf32>,
            tpu.vector_store %arg14[%swap3A_371, %swap3A_372], %mul3A_370 {strides = array<i32>} : memref<80x128xf32, #tpu.memory_space<vmem>>, vector<16xf32>,
            %get3A_374 = arith.index_cast %add3A_357 : i32 to index
            %get3A_375 = arith.constant 32 : index
            %get3A_376 = tpu.vector_load %arg14[%get3A_374, %get3A_375] {strides = array<i32>} : memref<80x128xf32, #tpu.memory_space<vmem>>, vector<16xf32>,
            %mul3A_377 = arith.mulf %get3A_376, %gather3A_359 : vector<16xf32>
            %swap3A_378 = arith.index_cast %add3A_357 : i32 to index
            %swap3A_379 = arith.constant 32 : index
            %swap3A_380 = tpu.vector_load %arg14[%swap3A_378, %swap3A_379] {strides = array<i32>} : memref<80x128xf32, #tpu.memory_space<vmem>>, vector<16xf32>,
            tpu.vector_store %arg14[%swap3A_378, %swap3A_379], %mul3A_377 {strides = array<i32>} : memref<80x128xf32, #tpu.memory_space<vmem>>, vector<16xf32>,
            %get3A_381 = arith.index_cast %add3A_357 : i32 to index
            %get3A_382 = arith.constant 48 : index
            %get3A_383 = tpu.vector_load %arg14[%get3A_381, %get3A_382] {strides = array<i32>} : memref<80x128xf32, #tpu.memory_space<vmem>>, vector<16xf32>,
            %mul3A_384 = arith.mulf %get3A_383, %gather3A_359 : vector<16xf32>
            %swap3A_385 = arith.index_cast %add3A_357 : i32 to index
            %swap3A_386 = arith.constant 48 : index
            %swap3A_387 = tpu.vector_load %arg14[%swap3A_385, %swap3A_386] {strides = array<i32>} : memref<80x128xf32, #tpu.memory_space<vmem>>, vector<16xf32>,
            tpu.vector_store %arg14[%swap3A_385, %swap3A_386], %mul3A_384 {strides = array<i32>} : memref<80x128xf32, #tpu.memory_space<vmem>>, vector<16xf32>,
            %get3A_388 = arith.index_cast %add3A_357 : i32 to index
            %get3A_389 = arith.constant 64 : index
            %get3A_390 = tpu.vector_load %arg14[%get3A_388, %get3A_389] {strides = array<i32>} : memref<80x128xf32, #tpu.memory_space<vmem>>, vector<16xf32>,
            %mul3A_391 = arith.mulf %get3A_390, %gather3A_359 : vector<16xf32>
            %swap3A_392 = arith.index_cast %add3A_357 : i32 to index
            %swap3A_393 = arith.constant 64 : index
            %swap3A_394 = tpu.vector_load %arg14[%swap3A_392, %swap3A_393] {strides = array<i32>} : memref<80x128xf32, #tpu.memory_space<vmem>>, vector<16xf32>,
            tpu.vector_store %arg14[%swap3A_392, %swap3A_393], %mul3A_391 {strides = array<i32>} : memref<80x128xf32, #tpu.memory_space<vmem>>, vector<16xf32>,
            %get3A_395 = arith.index_cast %add3A_357 : i32 to index
            %get3A_396 = arith.constant 80 : index
            %get3A_397 = tpu.vector_load %arg14[%get3A_395, %get3A_396] {strides = array<i32>} : memref<80x128xf32, #tpu.memory_space<vmem>>, vector<16xf32>,
            %mul3A_398 = arith.mulf %get3A_397, %gather3A_359 : vector<16xf32>
            %swap3A_399 = arith.index_cast %add3A_357 : i32 to index
            %swap3A_400 = arith.constant 80 : index
            %swap3A_401 = tpu.vector_load %arg14[%swap3A_399, %swap3A_400] {strides = array<i32>} : memref<80x128xf32, #tpu.memory_space<vmem>>, vector<16xf32>,
            tpu.vector_store %arg14[%swap3A_399, %swap3A_400], %mul3A_398 {strides = array<i32>} : memref<80x128xf32, #tpu.memory_space<vmem>>, vector<16xf32>,
            %get3A_402 = arith.index_cast %add3A_357 : i32 to index
            %get3A_403 = arith.constant 96 : index
            %get3A_404 = tpu.vector_load %arg14[%get3A_402, %get3A_403] {strides = array<i32>} : memref<80x128xf32, #tpu.memory_space<vmem>>, vector<16xf32>,
            %mul3A_405 = arith.mulf %get3A_404, %gather3A_359 : vector<16xf32>
            %swap3A_406 = arith.index_cast %add3A_357 : i32 to index
            %swap3A_407 = arith.constant 96 : index
            %swap3A_408 = tpu.vector_load %arg14[%swap3A_406, %swap3A_407] {strides = array<i32>} : memref<80x128xf32, #tpu.memory_space<vmem>>, vector<16xf32>,
            tpu.vector_store %arg14[%swap3A_406, %swap3A_407], %mul3A_405 {strides = array<i32>} : memref<80x128xf32, #tpu.memory_space<vmem>>, vector<16xf32>,
            %get3A_409 = arith.index_cast %add3A_357 : i32 to index
            %get3A_410 = arith.constant 112 : index
            %get3A_411 = tpu.vector_load %arg14[%get3A_409, %get3A_410] {strides = array<i32>} : memref<80x128xf32, #tpu.memory_space<vmem>>, vector<16xf32>,
            %mul3A_412 = arith.mulf %get3A_411, %gather3A_359 : vector<16xf32>
            %swap3A_413 = arith.index_cast %add3A_357 : i32 to index
            %swap3A_414 = arith.constant 112 : index
            %swap3A_415 = tpu.vector_load %arg14[%swap3A_413, %swap3A_414] {strides = array<i32>} : memref<80x128xf32, #tpu.memory_space<vmem>>, vector<16xf32>,
            tpu.vector_store %arg14[%swap3A_413, %swap3A_414], %mul3A_412 {strides = array<i32>} : memref<80x128xf32, #tpu.memory_space<vmem>>, vector<16xf32>,
            %mul3A_416 = arith.constant 4 : i32
            %mul3A_417 = arith.muli %scan3A_293, %mul3A_416 : i32
            %add3A_418 = arith.constant 2 : i32
            %add3A_419 = arith.addi %mul3A_417, %add3A_418 : i32
            %broadcast_in_dim3A_420 = vector.broadcast %add3A_419 : i32 to vector<16xi32>
            %gather3A_421 = tpu.vector_load_idx %arg11[%broadcast_in_dim3A_278, %broadcast_in_dim3A_420] : memref<10x80xf32, #tpu.memory_space<vmem>>[vector<16xi32>, vector<16xi32>], vector<16xf32>,
            %get3A_422 = arith.index_cast %add3A_419 : i32 to index
            %get3A_423 = arith.constant 0 : index
            %get3A_424 = tpu.vector_load %arg14[%get3A_422, %get3A_423] {strides = array<i32>} : memref<80x128xf32, #tpu.memory_space<vmem>>, vector<16xf32>,
            %mul3A_425 = arith.mulf %get3A_424, %gather3A_421 : vector<16xf32>
            %swap3A_426 = arith.index_cast %add3A_419 : i32 to index
            %swap3A_427 = arith.constant 0 : index
            %swap3A_428 = tpu.vector_load %arg14[%swap3A_426, %swap3A_427] {strides = array<i32>} : memref<80x128xf32, #tpu.memory_space<vmem>>, vector<16xf32>,
            tpu.vector_store %arg14[%swap3A_426, %swap3A_427], %mul3A_425 {strides = array<i32>} : memref<80x128xf32, #tpu.memory_space<vmem>>, vector<16xf32>,
            %get3A_429 = arith.index_cast %add3A_419 : i32 to index
            %get3A_430 = arith.constant 16 : index
            %get3A_431 = tpu.vector_load %arg14[%get3A_429, %get3A_430] {strides = array<i32>} : memref<80x128xf32, #tpu.memory_space<vmem>>, vector<16xf32>,
            %mul3A_432 = arith.mulf %get3A_431, %gather3A_421 : vector<16xf32>
            %swap3A_433 = arith.index_cast %add3A_419 : i32 to index
            %swap3A_434 = arith.constant 16 : index
            %swap3A_435 = tpu.vector_load %arg14[%swap3A_433, %swap3A_434] {strides = array<i32>} : memref<80x128xf32, #tpu.memory_space<vmem>>, vector<16xf32>,
            tpu.vector_store %arg14[%swap3A_433, %swap3A_434], %mul3A_432 {strides = array<i32>} : memref<80x128xf32, #tpu.memory_space<vmem>>, vector<16xf32>,
            %get3A_436 = arith.index_cast %add3A_419 : i32 to index
            %get3A_437 = arith.constant 32 : index
            %get3A_438 = tpu.vector_load %arg14[%get3A_436, %get3A_437] {strides = array<i32>} : memref<80x128xf32, #tpu.memory_space<vmem>>, vector<16xf32>,
            %mul3A_439 = arith.mulf %get3A_438, %gather3A_421 : vector<16xf32>
            %swap3A_440 = arith.index_cast %add3A_419 : i32 to index
            %swap3A_441 = arith.constant 32 : index
            %swap3A_442 = tpu.vector_load %arg14[%swap3A_440, %swap3A_441] {strides = array<i32>} : memref<80x128xf32, #tpu.memory_space<vmem>>, vector<16xf32>,
            tpu.vector_store %arg14[%swap3A_440, %swap3A_441], %mul3A_439 {strides = array<i32>} : memref<80x128xf32, #tpu.memory_space<vmem>>, vector<16xf32>,
            %get3A_443 = arith.index_cast %add3A_419 : i32 to index
            %get3A_444 = arith.constant 48 : index
            %get3A_445 = tpu.vector_load %arg14[%get3A_443, %get3A_444] {strides = array<i32>} : memref<80x128xf32, #tpu.memory_space<vmem>>, vector<16xf32>,
            %mul3A_446 = arith.mulf %get3A_445, %gather3A_421 : vector<16xf32>
            %swap3A_447 = arith.index_cast %add3A_419 : i32 to index
            %swap3A_448 = arith.constant 48 : index
            %swap3A_449 = tpu.vector_load %arg14[%swap3A_447, %swap3A_448] {strides = array<i32>} : memref<80x128xf32, #tpu.memory_space<vmem>>, vector<16xf32>,
            tpu.vector_store %arg14[%swap3A_447, %swap3A_448], %mul3A_446 {strides = array<i32>} : memref<80x128xf32, #tpu.memory_space<vmem>>, vector<16xf32>,
            %get3A_450 = arith.index_cast %add3A_419 : i32 to index
            %get3A_451 = arith.constant 64 : index
            %get3A_452 = tpu.vector_load %arg14[%get3A_450, %get3A_451] {strides = array<i32>} : memref<80x128xf32, #tpu.memory_space<vmem>>, vector<16xf32>,
            %mul3A_453 = arith.mulf %get3A_452, %gather3A_421 : vector<16xf32>
            %swap3A_454 = arith.index_cast %add3A_419 : i32 to index
            %swap3A_455 = arith.constant 64 : index
            %swap3A_456 = tpu.vector_load %arg14[%swap3A_454, %swap3A_455] {strides = array<i32>} : memref<80x128xf32, #tpu.memory_space<vmem>>, vector<16xf32>,
            tpu.vector_store %arg14[%swap3A_454, %swap3A_455], %mul3A_453 {strides = array<i32>} : memref<80x128xf32, #tpu.memory_space<vmem>>, vector<16xf32>,
            %get3A_457 = arith.index_cast %add3A_419 : i32 to index
            %get3A_458 = arith.constant 80 : index
            %get3A_459 = tpu.vector_load %arg14[%get3A_457, %get3A_458] {strides = array<i32>} : memref<80x128xf32, #tpu.memory_space<vmem>>, vector<16xf32>,
            %mul3A_460 = arith.mulf %get3A_459, %gather3A_421 : vector<16xf32>
            %swap3A_461 = arith.index_cast %add3A_419 : i32 to index
            %swap3A_462 = arith.constant 80 : index
            %swap3A_463 = tpu.vector_load %arg14[%swap3A_461, %swap3A_462] {strides = array<i32>} : memref<80x128xf32, #tpu.memory_space<vmem>>, vector<16xf32>,
            tpu.vector_store %arg14[%swap3A_461, %swap3A_462], %mul3A_460 {strides = array<i32>} : memref<80x128xf32, #tpu.memory_space<vmem>>, vector<16xf32>,
            %get3A_464 = arith.index_cast %add3A_419 : i32 to index
            %get3A_465 = arith.constant 96 : index
            %get3A_466 = tpu.vector_load %arg14[%get3A_464, %get3A_465] {strides = array<i32>} : memref<80x128xf32, #tpu.memory_space<vmem>>, vector<16xf32>,
            %mul3A_467 = arith.mulf %get3A_466, %gather3A_421 : vector<16xf32>
            %swap3A_468 = arith.index_cast %add3A_419 : i32 to index
            %swap3A_469 = arith.constant 96 : index
            %swap3A_470 = tpu.vector_load %arg14[%swap3A_468, %swap3A_469] {strides = array<i32>} : memref<80x128xf32, #tpu.memory_space<vmem>>, vector<16xf32>,
            tpu.vector_store %arg14[%swap3A_468, %swap3A_469], %mul3A_467 {strides = array<i32>} : memref<80x128xf32, #tpu.memory_space<vmem>>, vector<16xf32>,
            %get3A_471 = arith.index_cast %add3A_419 : i32 to index
            %get3A_472 = arith.constant 112 : index
            %get3A_473 = tpu.vector_load %arg14[%get3A_471, %get3A_472] {strides = array<i32>} : memref<80x128xf32, #tpu.memory_space<vmem>>, vector<16xf32>,
            %mul3A_474 = arith.mulf %get3A_473, %gather3A_421 : vector<16xf32>
            %swap3A_475 = arith.index_cast %add3A_419 : i32 to index
            %swap3A_476 = arith.constant 112 : index
            %swap3A_477 = tpu.vector_load %arg14[%swap3A_475, %swap3A_476] {strides = array<i32>} : memref<80x128xf32, #tpu.memory_space<vmem>>, vector<16xf32>,
            tpu.vector_store %arg14[%swap3A_475, %swap3A_476], %mul3A_474 {strides = array<i32>} : memref<80x128xf32, #tpu.memory_space<vmem>>, vector<16xf32>,
            %mul3A_478 = arith.constant 4 : i32
            %mul3A_479 = arith.muli %scan3A_293, %mul3A_478 : i32
            %add3A_480 = arith.constant 3 : i32
            %add3A_481 = arith.addi %mul3A_479, %add3A_480 : i32
            %broadcast_in_dim3A_482 = vector.broadcast %add3A_481 : i32 to vector<16xi32>
            %gather3A_483 = tpu.vector_load_idx %arg11[%broadcast_in_dim3A_278, %broadcast_in_dim3A_482] : memref<10x80xf32, #tpu.memory_space<vmem>>[vector<16xi32>, vector<16xi32>], vector<16xf32>,
            %get3A_484 = arith.index_cast %add3A_481 : i32 to index
            %get3A_485 = arith.constant 0 : index
            %get3A_486 = tpu.vector_load %arg14[%get3A_484, %get3A_485] {strides = array<i32>} : memref<80x128xf32, #tpu.memory_space<vmem>>, vector<16xf32>,
            %mul3A_487 = arith.mulf %get3A_486, %gather3A_483 : vector<16xf32>
            %swap3A_488 = arith.index_cast %add3A_481 : i32 to index
            %swap3A_489 = arith.constant 0 : index
            %swap3A_490 = tpu.vector_load %arg14[%swap3A_488, %swap3A_489] {strides = array<i32>} : memref<80x128xf32, #tpu.memory_space<vmem>>, vector<16xf32>,
            tpu.vector_store %arg14[%swap3A_488, %swap3A_489], %mul3A_487 {strides = array<i32>} : memref<80x128xf32, #tpu.memory_space<vmem>>, vector<16xf32>,
            %get3A_491 = arith.index_cast %add3A_481 : i32 to index
            %get3A_492 = arith.constant 16 : index
            %get3A_493 = tpu.vector_load %arg14[%get3A_491, %get3A_492] {strides = array<i32>} : memref<80x128xf32, #tpu.memory_space<vmem>>, vector<16xf32>,
            %mul3A_494 = arith.mulf %get3A_493, %gather3A_483 : vector<16xf32>
            %swap3A_495 = arith.index_cast %add3A_481 : i32 to index
            %swap3A_496 = arith.constant 16 : index
            %swap3A_497 = tpu.vector_load %arg14[%swap3A_495, %swap3A_496] {strides = array<i32>} : memref<80x128xf32, #tpu.memory_space<vmem>>, vector<16xf32>,
            tpu.vector_store %arg14[%swap3A_495, %swap3A_496], %mul3A_494 {strides = array<i32>} : memref<80x128xf32, #tpu.memory_space<vmem>>, vector<16xf32>,
            %get3A_498 = arith.index_cast %add3A_481 : i32 to index
            %get3A_499 = arith.constant 32 : index
            %get3A_500 = tpu.vector_load %arg14[%get3A_498, %get3A_499] {strides = array<i32>} : memref<80x128xf32, #tpu.memory_space<vmem>>, vector<16xf32>,
            %mul3A_501 = arith.mulf %get3A_500, %gather3A_483 : vector<16xf32>
            %swap3A_502 = arith.index_cast %add3A_481 : i32 to index
            %swap3A_503 = arith.constant 32 : index
            %swap3A_504 = tpu.vector_load %arg14[%swap3A_502, %swap3A_503] {strides = array<i32>} : memref<80x128xf32, #tpu.memory_space<vmem>>, vector<16xf32>,
            tpu.vector_store %arg14[%swap3A_502, %swap3A_503], %mul3A_501 {strides = array<i32>} : memref<80x128xf32, #tpu.memory_space<vmem>>, vector<16xf32>,
            %get3A_505 = arith.index_cast %add3A_481 : i32 to index
            %get3A_506 = arith.constant 48 : index
            %get3A_507 = tpu.vector_load %arg14[%get3A_505, %get3A_506] {strides = array<i32>} : memref<80x128xf32, #tpu.memory_space<vmem>>, vector<16xf32>,
            %mul3A_508 = arith.mulf %get3A_507, %gather3A_483 : vector<16xf32>
            %swap3A_509 = arith.index_cast %add3A_481 : i32 to index
            %swap3A_510 = arith.constant 48 : index
            %swap3A_511 = tpu.vector_load %arg14[%swap3A_509, %swap3A_510] {strides = array<i32>} : memref<80x128xf32, #tpu.memory_space<vmem>>, vector<16xf32>,
            tpu.vector_store %arg14[%swap3A_509, %swap3A_510], %mul3A_508 {strides = array<i32>} : memref<80x128xf32, #tpu.memory_space<vmem>>, vector<16xf32>,
            %get3A_512 = arith.index_cast %add3A_481 : i32 to index
            %get3A_513 = arith.constant 64 : index
            %get3A_514 = tpu.vector_load %arg14[%get3A_512, %get3A_513] {strides = array<i32>} : memref<80x128xf32, #tpu.memory_space<vmem>>, vector<16xf32>,
            %mul3A_515 = arith.mulf %get3A_514, %gather3A_483 : vector<16xf32>
            %swap3A_516 = arith.index_cast %add3A_481 : i32 to index
            %swap3A_517 = arith.constant 64 : index
            %swap3A_518 = tpu.vector_load %arg14[%swap3A_516, %swap3A_517] {strides = array<i32>} : memref<80x128xf32, #tpu.memory_space<vmem>>, vector<16xf32>,
            tpu.vector_store %arg14[%swap3A_516, %swap3A_517], %mul3A_515 {strides = array<i32>} : memref<80x128xf32, #tpu.memory_space<vmem>>, vector<16xf32>,
            %get3A_519 = arith.index_cast %add3A_481 : i32 to index
            %get3A_520 = arith.constant 80 : index
            %get3A_521 = tpu.vector_load %arg14[%get3A_519, %get3A_520] {strides = array<i32>} : memref<80x128xf32, #tpu.memory_space<vmem>>, vector<16xf32>,
            %mul3A_522 = arith.mulf %get3A_521, %gather3A_483 : vector<16xf32>
            %swap3A_523 = arith.index_cast %add3A_481 : i32 to index
            %swap3A_524 = arith.constant 80 : index
            %swap3A_525 = tpu.vector_load %arg14[%swap3A_523, %swap3A_524] {strides = array<i32>} : memref<80x128xf32, #tpu.memory_space<vmem>>, vector<16xf32>,
            tpu.vector_store %arg14[%swap3A_523, %swap3A_524], %mul3A_522 {strides = array<i32>} : memref<80x128xf32, #tpu.memory_space<vmem>>, vector<16xf32>,
            %get3A_526 = arith.index_cast %add3A_481 : i32 to index
            %get3A_527 = arith.constant 96 : index
            %get3A_528 = tpu.vector_load %arg14[%get3A_526, %get3A_527] {strides = array<i32>} : memref<80x128xf32, #tpu.memory_space<vmem>>, vector<16xf32>,
            %mul3A_529 = arith.mulf %get3A_528, %gather3A_483 : vector<16xf32>
            %swap3A_530 = arith.index_cast %add3A_481 : i32 to index
            %swap3A_531 = arith.constant 96 : index
            %swap3A_532 = tpu.vector_load %arg14[%swap3A_530, %swap3A_531] {strides = array<i32>} : memref<80x128xf32, #tpu.memory_space<vmem>>, vector<16xf32>,
            tpu.vector_store %arg14[%swap3A_530, %swap3A_531], %mul3A_529 {strides = array<i32>} : memref<80x128xf32, #tpu.memory_space<vmem>>, vector<16xf32>,
            %get3A_533 = arith.index_cast %add3A_481 : i32 to index
            %get3A_534 = arith.constant 112 : index
            %get3A_535 = tpu.vector_load %arg14[%get3A_533, %get3A_534] {strides = array<i32>} : memref<80x128xf32, #tpu.memory_space<vmem>>, vector<16xf32>,
            %mul3A_536 = arith.mulf %get3A_535, %gather3A_483 : vector<16xf32>
            %swap3A_537 = arith.index_cast %add3A_481 : i32 to index
            %swap3A_538 = arith.constant 112 : index
            %swap3A_539 = tpu.vector_load %arg14[%swap3A_537, %swap3A_538] {strides = array<i32>} : memref<80x128xf32, #tpu.memory_space<vmem>>, vector<16xf32>,
            tpu.vector_store %arg14[%swap3A_537, %swap3A_538], %mul3A_536 {strides = array<i32>} : memref<80x128xf32, #tpu.memory_space<vmem>>, vector<16xf32>,
            %scan3A_540 = arith.constant 0 : i32
            scf.yield %scan3A_540 : i32
          }
          %scan3A_285 = arith.constant 20 : i32
          %dma_start3A_286 = arith.constant 0 : i32
          %dma_start3A_287 = tpu.memref_slice %arg9[%add3A_259, %dma_start3A_286] : memref<10x80xi32, #tpu.memory_space<vmem>> -> memref<1x80xi32, #tpu.memory_space<vmem>>
          %dma_start3A_288 = tpu.memref_squeeze %dma_start3A_287 : memref<1x80xi32, #tpu.memory_space<vmem>> -> memref<80xi32, #tpu.memory_space<vmem>>
          %dma_start3A_289 = arith.constant 0 : i32
          %dma_start3A_290 = arith.constant 0 : i32
          %dma_start3A_291 = tpu.memref_slice %arg15[%dma_start3A_289, %dma_start3A_290] : memref<10240x128xf32, #tpu.memory_space<vmem_shared>> -> memref<10240x128xf32, #tpu.memory_space<vmem_shared>>
          tpu.enqueue_indirect_dma source(%arg14 : memref<80x128xf32, #tpu.memory_space<vmem>>) target(%dma_start3A_291 : memref<10240x128xf32, #tpu.memory_space<vmem_shared>>) offsets(%dma_start3A_288 : memref<80xi32, #tpu.memory_space<vmem>>) semaphore(%arg19 : memref<!tpu.dma_semaphore, #tpu.memory_space<semaphore_mem>>) {add = true}
          %scan3A_292 = arith.constant 0 : i32
          scf.yield %scan3A_292 : i32
        }
        %scan3A_203 = arith.constant 5 : i32
        %dma_wait3A_204 = arith.constant 9 : i32
        %dma_wait3A_205 = arith.constant 0 : i32
        %dma_wait3A_206 = tpu.memref_slice %arg9[%dma_wait3A_204, %dma_wait3A_205] : memref<10x80xi32, #tpu.memory_space<vmem>> -> memref<1x80xi32, #tpu.memory_space<vmem>>
        %dma_wait3A_207 = tpu.memref_squeeze %dma_wait3A_206 : memref<1x80xi32, #tpu.memory_space<vmem>> -> memref<80xi32, #tpu.memory_space<vmem>>
        %dma_wait3A_208 = arith.constant 0 : i32
        %dma_wait3A_209 = arith.constant 0 : i32
        %dma_wait3A_210 = tpu.memref_slice %arg15[%dma_wait3A_208, %dma_wait3A_209] : memref<10240x128xf32, #tpu.memory_space<vmem_shared>> -> memref<10240x128xf32, #tpu.memory_space<vmem_shared>>
        tpu.wait_indirect_dma semaphore(%arg19 : memref<!tpu.dma_semaphore, #tpu.memory_space<semaphore_mem>>) src(%arg14 : memref<80x128xf32, #tpu.memory_space<vmem>>) dst(%dma_wait3A_210 : memref<10240x128xf32, #tpu.memory_space<vmem_shared>>)
        %add3A_211 = arith.constant 1 : i32
        %add3A_212 = arith.addi %scan3A_170, %add3A_211 : i32
        %lt3A_213 = arith.constant 25 : i32
        %lt3A_214 = arith.cmpi slt, %add3A_212, %lt3A_213 : i32
        %convert_element_type3A_215 = arith.extui %lt3A_214 : i1 to i32
        %cond3A_216 = arith.constant 0 : i32
        %cond3A_217 = arith.cmpi ne, %convert_element_type3A_215, %cond3A_216 : i32
        scf.if %cond3A_217 {
          %add3A_218 = arith.constant 1 : i32
          %add3A_219 = arith.addi %scan3A_170, %add3A_218 : i32
          %dma_wait3A_220 = arith.constant 0 : i32
          %dma_wait3A_221 = arith.constant 0 : i32
          %dma_wait3A_222 = tpu.memref_slice %arg3[%arg1, %add3A_219, %dma_wait3A_220, %dma_wait3A_221] : memref<16x25x10x80xi32, #tpu.memory_space<hbm>> -> memref<1x1x10x80xi32, #tpu.memory_space<hbm>>
          %dma_wait3A_223 = tpu.memref_squeeze %dma_wait3A_222 : memref<1x1x10x80xi32, #tpu.memory_space<hbm>> -> memref<10x80xi32, #tpu.memory_space<hbm>>
          %dma_wait3A_224 = arith.constant 0 : i32
          %dma_wait3A_225 = arith.constant 0 : i32
          %dma_wait3A_226 = tpu.memref_slice %arg3[%arg1, %add3A_219, %dma_wait3A_224, %dma_wait3A_225] : memref<16x25x10x80xi32, #tpu.memory_space<hbm>> -> memref<1x1x10x80xi32, #tpu.memory_space<hbm>>
          %dma_wait3A_227 = tpu.memref_squeeze %dma_wait3A_226 : memref<1x1x10x80xi32, #tpu.memory_space<hbm>> -> memref<10x80xi32, #tpu.memory_space<hbm>>
          tpu.wait_dma2 semaphore(%arg20 : memref<!tpu.dma_semaphore, #tpu.memory_space<semaphore_mem>>) src(%dma_wait3A_227 : memref<10x80xi32, #tpu.memory_space<hbm>>) dst(%arg8 : memref<10x80xi32, #tpu.memory_space<vmem>>)
          %dma_wait3A_228 = arith.constant 0 : i32
          %dma_wait3A_229 = arith.constant 0 : i32
          %dma_wait3A_230 = tpu.memref_slice %arg4[%arg1, %add3A_219, %dma_wait3A_228, %dma_wait3A_229] : memref<16x25x10x80xi32, #tpu.memory_space<hbm>> -> memref<1x1x10x80xi32, #tpu.memory_space<hbm>>
          %dma_wait3A_231 = tpu.memref_squeeze %dma_wait3A_230 : memref<1x1x10x80xi32, #tpu.memory_space<hbm>> -> memref<10x80xi32, #tpu.memory_space<hbm>>
          %dma_wait3A_232 = arith.constant 0 : i32
          %dma_wait3A_233 = arith.constant 0 : i32
          %dma_wait3A_234 = tpu.memref_slice %arg4[%arg1, %add3A_219, %dma_wait3A_232, %dma_wait3A_233] : memref<16x25x10x80xi32, #tpu.memory_space<hbm>> -> memref<1x1x10x80xi32, #tpu.memory_space<hbm>>
          %dma_wait3A_235 = tpu.memref_squeeze %dma_wait3A_234 : memref<1x1x10x80xi32, #tpu.memory_space<hbm>> -> memref<10x80xi32, #tpu.memory_space<hbm>>
          tpu.wait_dma2 semaphore(%arg20 : memref<!tpu.dma_semaphore, #tpu.memory_space<semaphore_mem>>) src(%dma_wait3A_235 : memref<10x80xi32, #tpu.memory_space<hbm>>) dst(%arg10 : memref<10x80xi32, #tpu.memory_space<vmem>>)
          %dma_wait3A_236 = arith.constant 0 : i32
          %dma_wait3A_237 = arith.constant 0 : i32
          %dma_wait3A_238 = tpu.memref_slice %arg5[%arg1, %add3A_219, %dma_wait3A_236, %dma_wait3A_237] : memref<16x25x10x80xf32, #tpu.memory_space<hbm>> -> memref<1x1x10x80xf32, #tpu.memory_space<hbm>>
          %dma_wait3A_239 = tpu.memref_squeeze %dma_wait3A_238 : memref<1x1x10x80xf32, #tpu.memory_space<hbm>> -> memref<10x80xf32, #tpu.memory_space<hbm>>
          %dma_wait3A_240 = arith.constant 0 : i32
          %dma_wait3A_241 = arith.constant 0 : i32
          %dma_wait3A_242 = tpu.memref_slice %arg5[%arg1, %add3A_219, %dma_wait3A_240, %dma_wait3A_241] : memref<16x25x10x80xf32, #tpu.memory_space<hbm>> -> memref<1x1x10x80xf32, #tpu.memory_space<hbm>>
          %dma_wait3A_243 = tpu.memref_squeeze %dma_wait3A_242 : memref<1x1x10x80xf32, #tpu.memory_space<hbm>> -> memref<10x80xf32, #tpu.memory_space<hbm>>
          tpu.wait_dma2 semaphore(%arg20 : memref<!tpu.dma_semaphore, #tpu.memory_space<semaphore_mem>>) src(%dma_wait3A_243 : memref<10x80xf32, #tpu.memory_space<hbm>>) dst(%arg12 : memref<10x80xf32, #tpu.memory_space<vmem>>)
          %dma_start3A_244 = arith.constant 0 : i32
          %dma_start3A_245 = arith.constant 0 : i32
          %dma_start3A_246 = tpu.memref_slice %arg8[%dma_start3A_244, %dma_start3A_245] : memref<10x80xi32, #tpu.memory_space<vmem>> -> memref<1x80xi32, #tpu.memory_space<vmem>>
          %dma_start3A_247 = tpu.memref_squeeze %dma_start3A_246 : memref<1x80xi32, #tpu.memory_space<vmem>> -> memref<80xi32, #tpu.memory_space<vmem>>
          %dma_start3A_248 = arith.constant 0 : i32
          %dma_start3A_249 = arith.constant 0 : i32
          %dma_start3A_250 = tpu.memref_slice %arg2[%dma_start3A_248, %dma_start3A_249] : memref<10000x128xf32, #tpu.memory_space<hbm>> -> memref<10000x128xf32, #tpu.memory_space<hbm>>
          tpu.enqueue_indirect_dma source(%dma_start3A_250 : memref<10000x128xf32, #tpu.memory_space<hbm>>) target(%arg13 : memref<80x128xf32, #tpu.memory_space<vmem>>) offsets(%dma_start3A_247 : memref<80xi32, #tpu.memory_space<vmem>>) semaphore(%arg16 : memref<!tpu.dma_semaphore, #tpu.memory_space<semaphore_mem>>)
        } else {
        }
      } else {
      }
      %eq3A_184 = arith.constant 1 : i32
      %eq3A_185 = arith.cmpi eq, %select_n3A_180, %eq3A_184 : i32
      %convert_element_type3A_186 = arith.extui %eq3A_185 : i1 to i32
      %cond3A_187 = arith.constant 0 : i32
      %cond3A_188 = arith.cmpi ne, %convert_element_type3A_186, %cond3A_187 : i32
      scf.if %cond3A_188 {
        %add3A_190 = arith.constant 1 : i32
        %add3A_191 = arith.addi %scan3A_170, %add3A_190 : i32
        %lt3A_192 = arith.constant 25 : i32
        %lt3A_193 = arith.cmpi slt, %add3A_191, %lt3A_192 : i32
        %convert_element_type3A_194 = arith.extui %lt3A_193 : i1 to i32
        %cond3A_195 = arith.constant 0 : i32
        %cond3A_196 = arith.cmpi ne, %convert_element_type3A_194, %cond3A_195 : i32
        scf.if %cond3A_196 {
          %add3A_218 = arith.constant 1 : i32
          %add3A_219 = arith.addi %scan3A_170, %add3A_218 : i32
          %dma_start3A_220 = arith.constant 0 : i32
          %dma_start3A_221 = arith.constant 0 : i32
          %dma_start3A_222 = tpu.memref_slice %arg3[%arg1, %add3A_219, %dma_start3A_220, %dma_start3A_221] : memref<16x25x10x80xi32, #tpu.memory_space<hbm>> -> memref<1x1x10x80xi32, #tpu.memory_space<hbm>>
          %dma_start3A_223 = tpu.memref_squeeze %dma_start3A_222 : memref<1x1x10x80xi32, #tpu.memory_space<hbm>> -> memref<10x80xi32, #tpu.memory_space<hbm>>
          %dma_start3A_224 = arith.constant 0 : i32
          %dma_start3A_225 = arith.constant 0 : i32
          %dma_start3A_226 = tpu.memref_slice %arg3[%arg1, %add3A_219, %dma_start3A_224, %dma_start3A_225] : memref<16x25x10x80xi32, #tpu.memory_space<hbm>> -> memref<1x1x10x80xi32, #tpu.memory_space<hbm>>
          %dma_start3A_227 = tpu.memref_squeeze %dma_start3A_226 : memref<1x1x10x80xi32, #tpu.memory_space<hbm>> -> memref<10x80xi32, #tpu.memory_space<hbm>>
          tpu.enqueue_dma source(%dma_start3A_227 : memref<10x80xi32, #tpu.memory_space<hbm>>) target(%arg7 : memref<10x80xi32, #tpu.memory_space<vmem>>) target_semaphore(%arg20 : memref<!tpu.dma_semaphore, #tpu.memory_space<semaphore_mem>>)
          %dma_start3A_228 = arith.constant 0 : i32
          %dma_start3A_229 = arith.constant 0 : i32
          %dma_start3A_230 = tpu.memref_slice %arg4[%arg1, %add3A_219, %dma_start3A_228, %dma_start3A_229] : memref<16x25x10x80xi32, #tpu.memory_space<hbm>> -> memref<1x1x10x80xi32, #tpu.memory_space<hbm>>
          %dma_start3A_231 = tpu.memref_squeeze %dma_start3A_230 : memref<1x1x10x80xi32, #tpu.memory_space<hbm>> -> memref<10x80xi32, #tpu.memory_space<hbm>>
          %dma_start3A_232 = arith.constant 0 : i32
          %dma_start3A_233 = arith.constant 0 : i32
          %dma_start3A_234 = tpu.memref_slice %arg4[%arg1, %add3A_219, %dma_start3A_232, %dma_start3A_233] : memref<16x25x10x80xi32, #tpu.memory_space<hbm>> -> memref<1x1x10x80xi32, #tpu.memory_space<hbm>>
          %dma_start3A_235 = tpu.memref_squeeze %dma_start3A_234 : memref<1x1x10x80xi32, #tpu.memory_space<hbm>> -> memref<10x80xi32, #tpu.memory_space<hbm>>
          tpu.enqueue_dma source(%dma_start3A_235 : memref<10x80xi32, #tpu.memory_space<hbm>>) target(%arg9 : memref<10x80xi32, #tpu.memory_space<vmem>>) target_semaphore(%arg20 : memref<!tpu.dma_semaphore, #tpu.memory_space<semaphore_mem>>)
          %dma_start3A_236 = arith.constant 0 : i32
          %dma_start3A_237 = arith.constant 0 : i32
          %dma_start3A_238 = tpu.memref_slice %arg5[%arg1, %add3A_219, %dma_start3A_236, %dma_start3A_237] : memref<16x25x10x80xf32, #tpu.memory_space<hbm>> -> memref<1x1x10x80xf32, #tpu.memory_space<hbm>>
          %dma_start3A_239 = tpu.memref_squeeze %dma_start3A_238 : memref<1x1x10x80xf32, #tpu.memory_space<hbm>> -> memref<10x80xf32, #tpu.memory_space<hbm>>
          %dma_start3A_240 = arith.constant 0 : i32
          %dma_start3A_241 = arith.constant 0 : i32
          %dma_start3A_242 = tpu.memref_slice %arg5[%arg1, %add3A_219, %dma_start3A_240, %dma_start3A_241] : memref<16x25x10x80xf32, #tpu.memory_space<hbm>> -> memref<1x1x10x80xf32, #tpu.memory_space<hbm>>
          %dma_start3A_243 = tpu.memref_squeeze %dma_start3A_242 : memref<1x1x10x80xf32, #tpu.memory_space<hbm>> -> memref<10x80xf32, #tpu.memory_space<hbm>>
          tpu.enqueue_dma source(%dma_start3A_243 : memref<10x80xf32, #tpu.memory_space<hbm>>) target(%arg11 : memref<10x80xf32, #tpu.memory_space<vmem>>) target_semaphore(%arg20 : memref<!tpu.dma_semaphore, #tpu.memory_space<semaphore_mem>>)
        } else {
        }
        %scan3A_197 = arith.constant 0 : i32
        %scan3A_198 = arith.constant 0 : i32
        %scan3A_199 = arith.constant 5 : i32
        %scan3A_200 = arith.addi %scan3A_198, %scan3A_199 : i32
        %scan3A_201 = arith.constant 1 : i32
        %scan3A_202 = scf.for %scan3A_218 = %scan3A_198 to %scan3A_200 step %scan3A_201 iter_args(%scan3A_219 = %scan3A_197) -> (i32)  : i32 {
          %mul3A_220 = arith.constant 2 : i32
          %mul3A_221 = arith.muli %mul3A_220, %scan3A_218 : i32
          %add3A_222 = arith.constant 0 : i32
          %add3A_223 = arith.addi %mul3A_221, %add3A_222 : i32
          %dma_wait3A_224 = arith.constant 0 : i32
          %dma_wait3A_225 = tpu.memref_slice %arg8[%add3A_223, %dma_wait3A_224] : memref<10x80xi32, #tpu.memory_space<vmem>> -> memref<1x80xi32, #tpu.memory_space<vmem>>
          %dma_wait3A_226 = tpu.memref_squeeze %dma_wait3A_225 : memref<1x80xi32, #tpu.memory_space<vmem>> -> memref<80xi32, #tpu.memory_space<vmem>>
          %dma_wait3A_227 = arith.constant 0 : i32
          %dma_wait3A_228 = arith.constant 0 : i32
          %dma_wait3A_229 = tpu.memref_slice %arg2[%dma_wait3A_227, %dma_wait3A_228] : memref<10000x128xf32, #tpu.memory_space<hbm>> -> memref<10000x128xf32, #tpu.memory_space<hbm>>
          tpu.wait_indirect_dma semaphore(%arg16 : memref<!tpu.dma_semaphore, #tpu.memory_space<semaphore_mem>>) src(%dma_wait3A_229 : memref<10000x128xf32, #tpu.memory_space<hbm>>) dst(%arg13 : memref<80x128xf32, #tpu.memory_space<vmem>>)
          %ge3A = arith.constant 1 : i32
          %ge3A_230 = arith.cmpi sge, %scan3A_218, %ge3A : i32
          %convert_element_type3A_231 = arith.extui %ge3A_230 : i1 to i32
          %cond3A_232 = arith.constant 0 : i32
          %cond3A_233 = arith.cmpi ne, %convert_element_type3A_231, %cond3A_232 : i32
          scf.if %cond3A_233 {
            %sub3A_293 = arith.constant 1 : i32
            %sub3A_294 = arith.subi %add3A_223, %sub3A_293 : i32
            %dma_wait3A_295 = arith.constant 0 : i32
            %dma_wait3A_296 = tpu.memref_slice %arg10[%sub3A_294, %dma_wait3A_295] : memref<10x80xi32, #tpu.memory_space<vmem>> -> memref<1x80xi32, #tpu.memory_space<vmem>>
            %dma_wait3A_297 = tpu.memref_squeeze %dma_wait3A_296 : memref<1x80xi32, #tpu.memory_space<vmem>> -> memref<80xi32, #tpu.memory_space<vmem>>
            %dma_wait3A_298 = arith.constant 0 : i32
            %dma_wait3A_299 = arith.constant 0 : i32
            %dma_wait3A_300 = tpu.memref_slice %arg15[%dma_wait3A_298, %dma_wait3A_299] : memref<10240x128xf32, #tpu.memory_space<vmem_shared>> -> memref<10240x128xf32, #tpu.memory_space<vmem_shared>>
            tpu.wait_indirect_dma semaphore(%arg19 : memref<!tpu.dma_semaphore, #tpu.memory_space<semaphore_mem>>) src(%arg14 : memref<80x128xf32, #tpu.memory_space<vmem>>) dst(%dma_wait3A_300 : memref<10240x128xf32, #tpu.memory_space<vmem_shared>>)
          } else {
          }
          %add3A_234 = arith.constant 1 : i32
          %add3A_235 = arith.addi %add3A_223, %add3A_234 : i32
          %dma_start3A_236 = arith.constant 0 : i32
          %dma_start3A_237 = tpu.memref_slice %arg8[%add3A_235, %dma_start3A_236] : memref<10x80xi32, #tpu.memory_space<vmem>> -> memref<1x80xi32, #tpu.memory_space<vmem>>
          %dma_start3A_238 = tpu.memref_squeeze %dma_start3A_237 : memref<1x80xi32, #tpu.memory_space<vmem>> -> memref<80xi32, #tpu.memory_space<vmem>>
          %dma_start3A_239 = arith.constant 0 : i32
          %dma_start3A_240 = arith.constant 0 : i32
          %dma_start3A_241 = tpu.memref_slice %arg2[%dma_start3A_239, %dma_start3A_240] : memref<10000x128xf32, #tpu.memory_space<hbm>> -> memref<10000x128xf32, #tpu.memory_space<hbm>>
          tpu.enqueue_indirect_dma source(%dma_start3A_241 : memref<10000x128xf32, #tpu.memory_space<hbm>>) target(%arg14 : memref<80x128xf32, #tpu.memory_space<vmem>>) offsets(%dma_start3A_238 : memref<80xi32, #tpu.memory_space<vmem>>) semaphore(%arg17 : memref<!tpu.dma_semaphore, #tpu.memory_space<semaphore_mem>>)
          %broadcast_in_dim3A_242 = vector.broadcast %add3A_223 : i32 to vector<16xi32>
          %scan3A_243 = arith.constant 0 : i32
          %scan3A_244 = arith.constant 0 : i32
          %scan3A_245 = arith.constant 20 : i32
          %scan3A_246 = arith.addi %scan3A_244, %scan3A_245 : i32
          %scan3A_247 = arith.constant 1 : i32
          %scan3A_248 = scf.for %scan3A_293 = %scan3A_244 to %scan3A_246 step %scan3A_247 iter_args(%scan3A_294 = %scan3A_243) -> (i32)  : i32 {
            %mul3A_295 = arith.constant 4 : i32
            %mul3A_296 = arith.muli %scan3A_293, %mul3A_295 : i32
            %add3A_297 = arith.constant 0 : i32
            %add3A_298 = arith.addi %mul3A_296, %add3A_297 : i32
            %broadcast_in_dim3A_299 = vector.broadcast %add3A_298 : i32 to vector<16xi32>
            %gather3A = tpu.vector_load_idx %arg12[%broadcast_in_dim3A_242, %broadcast_in_dim3A_299] : memref<10x80xf32, #tpu.memory_space<vmem>>[vector<16xi32>, vector<16xi32>], vector<16xf32>,
            %get3A = arith.index_cast %add3A_298 : i32 to index
            %get3A_300 = arith.constant 0 : index
            %get3A_301 = tpu.vector_load %arg13[%get3A, %get3A_300] {strides = array<i32>} : memref<80x128xf32, #tpu.memory_space<vmem>>, vector<16xf32>,
            %mul3A_302 = arith.mulf %get3A_301, %gather3A : vector<16xf32>
            %swap3A = arith.index_cast %add3A_298 : i32 to index
            %swap3A_303 = arith.constant 0 : index
            %swap3A_304 = tpu.vector_load %arg13[%swap3A, %swap3A_303] {strides = array<i32>} : memref<80x128xf32, #tpu.memory_space<vmem>>, vector<16xf32>,
            tpu.vector_store %arg13[%swap3A, %swap3A_303], %mul3A_302 {strides = array<i32>} : memref<80x128xf32, #tpu.memory_space<vmem>>, vector<16xf32>,
            %get3A_305 = arith.index_cast %add3A_298 : i32 to index
            %get3A_306 = arith.constant 16 : index
            %get3A_307 = tpu.vector_load %arg13[%get3A_305, %get3A_306] {strides = array<i32>} : memref<80x128xf32, #tpu.memory_space<vmem>>, vector<16xf32>,
            %mul3A_308 = arith.mulf %get3A_307, %gather3A : vector<16xf32>
            %swap3A_309 = arith.index_cast %add3A_298 : i32 to index
            %swap3A_310 = arith.constant 16 : index
            %swap3A_311 = tpu.vector_load %arg13[%swap3A_309, %swap3A_310] {strides = array<i32>} : memref<80x128xf32, #tpu.memory_space<vmem>>, vector<16xf32>,
            tpu.vector_store %arg13[%swap3A_309, %swap3A_310], %mul3A_308 {strides = array<i32>} : memref<80x128xf32, #tpu.memory_space<vmem>>, vector<16xf32>,
            %get3A_312 = arith.index_cast %add3A_298 : i32 to index
            %get3A_313 = arith.constant 32 : index
            %get3A_314 = tpu.vector_load %arg13[%get3A_312, %get3A_313] {strides = array<i32>} : memref<80x128xf32, #tpu.memory_space<vmem>>, vector<16xf32>,
            %mul3A_315 = arith.mulf %get3A_314, %gather3A : vector<16xf32>
            %swap3A_316 = arith.index_cast %add3A_298 : i32 to index
            %swap3A_317 = arith.constant 32 : index
            %swap3A_318 = tpu.vector_load %arg13[%swap3A_316, %swap3A_317] {strides = array<i32>} : memref<80x128xf32, #tpu.memory_space<vmem>>, vector<16xf32>,
            tpu.vector_store %arg13[%swap3A_316, %swap3A_317], %mul3A_315 {strides = array<i32>} : memref<80x128xf32, #tpu.memory_space<vmem>>, vector<16xf32>,
            %get3A_319 = arith.index_cast %add3A_298 : i32 to index
            %get3A_320 = arith.constant 48 : index
            %get3A_321 = tpu.vector_load %arg13[%get3A_319, %get3A_320] {strides = array<i32>} : memref<80x128xf32, #tpu.memory_space<vmem>>, vector<16xf32>,
            %mul3A_322 = arith.mulf %get3A_321, %gather3A : vector<16xf32>
            %swap3A_323 = arith.index_cast %add3A_298 : i32 to index
            %swap3A_324 = arith.constant 48 : index
            %swap3A_325 = tpu.vector_load %arg13[%swap3A_323, %swap3A_324] {strides = array<i32>} : memref<80x128xf32, #tpu.memory_space<vmem>>, vector<16xf32>,
            tpu.vector_store %arg13[%swap3A_323, %swap3A_324], %mul3A_322 {strides = array<i32>} : memref<80x128xf32, #tpu.memory_space<vmem>>, vector<16xf32>,
            %get3A_326 = arith.index_cast %add3A_298 : i32 to index
            %get3A_327 = arith.constant 64 : index
            %get3A_328 = tpu.vector_load %arg13[%get3A_326, %get3A_327] {strides = array<i32>} : memref<80x128xf32, #tpu.memory_space<vmem>>, vector<16xf32>,
            %mul3A_329 = arith.mulf %get3A_328, %gather3A : vector<16xf32>
            %swap3A_330 = arith.index_cast %add3A_298 : i32 to index
            %swap3A_331 = arith.constant 64 : index
            %swap3A_332 = tpu.vector_load %arg13[%swap3A_330, %swap3A_331] {strides = array<i32>} : memref<80x128xf32, #tpu.memory_space<vmem>>, vector<16xf32>,
            tpu.vector_store %arg13[%swap3A_330, %swap3A_331], %mul3A_329 {strides = array<i32>} : memref<80x128xf32, #tpu.memory_space<vmem>>, vector<16xf32>,
            %get3A_333 = arith.index_cast %add3A_298 : i32 to index
            %get3A_334 = arith.constant 80 : index
            %get3A_335 = tpu.vector_load %arg13[%get3A_333, %get3A_334] {strides = array<i32>} : memref<80x128xf32, #tpu.memory_space<vmem>>, vector<16xf32>,
            %mul3A_336 = arith.mulf %get3A_335, %gather3A : vector<16xf32>
            %swap3A_337 = arith.index_cast %add3A_298 : i32 to index
            %swap3A_338 = arith.constant 80 : index
            %swap3A_339 = tpu.vector_load %arg13[%swap3A_337, %swap3A_338] {strides = array<i32>} : memref<80x128xf32, #tpu.memory_space<vmem>>, vector<16xf32>,
            tpu.vector_store %arg13[%swap3A_337, %swap3A_338], %mul3A_336 {strides = array<i32>} : memref<80x128xf32, #tpu.memory_space<vmem>>, vector<16xf32>,
            %get3A_340 = arith.index_cast %add3A_298 : i32 to index
            %get3A_341 = arith.constant 96 : index
            %get3A_342 = tpu.vector_load %arg13[%get3A_340, %get3A_341] {strides = array<i32>} : memref<80x128xf32, #tpu.memory_space<vmem>>, vector<16xf32>,
            %mul3A_343 = arith.mulf %get3A_342, %gather3A : vector<16xf32>
            %swap3A_344 = arith.index_cast %add3A_298 : i32 to index
            %swap3A_345 = arith.constant 96 : index
            %swap3A_346 = tpu.vector_load %arg13[%swap3A_344, %swap3A_345] {strides = array<i32>} : memref<80x128xf32, #tpu.memory_space<vmem>>, vector<16xf32>,
            tpu.vector_store %arg13[%swap3A_344, %swap3A_345], %mul3A_343 {strides = array<i32>} : memref<80x128xf32, #tpu.memory_space<vmem>>, vector<16xf32>,
            %get3A_347 = arith.index_cast %add3A_298 : i32 to index
            %get3A_348 = arith.constant 112 : index
            %get3A_349 = tpu.vector_load %arg13[%get3A_347, %get3A_348] {strides = array<i32>} : memref<80x128xf32, #tpu.memory_space<vmem>>, vector<16xf32>,
            %mul3A_350 = arith.mulf %get3A_349, %gather3A : vector<16xf32>
            %swap3A_351 = arith.index_cast %add3A_298 : i32 to index
            %swap3A_352 = arith.constant 112 : index
            %swap3A_353 = tpu.vector_load %arg13[%swap3A_351, %swap3A_352] {strides = array<i32>} : memref<80x128xf32, #tpu.memory_space<vmem>>, vector<16xf32>,
            tpu.vector_store %arg13[%swap3A_351, %swap3A_352], %mul3A_350 {strides = array<i32>} : memref<80x128xf32, #tpu.memory_space<vmem>>, vector<16xf32>,
            %mul3A_354 = arith.constant 4 : i32
            %mul3A_355 = arith.muli %scan3A_293, %mul3A_354 : i32
            %add3A_356 = arith.constant 1 : i32
            %add3A_357 = arith.addi %mul3A_355, %add3A_356 : i32
            %broadcast_in_dim3A_358 = vector.broadcast %add3A_357 : i32 to vector<16xi32>
            %gather3A_359 = tpu.vector_load_idx %arg12[%broadcast_in_dim3A_242, %broadcast_in_dim3A_358] : memref<10x80xf32, #tpu.memory_space<vmem>>[vector<16xi32>, vector<16xi32>], vector<16xf32>,
            %get3A_360 = arith.index_cast %add3A_357 : i32 to index
            %get3A_361 = arith.constant 0 : index
            %get3A_362 = tpu.vector_load %arg13[%get3A_360, %get3A_361] {strides = array<i32>} : memref<80x128xf32, #tpu.memory_space<vmem>>, vector<16xf32>,
            %mul3A_363 = arith.mulf %get3A_362, %gather3A_359 : vector<16xf32>
            %swap3A_364 = arith.index_cast %add3A_357 : i32 to index
            %swap3A_365 = arith.constant 0 : index
            %swap3A_366 = tpu.vector_load %arg13[%swap3A_364, %swap3A_365] {strides = array<i32>} : memref<80x128xf32, #tpu.memory_space<vmem>>, vector<16xf32>,
            tpu.vector_store %arg13[%swap3A_364, %swap3A_365], %mul3A_363 {strides = array<i32>} : memref<80x128xf32, #tpu.memory_space<vmem>>, vector<16xf32>,
            %get3A_367 = arith.index_cast %add3A_357 : i32 to index
            %get3A_368 = arith.constant 16 : index
            %get3A_369 = tpu.vector_load %arg13[%get3A_367, %get3A_368] {strides = array<i32>} : memref<80x128xf32, #tpu.memory_space<vmem>>, vector<16xf32>,
            %mul3A_370 = arith.mulf %get3A_369, %gather3A_359 : vector<16xf32>
            %swap3A_371 = arith.index_cast %add3A_357 : i32 to index
            %swap3A_372 = arith.constant 16 : index
            %swap3A_373 = tpu.vector_load %arg13[%swap3A_371, %swap3A_372] {strides = array<i32>} : memref<80x128xf32, #tpu.memory_space<vmem>>, vector<16xf32>,
            tpu.vector_store %arg13[%swap3A_371, %swap3A_372], %mul3A_370 {strides = array<i32>} : memref<80x128xf32, #tpu.memory_space<vmem>>, vector<16xf32>,
            %get3A_374 = arith.index_cast %add3A_357 : i32 to index
            %get3A_375 = arith.constant 32 : index
            %get3A_376 = tpu.vector_load %arg13[%get3A_374, %get3A_375] {strides = array<i32>} : memref<80x128xf32, #tpu.memory_space<vmem>>, vector<16xf32>,
            %mul3A_377 = arith.mulf %get3A_376, %gather3A_359 : vector<16xf32>
            %swap3A_378 = arith.index_cast %add3A_357 : i32 to index
            %swap3A_379 = arith.constant 32 : index
            %swap3A_380 = tpu.vector_load %arg13[%swap3A_378, %swap3A_379] {strides = array<i32>} : memref<80x128xf32, #tpu.memory_space<vmem>>, vector<16xf32>,
            tpu.vector_store %arg13[%swap3A_378, %swap3A_379], %mul3A_377 {strides = array<i32>} : memref<80x128xf32, #tpu.memory_space<vmem>>, vector<16xf32>,
            %get3A_381 = arith.index_cast %add3A_357 : i32 to index
            %get3A_382 = arith.constant 48 : index
            %get3A_383 = tpu.vector_load %arg13[%get3A_381, %get3A_382] {strides = array<i32>} : memref<80x128xf32, #tpu.memory_space<vmem>>, vector<16xf32>,
            %mul3A_384 = arith.mulf %get3A_383, %gather3A_359 : vector<16xf32>
            %swap3A_385 = arith.index_cast %add3A_357 : i32 to index
            %swap3A_386 = arith.constant 48 : index
            %swap3A_387 = tpu.vector_load %arg13[%swap3A_385, %swap3A_386] {strides = array<i32>} : memref<80x128xf32, #tpu.memory_space<vmem>>, vector<16xf32>,
            tpu.vector_store %arg13[%swap3A_385, %swap3A_386], %mul3A_384 {strides = array<i32>} : memref<80x128xf32, #tpu.memory_space<vmem>>, vector<16xf32>,
            %get3A_388 = arith.index_cast %add3A_357 : i32 to index
            %get3A_389 = arith.constant 64 : index
            %get3A_390 = tpu.vector_load %arg13[%get3A_388, %get3A_389] {strides = array<i32>} : memref<80x128xf32, #tpu.memory_space<vmem>>, vector<16xf32>,
            %mul3A_391 = arith.mulf %get3A_390, %gather3A_359 : vector<16xf32>
            %swap3A_392 = arith.index_cast %add3A_357 : i32 to index
            %swap3A_393 = arith.constant 64 : index
            %swap3A_394 = tpu.vector_load %arg13[%swap3A_392, %swap3A_393] {strides = array<i32>} : memref<80x128xf32, #tpu.memory_space<vmem>>, vector<16xf32>,
            tpu.vector_store %arg13[%swap3A_392, %swap3A_393], %mul3A_391 {strides = array<i32>} : memref<80x128xf32, #tpu.memory_space<vmem>>, vector<16xf32>,
            %get3A_395 = arith.index_cast %add3A_357 : i32 to index
            %get3A_396 = arith.constant 80 : index
            %get3A_397 = tpu.vector_load %arg13[%get3A_395, %get3A_396] {strides = array<i32>} : memref<80x128xf32, #tpu.memory_space<vmem>>, vector<16xf32>,
            %mul3A_398 = arith.mulf %get3A_397, %gather3A_359 : vector<16xf32>
            %swap3A_399 = arith.index_cast %add3A_357 : i32 to index
            %swap3A_400 = arith.constant 80 : index
            %swap3A_401 = tpu.vector_load %arg13[%swap3A_399, %swap3A_400] {strides = array<i32>} : memref<80x128xf32, #tpu.memory_space<vmem>>, vector<16xf32>,
            tpu.vector_store %arg13[%swap3A_399, %swap3A_400], %mul3A_398 {strides = array<i32>} : memref<80x128xf32, #tpu.memory_space<vmem>>, vector<16xf32>,
            %get3A_402 = arith.index_cast %add3A_357 : i32 to index
            %get3A_403 = arith.constant 96 : index
            %get3A_404 = tpu.vector_load %arg13[%get3A_402, %get3A_403] {strides = array<i32>} : memref<80x128xf32, #tpu.memory_space<vmem>>, vector<16xf32>,
            %mul3A_405 = arith.mulf %get3A_404, %gather3A_359 : vector<16xf32>
            %swap3A_406 = arith.index_cast %add3A_357 : i32 to index
            %swap3A_407 = arith.constant 96 : index
            %swap3A_408 = tpu.vector_load %arg13[%swap3A_406, %swap3A_407] {strides = array<i32>} : memref<80x128xf32, #tpu.memory_space<vmem>>, vector<16xf32>,
            tpu.vector_store %arg13[%swap3A_406, %swap3A_407], %mul3A_405 {strides = array<i32>} : memref<80x128xf32, #tpu.memory_space<vmem>>, vector<16xf32>,
            %get3A_409 = arith.index_cast %add3A_357 : i32 to index
            %get3A_410 = arith.constant 112 : index
            %get3A_411 = tpu.vector_load %arg13[%get3A_409, %get3A_410] {strides = array<i32>} : memref<80x128xf32, #tpu.memory_space<vmem>>, vector<16xf32>,
            %mul3A_412 = arith.mulf %get3A_411, %gather3A_359 : vector<16xf32>
            %swap3A_413 = arith.index_cast %add3A_357 : i32 to index
            %swap3A_414 = arith.constant 112 : index
            %swap3A_415 = tpu.vector_load %arg13[%swap3A_413, %swap3A_414] {strides = array<i32>} : memref<80x128xf32, #tpu.memory_space<vmem>>, vector<16xf32>,
            tpu.vector_store %arg13[%swap3A_413, %swap3A_414], %mul3A_412 {strides = array<i32>} : memref<80x128xf32, #tpu.memory_space<vmem>>, vector<16xf32>,
            %mul3A_416 = arith.constant 4 : i32
            %mul3A_417 = arith.muli %scan3A_293, %mul3A_416 : i32
            %add3A_418 = arith.constant 2 : i32
            %add3A_419 = arith.addi %mul3A_417, %add3A_418 : i32
            %broadcast_in_dim3A_420 = vector.broadcast %add3A_419 : i32 to vector<16xi32>
            %gather3A_421 = tpu.vector_load_idx %arg12[%broadcast_in_dim3A_242, %broadcast_in_dim3A_420] : memref<10x80xf32, #tpu.memory_space<vmem>>[vector<16xi32>, vector<16xi32>], vector<16xf32>,
            %get3A_422 = arith.index_cast %add3A_419 : i32 to index
            %get3A_423 = arith.constant 0 : index
            %get3A_424 = tpu.vector_load %arg13[%get3A_422, %get3A_423] {strides = array<i32>} : memref<80x128xf32, #tpu.memory_space<vmem>>, vector<16xf32>,
            %mul3A_425 = arith.mulf %get3A_424, %gather3A_421 : vector<16xf32>
            %swap3A_426 = arith.index_cast %add3A_419 : i32 to index
            %swap3A_427 = arith.constant 0 : index
            %swap3A_428 = tpu.vector_load %arg13[%swap3A_426, %swap3A_427] {strides = array<i32>} : memref<80x128xf32, #tpu.memory_space<vmem>>, vector<16xf32>,
            tpu.vector_store %arg13[%swap3A_426, %swap3A_427], %mul3A_425 {strides = array<i32>} : memref<80x128xf32, #tpu.memory_space<vmem>>, vector<16xf32>,
            %get3A_429 = arith.index_cast %add3A_419 : i32 to index
            %get3A_430 = arith.constant 16 : index
            %get3A_431 = tpu.vector_load %arg13[%get3A_429, %get3A_430] {strides = array<i32>} : memref<80x128xf32, #tpu.memory_space<vmem>>, vector<16xf32>,
            %mul3A_432 = arith.mulf %get3A_431, %gather3A_421 : vector<16xf32>
            %swap3A_433 = arith.index_cast %add3A_419 : i32 to index
            %swap3A_434 = arith.constant 16 : index
            %swap3A_435 = tpu.vector_load %arg13[%swap3A_433, %swap3A_434] {strides = array<i32>} : memref<80x128xf32, #tpu.memory_space<vmem>>, vector<16xf32>,
            tpu.vector_store %arg13[%swap3A_433, %swap3A_434], %mul3A_432 {strides = array<i32>} : memref<80x128xf32, #tpu.memory_space<vmem>>, vector<16xf32>,
            %get3A_436 = arith.index_cast %add3A_419 : i32 to index
            %get3A_437 = arith.constant 32 : index
            %get3A_438 = tpu.vector_load %arg13[%get3A_436, %get3A_437] {strides = array<i32>} : memref<80x128xf32, #tpu.memory_space<vmem>>, vector<16xf32>,
            %mul3A_439 = arith.mulf %get3A_438, %gather3A_421 : vector<16xf32>
            %swap3A_440 = arith.index_cast %add3A_419 : i32 to index
            %swap3A_441 = arith.constant 32 : index
            %swap3A_442 = tpu.vector_load %arg13[%swap3A_440, %swap3A_441] {strides = array<i32>} : memref<80x128xf32, #tpu.memory_space<vmem>>, vector<16xf32>,
            tpu.vector_store %arg13[%swap3A_440, %swap3A_441], %mul3A_439 {strides = array<i32>} : memref<80x128xf32, #tpu.memory_space<vmem>>, vector<16xf32>,
            %get3A_443 = arith.index_cast %add3A_419 : i32 to index
            %get3A_444 = arith.constant 48 : index
            %get3A_445 = tpu.vector_load %arg13[%get3A_443, %get3A_444] {strides = array<i32>} : memref<80x128xf32, #tpu.memory_space<vmem>>, vector<16xf32>,
            %mul3A_446 = arith.mulf %get3A_445, %gather3A_421 : vector<16xf32>
            %swap3A_447 = arith.index_cast %add3A_419 : i32 to index
            %swap3A_448 = arith.constant 48 : index
            %swap3A_449 = tpu.vector_load %arg13[%swap3A_447, %swap3A_448] {strides = array<i32>} : memref<80x128xf32, #tpu.memory_space<vmem>>, vector<16xf32>,
            tpu.vector_store %arg13[%swap3A_447, %swap3A_448], %mul3A_446 {strides = array<i32>} : memref<80x128xf32, #tpu.memory_space<vmem>>, vector<16xf32>,
            %get3A_450 = arith.index_cast %add3A_419 : i32 to index
            %get3A_451 = arith.constant 64 : index
            %get3A_452 = tpu.vector_load %arg13[%get3A_450, %get3A_451] {strides = array<i32>} : memref<80x128xf32, #tpu.memory_space<vmem>>, vector<16xf32>,
            %mul3A_453 = arith.mulf %get3A_452, %gather3A_421 : vector<16xf32>
            %swap3A_454 = arith.index_cast %add3A_419 : i32 to index
            %swap3A_455 = arith.constant 64 : index
            %swap3A_456 = tpu.vector_load %arg13[%swap3A_454, %swap3A_455] {strides = array<i32>} : memref<80x128xf32, #tpu.memory_space<vmem>>, vector<16xf32>,
            tpu.vector_store %arg13[%swap3A_454, %swap3A_455], %mul3A_453 {strides = array<i32>} : memref<80x128xf32, #tpu.memory_space<vmem>>, vector<16xf32>,
            %get3A_457 = arith.index_cast %add3A_419 : i32 to index
            %get3A_458 = arith.constant 80 : index
            %get3A_459 = tpu.vector_load %arg13[%get3A_457, %get3A_458] {strides = array<i32>} : memref<80x128xf32, #tpu.memory_space<vmem>>, vector<16xf32>,
            %mul3A_460 = arith.mulf %get3A_459, %gather3A_421 : vector<16xf32>
            %swap3A_461 = arith.index_cast %add3A_419 : i32 to index
            %swap3A_462 = arith.constant 80 : index
            %swap3A_463 = tpu.vector_load %arg13[%swap3A_461, %swap3A_462] {strides = array<i32>} : memref<80x128xf32, #tpu.memory_space<vmem>>, vector<16xf32>,
            tpu.vector_store %arg13[%swap3A_461, %swap3A_462], %mul3A_460 {strides = array<i32>} : memref<80x128xf32, #tpu.memory_space<vmem>>, vector<16xf32>,
            %get3A_464 = arith.index_cast %add3A_419 : i32 to index
            %get3A_465 = arith.constant 96 : index
            %get3A_466 = tpu.vector_load %arg13[%get3A_464, %get3A_465] {strides = array<i32>} : memref<80x128xf32, #tpu.memory_space<vmem>>, vector<16xf32>,
            %mul3A_467 = arith.mulf %get3A_466, %gather3A_421 : vector<16xf32>
            %swap3A_468 = arith.index_cast %add3A_419 : i32 to index
            %swap3A_469 = arith.constant 96 : index
            %swap3A_470 = tpu.vector_load %arg13[%swap3A_468, %swap3A_469] {strides = array<i32>} : memref<80x128xf32, #tpu.memory_space<vmem>>, vector<16xf32>,
            tpu.vector_store %arg13[%swap3A_468, %swap3A_469], %mul3A_467 {strides = array<i32>} : memref<80x128xf32, #tpu.memory_space<vmem>>, vector<16xf32>,
            %get3A_471 = arith.index_cast %add3A_419 : i32 to index
            %get3A_472 = arith.constant 112 : index
            %get3A_473 = tpu.vector_load %arg13[%get3A_471, %get3A_472] {strides = array<i32>} : memref<80x128xf32, #tpu.memory_space<vmem>>, vector<16xf32>,
            %mul3A_474 = arith.mulf %get3A_473, %gather3A_421 : vector<16xf32>
            %swap3A_475 = arith.index_cast %add3A_419 : i32 to index
            %swap3A_476 = arith.constant 112 : index
            %swap3A_477 = tpu.vector_load %arg13[%swap3A_475, %swap3A_476] {strides = array<i32>} : memref<80x128xf32, #tpu.memory_space<vmem>>, vector<16xf32>,
            tpu.vector_store %arg13[%swap3A_475, %swap3A_476], %mul3A_474 {strides = array<i32>} : memref<80x128xf32, #tpu.memory_space<vmem>>, vector<16xf32>,
            %mul3A_478 = arith.constant 4 : i32
            %mul3A_479 = arith.muli %scan3A_293, %mul3A_478 : i32
            %add3A_480 = arith.constant 3 : i32
            %add3A_481 = arith.addi %mul3A_479, %add3A_480 : i32
            %broadcast_in_dim3A_482 = vector.broadcast %add3A_481 : i32 to vector<16xi32>
            %gather3A_483 = tpu.vector_load_idx %arg12[%broadcast_in_dim3A_242, %broadcast_in_dim3A_482] : memref<10x80xf32, #tpu.memory_space<vmem>>[vector<16xi32>, vector<16xi32>], vector<16xf32>,
            %get3A_484 = arith.index_cast %add3A_481 : i32 to index
            %get3A_485 = arith.constant 0 : index
            %get3A_486 = tpu.vector_load %arg13[%get3A_484, %get3A_485] {strides = array<i32>} : memref<80x128xf32, #tpu.memory_space<vmem>>, vector<16xf32>,
            %mul3A_487 = arith.mulf %get3A_486, %gather3A_483 : vector<16xf32>
            %swap3A_488 = arith.index_cast %add3A_481 : i32 to index
            %swap3A_489 = arith.constant 0 : index
            %swap3A_490 = tpu.vector_load %arg13[%swap3A_488, %swap3A_489] {strides = array<i32>} : memref<80x128xf32, #tpu.memory_space<vmem>>, vector<16xf32>,
            tpu.vector_store %arg13[%swap3A_488, %swap3A_489], %mul3A_487 {strides = array<i32>} : memref<80x128xf32, #tpu.memory_space<vmem>>, vector<16xf32>,
            %get3A_491 = arith.index_cast %add3A_481 : i32 to index
            %get3A_492 = arith.constant 16 : index
            %get3A_493 = tpu.vector_load %arg13[%get3A_491, %get3A_492] {strides = array<i32>} : memref<80x128xf32, #tpu.memory_space<vmem>>, vector<16xf32>,
            %mul3A_494 = arith.mulf %get3A_493, %gather3A_483 : vector<16xf32>
            %swap3A_495 = arith.index_cast %add3A_481 : i32 to index
            %swap3A_496 = arith.constant 16 : index
            %swap3A_497 = tpu.vector_load %arg13[%swap3A_495, %swap3A_496] {strides = array<i32>} : memref<80x128xf32, #tpu.memory_space<vmem>>, vector<16xf32>,
            tpu.vector_store %arg13[%swap3A_495, %swap3A_496], %mul3A_494 {strides = array<i32>} : memref<80x128xf32, #tpu.memory_space<vmem>>, vector<16xf32>,
            %get3A_498 = arith.index_cast %add3A_481 : i32 to index
            %get3A_499 = arith.constant 32 : index
            %get3A_500 = tpu.vector_load %arg13[%get3A_498, %get3A_499] {strides = array<i32>} : memref<80x128xf32, #tpu.memory_space<vmem>>, vector<16xf32>,
            %mul3A_501 = arith.mulf %get3A_500, %gather3A_483 : vector<16xf32>
            %swap3A_502 = arith.index_cast %add3A_481 : i32 to index
            %swap3A_503 = arith.constant 32 : index
            %swap3A_504 = tpu.vector_load %arg13[%swap3A_502, %swap3A_503] {strides = array<i32>} : memref<80x128xf32, #tpu.memory_space<vmem>>, vector<16xf32>,
            tpu.vector_store %arg13[%swap3A_502, %swap3A_503], %mul3A_501 {strides = array<i32>} : memref<80x128xf32, #tpu.memory_space<vmem>>, vector<16xf32>,
            %get3A_505 = arith.index_cast %add3A_481 : i32 to index
            %get3A_506 = arith.constant 48 : index
            %get3A_507 = tpu.vector_load %arg13[%get3A_505, %get3A_506] {strides = array<i32>} : memref<80x128xf32, #tpu.memory_space<vmem>>, vector<16xf32>,
            %mul3A_508 = arith.mulf %get3A_507, %gather3A_483 : vector<16xf32>
            %swap3A_509 = arith.index_cast %add3A_481 : i32 to index
            %swap3A_510 = arith.constant 48 : index
            %swap3A_511 = tpu.vector_load %arg13[%swap3A_509, %swap3A_510] {strides = array<i32>} : memref<80x128xf32, #tpu.memory_space<vmem>>, vector<16xf32>,
            tpu.vector_store %arg13[%swap3A_509, %swap3A_510], %mul3A_508 {strides = array<i32>} : memref<80x128xf32, #tpu.memory_space<vmem>>, vector<16xf32>,
            %get3A_512 = arith.index_cast %add3A_481 : i32 to index
            %get3A_513 = arith.constant 64 : index
            %get3A_514 = tpu.vector_load %arg13[%get3A_512, %get3A_513] {strides = array<i32>} : memref<80x128xf32, #tpu.memory_space<vmem>>, vector<16xf32>,
            %mul3A_515 = arith.mulf %get3A_514, %gather3A_483 : vector<16xf32>
            %swap3A_516 = arith.index_cast %add3A_481 : i32 to index
            %swap3A_517 = arith.constant 64 : index
            %swap3A_518 = tpu.vector_load %arg13[%swap3A_516, %swap3A_517] {strides = array<i32>} : memref<80x128xf32, #tpu.memory_space<vmem>>, vector<16xf32>,
            tpu.vector_store %arg13[%swap3A_516, %swap3A_517], %mul3A_515 {strides = array<i32>} : memref<80x128xf32, #tpu.memory_space<vmem>>, vector<16xf32>,
            %get3A_519 = arith.index_cast %add3A_481 : i32 to index
            %get3A_520 = arith.constant 80 : index
            %get3A_521 = tpu.vector_load %arg13[%get3A_519, %get3A_520] {strides = array<i32>} : memref<80x128xf32, #tpu.memory_space<vmem>>, vector<16xf32>,
            %mul3A_522 = arith.mulf %get3A_521, %gather3A_483 : vector<16xf32>
            %swap3A_523 = arith.index_cast %add3A_481 : i32 to index
            %swap3A_524 = arith.constant 80 : index
            %swap3A_525 = tpu.vector_load %arg13[%swap3A_523, %swap3A_524] {strides = array<i32>} : memref<80x128xf32, #tpu.memory_space<vmem>>, vector<16xf32>,
            tpu.vector_store %arg13[%swap3A_523, %swap3A_524], %mul3A_522 {strides = array<i32>} : memref<80x128xf32, #tpu.memory_space<vmem>>, vector<16xf32>,
            %get3A_526 = arith.index_cast %add3A_481 : i32 to index
            %get3A_527 = arith.constant 96 : index
            %get3A_528 = tpu.vector_load %arg13[%get3A_526, %get3A_527] {strides = array<i32>} : memref<80x128xf32, #tpu.memory_space<vmem>>, vector<16xf32>,
            %mul3A_529 = arith.mulf %get3A_528, %gather3A_483 : vector<16xf32>
            %swap3A_530 = arith.index_cast %add3A_481 : i32 to index
            %swap3A_531 = arith.constant 96 : index
            %swap3A_532 = tpu.vector_load %arg13[%swap3A_530, %swap3A_531] {strides = array<i32>} : memref<80x128xf32, #tpu.memory_space<vmem>>, vector<16xf32>,
            tpu.vector_store %arg13[%swap3A_530, %swap3A_531], %mul3A_529 {strides = array<i32>} : memref<80x128xf32, #tpu.memory_space<vmem>>, vector<16xf32>,
            %get3A_533 = arith.index_cast %add3A_481 : i32 to index
            %get3A_534 = arith.constant 112 : index
            %get3A_535 = tpu.vector_load %arg13[%get3A_533, %get3A_534] {strides = array<i32>} : memref<80x128xf32, #tpu.memory_space<vmem>>, vector<16xf32>,
            %mul3A_536 = arith.mulf %get3A_535, %gather3A_483 : vector<16xf32>
            %swap3A_537 = arith.index_cast %add3A_481 : i32 to index
            %swap3A_538 = arith.constant 112 : index
            %swap3A_539 = tpu.vector_load %arg13[%swap3A_537, %swap3A_538] {strides = array<i32>} : memref<80x128xf32, #tpu.memory_space<vmem>>, vector<16xf32>,
            tpu.vector_store %arg13[%swap3A_537, %swap3A_538], %mul3A_536 {strides = array<i32>} : memref<80x128xf32, #tpu.memory_space<vmem>>, vector<16xf32>,
            %scan3A_540 = arith.constant 0 : i32
            scf.yield %scan3A_540 : i32
          }
          %scan3A_249 = arith.constant 20 : i32
          %dma_start3A_250 = arith.constant 0 : i32
          %dma_start3A_251 = tpu.memref_slice %arg10[%add3A_223, %dma_start3A_250] : memref<10x80xi32, #tpu.memory_space<vmem>> -> memref<1x80xi32, #tpu.memory_space<vmem>>
          %dma_start3A_252 = tpu.memref_squeeze %dma_start3A_251 : memref<1x80xi32, #tpu.memory_space<vmem>> -> memref<80xi32, #tpu.memory_space<vmem>>
          %dma_start3A_253 = arith.constant 0 : i32
          %dma_start3A_254 = arith.constant 0 : i32
          %dma_start3A_255 = tpu.memref_slice %arg15[%dma_start3A_253, %dma_start3A_254] : memref<10240x128xf32, #tpu.memory_space<vmem_shared>> -> memref<10240x128xf32, #tpu.memory_space<vmem_shared>>
          tpu.enqueue_indirect_dma source(%arg13 : memref<80x128xf32, #tpu.memory_space<vmem>>) target(%dma_start3A_255 : memref<10240x128xf32, #tpu.memory_space<vmem_shared>>) offsets(%dma_start3A_252 : memref<80xi32, #tpu.memory_space<vmem>>) semaphore(%arg18 : memref<!tpu.dma_semaphore, #tpu.memory_space<semaphore_mem>>) {add = true}
          %mul3A_256 = arith.constant 2 : i32
          %mul3A_257 = arith.muli %mul3A_256, %scan3A_218 : i32
          %add3A_258 = arith.constant 1 : i32
          %add3A_259 = arith.addi %mul3A_257, %add3A_258 : i32
          %dma_wait3A_260 = arith.constant 0 : i32
          %dma_wait3A_261 = tpu.memref_slice %arg8[%add3A_259, %dma_wait3A_260] : memref<10x80xi32, #tpu.memory_space<vmem>> -> memref<1x80xi32, #tpu.memory_space<vmem>>
          %dma_wait3A_262 = tpu.memref_squeeze %dma_wait3A_261 : memref<1x80xi32, #tpu.memory_space<vmem>> -> memref<80xi32, #tpu.memory_space<vmem>>
          %dma_wait3A_263 = arith.constant 0 : i32
          %dma_wait3A_264 = arith.constant 0 : i32
          %dma_wait3A_265 = tpu.memref_slice %arg2[%dma_wait3A_263, %dma_wait3A_264] : memref<10000x128xf32, #tpu.memory_space<hbm>> -> memref<10000x128xf32, #tpu.memory_space<hbm>>
          tpu.wait_indirect_dma semaphore(%arg17 : memref<!tpu.dma_semaphore, #tpu.memory_space<semaphore_mem>>) src(%dma_wait3A_265 : memref<10000x128xf32, #tpu.memory_space<hbm>>) dst(%arg14 : memref<80x128xf32, #tpu.memory_space<vmem>>)
          %sub3A = arith.constant 1 : i32
          %sub3A_266 = arith.subi %add3A_259, %sub3A : i32
          %dma_wait3A_267 = arith.constant 0 : i32
          %dma_wait3A_268 = tpu.memref_slice %arg10[%sub3A_266, %dma_wait3A_267] : memref<10x80xi32, #tpu.memory_space<vmem>> -> memref<1x80xi32, #tpu.memory_space<vmem>>
          %dma_wait3A_269 = tpu.memref_squeeze %dma_wait3A_268 : memref<1x80xi32, #tpu.memory_space<vmem>> -> memref<80xi32, #tpu.memory_space<vmem>>
          %dma_wait3A_270 = arith.constant 0 : i32
          %dma_wait3A_271 = arith.constant 0 : i32
          %dma_wait3A_272 = tpu.memref_slice %arg15[%dma_wait3A_270, %dma_wait3A_271] : memref<10240x128xf32, #tpu.memory_space<vmem_shared>> -> memref<10240x128xf32, #tpu.memory_space<vmem_shared>>
          tpu.wait_indirect_dma semaphore(%arg18 : memref<!tpu.dma_semaphore, #tpu.memory_space<semaphore_mem>>) src(%arg13 : memref<80x128xf32, #tpu.memory_space<vmem>>) dst(%dma_wait3A_272 : memref<10240x128xf32, #tpu.memory_space<vmem_shared>>)
          %lt3A_273 = arith.constant 4 : i32
          %lt3A_274 = arith.cmpi slt, %scan3A_218, %lt3A_273 : i32
          %convert_element_type3A_275 = arith.extui %lt3A_274 : i1 to i32
          %cond3A_276 = arith.constant 0 : i32
          %cond3A_277 = arith.cmpi ne, %convert_element_type3A_275, %cond3A_276 : i32
          scf.if %cond3A_277 {
            %add3A_293 = arith.constant 1 : i32
            %add3A_294 = arith.addi %add3A_259, %add3A_293 : i32
            %dma_start3A_295 = arith.constant 0 : i32
            %dma_start3A_296 = tpu.memref_slice %arg8[%add3A_294, %dma_start3A_295] : memref<10x80xi32, #tpu.memory_space<vmem>> -> memref<1x80xi32, #tpu.memory_space<vmem>>
            %dma_start3A_297 = tpu.memref_squeeze %dma_start3A_296 : memref<1x80xi32, #tpu.memory_space<vmem>> -> memref<80xi32, #tpu.memory_space<vmem>>
            %dma_start3A_298 = arith.constant 0 : i32
            %dma_start3A_299 = arith.constant 0 : i32
            %dma_start3A_300 = tpu.memref_slice %arg2[%dma_start3A_298, %dma_start3A_299] : memref<10000x128xf32, #tpu.memory_space<hbm>> -> memref<10000x128xf32, #tpu.memory_space<hbm>>
            tpu.enqueue_indirect_dma source(%dma_start3A_300 : memref<10000x128xf32, #tpu.memory_space<hbm>>) target(%arg13 : memref<80x128xf32, #tpu.memory_space<vmem>>) offsets(%dma_start3A_297 : memref<80xi32, #tpu.memory_space<vmem>>) semaphore(%arg16 : memref<!tpu.dma_semaphore, #tpu.memory_space<semaphore_mem>>)
          } else {
          }
          %broadcast_in_dim3A_278 = vector.broadcast %add3A_259 : i32 to vector<16xi32>
          %scan3A_279 = arith.constant 0 : i32
          %scan3A_280 = arith.constant 0 : i32
          %scan3A_281 = arith.constant 20 : i32
          %scan3A_282 = arith.addi %scan3A_280, %scan3A_281 : i32
          %scan3A_283 = arith.constant 1 : i32
          %scan3A_284 = scf.for %scan3A_293 = %scan3A_280 to %scan3A_282 step %scan3A_283 iter_args(%scan3A_294 = %scan3A_279) -> (i32)  : i32 {
            %mul3A_295 = arith.constant 4 : i32
            %mul3A_296 = arith.muli %scan3A_293, %mul3A_295 : i32
            %add3A_297 = arith.constant 0 : i32
            %add3A_298 = arith.addi %mul3A_296, %add3A_297 : i32
            %broadcast_in_dim3A_299 = vector.broadcast %add3A_298 : i32 to vector<16xi32>
            %gather3A = tpu.vector_load_idx %arg12[%broadcast_in_dim3A_278, %broadcast_in_dim3A_299] : memref<10x80xf32, #tpu.memory_space<vmem>>[vector<16xi32>, vector<16xi32>], vector<16xf32>,
            %get3A = arith.index_cast %add3A_298 : i32 to index
            %get3A_300 = arith.constant 0 : index
            %get3A_301 = tpu.vector_load %arg14[%get3A, %get3A_300] {strides = array<i32>} : memref<80x128xf32, #tpu.memory_space<vmem>>, vector<16xf32>,
            %mul3A_302 = arith.mulf %get3A_301, %gather3A : vector<16xf32>
            %swap3A = arith.index_cast %add3A_298 : i32 to index
            %swap3A_303 = arith.constant 0 : index
            %swap3A_304 = tpu.vector_load %arg14[%swap3A, %swap3A_303] {strides = array<i32>} : memref<80x128xf32, #tpu.memory_space<vmem>>, vector<16xf32>,
            tpu.vector_store %arg14[%swap3A, %swap3A_303], %mul3A_302 {strides = array<i32>} : memref<80x128xf32, #tpu.memory_space<vmem>>, vector<16xf32>,
            %get3A_305 = arith.index_cast %add3A_298 : i32 to index
            %get3A_306 = arith.constant 16 : index
            %get3A_307 = tpu.vector_load %arg14[%get3A_305, %get3A_306] {strides = array<i32>} : memref<80x128xf32, #tpu.memory_space<vmem>>, vector<16xf32>,
            %mul3A_308 = arith.mulf %get3A_307, %gather3A : vector<16xf32>
            %swap3A_309 = arith.index_cast %add3A_298 : i32 to index
            %swap3A_310 = arith.constant 16 : index
            %swap3A_311 = tpu.vector_load %arg14[%swap3A_309, %swap3A_310] {strides = array<i32>} : memref<80x128xf32, #tpu.memory_space<vmem>>, vector<16xf32>,
            tpu.vector_store %arg14[%swap3A_309, %swap3A_310], %mul3A_308 {strides = array<i32>} : memref<80x128xf32, #tpu.memory_space<vmem>>, vector<16xf32>,
            %get3A_312 = arith.index_cast %add3A_298 : i32 to index
            %get3A_313 = arith.constant 32 : index
            %get3A_314 = tpu.vector_load %arg14[%get3A_312, %get3A_313] {strides = array<i32>} : memref<80x128xf32, #tpu.memory_space<vmem>>, vector<16xf32>,
            %mul3A_315 = arith.mulf %get3A_314, %gather3A : vector<16xf32>
            %swap3A_316 = arith.index_cast %add3A_298 : i32 to index
            %swap3A_317 = arith.constant 32 : index
            %swap3A_318 = tpu.vector_load %arg14[%swap3A_316, %swap3A_317] {strides = array<i32>} : memref<80x128xf32, #tpu.memory_space<vmem>>, vector<16xf32>,
            tpu.vector_store %arg14[%swap3A_316, %swap3A_317], %mul3A_315 {strides = array<i32>} : memref<80x128xf32, #tpu.memory_space<vmem>>, vector<16xf32>,
            %get3A_319 = arith.index_cast %add3A_298 : i32 to index
            %get3A_320 = arith.constant 48 : index
            %get3A_321 = tpu.vector_load %arg14[%get3A_319, %get3A_320] {strides = array<i32>} : memref<80x128xf32, #tpu.memory_space<vmem>>, vector<16xf32>,
            %mul3A_322 = arith.mulf %get3A_321, %gather3A : vector<16xf32>
            %swap3A_323 = arith.index_cast %add3A_298 : i32 to index
            %swap3A_324 = arith.constant 48 : index
            %swap3A_325 = tpu.vector_load %arg14[%swap3A_323, %swap3A_324] {strides = array<i32>} : memref<80x128xf32, #tpu.memory_space<vmem>>, vector<16xf32>,
            tpu.vector_store %arg14[%swap3A_323, %swap3A_324], %mul3A_322 {strides = array<i32>} : memref<80x128xf32, #tpu.memory_space<vmem>>, vector<16xf32>,
            %get3A_326 = arith.index_cast %add3A_298 : i32 to index
            %get3A_327 = arith.constant 64 : index
            %get3A_328 = tpu.vector_load %arg14[%get3A_326, %get3A_327] {strides = array<i32>} : memref<80x128xf32, #tpu.memory_space<vmem>>, vector<16xf32>,
            %mul3A_329 = arith.mulf %get3A_328, %gather3A : vector<16xf32>
            %swap3A_330 = arith.index_cast %add3A_298 : i32 to index
            %swap3A_331 = arith.constant 64 : index
            %swap3A_332 = tpu.vector_load %arg14[%swap3A_330, %swap3A_331] {strides = array<i32>} : memref<80x128xf32, #tpu.memory_space<vmem>>, vector<16xf32>,
            tpu.vector_store %arg14[%swap3A_330, %swap3A_331], %mul3A_329 {strides = array<i32>} : memref<80x128xf32, #tpu.memory_space<vmem>>, vector<16xf32>,
            %get3A_333 = arith.index_cast %add3A_298 : i32 to index
            %get3A_334 = arith.constant 80 : index
            %get3A_335 = tpu.vector_load %arg14[%get3A_333, %get3A_334] {strides = array<i32>} : memref<80x128xf32, #tpu.memory_space<vmem>>, vector<16xf32>,
            %mul3A_336 = arith.mulf %get3A_335, %gather3A : vector<16xf32>
            %swap3A_337 = arith.index_cast %add3A_298 : i32 to index
            %swap3A_338 = arith.constant 80 : index
            %swap3A_339 = tpu.vector_load %arg14[%swap3A_337, %swap3A_338] {strides = array<i32>} : memref<80x128xf32, #tpu.memory_space<vmem>>, vector<16xf32>,
            tpu.vector_store %arg14[%swap3A_337, %swap3A_338], %mul3A_336 {strides = array<i32>} : memref<80x128xf32, #tpu.memory_space<vmem>>, vector<16xf32>,
            %get3A_340 = arith.index_cast %add3A_298 : i32 to index
            %get3A_341 = arith.constant 96 : index
            %get3A_342 = tpu.vector_load %arg14[%get3A_340, %get3A_341] {strides = array<i32>} : memref<80x128xf32, #tpu.memory_space<vmem>>, vector<16xf32>,
            %mul3A_343 = arith.mulf %get3A_342, %gather3A : vector<16xf32>
            %swap3A_344 = arith.index_cast %add3A_298 : i32 to index
            %swap3A_345 = arith.constant 96 : index
            %swap3A_346 = tpu.vector_load %arg14[%swap3A_344, %swap3A_345] {strides = array<i32>} : memref<80x128xf32, #tpu.memory_space<vmem>>, vector<16xf32>,
            tpu.vector_store %arg14[%swap3A_344, %swap3A_345], %mul3A_343 {strides = array<i32>} : memref<80x128xf32, #tpu.memory_space<vmem>>, vector<16xf32>,
            %get3A_347 = arith.index_cast %add3A_298 : i32 to index
            %get3A_348 = arith.constant 112 : index
            %get3A_349 = tpu.vector_load %arg14[%get3A_347, %get3A_348] {strides = array<i32>} : memref<80x128xf32, #tpu.memory_space<vmem>>, vector<16xf32>,
            %mul3A_350 = arith.mulf %get3A_349, %gather3A : vector<16xf32>
            %swap3A_351 = arith.index_cast %add3A_298 : i32 to index
            %swap3A_352 = arith.constant 112 : index
            %swap3A_353 = tpu.vector_load %arg14[%swap3A_351, %swap3A_352] {strides = array<i32>} : memref<80x128xf32, #tpu.memory_space<vmem>>, vector<16xf32>,
            tpu.vector_store %arg14[%swap3A_351, %swap3A_352], %mul3A_350 {strides = array<i32>} : memref<80x128xf32, #tpu.memory_space<vmem>>, vector<16xf32>,
            %mul3A_354 = arith.constant 4 : i32
            %mul3A_355 = arith.muli %scan3A_293, %mul3A_354 : i32
            %add3A_356 = arith.constant 1 : i32
            %add3A_357 = arith.addi %mul3A_355, %add3A_356 : i32
            %broadcast_in_dim3A_358 = vector.broadcast %add3A_357 : i32 to vector<16xi32>
            %gather3A_359 = tpu.vector_load_idx %arg12[%broadcast_in_dim3A_278, %broadcast_in_dim3A_358] : memref<10x80xf32, #tpu.memory_space<vmem>>[vector<16xi32>, vector<16xi32>], vector<16xf32>,
            %get3A_360 = arith.index_cast %add3A_357 : i32 to index
            %get3A_361 = arith.constant 0 : index
            %get3A_362 = tpu.vector_load %arg14[%get3A_360, %get3A_361] {strides = array<i32>} : memref<80x128xf32, #tpu.memory_space<vmem>>, vector<16xf32>,
            %mul3A_363 = arith.mulf %get3A_362, %gather3A_359 : vector<16xf32>
            %swap3A_364 = arith.index_cast %add3A_357 : i32 to index
            %swap3A_365 = arith.constant 0 : index
            %swap3A_366 = tpu.vector_load %arg14[%swap3A_364, %swap3A_365] {strides = array<i32>} : memref<80x128xf32, #tpu.memory_space<vmem>>, vector<16xf32>,
            tpu.vector_store %arg14[%swap3A_364, %swap3A_365], %mul3A_363 {strides = array<i32>} : memref<80x128xf32, #tpu.memory_space<vmem>>, vector<16xf32>,
            %get3A_367 = arith.index_cast %add3A_357 : i32 to index
            %get3A_368 = arith.constant 16 : index
            %get3A_369 = tpu.vector_load %arg14[%get3A_367, %get3A_368] {strides = array<i32>} : memref<80x128xf32, #tpu.memory_space<vmem>>, vector<16xf32>,
            %mul3A_370 = arith.mulf %get3A_369, %gather3A_359 : vector<16xf32>
            %swap3A_371 = arith.index_cast %add3A_357 : i32 to index
            %swap3A_372 = arith.constant 16 : index
            %swap3A_373 = tpu.vector_load %arg14[%swap3A_371, %swap3A_372] {strides = array<i32>} : memref<80x128xf32, #tpu.memory_space<vmem>>, vector<16xf32>,
            tpu.vector_store %arg14[%swap3A_371, %swap3A_372], %mul3A_370 {strides = array<i32>} : memref<80x128xf32, #tpu.memory_space<vmem>>, vector<16xf32>,
            %get3A_374 = arith.index_cast %add3A_357 : i32 to index
            %get3A_375 = arith.constant 32 : index
            %get3A_376 = tpu.vector_load %arg14[%get3A_374, %get3A_375] {strides = array<i32>} : memref<80x128xf32, #tpu.memory_space<vmem>>, vector<16xf32>,
            %mul3A_377 = arith.mulf %get3A_376, %gather3A_359 : vector<16xf32>
            %swap3A_378 = arith.index_cast %add3A_357 : i32 to index
            %swap3A_379 = arith.constant 32 : index
            %swap3A_380 = tpu.vector_load %arg14[%swap3A_378, %swap3A_379] {strides = array<i32>} : memref<80x128xf32, #tpu.memory_space<vmem>>, vector<16xf32>,
            tpu.vector_store %arg14[%swap3A_378, %swap3A_379], %mul3A_377 {strides = array<i32>} : memref<80x128xf32, #tpu.memory_space<vmem>>, vector<16xf32>,
            %get3A_381 = arith.index_cast %add3A_357 : i32 to index
            %get3A_382 = arith.constant 48 : index
            %get3A_383 = tpu.vector_load %arg14[%get3A_381, %get3A_382] {strides = array<i32>} : memref<80x128xf32, #tpu.memory_space<vmem>>, vector<16xf32>,
            %mul3A_384 = arith.mulf %get3A_383, %gather3A_359 : vector<16xf32>
            %swap3A_385 = arith.index_cast %add3A_357 : i32 to index
            %swap3A_386 = arith.constant 48 : index
            %swap3A_387 = tpu.vector_load %arg14[%swap3A_385, %swap3A_386] {strides = array<i32>} : memref<80x128xf32, #tpu.memory_space<vmem>>, vector<16xf32>,
            tpu.vector_store %arg14[%swap3A_385, %swap3A_386], %mul3A_384 {strides = array<i32>} : memref<80x128xf32, #tpu.memory_space<vmem>>, vector<16xf32>,
            %get3A_388 = arith.index_cast %add3A_357 : i32 to index
            %get3A_389 = arith.constant 64 : index
            %get3A_390 = tpu.vector_load %arg14[%get3A_388, %get3A_389] {strides = array<i32>} : memref<80x128xf32, #tpu.memory_space<vmem>>, vector<16xf32>,
            %mul3A_391 = arith.mulf %get3A_390, %gather3A_359 : vector<16xf32>
            %swap3A_392 = arith.index_cast %add3A_357 : i32 to index
            %swap3A_393 = arith.constant 64 : index
            %swap3A_394 = tpu.vector_load %arg14[%swap3A_392, %swap3A_393] {strides = array<i32>} : memref<80x128xf32, #tpu.memory_space<vmem>>, vector<16xf32>,
            tpu.vector_store %arg14[%swap3A_392, %swap3A_393], %mul3A_391 {strides = array<i32>} : memref<80x128xf32, #tpu.memory_space<vmem>>, vector<16xf32>,
            %get3A_395 = arith.index_cast %add3A_357 : i32 to index
            %get3A_396 = arith.constant 80 : index
            %get3A_397 = tpu.vector_load %arg14[%get3A_395, %get3A_396] {strides = array<i32>} : memref<80x128xf32, #tpu.memory_space<vmem>>, vector<16xf32>,
            %mul3A_398 = arith.mulf %get3A_397, %gather3A_359 : vector<16xf32>
            %swap3A_399 = arith.index_cast %add3A_357 : i32 to index
            %swap3A_400 = arith.constant 80 : index
            %swap3A_401 = tpu.vector_load %arg14[%swap3A_399, %swap3A_400] {strides = array<i32>} : memref<80x128xf32, #tpu.memory_space<vmem>>, vector<16xf32>,
            tpu.vector_store %arg14[%swap3A_399, %swap3A_400], %mul3A_398 {strides = array<i32>} : memref<80x128xf32, #tpu.memory_space<vmem>>, vector<16xf32>,
            %get3A_402 = arith.index_cast %add3A_357 : i32 to index
            %get3A_403 = arith.constant 96 : index
            %get3A_404 = tpu.vector_load %arg14[%get3A_402, %get3A_403] {strides = array<i32>} : memref<80x128xf32, #tpu.memory_space<vmem>>, vector<16xf32>,
            %mul3A_405 = arith.mulf %get3A_404, %gather3A_359 : vector<16xf32>
            %swap3A_406 = arith.index_cast %add3A_357 : i32 to index
            %swap3A_407 = arith.constant 96 : index
            %swap3A_408 = tpu.vector_load %arg14[%swap3A_406, %swap3A_407] {strides = array<i32>} : memref<80x128xf32, #tpu.memory_space<vmem>>, vector<16xf32>,
            tpu.vector_store %arg14[%swap3A_406, %swap3A_407], %mul3A_405 {strides = array<i32>} : memref<80x128xf32, #tpu.memory_space<vmem>>, vector<16xf32>,
            %get3A_409 = arith.index_cast %add3A_357 : i32 to index
            %get3A_410 = arith.constant 112 : index
            %get3A_411 = tpu.vector_load %arg14[%get3A_409, %get3A_410] {strides = array<i32>} : memref<80x128xf32, #tpu.memory_space<vmem>>, vector<16xf32>,
            %mul3A_412 = arith.mulf %get3A_411, %gather3A_359 : vector<16xf32>
            %swap3A_413 = arith.index_cast %add3A_357 : i32 to index
            %swap3A_414 = arith.constant 112 : index
            %swap3A_415 = tpu.vector_load %arg14[%swap3A_413, %swap3A_414] {strides = array<i32>} : memref<80x128xf32, #tpu.memory_space<vmem>>, vector<16xf32>,
            tpu.vector_store %arg14[%swap3A_413, %swap3A_414], %mul3A_412 {strides = array<i32>} : memref<80x128xf32, #tpu.memory_space<vmem>>, vector<16xf32>,
            %mul3A_416 = arith.constant 4 : i32
            %mul3A_417 = arith.muli %scan3A_293, %mul3A_416 : i32
            %add3A_418 = arith.constant 2 : i32
            %add3A_419 = arith.addi %mul3A_417, %add3A_418 : i32
            %broadcast_in_dim3A_420 = vector.broadcast %add3A_419 : i32 to vector<16xi32>
            %gather3A_421 = tpu.vector_load_idx %arg12[%broadcast_in_dim3A_278, %broadcast_in_dim3A_420] : memref<10x80xf32, #tpu.memory_space<vmem>>[vector<16xi32>, vector<16xi32>], vector<16xf32>,
            %get3A_422 = arith.index_cast %add3A_419 : i32 to index
            %get3A_423 = arith.constant 0 : index
            %get3A_424 = tpu.vector_load %arg14[%get3A_422, %get3A_423] {strides = array<i32>} : memref<80x128xf32, #tpu.memory_space<vmem>>, vector<16xf32>,
            %mul3A_425 = arith.mulf %get3A_424, %gather3A_421 : vector<16xf32>
            %swap3A_426 = arith.index_cast %add3A_419 : i32 to index
            %swap3A_427 = arith.constant 0 : index
            %swap3A_428 = tpu.vector_load %arg14[%swap3A_426, %swap3A_427] {strides = array<i32>} : memref<80x128xf32, #tpu.memory_space<vmem>>, vector<16xf32>,
            tpu.vector_store %arg14[%swap3A_426, %swap3A_427], %mul3A_425 {strides = array<i32>} : memref<80x128xf32, #tpu.memory_space<vmem>>, vector<16xf32>,
            %get3A_429 = arith.index_cast %add3A_419 : i32 to index
            %get3A_430 = arith.constant 16 : index
            %get3A_431 = tpu.vector_load %arg14[%get3A_429, %get3A_430] {strides = array<i32>} : memref<80x128xf32, #tpu.memory_space<vmem>>, vector<16xf32>,
            %mul3A_432 = arith.mulf %get3A_431, %gather3A_421 : vector<16xf32>
            %swap3A_433 = arith.index_cast %add3A_419 : i32 to index
            %swap3A_434 = arith.constant 16 : index
            %swap3A_435 = tpu.vector_load %arg14[%swap3A_433, %swap3A_434] {strides = array<i32>} : memref<80x128xf32, #tpu.memory_space<vmem>>, vector<16xf32>,
            tpu.vector_store %arg14[%swap3A_433, %swap3A_434], %mul3A_432 {strides = array<i32>} : memref<80x128xf32, #tpu.memory_space<vmem>>, vector<16xf32>,
            %get3A_436 = arith.index_cast %add3A_419 : i32 to index
            %get3A_437 = arith.constant 32 : index
            %get3A_438 = tpu.vector_load %arg14[%get3A_436, %get3A_437] {strides = array<i32>} : memref<80x128xf32, #tpu.memory_space<vmem>>, vector<16xf32>,
            %mul3A_439 = arith.mulf %get3A_438, %gather3A_421 : vector<16xf32>
            %swap3A_440 = arith.index_cast %add3A_419 : i32 to index
            %swap3A_441 = arith.constant 32 : index
            %swap3A_442 = tpu.vector_load %arg14[%swap3A_440, %swap3A_441] {strides = array<i32>} : memref<80x128xf32, #tpu.memory_space<vmem>>, vector<16xf32>,
            tpu.vector_store %arg14[%swap3A_440, %swap3A_441], %mul3A_439 {strides = array<i32>} : memref<80x128xf32, #tpu.memory_space<vmem>>, vector<16xf32>,
            %get3A_443 = arith.index_cast %add3A_419 : i32 to index
            %get3A_444 = arith.constant 48 : index
            %get3A_445 = tpu.vector_load %arg14[%get3A_443, %get3A_444] {strides = array<i32>} : memref<80x128xf32, #tpu.memory_space<vmem>>, vector<16xf32>,
            %mul3A_446 = arith.mulf %get3A_445, %gather3A_421 : vector<16xf32>
            %swap3A_447 = arith.index_cast %add3A_419 : i32 to index
            %swap3A_448 = arith.constant 48 : index
            %swap3A_449 = tpu.vector_load %arg14[%swap3A_447, %swap3A_448] {strides = array<i32>} : memref<80x128xf32, #tpu.memory_space<vmem>>, vector<16xf32>,
            tpu.vector_store %arg14[%swap3A_447, %swap3A_448], %mul3A_446 {strides = array<i32>} : memref<80x128xf32, #tpu.memory_space<vmem>>, vector<16xf32>,
            %get3A_450 = arith.index_cast %add3A_419 : i32 to index
            %get3A_451 = arith.constant 64 : index
            %get3A_452 = tpu.vector_load %arg14[%get3A_450, %get3A_451] {strides = array<i32>} : memref<80x128xf32, #tpu.memory_space<vmem>>, vector<16xf32>,
            %mul3A_453 = arith.mulf %get3A_452, %gather3A_421 : vector<16xf32>
            %swap3A_454 = arith.index_cast %add3A_419 : i32 to index
            %swap3A_455 = arith.constant 64 : index
            %swap3A_456 = tpu.vector_load %arg14[%swap3A_454, %swap3A_455] {strides = array<i32>} : memref<80x128xf32, #tpu.memory_space<vmem>>, vector<16xf32>,
            tpu.vector_store %arg14[%swap3A_454, %swap3A_455], %mul3A_453 {strides = array<i32>} : memref<80x128xf32, #tpu.memory_space<vmem>>, vector<16xf32>,
            %get3A_457 = arith.index_cast %add3A_419 : i32 to index
            %get3A_458 = arith.constant 80 : index
            %get3A_459 = tpu.vector_load %arg14[%get3A_457, %get3A_458] {strides = array<i32>} : memref<80x128xf32, #tpu.memory_space<vmem>>, vector<16xf32>,
            %mul3A_460 = arith.mulf %get3A_459, %gather3A_421 : vector<16xf32>
            %swap3A_461 = arith.index_cast %add3A_419 : i32 to index
            %swap3A_462 = arith.constant 80 : index
            %swap3A_463 = tpu.vector_load %arg14[%swap3A_461, %swap3A_462] {strides = array<i32>} : memref<80x128xf32, #tpu.memory_space<vmem>>, vector<16xf32>,
            tpu.vector_store %arg14[%swap3A_461, %swap3A_462], %mul3A_460 {strides = array<i32>} : memref<80x128xf32, #tpu.memory_space<vmem>>, vector<16xf32>,
            %get3A_464 = arith.index_cast %add3A_419 : i32 to index
            %get3A_465 = arith.constant 96 : index
            %get3A_466 = tpu.vector_load %arg14[%get3A_464, %get3A_465] {strides = array<i32>} : memref<80x128xf32, #tpu.memory_space<vmem>>, vector<16xf32>,
            %mul3A_467 = arith.mulf %get3A_466, %gather3A_421 : vector<16xf32>
            %swap3A_468 = arith.index_cast %add3A_419 : i32 to index
            %swap3A_469 = arith.constant 96 : index
            %swap3A_470 = tpu.vector_load %arg14[%swap3A_468, %swap3A_469] {strides = array<i32>} : memref<80x128xf32, #tpu.memory_space<vmem>>, vector<16xf32>,
            tpu.vector_store %arg14[%swap3A_468, %swap3A_469], %mul3A_467 {strides = array<i32>} : memref<80x128xf32, #tpu.memory_space<vmem>>, vector<16xf32>,
            %get3A_471 = arith.index_cast %add3A_419 : i32 to index
            %get3A_472 = arith.constant 112 : index
            %get3A_473 = tpu.vector_load %arg14[%get3A_471, %get3A_472] {strides = array<i32>} : memref<80x128xf32, #tpu.memory_space<vmem>>, vector<16xf32>,
            %mul3A_474 = arith.mulf %get3A_473, %gather3A_421 : vector<16xf32>
            %swap3A_475 = arith.index_cast %add3A_419 : i32 to index
            %swap3A_476 = arith.constant 112 : index
            %swap3A_477 = tpu.vector_load %arg14[%swap3A_475, %swap3A_476] {strides = array<i32>} : memref<80x128xf32, #tpu.memory_space<vmem>>, vector<16xf32>,
            tpu.vector_store %arg14[%swap3A_475, %swap3A_476], %mul3A_474 {strides = array<i32>} : memref<80x128xf32, #tpu.memory_space<vmem>>, vector<16xf32>,
            %mul3A_478 = arith.constant 4 : i32
            %mul3A_479 = arith.muli %scan3A_293, %mul3A_478 : i32
            %add3A_480 = arith.constant 3 : i32
            %add3A_481 = arith.addi %mul3A_479, %add3A_480 : i32
            %broadcast_in_dim3A_482 = vector.broadcast %add3A_481 : i32 to vector<16xi32>
            %gather3A_483 = tpu.vector_load_idx %arg12[%broadcast_in_dim3A_278, %broadcast_in_dim3A_482] : memref<10x80xf32, #tpu.memory_space<vmem>>[vector<16xi32>, vector<16xi32>], vector<16xf32>,
            %get3A_484 = arith.index_cast %add3A_481 : i32 to index
            %get3A_485 = arith.constant 0 : index
            %get3A_486 = tpu.vector_load %arg14[%get3A_484, %get3A_485] {strides = array<i32>} : memref<80x128xf32, #tpu.memory_space<vmem>>, vector<16xf32>,
            %mul3A_487 = arith.mulf %get3A_486, %gather3A_483 : vector<16xf32>
            %swap3A_488 = arith.index_cast %add3A_481 : i32 to index
            %swap3A_489 = arith.constant 0 : index
            %swap3A_490 = tpu.vector_load %arg14[%swap3A_488, %swap3A_489] {strides = array<i32>} : memref<80x128xf32, #tpu.memory_space<vmem>>, vector<16xf32>,
            tpu.vector_store %arg14[%swap3A_488, %swap3A_489], %mul3A_487 {strides = array<i32>} : memref<80x128xf32, #tpu.memory_space<vmem>>, vector<16xf32>,
            %get3A_491 = arith.index_cast %add3A_481 : i32 to index
            %get3A_492 = arith.constant 16 : index
            %get3A_493 = tpu.vector_load %arg14[%get3A_491, %get3A_492] {strides = array<i32>} : memref<80x128xf32, #tpu.memory_space<vmem>>, vector<16xf32>,
            %mul3A_494 = arith.mulf %get3A_493, %gather3A_483 : vector<16xf32>
            %swap3A_495 = arith.index_cast %add3A_481 : i32 to index
            %swap3A_496 = arith.constant 16 : index
            %swap3A_497 = tpu.vector_load %arg14[%swap3A_495, %swap3A_496] {strides = array<i32>} : memref<80x128xf32, #tpu.memory_space<vmem>>, vector<16xf32>,
            tpu.vector_store %arg14[%swap3A_495, %swap3A_496], %mul3A_494 {strides = array<i32>} : memref<80x128xf32, #tpu.memory_space<vmem>>, vector<16xf32>,
            %get3A_498 = arith.index_cast %add3A_481 : i32 to index
            %get3A_499 = arith.constant 32 : index
            %get3A_500 = tpu.vector_load %arg14[%get3A_498, %get3A_499] {strides = array<i32>} : memref<80x128xf32, #tpu.memory_space<vmem>>, vector<16xf32>,
            %mul3A_501 = arith.mulf %get3A_500, %gather3A_483 : vector<16xf32>
            %swap3A_502 = arith.index_cast %add3A_481 : i32 to index
            %swap3A_503 = arith.constant 32 : index
            %swap3A_504 = tpu.vector_load %arg14[%swap3A_502, %swap3A_503] {strides = array<i32>} : memref<80x128xf32, #tpu.memory_space<vmem>>, vector<16xf32>,
            tpu.vector_store %arg14[%swap3A_502, %swap3A_503], %mul3A_501 {strides = array<i32>} : memref<80x128xf32, #tpu.memory_space<vmem>>, vector<16xf32>,
            %get3A_505 = arith.index_cast %add3A_481 : i32 to index
            %get3A_506 = arith.constant 48 : index
            %get3A_507 = tpu.vector_load %arg14[%get3A_505, %get3A_506] {strides = array<i32>} : memref<80x128xf32, #tpu.memory_space<vmem>>, vector<16xf32>,
            %mul3A_508 = arith.mulf %get3A_507, %gather3A_483 : vector<16xf32>
            %swap3A_509 = arith.index_cast %add3A_481 : i32 to index
            %swap3A_510 = arith.constant 48 : index
            %swap3A_511 = tpu.vector_load %arg14[%swap3A_509, %swap3A_510] {strides = array<i32>} : memref<80x128xf32, #tpu.memory_space<vmem>>, vector<16xf32>,
            tpu.vector_store %arg14[%swap3A_509, %swap3A_510], %mul3A_508 {strides = array<i32>} : memref<80x128xf32, #tpu.memory_space<vmem>>, vector<16xf32>,
            %get3A_512 = arith.index_cast %add3A_481 : i32 to index
            %get3A_513 = arith.constant 64 : index
            %get3A_514 = tpu.vector_load %arg14[%get3A_512, %get3A_513] {strides = array<i32>} : memref<80x128xf32, #tpu.memory_space<vmem>>, vector<16xf32>,
            %mul3A_515 = arith.mulf %get3A_514, %gather3A_483 : vector<16xf32>
            %swap3A_516 = arith.index_cast %add3A_481 : i32 to index
            %swap3A_517 = arith.constant 64 : index
            %swap3A_518 = tpu.vector_load %arg14[%swap3A_516, %swap3A_517] {strides = array<i32>} : memref<80x128xf32, #tpu.memory_space<vmem>>, vector<16xf32>,
            tpu.vector_store %arg14[%swap3A_516, %swap3A_517], %mul3A_515 {strides = array<i32>} : memref<80x128xf32, #tpu.memory_space<vmem>>, vector<16xf32>,
            %get3A_519 = arith.index_cast %add3A_481 : i32 to index
            %get3A_520 = arith.constant 80 : index
            %get3A_521 = tpu.vector_load %arg14[%get3A_519, %get3A_520] {strides = array<i32>} : memref<80x128xf32, #tpu.memory_space<vmem>>, vector<16xf32>,
            %mul3A_522 = arith.mulf %get3A_521, %gather3A_483 : vector<16xf32>
            %swap3A_523 = arith.index_cast %add3A_481 : i32 to index
            %swap3A_524 = arith.constant 80 : index
            %swap3A_525 = tpu.vector_load %arg14[%swap3A_523, %swap3A_524] {strides = array<i32>} : memref<80x128xf32, #tpu.memory_space<vmem>>, vector<16xf32>,
            tpu.vector_store %arg14[%swap3A_523, %swap3A_524], %mul3A_522 {strides = array<i32>} : memref<80x128xf32, #tpu.memory_space<vmem>>, vector<16xf32>,
            %get3A_526 = arith.index_cast %add3A_481 : i32 to index
            %get3A_527 = arith.constant 96 : index
            %get3A_528 = tpu.vector_load %arg14[%get3A_526, %get3A_527] {strides = array<i32>} : memref<80x128xf32, #tpu.memory_space<vmem>>, vector<16xf32>,
            %mul3A_529 = arith.mulf %get3A_528, %gather3A_483 : vector<16xf32>
            %swap3A_530 = arith.index_cast %add3A_481 : i32 to index
            %swap3A_531 = arith.constant 96 : index
            %swap3A_532 = tpu.vector_load %arg14[%swap3A_530, %swap3A_531] {strides = array<i32>} : memref<80x128xf32, #tpu.memory_space<vmem>>, vector<16xf32>,
            tpu.vector_store %arg14[%swap3A_530, %swap3A_531], %mul3A_529 {strides = array<i32>} : memref<80x128xf32, #tpu.memory_space<vmem>>, vector<16xf32>,
            %get3A_533 = arith.index_cast %add3A_481 : i32 to index
            %get3A_534 = arith.constant 112 : index
            %get3A_535 = tpu.vector_load %arg14[%get3A_533, %get3A_534] {strides = array<i32>} : memref<80x128xf32, #tpu.memory_space<vmem>>, vector<16xf32>,
            %mul3A_536 = arith.mulf %get3A_535, %gather3A_483 : vector<16xf32>
            %swap3A_537 = arith.index_cast %add3A_481 : i32 to index
            %swap3A_538 = arith.constant 112 : index
            %swap3A_539 = tpu.vector_load %arg14[%swap3A_537, %swap3A_538] {strides = array<i32>} : memref<80x128xf32, #tpu.memory_space<vmem>>, vector<16xf32>,
            tpu.vector_store %arg14[%swap3A_537, %swap3A_538], %mul3A_536 {strides = array<i32>} : memref<80x128xf32, #tpu.memory_space<vmem>>, vector<16xf32>,
            %scan3A_540 = arith.constant 0 : i32
            scf.yield %scan3A_540 : i32
          }
          %scan3A_285 = arith.constant 20 : i32
          %dma_start3A_286 = arith.constant 0 : i32
          %dma_start3A_287 = tpu.memref_slice %arg10[%add3A_259, %dma_start3A_286] : memref<10x80xi32, #tpu.memory_space<vmem>> -> memref<1x80xi32, #tpu.memory_space<vmem>>
          %dma_start3A_288 = tpu.memref_squeeze %dma_start3A_287 : memref<1x80xi32, #tpu.memory_space<vmem>> -> memref<80xi32, #tpu.memory_space<vmem>>
          %dma_start3A_289 = arith.constant 0 : i32
          %dma_start3A_290 = arith.constant 0 : i32
          %dma_start3A_291 = tpu.memref_slice %arg15[%dma_start3A_289, %dma_start3A_290] : memref<10240x128xf32, #tpu.memory_space<vmem_shared>> -> memref<10240x128xf32, #tpu.memory_space<vmem_shared>>
          tpu.enqueue_indirect_dma source(%arg14 : memref<80x128xf32, #tpu.memory_space<vmem>>) target(%dma_start3A_291 : memref<10240x128xf32, #tpu.memory_space<vmem_shared>>) offsets(%dma_start3A_288 : memref<80xi32, #tpu.memory_space<vmem>>) semaphore(%arg19 : memref<!tpu.dma_semaphore, #tpu.memory_space<semaphore_mem>>) {add = true}
          %scan3A_292 = arith.constant 0 : i32
          scf.yield %scan3A_292 : i32
        }
        %scan3A_203 = arith.constant 5 : i32
        %dma_wait3A_204 = arith.constant 9 : i32
        %dma_wait3A_205 = arith.constant 0 : i32
        %dma_wait3A_206 = tpu.memref_slice %arg10[%dma_wait3A_204, %dma_wait3A_205] : memref<10x80xi32, #tpu.memory_space<vmem>> -> memref<1x80xi32, #tpu.memory_space<vmem>>
        %dma_wait3A_207 = tpu.memref_squeeze %dma_wait3A_206 : memref<1x80xi32, #tpu.memory_space<vmem>> -> memref<80xi32, #tpu.memory_space<vmem>>
        %dma_wait3A_208 = arith.constant 0 : i32
        %dma_wait3A_209 = arith.constant 0 : i32
        %dma_wait3A_210 = tpu.memref_slice %arg15[%dma_wait3A_208, %dma_wait3A_209] : memref<10240x128xf32, #tpu.memory_space<vmem_shared>> -> memref<10240x128xf32, #tpu.memory_space<vmem_shared>>
        tpu.wait_indirect_dma semaphore(%arg19 : memref<!tpu.dma_semaphore, #tpu.memory_space<semaphore_mem>>) src(%arg14 : memref<80x128xf32, #tpu.memory_space<vmem>>) dst(%dma_wait3A_210 : memref<10240x128xf32, #tpu.memory_space<vmem_shared>>)
        %add3A_211 = arith.constant 1 : i32
        %add3A_212 = arith.addi %scan3A_170, %add3A_211 : i32
        %lt3A_213 = arith.constant 25 : i32
        %lt3A_214 = arith.cmpi slt, %add3A_212, %lt3A_213 : i32
        %convert_element_type3A_215 = arith.extui %lt3A_214 : i1 to i32
        %cond3A_216 = arith.constant 0 : i32
        %cond3A_217 = arith.cmpi ne, %convert_element_type3A_215, %cond3A_216 : i32
        scf.if %cond3A_217 {
          %add3A_218 = arith.constant 1 : i32
          %add3A_219 = arith.addi %scan3A_170, %add3A_218 : i32
          %dma_wait3A_220 = arith.constant 0 : i32
          %dma_wait3A_221 = arith.constant 0 : i32
          %dma_wait3A_222 = tpu.memref_slice %arg3[%arg1, %add3A_219, %dma_wait3A_220, %dma_wait3A_221] : memref<16x25x10x80xi32, #tpu.memory_space<hbm>> -> memref<1x1x10x80xi32, #tpu.memory_space<hbm>>
          %dma_wait3A_223 = tpu.memref_squeeze %dma_wait3A_222 : memref<1x1x10x80xi32, #tpu.memory_space<hbm>> -> memref<10x80xi32, #tpu.memory_space<hbm>>
          %dma_wait3A_224 = arith.constant 0 : i32
          %dma_wait3A_225 = arith.constant 0 : i32
          %dma_wait3A_226 = tpu.memref_slice %arg3[%arg1, %add3A_219, %dma_wait3A_224, %dma_wait3A_225] : memref<16x25x10x80xi32, #tpu.memory_space<hbm>> -> memref<1x1x10x80xi32, #tpu.memory_space<hbm>>
          %dma_wait3A_227 = tpu.memref_squeeze %dma_wait3A_226 : memref<1x1x10x80xi32, #tpu.memory_space<hbm>> -> memref<10x80xi32, #tpu.memory_space<hbm>>
          tpu.wait_dma2 semaphore(%arg20 : memref<!tpu.dma_semaphore, #tpu.memory_space<semaphore_mem>>) src(%dma_wait3A_227 : memref<10x80xi32, #tpu.memory_space<hbm>>) dst(%arg7 : memref<10x80xi32, #tpu.memory_space<vmem>>)
          %dma_wait3A_228 = arith.constant 0 : i32
          %dma_wait3A_229 = arith.constant 0 : i32
          %dma_wait3A_230 = tpu.memref_slice %arg4[%arg1, %add3A_219, %dma_wait3A_228, %dma_wait3A_229] : memref<16x25x10x80xi32, #tpu.memory_space<hbm>> -> memref<1x1x10x80xi32, #tpu.memory_space<hbm>>
          %dma_wait3A_231 = tpu.memref_squeeze %dma_wait3A_230 : memref<1x1x10x80xi32, #tpu.memory_space<hbm>> -> memref<10x80xi32, #tpu.memory_space<hbm>>
          %dma_wait3A_232 = arith.constant 0 : i32
          %dma_wait3A_233 = arith.constant 0 : i32
          %dma_wait3A_234 = tpu.memref_slice %arg4[%arg1, %add3A_219, %dma_wait3A_232, %dma_wait3A_233] : memref<16x25x10x80xi32, #tpu.memory_space<hbm>> -> memref<1x1x10x80xi32, #tpu.memory_space<hbm>>
          %dma_wait3A_235 = tpu.memref_squeeze %dma_wait3A_234 : memref<1x1x10x80xi32, #tpu.memory_space<hbm>> -> memref<10x80xi32, #tpu.memory_space<hbm>>
          tpu.wait_dma2 semaphore(%arg20 : memref<!tpu.dma_semaphore, #tpu.memory_space<semaphore_mem>>) src(%dma_wait3A_235 : memref<10x80xi32, #tpu.memory_space<hbm>>) dst(%arg9 : memref<10x80xi32, #tpu.memory_space<vmem>>)
          %dma_wait3A_236 = arith.constant 0 : i32
          %dma_wait3A_237 = arith.constant 0 : i32
          %dma_wait3A_238 = tpu.memref_slice %arg5[%arg1, %add3A_219, %dma_wait3A_236, %dma_wait3A_237] : memref<16x25x10x80xf32, #tpu.memory_space<hbm>> -> memref<1x1x10x80xf32, #tpu.memory_space<hbm>>
          %dma_wait3A_239 = tpu.memref_squeeze %dma_wait3A_238 : memref<1x1x10x80xf32, #tpu.memory_space<hbm>> -> memref<10x80xf32, #tpu.memory_space<hbm>>
          %dma_wait3A_240 = arith.constant 0 : i32
          %dma_wait3A_241 = arith.constant 0 : i32
          %dma_wait3A_242 = tpu.memref_slice %arg5[%arg1, %add3A_219, %dma_wait3A_240, %dma_wait3A_241] : memref<16x25x10x80xf32, #tpu.memory_space<hbm>> -> memref<1x1x10x80xf32, #tpu.memory_space<hbm>>
          %dma_wait3A_243 = tpu.memref_squeeze %dma_wait3A_242 : memref<1x1x10x80xf32, #tpu.memory_space<hbm>> -> memref<10x80xf32, #tpu.memory_space<hbm>>
          tpu.wait_dma2 semaphore(%arg20 : memref<!tpu.dma_semaphore, #tpu.memory_space<semaphore_mem>>) src(%dma_wait3A_243 : memref<10x80xf32, #tpu.memory_space<hbm>>) dst(%arg11 : memref<10x80xf32, #tpu.memory_space<vmem>>)
          %dma_start3A_244 = arith.constant 0 : i32
          %dma_start3A_245 = arith.constant 0 : i32
          %dma_start3A_246 = tpu.memref_slice %arg7[%dma_start3A_244, %dma_start3A_245] : memref<10x80xi32, #tpu.memory_space<vmem>> -> memref<1x80xi32, #tpu.memory_space<vmem>>
          %dma_start3A_247 = tpu.memref_squeeze %dma_start3A_246 : memref<1x80xi32, #tpu.memory_space<vmem>> -> memref<80xi32, #tpu.memory_space<vmem>>
          %dma_start3A_248 = arith.constant 0 : i32
          %dma_start3A_249 = arith.constant 0 : i32
          %dma_start3A_250 = tpu.memref_slice %arg2[%dma_start3A_248, %dma_start3A_249] : memref<10000x128xf32, #tpu.memory_space<hbm>> -> memref<10000x128xf32, #tpu.memory_space<hbm>>
          tpu.enqueue_indirect_dma source(%dma_start3A_250 : memref<10000x128xf32, #tpu.memory_space<hbm>>) target(%arg13 : memref<80x128xf32, #tpu.memory_space<vmem>>) offsets(%dma_start3A_247 : memref<80xi32, #tpu.memory_space<vmem>>) semaphore(%arg16 : memref<!tpu.dma_semaphore, #tpu.memory_space<semaphore_mem>>)
        } else {
        }
      } else {
      }
      %scan3A_189 = arith.constant 0 : i32
      scf.yield %scan3A_189 : i32
    }
    %scan3A_168 = arith.constant 25 : i32
    %barrier3A_169 = arith.constant 0 : index
    tpu.barrier barrier_id(%barrier3A_169)
    "tpu.region"() ({
      %run_scoped3A = tpu.sem_alloc : memref<!tpu.dma_semaphore, #tpu.memory_space<semaphore_mem>>
      %dma_start3A_170 = arith.constant 0 : i32
      %dma_start3A_171 = tpu.memref_slice %arg6[%mul3A_7, %dma_start3A_170] : memref<10240x128xf32, #tpu.memory_space<hbm>> -> memref<640x128xf32, #tpu.memory_space<hbm>>
      %dma_start3A_172 = arith.constant 0 : i32
      %dma_start3A_173 = tpu.memref_slice %arg15[%mul3A_7, %dma_start3A_172] : memref<10240x128xf32, #tpu.memory_space<vmem_shared>> -> memref<640x128xf32, #tpu.memory_space<vmem_shared>>
      tpu.enqueue_dma source(%dma_start3A_173 : memref<640x128xf32, #tpu.memory_space<vmem_shared>>) target(%dma_start3A_171 : memref<640x128xf32, #tpu.memory_space<hbm>>) target_semaphore(%run_scoped3A : memref<!tpu.dma_semaphore, #tpu.memory_space<semaphore_mem>>)
      %dma_wait3A_174 = arith.constant 0 : i32
      %dma_wait3A_175 = tpu.memref_slice %arg6[%mul3A_7, %dma_wait3A_174] : memref<10240x128xf32, #tpu.memory_space<hbm>> -> memref<640x128xf32, #tpu.memory_space<hbm>>
      %dma_wait3A_176 = arith.constant 0 : i32
      %dma_wait3A_177 = tpu.memref_slice %arg15[%mul3A_7, %dma_wait3A_176] : memref<10240x128xf32, #tpu.memory_space<vmem_shared>> -> memref<640x128xf32, #tpu.memory_space<vmem_shared>>
      tpu.wait_dma2 semaphore(%run_scoped3A : memref<!tpu.dma_semaphore, #tpu.memory_space<semaphore_mem>>) src(%dma_wait3A_177 : memref<640x128xf32, #tpu.memory_space<vmem_shared>>) dst(%dma_wait3A_175 : memref<640x128xf32, #tpu.memory_space<hbm>>)
      tpu.yield
    }) : () -> ()
    return
  }
}

#map = affine_map<(d0, d1) -> (0)>
#map1 = affine_map<(d0, d1) -> (0, 0)>
module attributes {stable_mosaic.version = 14 : i64} {
  func.func @_sca_body(%arg0: i32, %arg1: i32, %arg2: memref<10000xf32, #tpu.memory_space<hbm>>, %arg3: memref<10000xf32, #tpu.memory_space<hbm>>, %arg4: memref<32x10000xi32, #tpu.memory_space<hbm>>, %arg5: memref<32x10000xi32, #tpu.memory_space<hbm>>, %arg6: memref<32x10000xf32, #tpu.memory_space<hbm>>, %arg7: memref<32x10240xf32, #tpu.memory_space<hbm>>, %arg8: memref<10000xf32, #tpu.memory_space<vmem>>, %arg9: memref<10000xf32, #tpu.memory_space<vmem>>, %arg10: memref<10000xi32, #tpu.memory_space<vmem>>, %arg11: memref<10000xi32, #tpu.memory_space<vmem>>, %arg12: memref<10000xf32, #tpu.memory_space<vmem>>, %arg13: memref<10240xf32, #tpu.memory_space<vmem>>, %arg14: memref<!tpu.dma_semaphore, #tpu.memory_space<semaphore_mem>>) attributes {dimension_semantics = [#tpu.dimension_semantics<core_parallel>, #tpu.dimension_semantics<subcore_parallel>], iteration_bounds = array<i64: 2, 16>, scalar_prefetch = 0 : i64, scratch_operands = 7 : i64, tpu.core_type = #tpu.core_type<sc_vector_subcore>, window_params = [{transform_indices = #map}, {transform_indices = #map}, {transform_indices = #map1}, {transform_indices = #map1}, {transform_indices = #map1}, {transform_indices = #map1}]} {
    %mul3A = arith.constant 2 : i32
    %mul3A_0 = arith.muli %arg1, %mul3A : i32
    %add3A = arith.addi %mul3A_0, %arg0 : i32
    tpu.enqueue_dma source(%arg2 : memref<10000xf32, #tpu.memory_space<hbm>>) target(%arg8 : memref<10000xf32, #tpu.memory_space<vmem>>) target_semaphore(%arg14 : memref<!tpu.dma_semaphore, #tpu.memory_space<semaphore_mem>>)
    tpu.enqueue_dma source(%arg3 : memref<10000xf32, #tpu.memory_space<hbm>>) target(%arg9 : memref<10000xf32, #tpu.memory_space<vmem>>) target_semaphore(%arg14 : memref<!tpu.dma_semaphore, #tpu.memory_space<semaphore_mem>>)
    %dma_start3A = arith.constant 0 : i32
    %dma_start3A_1 = tpu.memref_slice %arg4[%add3A, %dma_start3A] : memref<32x10000xi32, #tpu.memory_space<hbm>> -> memref<1x10000xi32, #tpu.memory_space<hbm>>
    %dma_start3A_2 = tpu.memref_squeeze %dma_start3A_1 : memref<1x10000xi32, #tpu.memory_space<hbm>> -> memref<10000xi32, #tpu.memory_space<hbm>>
    %dma_start3A_3 = arith.constant 0 : i32
    %dma_start3A_4 = tpu.memref_slice %arg4[%add3A, %dma_start3A_3] : memref<32x10000xi32, #tpu.memory_space<hbm>> -> memref<1x10000xi32, #tpu.memory_space<hbm>>
    %dma_start3A_5 = tpu.memref_squeeze %dma_start3A_4 : memref<1x10000xi32, #tpu.memory_space<hbm>> -> memref<10000xi32, #tpu.memory_space<hbm>>
    tpu.enqueue_dma source(%dma_start3A_5 : memref<10000xi32, #tpu.memory_space<hbm>>) target(%arg10 : memref<10000xi32, #tpu.memory_space<vmem>>) target_semaphore(%arg14 : memref<!tpu.dma_semaphore, #tpu.memory_space<semaphore_mem>>)
    %dma_start3A_6 = arith.constant 0 : i32
    %dma_start3A_7 = tpu.memref_slice %arg5[%add3A, %dma_start3A_6] : memref<32x10000xi32, #tpu.memory_space<hbm>> -> memref<1x10000xi32, #tpu.memory_space<hbm>>
    %dma_start3A_8 = tpu.memref_squeeze %dma_start3A_7 : memref<1x10000xi32, #tpu.memory_space<hbm>> -> memref<10000xi32, #tpu.memory_space<hbm>>
    %dma_start3A_9 = arith.constant 0 : i32
    %dma_start3A_10 = tpu.memref_slice %arg5[%add3A, %dma_start3A_9] : memref<32x10000xi32, #tpu.memory_space<hbm>> -> memref<1x10000xi32, #tpu.memory_space<hbm>>
    %dma_start3A_11 = tpu.memref_squeeze %dma_start3A_10 : memref<1x10000xi32, #tpu.memory_space<hbm>> -> memref<10000xi32, #tpu.memory_space<hbm>>
    tpu.enqueue_dma source(%dma_start3A_11 : memref<10000xi32, #tpu.memory_space<hbm>>) target(%arg11 : memref<10000xi32, #tpu.memory_space<vmem>>) target_semaphore(%arg14 : memref<!tpu.dma_semaphore, #tpu.memory_space<semaphore_mem>>)
    %broadcast_in_dim3A = arith.constant 0.000000e+00 : f32
    %broadcast_in_dim3A_12 = vector.broadcast %broadcast_in_dim3A : f32 to vector<16xf32>
    %scan3A = arith.constant 0 : i32
    %scan3A_13 = arith.constant 0 : i32
    %scan3A_14 = arith.constant 640 : i32
    %scan3A_15 = arith.addi %scan3A_13, %scan3A_14 : i32
    %scan3A_16 = arith.constant 1 : i32
    %scan3A_17 = scf.for %scan3A_61 = %scan3A_13 to %scan3A_15 step %scan3A_16 iter_args(%scan3A_62 = %scan3A) -> (i32)  : i32 {
      %mul3A_63 = arith.constant 16 : i32
      %mul3A_64 = arith.muli %scan3A_61, %mul3A_63 : i32
      %swap3A = arith.index_cast %mul3A_64 : i32 to index
      %swap3A_65 = tpu.vector_load %arg13[%swap3A] {strides = array<i32>} : memref<10240xf32, #tpu.memory_space<vmem>>, vector<16xf32>,
      tpu.vector_store %arg13[%swap3A], %broadcast_in_dim3A_12 {strides = array<i32>} : memref<10240xf32, #tpu.memory_space<vmem>>, vector<16xf32>,
      %scan3A_66 = arith.constant 0 : i32
      scf.yield %scan3A_66 : i32
    }
    %scan3A_18 = arith.constant 640 : i32
    tpu.wait_dma2 semaphore(%arg14 : memref<!tpu.dma_semaphore, #tpu.memory_space<semaphore_mem>>) src(%arg2 : memref<10000xf32, #tpu.memory_space<hbm>>) dst(%arg8 : memref<10000xf32, #tpu.memory_space<vmem>>)
    tpu.wait_dma2 semaphore(%arg14 : memref<!tpu.dma_semaphore, #tpu.memory_space<semaphore_mem>>) src(%arg3 : memref<10000xf32, #tpu.memory_space<hbm>>) dst(%arg9 : memref<10000xf32, #tpu.memory_space<vmem>>)
    %dma_wait3A = arith.constant 0 : i32
    %dma_wait3A_19 = tpu.memref_slice %arg4[%add3A, %dma_wait3A] : memref<32x10000xi32, #tpu.memory_space<hbm>> -> memref<1x10000xi32, #tpu.memory_space<hbm>>
    %dma_wait3A_20 = tpu.memref_squeeze %dma_wait3A_19 : memref<1x10000xi32, #tpu.memory_space<hbm>> -> memref<10000xi32, #tpu.memory_space<hbm>>
    %dma_wait3A_21 = arith.constant 0 : i32
    %dma_wait3A_22 = tpu.memref_slice %arg4[%add3A, %dma_wait3A_21] : memref<32x10000xi32, #tpu.memory_space<hbm>> -> memref<1x10000xi32, #tpu.memory_space<hbm>>
    %dma_wait3A_23 = tpu.memref_squeeze %dma_wait3A_22 : memref<1x10000xi32, #tpu.memory_space<hbm>> -> memref<10000xi32, #tpu.memory_space<hbm>>
    tpu.wait_dma2 semaphore(%arg14 : memref<!tpu.dma_semaphore, #tpu.memory_space<semaphore_mem>>) src(%dma_wait3A_23 : memref<10000xi32, #tpu.memory_space<hbm>>) dst(%arg10 : memref<10000xi32, #tpu.memory_space<vmem>>)
    %dma_wait3A_24 = arith.constant 0 : i32
    %dma_wait3A_25 = tpu.memref_slice %arg5[%add3A, %dma_wait3A_24] : memref<32x10000xi32, #tpu.memory_space<hbm>> -> memref<1x10000xi32, #tpu.memory_space<hbm>>
    %dma_wait3A_26 = tpu.memref_squeeze %dma_wait3A_25 : memref<1x10000xi32, #tpu.memory_space<hbm>> -> memref<10000xi32, #tpu.memory_space<hbm>>
    %dma_wait3A_27 = arith.constant 0 : i32
    %dma_wait3A_28 = tpu.memref_slice %arg5[%add3A, %dma_wait3A_27] : memref<32x10000xi32, #tpu.memory_space<hbm>> -> memref<1x10000xi32, #tpu.memory_space<hbm>>
    %dma_wait3A_29 = tpu.memref_squeeze %dma_wait3A_28 : memref<1x10000xi32, #tpu.memory_space<hbm>> -> memref<10000xi32, #tpu.memory_space<hbm>>
    tpu.wait_dma2 semaphore(%arg14 : memref<!tpu.dma_semaphore, #tpu.memory_space<semaphore_mem>>) src(%dma_wait3A_29 : memref<10000xi32, #tpu.memory_space<hbm>>) dst(%arg11 : memref<10000xi32, #tpu.memory_space<vmem>>)
    %scan3A_30 = arith.constant 0 : i32
    %scan3A_31 = arith.constant 0 : i32
    %scan3A_32 = arith.constant 625 : i32
    %scan3A_33 = arith.addi %scan3A_31, %scan3A_32 : i32
    %scan3A_34 = arith.constant 1 : i32
    %scan3A_35 = scf.for %scan3A_61 = %scan3A_31 to %scan3A_33 step %scan3A_34 iter_args(%scan3A_62 = %scan3A_30) -> (i32)  : i32 {
      %mul3A_63 = arith.constant 16 : i32
      %mul3A_64 = arith.muli %scan3A_61, %mul3A_63 : i32
      %get3A = arith.index_cast %mul3A_64 : i32 to index
      %get3A_65 = tpu.vector_load %arg10[%get3A] {strides = array<i32>} : memref<10000xi32, #tpu.memory_space<vmem>>, vector<16xi32>,
      %get3A_66 = arith.index_cast %mul3A_64 : i32 to index
      %get3A_67 = tpu.vector_load %arg11[%get3A_66] {strides = array<i32>} : memref<10000xi32, #tpu.memory_space<vmem>>, vector<16xi32>,
      %gather3A = tpu.vector_load_idx %arg8[%get3A_65] : memref<10000xf32, #tpu.memory_space<vmem>>[vector<16xi32>], vector<16xf32>,
      %gather3A_68 = tpu.vector_load_idx %arg9[%get3A_67] : memref<10000xf32, #tpu.memory_space<vmem>>[vector<16xi32>], vector<16xf32>,
      %add3A_69 = arith.addf %gather3A, %gather3A_68 : vector<16xf32>
      %ge3A = arith.constant 0.000000e+00 : f32
      %ge3A_70 = vector.broadcast %ge3A : f32 to vector<16xf32>
      %ge3A_71 = arith.cmpf oge, %add3A_69, %ge3A_70 : vector<16xf32>
      %mul3A_72 = arith.constant 2.000000e-01 : f32
      %mul3A_73 = vector.broadcast %mul3A_72 : f32 to vector<16xf32>
      %mul3A_74 = arith.mulf %mul3A_73, %add3A_69 : vector<16xf32>
      %select_n3A = arith.select %ge3A_71, %add3A_69, %mul3A_74 : vector<16xi1>, vector<16xf32>
      %exp3A = math.exp %select_n3A : vector<16xf32>
      %swap3A = arith.index_cast %mul3A_64 : i32 to index
      %swap3A_75 = tpu.vector_load %arg12[%swap3A] {strides = array<i32>} : memref<10000xf32, #tpu.memory_space<vmem>>, vector<16xf32>,
      tpu.vector_store %arg12[%swap3A], %exp3A {strides = array<i32>} : memref<10000xf32, #tpu.memory_space<vmem>>, vector<16xf32>,
      tpu.vector_store_idx %arg13[%get3A_67], %exp3A {add = true} : memref<10240xf32, #tpu.memory_space<vmem>>[vector<16xi32>], vector<16xf32>,
      %scan3A_76 = arith.constant 0 : i32
      scf.yield %scan3A_76 : i32
    }
    %scan3A_36 = arith.constant 625 : i32
    %dma_start3A_37 = arith.constant 0 : i32
    %dma_start3A_38 = tpu.memref_slice %arg6[%add3A, %dma_start3A_37] : memref<32x10000xf32, #tpu.memory_space<hbm>> -> memref<1x10000xf32, #tpu.memory_space<hbm>>
    %dma_start3A_39 = tpu.memref_squeeze %dma_start3A_38 : memref<1x10000xf32, #tpu.memory_space<hbm>> -> memref<10000xf32, #tpu.memory_space<hbm>>
    %dma_start3A_40 = arith.constant 0 : i32
    %dma_start3A_41 = tpu.memref_slice %arg6[%add3A, %dma_start3A_40] : memref<32x10000xf32, #tpu.memory_space<hbm>> -> memref<1x10000xf32, #tpu.memory_space<hbm>>
    %dma_start3A_42 = tpu.memref_squeeze %dma_start3A_41 : memref<1x10000xf32, #tpu.memory_space<hbm>> -> memref<10000xf32, #tpu.memory_space<hbm>>
    tpu.enqueue_dma source(%arg12 : memref<10000xf32, #tpu.memory_space<vmem>>) target(%dma_start3A_42 : memref<10000xf32, #tpu.memory_space<hbm>>) target_semaphore(%arg14 : memref<!tpu.dma_semaphore, #tpu.memory_space<semaphore_mem>>)
    %dma_start3A_43 = arith.constant 0 : i32
    %dma_start3A_44 = tpu.memref_slice %arg7[%add3A, %dma_start3A_43] : memref<32x10240xf32, #tpu.memory_space<hbm>> -> memref<1x10240xf32, #tpu.memory_space<hbm>>
    %dma_start3A_45 = tpu.memref_squeeze %dma_start3A_44 : memref<1x10240xf32, #tpu.memory_space<hbm>> -> memref<10240xf32, #tpu.memory_space<hbm>>
    %dma_start3A_46 = arith.constant 0 : i32
    %dma_start3A_47 = tpu.memref_slice %arg7[%add3A, %dma_start3A_46] : memref<32x10240xf32, #tpu.memory_space<hbm>> -> memref<1x10240xf32, #tpu.memory_space<hbm>>
    %dma_start3A_48 = tpu.memref_squeeze %dma_start3A_47 : memref<1x10240xf32, #tpu.memory_space<hbm>> -> memref<10240xf32, #tpu.memory_space<hbm>>
    tpu.enqueue_dma source(%arg13 : memref<10240xf32, #tpu.memory_space<vmem>>) target(%dma_start3A_48 : memref<10240xf32, #tpu.memory_space<hbm>>) target_semaphore(%arg14 : memref<!tpu.dma_semaphore, #tpu.memory_space<semaphore_mem>>)
    %dma_wait3A_49 = arith.constant 0 : i32
    %dma_wait3A_50 = tpu.memref_slice %arg6[%add3A, %dma_wait3A_49] : memref<32x10000xf32, #tpu.memory_space<hbm>> -> memref<1x10000xf32, #tpu.memory_space<hbm>>
    %dma_wait3A_51 = tpu.memref_squeeze %dma_wait3A_50 : memref<1x10000xf32, #tpu.memory_space<hbm>> -> memref<10000xf32, #tpu.memory_space<hbm>>
    %dma_wait3A_52 = arith.constant 0 : i32
    %dma_wait3A_53 = tpu.memref_slice %arg6[%add3A, %dma_wait3A_52] : memref<32x10000xf32, #tpu.memory_space<hbm>> -> memref<1x10000xf32, #tpu.memory_space<hbm>>
    %dma_wait3A_54 = tpu.memref_squeeze %dma_wait3A_53 : memref<1x10000xf32, #tpu.memory_space<hbm>> -> memref<10000xf32, #tpu.memory_space<hbm>>
    tpu.wait_dma2 semaphore(%arg14 : memref<!tpu.dma_semaphore, #tpu.memory_space<semaphore_mem>>) src(%arg12 : memref<10000xf32, #tpu.memory_space<vmem>>) dst(%dma_wait3A_54 : memref<10000xf32, #tpu.memory_space<hbm>>)
    %dma_wait3A_55 = arith.constant 0 : i32
    %dma_wait3A_56 = tpu.memref_slice %arg7[%add3A, %dma_wait3A_55] : memref<32x10240xf32, #tpu.memory_space<hbm>> -> memref<1x10240xf32, #tpu.memory_space<hbm>>
    %dma_wait3A_57 = tpu.memref_squeeze %dma_wait3A_56 : memref<1x10240xf32, #tpu.memory_space<hbm>> -> memref<10240xf32, #tpu.memory_space<hbm>>
    %dma_wait3A_58 = arith.constant 0 : i32
    %dma_wait3A_59 = tpu.memref_slice %arg7[%add3A, %dma_wait3A_58] : memref<32x10240xf32, #tpu.memory_space<hbm>> -> memref<1x10240xf32, #tpu.memory_space<hbm>>
    %dma_wait3A_60 = tpu.memref_squeeze %dma_wait3A_59 : memref<1x10240xf32, #tpu.memory_space<hbm>> -> memref<10240xf32, #tpu.memory_space<hbm>>
    tpu.wait_dma2 semaphore(%arg14 : memref<!tpu.dma_semaphore, #tpu.memory_space<semaphore_mem>>) src(%arg13 : memref<10240xf32, #tpu.memory_space<vmem>>) dst(%dma_wait3A_60 : memref<10240xf32, #tpu.memory_space<hbm>>)
    return
  }
}

module attributes {stable_mosaic.version = 14 : i64} {
  func.func @_tc1_body(%arg0: memref<10000x128xf32, #tpu.memory_space<vmem>>, %arg1: memref<10000x128xf32, #tpu.memory_space<vmem>>, %arg2: memref<128x128xf32, #tpu.memory_space<vmem>>, %arg3: memref<128x128xf32, #tpu.memory_space<vmem>>, %arg4: memref<128xf32, #tpu.memory_space<vmem>>, %arg5: memref<128xf32, #tpu.memory_space<vmem>>, %arg6: memref<128xf32, #tpu.memory_space<vmem>>, %arg7: memref<10000x128xf32, #tpu.memory_space<vmem>>, %arg8: memref<10000xf32, #tpu.memory_space<vmem>>, %arg9: memref<10000xf32, #tpu.memory_space<vmem>>, %arg10: memref<10000xf32, #tpu.memory_space<vmem>>) attributes {dimension_semantics = [], scalar_prefetch = 0 : i64, scratch_operands = 0 : i64, tpu.core_type = #tpu.core_type<tc>} {
    %get3A = arith.constant 0 : index
    %get3A_0 = arith.constant 0 : index
    %get3A_1 = vector.load %arg0[%get3A, %get3A_0] : memref<10000x128xf32, #tpu.memory_space<vmem>>, vector<10000x128xf32>
    %get3A_2 = arith.constant 0 : index
    %get3A_3 = arith.constant 0 : index
    %get3A_4 = vector.load %arg2[%get3A_2, %get3A_3] : memref<128x128xf32, #tpu.memory_space<vmem>>, vector<128x128xf32>
    %dot_general3A = arith.constant dense<0.000000e+00> : vector<10000x128xf32>
    %dot_general3A_5 = tpu.matmul %get3A_1, %get3A_4, %dot_general3A {dimension_numbers = #tpu.dot_dimension_numbers<[1], [0], [0], [1], [0, 0, 1, 1], [], []>, precision = #tpu.contract_precision<fp32>, transpose_lhs_hint = false} : vector<10000x128xf32>, vector<128x128xf32>, vector<10000x128xf32> -> vector<10000x128xf32>
    %swap3A = arith.constant 0 : index
    %swap3A_6 = arith.constant 0 : index
    %swap3A_7 = vector.load %arg7[%swap3A, %swap3A_6] : memref<10000x128xf32, #tpu.memory_space<vmem>>, vector<10000x128xf32>
    tpu.vector_store %arg7[%swap3A, %swap3A_6], %dot_general3A_5 {strides = array<i32>} : memref<10000x128xf32, #tpu.memory_space<vmem>>, vector<10000x128xf32>,
    %get3A_8 = arith.constant 0 : index
    %get3A_9 = vector.load %arg4[%get3A_8] : memref<128xf32, #tpu.memory_space<vmem>>, vector<128xf32>
    %broadcast_in_dim3A = vector.shape_cast %get3A_9 : vector<128xf32> to vector<1x128xf32>
    %mul3A = vector.broadcast %broadcast_in_dim3A : vector<1x128xf32> to vector<10000x128xf32>
    %mul3A_10 = arith.mulf %dot_general3A_5, %mul3A : vector<10000x128xf32>
    %reduce_sum3A = arith.constant dense<0.000000e+00> : vector<10000xf32>
    %reduce_sum3A_11 = vector.multi_reduction <add>, %mul3A_10, %reduce_sum3A [1] : vector<10000x128xf32> to vector<10000xf32>
    %swap3A_12 = arith.constant 0 : index
    %swap3A_13 = vector.load %arg8[%swap3A_12] : memref<10000xf32, #tpu.memory_space<vmem>>, vector<10000xf32>
    tpu.vector_store %arg8[%swap3A_12], %reduce_sum3A_11 {strides = array<i32>} : memref<10000xf32, #tpu.memory_space<vmem>>, vector<10000xf32>,
    %get3A_14 = arith.constant 0 : index
    %get3A_15 = arith.constant 0 : index
    %get3A_16 = vector.load %arg3[%get3A_14, %get3A_15] : memref<128x128xf32, #tpu.memory_space<vmem>>, vector<128x128xf32>
    %get3A_17 = arith.constant 0 : index
    %get3A_18 = vector.load %arg5[%get3A_17] : memref<128xf32, #tpu.memory_space<vmem>>, vector<128xf32>
    %broadcast_in_dim3A_19 = vector.shape_cast %get3A_18 : vector<128xf32> to vector<1x128xf32>
    %mul3A_20 = vector.broadcast %broadcast_in_dim3A_19 : vector<1x128xf32> to vector<128x128xf32>
    %mul3A_21 = arith.mulf %get3A_16, %mul3A_20 : vector<128x128xf32>
    %reduce_sum3A_22 = arith.constant dense<0.000000e+00> : vector<128xf32>
    %reduce_sum3A_23 = vector.multi_reduction <add>, %mul3A_21, %reduce_sum3A_22 [1] : vector<128x128xf32> to vector<128xf32>
    %get3A_24 = arith.constant 0 : index
    %get3A_25 = arith.constant 0 : index
    %get3A_26 = vector.load %arg1[%get3A_24, %get3A_25] : memref<10000x128xf32, #tpu.memory_space<vmem>>, vector<10000x128xf32>
    %broadcast_in_dim3A_27 = vector.shape_cast %reduce_sum3A_23 : vector<128xf32> to vector<1x128xf32>
    %mul3A_28 = vector.broadcast %broadcast_in_dim3A_27 : vector<1x128xf32> to vector<10000x128xf32>
    %mul3A_29 = arith.mulf %get3A_26, %mul3A_28 : vector<10000x128xf32>
    %reduce_sum3A_30 = arith.constant dense<0.000000e+00> : vector<10000xf32>
    %reduce_sum3A_31 = vector.multi_reduction <add>, %mul3A_29, %reduce_sum3A_30 [1] : vector<10000x128xf32> to vector<10000xf32>
    %swap3A_32 = arith.constant 0 : index
    %swap3A_33 = vector.load %arg9[%swap3A_32] : memref<10000xf32, #tpu.memory_space<vmem>>, vector<10000xf32>
    tpu.vector_store %arg9[%swap3A_32], %reduce_sum3A_31 {strides = array<i32>} : memref<10000xf32, #tpu.memory_space<vmem>>, vector<10000xf32>,
    %get3A_34 = arith.constant 0 : index
    %get3A_35 = vector.load %arg6[%get3A_34] : memref<128xf32, #tpu.memory_space<vmem>>, vector<128xf32>
    %broadcast_in_dim3A_36 = vector.shape_cast %get3A_35 : vector<128xf32> to vector<1x128xf32>
    %mul3A_37 = vector.broadcast %broadcast_in_dim3A_36 : vector<1x128xf32> to vector<10000x128xf32>
    %mul3A_38 = arith.mulf %get3A_1, %mul3A_37 : vector<10000x128xf32>
    %reduce_sum3A_39 = arith.constant dense<0.000000e+00> : vector<10000xf32>
    %reduce_sum3A_40 = vector.multi_reduction <add>, %mul3A_38, %reduce_sum3A_39 [1] : vector<10000x128xf32> to vector<10000xf32>
    %swap3A_41 = arith.constant 0 : index
    %swap3A_42 = vector.load %arg10[%swap3A_41] : memref<10000xf32, #tpu.memory_space<vmem>>, vector<10000xf32>
    tpu.vector_store %arg10[%swap3A_41], %reduce_sum3A_40 {strides = array<i32>} : memref<10000xf32, #tpu.memory_space<vmem>>, vector<10000xf32>,
    return
  }
}

module attributes {stable_mosaic.version = 14 : i64} {
  func.func @_tc2_body(%arg0: memref<10240x128xf32, #tpu.memory_space<vmem>>, %arg1: memref<32x10240xf32, #tpu.memory_space<vmem>>, %arg2: memref<128xf32, #tpu.memory_space<vmem>>, %arg3: memref<128xf32, #tpu.memory_space<vmem>>, %arg4: memref<10240xf32, #tpu.memory_space<vmem>>, %arg5: memref<10240xf32, #tpu.memory_space<vmem>>) attributes {dimension_semantics = [], scalar_prefetch = 0 : i64, scratch_operands = 0 : i64, tpu.core_type = #tpu.core_type<tc>} {
    %get3A = arith.constant 0 : index
    %get3A_0 = arith.constant 0 : index
    %get3A_1 = vector.load %arg1[%get3A, %get3A_0] : memref<32x10240xf32, #tpu.memory_space<vmem>>, vector<32x10240xf32>
    %reduce_sum3A = arith.constant dense<0.000000e+00> : vector<10240xf32>
    %reduce_sum3A_2 = vector.multi_reduction <add>, %get3A_1, %reduce_sum3A [0] : vector<32x10240xf32> to vector<10240xf32>
    %add3A = arith.constant 1.000000e-16 : f32
    %add3A_3 = vector.broadcast %add3A : f32 to vector<10240xf32>
    %add3A_4 = arith.addf %reduce_sum3A_2, %add3A_3 : vector<10240xf32>
    %div3A = arith.constant 1.000000e+00 : f32
    %div3A_5 = vector.broadcast %div3A : f32 to vector<10240xf32>
    %div3A_6 = arith.divf %div3A_5, %add3A_4 : vector<10240xf32>
    %get3A_7 = arith.constant 0 : index
    %get3A_8 = arith.constant 0 : index
    %get3A_9 = vector.load %arg0[%get3A_7, %get3A_8] : memref<10240x128xf32, #tpu.memory_space<vmem>>, vector<10240x128xf32>
    %broadcast_in_dim3A = vector.shape_cast %div3A_6 : vector<10240xf32> to vector<10240x1xf32>
    %mul3A = vector.broadcast %broadcast_in_dim3A : vector<10240x1xf32> to vector<10240x128xf32>
    %mul3A_10 = arith.mulf %get3A_9, %mul3A : vector<10240x128xf32>
    %get3A_11 = arith.constant 0 : index
    %get3A_12 = vector.load %arg2[%get3A_11] : memref<128xf32, #tpu.memory_space<vmem>>, vector<128xf32>
    %broadcast_in_dim3A_13 = vector.shape_cast %get3A_12 : vector<128xf32> to vector<1x128xf32>
    %add3A_14 = vector.broadcast %broadcast_in_dim3A_13 : vector<1x128xf32> to vector<10240x128xf32>
    %add3A_15 = arith.addf %mul3A_10, %add3A_14 : vector<10240x128xf32>
    %max3A = arith.constant 0.000000e+00 : f32
    %max3A_16 = vector.broadcast %max3A : f32 to vector<10240x128xf32>
    %max3A_17 = arith.maximumf %add3A_15, %max3A_16 : vector<10240x128xf32>
    %get3A_18 = arith.constant 0 : index
    %get3A_19 = vector.load %arg3[%get3A_18] : memref<128xf32, #tpu.memory_space<vmem>>, vector<128xf32>
    %broadcast_in_dim3A_20 = vector.shape_cast %get3A_19 : vector<128xf32> to vector<1x128xf32>
    %mul3A_21 = vector.broadcast %broadcast_in_dim3A_20 : vector<1x128xf32> to vector<10240x128xf32>
    %mul3A_22 = arith.mulf %max3A_17, %mul3A_21 : vector<10240x128xf32>
    %reduce_sum3A_23 = arith.constant dense<0.000000e+00> : vector<10240xf32>
    %reduce_sum3A_24 = vector.multi_reduction <add>, %mul3A_22, %reduce_sum3A_23 [1] : vector<10240x128xf32> to vector<10240xf32>
    %get3A_25 = arith.constant 0 : index
    %get3A_26 = vector.load %arg4[%get3A_25] : memref<10240xf32, #tpu.memory_space<vmem>>, vector<10240xf32>
    %add3A_27 = arith.addf %reduce_sum3A_24, %get3A_26 : vector<10240xf32>
    %swap3A = arith.constant 0 : index
    %swap3A_28 = vector.load %arg5[%swap3A] : memref<10240xf32, #tpu.memory_space<vmem>>, vector<10240xf32>
    tpu.vector_store %arg5[%swap3A], %add3A_27 {strides = array<i32>} : memref<10240xf32, #tpu.memory_space<vmem>>, vector<10240xf32>,
    return
  }
}

</mosaic_0001>

<sc_bundles>
// kernel: kernel.10.cloned.1.call-start
scs
__scs_entry_jumppad:
0x0: {  	(pc) =	sbr.rel $0x88, $3  }
0x1: {  	(tag) =	ssettag $0x0;
	lr =	simm.s32 $0x1  }
0x2: {  	[smem:$0x3F96] =	sst lr;
	_ =	strace $0xD0000000  }
0x3: {  	_ = 	snop  }
0x4: {  	_ = 	snop  }
0x5: {  	_ = 	snop  }
0x6: {  	_ = 	snop  }
0x7: {  	_ = 	snop  }
__scs_overlays_trampoline_lowered:
0x8: {  	[smem:$0x3FA5] =	sst s0  }
0x9: {  	[smem:$0x3FA6] =	sst s1  }
0xa: {  	[smem:$0x3FA7] =	sst s2  }
0xb: {  	[smem:$0x3FA8] =	sst s3  }
0xc: {  	[smem:$0x3FA9] =	sst s4  }
0xd: {  	[smem:$0x3FAA] =	sst s5  }
0xe: {  	[smem:$0x3FAB] =	sst s6  }
0xf: {  	[smem:$0x3FAC] =	sst s7  }
0x10: {  	[smem:$0x3FAD] =	sst s8  }
0x11: {  	[smem:$0x3FAE] =	sst s9;
	s0 =	simm.s32 @!p0 $0x0  }
0x12: {  	s1 =	sld [smem:$0x3F94];
	s0 =	simm.s32 @p0 $0x1  }
0x13: {  	[smem:$0x3FAF] =	sst s0;
	s0 =	simm.s32 @!p1 $0x0  }
0x14: {  	s2 =	sld [smem:$0x3F93];
	s0 =	simm.s32 @p1 $0x1  }
0x15: {  	[smem:$0x3FB0] =	sst s0;
	s0 =	simm.s32 @!p2 $0x0  }
0x16: {  	s3 =	sld [smem:$0x3FDB];
	s0 =	simm.s32 @p2 $0x1  }
0x17: {  	s4 =	simm.s32 $0x1BF5;
	[smem:$0x3FB2] =	sst s0  }
0x18: {  	s0 =	sld [smem:$0x3F95];
	_ =	swait.ge [sflag:s4], $0x0  }
0x19: {  	s7 =	sld [smem:$0x3F96]  }
0x1a: {  	s8 =	sadd.s32 $0xFFFFE003, lr  }
0x1b: {  	s9 =	sadd.s32 $0xFFFFFEF7, lr;
	s5 =	simm.s32 $0xFFFFFFFF;
	p2 =	slt.u32 s8, $0xFFFFF086  }
0x1c: {  	p1 =	slt.u32 s9, $0xF7A;
	s5 =	simm.s32 @!p2 $0x0  }
0x1d: {  	s5 =	simm.s32 @p1 $0x1;
	p0 =	seq.s32 s7, s2  }
0x1e: {  	s7 =	smul.u32 @!p0 $0xF7A, s2;
	p2 =	seq.s32 @!p0 s5, $0x0  }
0x1f: {  	s9 =	smul.u32 $0xF7A, s1;
	s8 =	simm.s32 @!p0 $0x1BF5;
	p2 =	por !p2, p0  }
0x20: {  	[sflag:s8] =	ssyncset.s32 @!p0 $0xFFFFF086;
	s6 =	sadd.s32 @!p0 s3, s7;
	s7 =	simm.s32 @!p0 $0x108  }
0x21: {  	s3 =	sadd.s32 s3, s9;
	s6 =	sadd.s32 @!p0 $0x88, s6;
	s7 =	simm.s32 @p2 $0x1082  }
0x22: {  	[simem:s7], [sflag:s8] =	dma.local @!p0 [hbm:s6], $0xF7A  }
0x23: {  	s9 =	sor.u32 $0xD0000000, s2;
	s6 =	simm.s32 $0x108;
	_ =	swait.ge @!p0 [sflag:s8], $0x0  }
0x24: {  	s3 =	sadd.s32 $0x88, s3;
	s6 =	simm.s32 @!p1 $0x1082;
	[sflag:s4] =	ssyncset.s32 $0xFFFFF086  }
0x25: {  	[simem:s6], [sflag:s4] =	dma.local [hbm:s3], $0xF7A  }
0x26: {  	[smem:$0x3F96] =	sst s1;
	(tag) =	ssettag s2;
	_ =	strace s9  }
0x27: {  	s1 =	sld [smem:$0x3FA6]  }
0x28: {  	s2 =	sld [smem:$0x3FA7]  }
0x29: {  	s4 =	sld [smem:$0x3FA9]  }
0x2a: {  	p0 =	seq.s32 s5, $0x0;
	s5 =	sld [smem:$0x3FAA]  }
0x2b: {  	s6 =	sld [smem:$0x3FAB]  }
0x2c: {  	s7 =	sld [smem:$0x3FAC]  }
0x2d: {  	s3 =	simm.s32 $0x108;
	s8 =	sld [smem:$0x3FAD]  }
0x2e: {  	s3 =	simm.s32 @!p0 $0x1082;
	s9 =	sld [smem:$0x3FAE]  }
0x2f: {  	lr =	sadd.s32 s0, s3;
	s0 =	sld [smem:$0x3FA5]  }
0x30: {  	s3 =	sld [smem:$0x3FA8]  }
0x31: {  	[smem:$0x3FB1] =	sst s10  }
0x32: {  	s10 =	sld [smem:$0x3FAF];
	_ =	sdelay $0x3  }
0x33: {  	p0 =	seq.s32 s10, $0x1;
	s10 =	sld [smem:$0x3FB1];
	_ =	sdelay $0x3  }
0x34: {  	[smem:$0x3FB1] =	sst s10  }
0x35: {  	s10 =	sld [smem:$0x3FB0];
	_ =	sdelay $0x3  }
0x36: {  	p1 =	seq.s32 s10, $0x1;
	s10 =	sld [smem:$0x3FB1];
	_ =	sdelay $0x3  }
0x37: {  	[smem:$0x3FB1] =	sst s10  }
0x38: {  	s10 =	sld [smem:$0x3FB2]  }
0x39: {  	_ = 	snop;
	(pc) =	sbr.ind lr, $3  }
0x3a: {  	_ = 	snop  }
0x3b: {  	_ = 	snop  }
0x3c: {  	p2 =	seq.s32 s10, $0x1;
	s10 =	sld [smem:$0x3FB1]  }
0x3d: {  	_ =	shalt  }
0x3e: {  	_ =	shalt  }
0x3f: {  	_ =	shalt  }
0x40: {  	_ =	shalt  }
0x41: {  	_ =	shalt  }
0x42: {  	_ =	shalt  }
0x43: {  	_ =	shalt  }
0x44: {  	_ =	shalt  }
0x45: {  	_ =	shalt  }
0x46: {  	_ =	shalt  }
0x47: {  	_ =	shalt  }
0x48: {  	_ =	shalt  }
0x49: {  	_ =	shalt  }
0x4a: {  	_ =	shalt  }
0x4b: {  	_ =	shalt  }
0x4c: {  	_ =	shalt  }
0x4d: {  	_ =	shalt  }
0x4e: {  	_ =	shalt  }
0x4f: {  	_ =	shalt  }
0x50: {  	_ =	shalt  }
0x51: {  	_ =	shalt  }
0x52: {  	_ =	shalt  }
0x53: {  	_ =	shalt  }
0x54: {  	_ =	shalt  }
0x55: {  	_ =	shalt  }
0x56: {  	_ =	shalt  }
0x57: {  	_ =	shalt  }
0x58: {  	_ =	shalt  }
0x59: {  	_ =	shalt  }
0x5a: {  	_ =	shalt  }
0x5b: {  	_ =	shalt  }
0x5c: {  	_ =	shalt  }
0x5d: {  	_ =	shalt  }
0x5e: {  	_ =	shalt  }
0x5f: {  	_ =	shalt  }
0x60: {  	_ =	shalt  }
0x61: {  	_ =	shalt  }
0x62: {  	_ =	shalt  }
0x63: {  	_ =	shalt  }
0x64: {  	_ =	shalt  }
0x65: {  	_ =	shalt  }
0x66: {  	_ =	shalt  }
0x67: {  	_ =	shalt  }
0x68: {  	_ =	shalt  }
0x69: {  	_ =	shalt  }
0x6a: {  	_ =	shalt  }
0x6b: {  	_ =	shalt  }
0x6c: {  	_ =	shalt  }
0x6d: {  	_ =	shalt  }
0x6e: {  	_ =	shalt  }
0x6f: {  	_ =	shalt  }
0x70: {  	_ =	shalt  }
0x71: {  	_ =	shalt  }
0x72: {  	_ =	shalt  }
0x73: {  	_ =	shalt  }
0x74: {  	_ =	shalt  }
0x75: {  	_ =	shalt  }
0x76: {  	_ =	shalt  }
0x77: {  	_ =	shalt  }
0x78: {  	_ =	shalt  }
0x79: {  	_ =	shalt  }
0x7a: {  	_ =	shalt  }
0x7b: {  	_ =	shalt  }
0x7c: {  	_ =	shalt  }
0x7d: {  	_ =	shalt  }
0x7e: {  	_ =	shalt  }
0x7f: {  	_ =	shalt  }
0x80: {  	_ =	shalt  }
0x81: {  	_ =	shalt  }
0x82: {  	_ =	shalt  }
0x83: {  	_ =	shalt  }
0x84: {  	_ =	shalt  }
0x85: {  	_ =	shalt  }
0x86: {  	_ =	shalt  }
0x87: {  	_ =	shalt  }
.Lfunc_end0:
.L_simem_size_0:
called_computation.1_lowered:
.L_overlay_start_0:
0x88: {  	s0 =	sld [smem:$0x3FD9]  }
0x89: {  	s1 =	sld [smem:$0x3FFE];
	_ =	sdelay $0x3  }
0x8a: {  	s0 =	sadd.s32 s1, s0  }
0x8b: {  	[smem:$0x3FBD] =	sst s0  }
0x8c: {  	_ = 	snop  }
0x8d: {  	(tm) =	ssettm $0x1  }
0x8e: {  	s15 =	sld [smem:$0x3FFB];
	_ =	sdelay $0x3  }
0x8f: {  	_ =	strace s15  }
0x90: {  	s0 =	sld [smem:$0x3FFC];
	_ =	sdelay $0x3  }
0x91: {  	_ =	strace s0  }
0x92: {  	s0 =	sld [smem:$0x3FFD];
	_ =	sdelay $0x3  }
0x93: {  	_ =	strace s0  }
0x94: {  	_ =	strace $0x8FFFFFFF  }
0x95: {  	s16 =	sld [smem:$0x3FDB];
	_ =	sdelay $0x1  }
0x96: {  	s17 =	simm.s32 $_scs_section_size  }
0x97: {  	s2 =	simm.s32 $_size__tile_overlayer_lowered;
	s3 =	simm.s32 $_tile_overlayer_lowered  }
0x98: {  	s20 =	simm.s32 $0x1BFF;
	s19 =	sshll.u32 s3, $0x1;
	s0 =	sadd.s32 s17, s16  }
0x99: {  	s4 =	simm.s32 $0x0;
	s18 =	sshll.u32 s2, $0x1;
	s2 =	sadd.s32 s19, s0  }
0x9a: {  	[timem:s4], [sflag:s20] =	dma.local [hbm:s2], s18  }
0x9b: {  	_ =	swait.ge [sflag:s20], s18  }
0x9c: {  	s1 =	ssub.s32 $0x0, s18;
	[sflag:s20] =	ssyncset.done $0x0  }
0x9d: {  	[sflag:s20] =	ssyncadd.s32 s1;
	_ =	sdelay $0x1  }
0x9e: {  	s21 =	simm.s32 $0x1B8B  }
0x9f: {  	_ =	swait.ge [sflag:s21], $0x1  }
0xa0: {  	[sflag:s21] =	ssyncset.done $0x0  }
0xa1: {  	s23 =	simm.s32 $0x1B8E;
	s22 =	sld [smem:$0x3FFE];
	[sflag:s21] =	ssyncadd.s32 $0xFFFFFFFF  }
0xa2: {  	s24 =	simm.s32 $execute0_lowered;
	[smem:$0x3FD2] =	sst s23  }
0xa3: {  	s2 =	sshll.u32 s24, $0x1;
	_ =	strace $0x80000049;
	[dreg:$0x1] =	wrdreg $0xFFFFFFFF  }
0xa4: {  	s25 =	simm.s32 $_size_execute0_lowered;
	s0 =	sadd.s32 s0, s2;
	[dreg:$0x0] =	wrdreg $0x0  }
0xa5: {  	s2 =	sshll.u32 s25, $0x1;
	[dreg:$0x2] =	wrdreg s0  }
0xa6: {  	[dreg:$0x3] =	wrdreg s2  }
0xa7: {  	[dreg:$0x4] =	wrdreg $0xC0  }
0xa8: {  	_ =	task [dreg:s4], $0x5FFFF  }
0xa9: {  	[dreg:$0x1] =	wrdreg $0xFFFFFFFF  }
0xaa: {  	[dreg:$0x0] =	wrdreg $0x60  }
0xab: {  	[dreg:$0x2] =	wrdreg s22  }
0xac: {  	[dreg:$0x3] =	wrdreg $0x80000  }
0xad: {  	[dreg:$0x4] =	wrdreg $0x9  }
0xae: {  	_ =	task.clear_ibuf [dreg:s4], $0x5FFFF;
	_ =	strace $0x90000049  }
0xaf: {  	s26 =	simm.s32 $0x9;
	_ =	strace $0x8000004B  }
0xb0: {  	_ =	swait.ge [sflag:s26], $0x1  }
0xb1: {  	[sflag:s26] =	ssyncadd.s32 $0xFFFFFFFF  }
0xb2: {  	_ =	strace $0x9000004B  }
0xb3: {  	_ =	sfence  }
0xb4: {  	s28 =	sld [smem:$0x0];
	_ =	sdelay $0x1  }
0xb5: {  	s29 =	srdreg.scid  }
0xb6: {  	s30 =	sshll.u32 s29, $0xD;
	s31 =	sshrl.u32 s29, $0x2  }
0xb7: {  	s1 =	sand.u32 $0x1, s29;
	s2 =	sand.u32 $0x4000, s30;
	s0 =	sadd.s32 s31, s28  }
0xb8: {  	s1 =	sor.u32 s2, s1;
	s0 =	sshll.u32 s0, $0x11  }
0xb9: {  	s0 =	sor.u32 s0, s1  }
0xba: {  	s0 =	sadd.s32 $0x8F2B, s0  }
0xbb: {  	[sflag:s0] =	ssyncadd.remote.s32 $0x1  }
0xbc: {  	_ =	sfence.sel $0xFFFF  }
0xbd: {  	[dreg:$0x0] =	wrdreg $0xFFFFFFFF;
	(pc) =	sbr.abs _section_cstart, $3  }
0xbe: {  	[dreg:$0x1] =	wrdreg $0xFFFFFFFF  }
0xbf: {  	_ =	task.clear_ibuf [dreg:s4], $0x2FFFF;
	_ =	strace $0x9FFFFFFF  }
0xc0: {  	(tm) =	ssettm $0x7FFFFFFF  }
0xc1: {  	_ =	shalt  }
tec
execute0_lowered:
.L_overlay_start_1:
0x0: {  	(tag) =	ssettag $0x1  }
0x1: {  	s1 =	rddreg [dreg:$0x0]  }
0x2: {  	s2 =	rddreg [dreg:$0x1];
	s3 =	simm.s32 $0x0;
	s8 =	simm.s32 $0x0  }
0x3: {  	s9 =	simm.s32 $0x200;
	[smem:$0x7FF] =	sst s3;
	s3 =	sadd.s32 $0x15C00, s1  }
0x4: {  	s4 =	sadd.s32 $0x51800, s1;
	s6 =	sadd.s32 $0x6A800, s1;
	s7 =	sadd.s32 $0x83800, s1  }
0x5: {  	v0 =	vimm.f32 $0.0e+00;
	s5 =	sadd.s32 $0x9C800, s1;
	s1 =	stileid.u32;
	_ =	strace $0x8000004A  }
.LBB2_1:
0x6: {  	p0 =	sne.s32 s9, $0x9E00;
	[tilespmem:s8+$0x3070] =	vst v0  }
0x7: {  	[tilespmem:s8+$0x3000] =	vst v0  }
0x8: {  	[tilespmem:s8+$0x3010] =	vst v0  }
.Ltmp0:
0x9: {  	[tilespmem:s8+$0x3020] =	vst v0;
	(pc) =	sbr.rel @p0 .LBB2_1-.Ltmp0, $4  }
0xa: {  	[tilespmem:s8+$0x3030] =	vst v0  }
0xb: {  	[tilespmem:s8+$0x3040] =	vst v0  }
0xc: {  	[tilespmem:s8+$0x3050] =	vst v0  }
0xd: {  	[tilespmem:s8+$0x3060] =	vst v0;
	s8 =	sshra.s32 s9, $0x2;
	s9 =	sadd.s32 $0x200, s9  }
0xe: {  	[tilespmem:s8+$0x3070] =	vst v0  }
0xf: {  	[tilespmem:s8+$0x3000] =	vst v0  }
0x10: {  	[tilespmem:s8+$0x3010] =	vst v0  }
0x11: {  	[tilespmem:s8+$0x3020] =	vst v0  }
0x12: {  	[tilespmem:s8+$0x3030] =	vst v0;
	s9 =	smul.u32 $0x50000, s1  }
0x13: {  	[tilespmem:s8+$0x3040] =	vst v0  }
0x14: {  	[tilespmem:s8+$0x3050] =	vst v0;
	s9 =	sshrl.u32 s9, $0x2  }
0x15: {  	[tilespmem:s8+$0x3060] =	vst v0;
	s8 =	sadd.s32 s9, s2;
	s9 =	simm.s32 $0x3000  }
0x16: {  	[spmem:s8] =	stream.linear.scatter [tilespmem:s9], [sflag:$0x1], $0x2800, $0x38;
	[tilespmem:$0x1C000] =	vst v63  }
0x17: {  	s10 =	sadd.s32 $0x2800, s8  }
0x18: {  	[spmem:s10] =	stream.linear.scatter [tilespmem:s9], [sflag:$0x1], $0x2800, $0x38;
	[tilespmem:$0x1C000] =	vst v63  }
0x19: {  	s24 =	sadd.s32 $0x5000, s8  }
0x1a: {  	[spmem:s24] =	stream.linear.scatter [tilespmem:s9], [sflag:$0x1], $0x2800, $0x38;
	[tilespmem:$0x1C000] =	vst v63  }
0x1b: {  	s25 =	sadd.s32 $0x7800, s8  }
0x1c: {  	[spmem:s25] =	stream.linear.scatter [tilespmem:s9], [sflag:$0x1], $0x2800, $0x38;
	[tilespmem:$0x1C000] =	vst v63  }
0x1d: {  	s26 =	sadd.s32 $0xA000, s8  }
0x1e: {  	[spmem:s26] =	stream.linear.scatter [tilespmem:s9], [sflag:$0x1], $0x2800, $0x38;
	[tilespmem:$0x1C000] =	vst v63  }
0x1f: {  	s28 =	sadd.s32 $0xC800, s8  }
0x20: {  	[spmem:s28] =	stream.linear.scatter [tilespmem:s9], [sflag:$0x1], $0x2800, $0x38;
	[tilespmem:$0x1C000] =	vst v63  }
0x21: {  	s29 =	sadd.s32 $0xF000, s8  }
0x22: {  	[spmem:s29] =	stream.linear.scatter [tilespmem:s9], [sflag:$0x1], $0x2800, $0x38;
	[tilespmem:$0x1C000] =	vst v63  }
0x23: {  	s30 =	sadd.s32 $0x11800, s8;
	s10 =	simm.s32 $0x1  }
0x24: {  	[spmem:s30] =	stream.linear.scatter [tilespmem:s9], [sflag:$0x1], $0x2800, $0x38;
	[tilespmem:$0x1C000] =	vst v63  }
0x25: {  	_ =	swait.ge [sflag:s10], $0x2800  }
0x26: {  	[sflag:s10] =	ssyncset.done $0x0  }
0x27: {  	[sflag:s10] =	ssyncadd.s32 $0xFFFFD800  }
0x28: {  	_ =	swait.ge [sflag:s10], $0x2800  }
0x29: {  	[sflag:s10] =	ssyncset.done $0x0  }
0x2a: {  	[sflag:s10] =	ssyncadd.s32 $0xFFFFD800  }
0x2b: {  	_ =	swait.ge [sflag:s10], $0x2800  }
0x2c: {  	[sflag:s10] =	ssyncset.done $0x0  }
0x2d: {  	[sflag:s10] =	ssyncadd.s32 $0xFFFFD800  }
0x2e: {  	_ =	swait.ge [sflag:s10], $0x2800  }
0x2f: {  	[sflag:s10] =	ssyncset.done $0x0  }
0x30: {  	[sflag:s10] =	ssyncadd.s32 $0xFFFFD800  }
0x31: {  	_ =	swait.ge [sflag:s10], $0x2800  }
0x32: {  	[sflag:s10] =	ssyncset.done $0x0  }
0x33: {  	[sflag:s10] =	ssyncadd.s32 $0xFFFFD800  }
0x34: {  	_ =	swait.ge [sflag:s10], $0x2800  }
0x35: {  	[sflag:s10] =	ssyncset.done $0x0  }
0x36: {  	[sflag:s10] =	ssyncadd.s32 $0xFFFFD800  }
0x37: {  	_ =	swait.ge [sflag:s10], $0x2800  }
0x38: {  	[sflag:s10] =	ssyncset.done $0x0  }
0x39: {  	[sflag:s10] =	ssyncadd.s32 $0xFFFFD800  }
0x3a: {  	s16 =	smul.u32 $0xC800, s1;
	_ =	swait.ge [sflag:s10], $0x2800  }
0x3b: {  	[sflag:s10] =	ssyncset.done $0x0  }
0x3c: {  	s13 =	sshrl.u32 s16, $0x3;
	[sflag:s10] =	ssyncadd.s32 $0xFFFFD800  }
0x3d: {  	s11 =	simm.s32 $0x0;
	s12 =	sadd.s32 s4, s13;
	[bflag:$0x0] =	sbarrier.arrive $0xFFFF  }
0x3e: {  	[tilespmem:s11], [sflag:$0x5] =	stream.linear.gather [hbm4b:s12+s11], $0x500, $0x38;
	[tilespmem:$0x1C000] =	vst v63  }
0x3f: {  	s14 =	sadd.s32 s6, s13;
	s12 =	simm.s32 $0x1000  }
0x40: {  	[tilespmem:s12], [sflag:$0x5] =	stream.linear.gather [hbm4b:s14+s11], $0x500, $0x38;
	[tilespmem:$0x1C000] =	vst v63  }
0x41: {  	s31 =	sadd.s32 s7, s13;
	s13 =	simm.s32 $0x2000;
	s14 =	simm.s32 $0x5  }
0x42: {  	[tilespmem:s13], [sflag:$0x5] =	stream.linear.gather [hbm4b:s31+s11], $0x500, $0x38;
	[tilespmem:$0x1C000] =	vst v63  }
0x43: {  	_ =	swait.ge [sflag:s14], $0x500  }
0x44: {  	[sflag:s14] =	ssyncset.done $0x0  }
0x45: {  	[sflag:s14] =	ssyncadd.s32 $0xFFFFFB00  }
0x46: {  	_ =	swait.ge [sflag:s14], $0x500  }
0x47: {  	s15 =	simm.s32 $0x50;
	s17 =	simm.s32 $0x5800;
	[sflag:s14] =	ssyncset.done $0x0  }
.Ltmp1:
0x48: {  	s18 =	simm.s32 $0x2800;
	[sflag:s14] =	ssyncadd.s32 $0xFFFFFB00;
	(pc) =	sbr.rel .LBB2_3-.Ltmp1, $4  }
0x49: {  	s19 =	simm.s32 $0x2;
	s20 =	simm.s32 $0x3;
	_ =	swait.ge [sflag:s14], $0x500  }
0x4a: {  	s21 =	simm.s32 $0x4;
	s22 =	simm.s32 $0x800;
	[sflag:s14] =	ssyncset.done $0x0  }
0x4b: {  	s23 =	simm.s32 $0x0;
	s16 =	sadd.s32 $0x800, s16;
	[sflag:s14] =	ssyncadd.s32 $0xFFFFFB00  }
0x4c: {  	[tilespmem:s9], [sflag:$0x1] =	stream.indirect.gather [hbm4b:s3+s15], $0x80, s11, s15, $0xb8;
	[tilespmem:$0x1C000] =	vst v63  }
.LBB2_19:
0x4d: {  	s23 =	sadd.s32 $0x1, s23  }
0x4e: {  	p0 =	sne.s32 s23, $0x19  }
.Ltmp2:
0x4f: {  	_ = 	snop;
	(pc) =	sbr.rel @!p0 .LBB2_20-.Ltmp2, $1  }
0x50: {  	_ =	sdelay $0x3  }
.LBB2_3:
0x51: {  	s24 =	sand.u32 $0x1, s23  }
0x52: {  	p0 =	seq.s32 s24, $0x1  }
.Ltmp3:
0x53: {  	_ = 	snop;
	(pc) =	sbr.rel @p0 .LBB2_12-.Ltmp3, $1  }
0x54: {  	_ =	sdelay $0x3  }
0x55: {  	p0 =	seq.s32 s23, $0x18  }
0x56: {  	s25 =	sshll.u32 @!p0 s23, $0xB  }
0x57: {  	s25 =	sadd.s32 @!p0 s25, s16  }
0x58: {  	s25 =	sshrl.u32 @!p0 s25, $0x3  }
0x59: {  	s28 =	simm.s32 @!p0 $0x0;
	s29 =	simm.s32 @!p0 $0x800;
	s26 =	sadd.s32 @!p0 s4, s25  }
0x5a: {  	[tilespmem:s29], [sflag:$0x5] =	stream.linear.gather @!p0 [hbm4b:s26+s28], $0x500, $0x38;
	[tilespmem:$0x1C000] =	vst v63  }
0x5b: {  	s26 =	sadd.s32 @!p0 s6, s25;
	s29 =	simm.s32 @!p0 $0x1800  }
0x5c: {  	[tilespmem:s29], [sflag:$0x5] =	stream.linear.gather @!p0 [hbm4b:s26+s28], $0x500, $0x38;
	[tilespmem:$0x1C000] =	vst v63  }
0x5d: {  	s25 =	sadd.s32 @!p0 s7, s25;
	s26 =	simm.s32 @!p0 $0x2800  }
0x5e: {  	[tilespmem:s26], [sflag:$0x5] =	stream.linear.gather @!p0 [hbm4b:s25+s28], $0x500, $0x38;
	[tilespmem:$0x1C000] =	vst v63  }
0x5f: {  	s25 =	simm.s32 $0x0  }
.LBB2_5:
0x60: {  	s26 =	sshll.u32 s25, $0x1;
	s28 =	simm.s32 $0x0  }
0x61: {  	s29 =	sshll.u32 s26, $0x7;
	v1 =	vmov s28  }
0x62: {  	_ =	swait.ge [sflag:s10], $0x2800;
	v0 =	vmov s29;
	v1 =	vand.u32 $0x7C, v1  }
0x63: {  	p1 =	seq.s32 s25, $0x0;
	[sflag:s10] =	ssyncset.done $0x0;
	v1 =	vor.u32 v0, v1  }
0x64: {  	s28 =	simm.s32 @!p1 $0x4;
	[sflag:s10] =	ssyncadd.s32 $0xFFFFD800;
	v1 =	vbroadcast v1, $0x0  }
0x65: {  	_ =	swait.ge @!p1 [sflag:s28], $0x2800  }
0x66: {  	s26 =	sor.u32 $0x1, s26;
	[sflag:s28] =	ssyncset.done @!p1 $0x0  }
0x67: {  	s26 =	sshll.u32 s26, $0x7;
	[sflag:s28] =	ssyncadd.s32 @!p1 $0xFFFFD800;
	s28 =	simm.s32 $0x3100  }
0x68: {  	[tilespmem:s17], [sflag:$0x2] =	stream.indirect.gather [hbm4b:s3+s15], $0x80, s26, s15, $0xb8;
	[tilespmem:$0x1C000] =	vst v63  }
0x69: {  	v3 =	vld [tilespmem:s28+$0xFFFFFF70]  }
0x6a: {  	v1 =	vld.idx.msk [tilespmem:v1+s13+$0x0], $0xffff  }
0x6b: {  	v4 =	vld [tilespmem:s28+$0xFFFFFF00]  }
0x6c: {  	v5 =	vld [tilespmem:s28+$0xFFFFFF20]  }
0x6d: {  	v6 =	vld [tilespmem:s28+$0xFFFFFF30]  }
0x6e: {  	v2 =	vld [tilespmem:s28+$0xFFFFFF50]  }
0x6f: {  	s29 =	simm.s32 $0x1;
	v8 =	vld [tilespmem:s28+$0xFFFFFF10];
	v3 =	vmul.f32 v3, v1  }
0x70: {  	v10 =	vmov s29;
	v7 =	vld [tilespmem:s28+$0xFFFFFF60];
	v4 =	vmul.f32 v4, v1  }
0x71: {  	v9 =	vld [tilespmem:s28+$0xFFFFFF40];
	v5 =	vmul.f32 v5, v1;
	[tilespmem:s28+$0xFFFFFF70] =	vst v3;
	v3 =	vand.u32 $0x7D, v10  }
0x72: {  	v6 =	vmul.f32 v6, v1;
	[tilespmem:s28+$0xFFFFFF00] =	vst v4;
	v3 =	vor.u32 v0, v3  }
0x73: {  	v2 =	vmul.f32 v2, v1;
	[tilespmem:s28+$0xFFFFFF20] =	vst v5;
	v3 =	vbroadcast v3, $0x0  }
0x74: {  	v4 =	vmul.f32 v8, v1;
	[tilespmem:s28+$0xFFFFFF30] =	vst v6  }
0x75: {  	v5 =	vmul.f32 v7, v1;
	[tilespmem:s28+$0xFFFFFF50] =	vst v2  }
0x76: {  	v1 =	vmul.f32 v9, v1;
	[tilespmem:s28+$0xFFFFFF10] =	vst v4  }
0x77: {  	v6 =	vld [tilespmem:s28+$0xFFFFFFB0];
	[tilespmem:s28+$0xFFFFFF60] =	vst v5  }
0x78: {  	[tilespmem:s28+$0xFFFFFF40] =	vst v1;
	v1 =	vld [tilespmem:s28+$0xFFFFFFD0]  }
0x79: {  	v3 =	vld.idx.msk [tilespmem:v3+s13+$0x0], $0xffff  }
0x7a: {  	v4 =	vld [tilespmem:s28+$0xFFFFFF80]  }
0x7b: {  	v5 =	vld [tilespmem:s28+$0xFFFFFF90]  }
0x7c: {  	v7 =	vld [tilespmem:s28+$0xFFFFFFE0]  }
0x7d: {  	v8 =	vld [tilespmem:s28+$0xFFFFFFA0]  }
0x7e: {  	s29 =	simm.s32 $0x2;
	v1 =	vmul.f32 v1, v3  }
0x7f: {  	v63 =	vmov s29;
	v62 =	vld [tilespmem:s28+$0xFFFFFFC0];
	v4 =	vmul.f32 v4, v3  }
0x80: {  	v2 =	vld [tilespmem:s28+$0xFFFFFFF0];
	v5 =	vmul.f32 v5, v3;
	[tilespmem:s28+$0xFFFFFFD0] =	vst v1;
	v1 =	vmul.f32 v6, v3;
	v6 =	vand.u32 $0x7E, v63  }
0x81: {  	[tilespmem:s28+$0xFFFFFF80] =	vst v4;
	v4 =	vmul.f32 v7, v3;
	v6 =	vor.u32 v0, v6  }
0x82: {  	[tilespmem:s28+$0xFFFFFF90] =	vst v5;
	v5 =	vmul.f32 v8, v3;
	v7 =	vbroadcast v6, $0x0  }
0x83: {  	[tilespmem:s28+$0xFFFFFFB0] =	vst v1;
	v1 =	vld [tilespmem:s28+$0x40]  }
0x84: {  	v6 =	vmul.f32 v62, v3;
	[tilespmem:s28+$0xFFFFFFA0] =	vst v5;
	v5 =	vld [tilespmem:s28+$0x20]  }
0x85: {  	[tilespmem:s28+$0xFFFFFFE0] =	vst v4;
	v3 =	vmul.f32 v2, v3;
	v2 =	vld [tilespmem:s28+$0x50]  }
0x86: {  	v4 =	vld [tilespmem:s28+$0x0];
	[tilespmem:s28+$0xFFFFFFC0] =	vst v6  }
0x87: {  	[tilespmem:s28+$0xFFFFFFF0] =	vst v3;
	v6 =	vld [tilespmem:s28+$0x10]  }
0x88: {  	v3 =	vld.idx.msk [tilespmem:v7+s13+$0x0], $0xffff  }
0x89: {  	s30 =	simm.s32 $0x7;
	s31 =	simm.s32 $0x3100;
	s29 =	simm.s32 $0x3;
	v7 =	vld [tilespmem:s28+$0x30]  }
.LBB2_6:
0x8a: {  	p1 =	sne.s32 s30, $0x4F  }
0x8b: {  	v8 =	vld [tilespmem:s28+$0x70];
	s31 =	sadd.s32 $0x200, s31;
	s0 =	smov.u32 s30;
	s30 =	sadd.s32 $0x4, s30  }
0x8c: {  	v9 =	vld [tilespmem:s28+$0x60];
	_ =	sdelay $0x1  }
0x8d: {  	v6 =	vmul.f32 v6, v3;
	v4 =	vmul.f32 v4, v3  }
0x8e: {  	v10 =	vmov s29;
	s29 =	smov.u32 s0;
	v5 =	vmul.f32 v5, v3;
	v7 =	vmul.f32 v7, v3  }
0x8f: {  	v1 =	vmul.f32 v1, v3;
	v2 =	vmul.f32 v2, v3;
	[tilespmem:s28+$0x10] =	vst v6;
	v6 =	vand.u32 $0x7F, v10  }
0x90: {  	[tilespmem:s28+$0x20] =	vst v5;
	v5 =	vmul.f32 v9, v3;
	v3 =	vmul.f32 v8, v3;
	v6 =	vor.u32 v0, v6  }
0x91: {  	[tilespmem:s28+$0x30] =	vst v7;
	v6 =	vbroadcast v6, $0x0;
	v7 =	vld [tilespmem:s28+$0x80]  }
0x92: {  	[tilespmem:s28+$0x40] =	vst v1;
	v8 =	vld [tilespmem:s28+$0xF0]  }
0x93: {  	v1 =	vld [tilespmem:s31+$0x40];
	[tilespmem:s28+$0x50] =	vst v2  }
0x94: {  	v2 =	vld [tilespmem:s31+$0x50];
	[tilespmem:s28+$0x70] =	vst v3  }
0x95: {  	[tilespmem:s28+$0x60] =	vst v5;
	v3 =	vld [tilespmem:s28+$0xB0]  }
0x96: {  	[tilespmem:s28+$0x0] =	vst v4;
	v4 =	vld [tilespmem:s28+$0xD0]  }
0x97: {  	v5 =	vld.idx.msk [tilespmem:v6+s13+$0x0], $0xffff  }
0x98: {  	v6 =	vld [tilespmem:s28+$0x90]  }
0x99: {  	v9 =	vld [tilespmem:s28+$0xA0]  }
0x9a: {  	v10 =	vld [tilespmem:s28+$0xC0]  }
0x9b: {  	v11 =	vld [tilespmem:s28+$0xE0];
	_ =	sdelay $0x1  }
0x9c: {  	s0 =	sadd.s32 $0xFFFFFFFD, s29;
	v7 =	vmul.f32 v7, v5;
	v6 =	vmul.f32 v6, v5  }
0x9d: {  	v12 =	vmov s0;
	v3 =	vmul.f32 v3, v5;
	v9 =	vmul.f32 v9, v5  }
0x9e: {  	v12 =	vand.u32 $0x7C, v12;
	v4 =	vmul.f32 v4, v5;
	[tilespmem:s28+$0x80] =	vst v7;
	v7 =	vmul.f32 v10, v5  }
0x9f: {  	v10 =	vor.u32 v0, v12;
	[tilespmem:s28+$0xA0] =	vst v9;
	v9 =	vmul.f32 v11, v5;
	v5 =	vmul.f32 v8, v5  }
0xa0: {  	v8 =	vbroadcast v10, $0x0;
	[tilespmem:s28+$0xB0] =	vst v3  }
0xa1: {  	[tilespmem:s28+$0xF0] =	vst v5  }
0xa2: {  	v3 =	vld [tilespmem:s31+$0xFFFFFF50];
	[tilespmem:s28+$0xD0] =	vst v4  }
0xa3: {  	v4 =	vld [tilespmem:s31+$0xFFFFFF30];
	[tilespmem:s28+$0xC0] =	vst v7  }
0xa4: {  	v5 =	vld [tilespmem:s31+$0xFFFFFF60];
	[tilespmem:s28+$0x90] =	vst v6  }
0xa5: {  	v6 =	vld [tilespmem:s31+$0xFFFFFF70];
	[tilespmem:s28+$0xE0] =	vst v9;
	s28 =	smov.u32 s31  }
0xa6: {  	v7 =	vld.idx.msk [tilespmem:v8+s13+$0x0], $0xffff  }
0xa7: {  	v8 =	vld [tilespmem:s31+$0xFFFFFF00]  }
0xa8: {  	v9 =	vld [tilespmem:s31+$0xFFFFFF20]  }
0xa9: {  	v10 =	vld [tilespmem:s31+$0xFFFFFF10]  }
0xaa: {  	v11 =	vld [tilespmem:s31+$0xFFFFFF40];
	_ =	sdelay $0x1  }
0xab: {  	s0 =	sadd.s32 $0xFFFFFFFE, s29;
	v6 =	vmul.f32 v6, v7;
	v8 =	vmul.f32 v8, v7  }
0xac: {  	v12 =	vmov s0;
	v5 =	vmul.f32 v5, v7;
	v9 =	vmul.f32 v9, v7  }
0xad: {  	v4 =	vmul.f32 v4, v7;
	v10 =	vmul.f32 v10, v7;
	[tilespmem:s31+$0xFFFFFF70] =	vst v6;
	v6 =	vand.u32 $0x7D, v12  }
0xae: {  	v3 =	vmul.f32 v3, v7;
	[tilespmem:s31+$0xFFFFFF00] =	vst v8;
	v8 =	vmul.f32 v11, v7;
	v6 =	vor.u32 v0, v6  }
0xaf: {  	[tilespmem:s31+$0xFFFFFF20] =	vst v9;
	v6 =	vbroadcast v6, $0x0  }
0xb0: {  	[tilespmem:s31+$0xFFFFFF30] =	vst v4  }
0xb1: {  	[tilespmem:s31+$0xFFFFFF50] =	vst v3;
	v3 =	vld [tilespmem:s31+$0xFFFFFFF0]  }
0xb2: {  	[tilespmem:s31+$0xFFFFFF10] =	vst v10;
	v4 =	vld [tilespmem:s31+$0xFFFFFFC0]  }
0xb3: {  	[tilespmem:s31+$0xFFFFFF60] =	vst v5;
	v5 =	vld [tilespmem:s31+$0xFFFFFFB0]  }
0xb4: {  	[tilespmem:s31+$0xFFFFFF40] =	vst v8;
	v7 =	vld [tilespmem:s31+$0xFFFFFFD0]  }
0xb5: {  	v6 =	vld.idx.msk [tilespmem:v6+s13+$0x0], $0xffff  }
0xb6: {  	v8 =	vld [tilespmem:s31+$0xFFFFFF80]  }
0xb7: {  	v9 =	vld [tilespmem:s31+$0xFFFFFF90]  }
0xb8: {  	v10 =	vld [tilespmem:s31+$0xFFFFFFA0]  }
0xb9: {  	v11 =	vld [tilespmem:s31+$0xFFFFFFE0];
	_ =	sdelay $0x1  }
0xba: {  	s0 =	sadd.s32 $0xFFFFFFFF, s29;
	v7 =	vmul.f32 v7, v6;
	v8 =	vmul.f32 v8, v6  }
0xbb: {  	v12 =	vmov s0;
	v5 =	vmul.f32 v5, v6;
	v9 =	vmul.f32 v9, v6  }
0xbc: {  	v4 =	vmul.f32 v4, v6;
	v10 =	vmul.f32 v10, v6;
	[tilespmem:s31+$0xFFFFFFD0] =	vst v7;
	v7 =	vand.u32 $0x7E, v12  }
0xbd: {  	v3 =	vmul.f32 v3, v6;
	[tilespmem:s31+$0xFFFFFF80] =	vst v8;
	v8 =	vmul.f32 v11, v6;
	v6 =	vor.u32 v0, v7  }
0xbe: {  	[tilespmem:s31+$0xFFFFFF90] =	vst v9;
	v7 =	vbroadcast v6, $0x0  }
0xbf: {  	[tilespmem:s31+$0xFFFFFFB0] =	vst v5  }
0xc0: {  	[tilespmem:s31+$0xFFFFFFE0] =	vst v8  }
0xc1: {  	[tilespmem:s31+$0xFFFFFFA0] =	vst v10  }
.Ltmp4:
0xc2: {  	[tilespmem:s31+$0xFFFFFFC0] =	vst v4;
	v5 =	vld [tilespmem:s31+$0x20];
	(pc) =	sbr.rel @p1 .LBB2_6-.Ltmp4, $4  }
0xc3: {  	[tilespmem:s31+$0xFFFFFFF0] =	vst v3;
	v6 =	vld [tilespmem:s31+$0x10]  }
0xc4: {  	v3 =	vld.idx.msk [tilespmem:v7+s13+$0x0], $0xffff  }
0xc5: {  	v4 =	vld [tilespmem:s31+$0x0]  }
0xc6: {  	v7 =	vld [tilespmem:s31+$0x30]  }
0xc7: {  	_ =	sdelay $0x1  }
0xc8: {  	v6 =	vmul.f32 v6, v3  }
0xc9: {  	v8 =	vld [tilespmem:s28+$0x70];
	v10 =	vmov s29;
	v5 =	vmul.f32 v5, v3  }
0xca: {  	v9 =	vld [tilespmem:s28+$0x60];
	v1 =	vmul.f32 v1, v3;
	[tilespmem:s28+$0x10] =	vst v6;
	v6 =	vand.u32 $0x7F, v10  }
0xcb: {  	v2 =	vmul.f32 v2, v3;
	[tilespmem:s28+$0x20] =	vst v5;
	v0 =	vor.u32 v0, v6  }
0xcc: {  	v7 =	vmul.f32 v7, v3;
	[tilespmem:s28+$0x40] =	vst v1;
	v0 =	vbroadcast v0, $0x0  }
0xcd: {  	[tilespmem:s28+$0x50] =	vst v2;
	v2 =	vmul.f32 v4, v3  }
0xce: {  	v5 =	vmul.f32 v8, v3;
	[tilespmem:s28+$0x30] =	vst v7  }
0xcf: {  	v1 =	vmul.f32 v9, v3;
	[tilespmem:s28+$0x0] =	vst v2  }
0xd0: {  	[tilespmem:s28+$0x70] =	vst v5  }
0xd1: {  	v6 =	vld [tilespmem:s28+$0x80];
	[tilespmem:s28+$0x60] =	vst v1  }
0xd2: {  	v0 =	vld.idx.msk [tilespmem:v0+s13+$0x0], $0xffff  }
0xd3: {  	v1 =	vld [tilespmem:s28+$0xA0]  }
0xd4: {  	v2 =	vld [tilespmem:s28+$0xB0]  }
0xd5: {  	v3 =	vld [tilespmem:s28+$0xF0]  }
0xd6: {  	v4 =	vld [tilespmem:s28+$0xD0]  }
0xd7: {  	v5 =	vld [tilespmem:s28+$0xC0];
	v6 =	vmul.f32 v6, v0  }
0xd8: {  	v7 =	vld [tilespmem:s28+$0x90];
	v1 =	vmul.f32 v1, v0  }
0xd9: {  	v8 =	vld [tilespmem:s28+$0xE0];
	v2 =	vmul.f32 v2, v0;
	[tilespmem:s28+$0x80] =	vst v6  }
0xda: {  	[tilespmem:s28+$0xA0] =	vst v1;
	v1 =	vmul.f32 v3, v0  }
0xdb: {  	v3 =	vmul.f32 v4, v0;
	[tilespmem:s28+$0xB0] =	vst v2  }
0xdc: {  	v2 =	vmul.f32 v5, v0;
	[tilespmem:s28+$0xF0] =	vst v1  }
0xdd: {  	v1 =	vmul.f32 v7, v0;
	[tilespmem:s28+$0xD0] =	vst v3  }
0xde: {  	s0 =	sshll.u32 s25, $0xA;
	v0 =	vmul.f32 v8, v0;
	[tilespmem:s28+$0xC0] =	vst v2  }
0xdf: {  	s29 =	sshrl.u32 s0, $0x2;
	[tilespmem:s28+$0x90] =	vst v1  }
0xe0: {  	[tilespmem:s28+$0xE0] =	vst v0;
	s28 =	sadd.s32 $0x1000, s29  }
0xe1: {  	[spmem:s2] =	stream.indirect.scatter.add.f32 [tilespmem:s9], [sflag:$0x3], $0x80, s28, s15, $0xb8;
	[tilespmem:$0x1C000] =	vst v63  }
0xe2: {  	s28 =	simm.s32 $0x0  }
0xe3: {  	_ =	swait.ge [sflag:s19], $0x2800;
	v1 =	vmov s28  }
0xe4: {  	v0 =	vmov s26;
	[sflag:s19] =	ssyncset.done $0x0;
	v1 =	vand.u32 $0x7C, v1  }
0xe5: {  	p1 =	seq.s32 s25, $0x4;
	[sflag:s19] =	ssyncadd.s32 $0xFFFFD800;
	v1 =	vor.u32 v0, v1  }
0xe6: {  	s0 =	sshrl.u32 @!p1 s0, $0x2;
	_ =	swait.ge [sflag:s20], $0x2800;
	v1 =	vbroadcast v1, $0x0  }
0xe7: {  	s0 =	sadd.s32 @!p1 $0x100, s0;
	[sflag:s20] =	ssyncset.done $0x0  }
0xe8: {  	s29 =	simm.s32 @!p1 $0x3000;
	s28 =	simm.s32 @!p1 $0x50;
	[sflag:s20] =	ssyncadd.s32 $0xFFFFD800  }
0xe9: {  	[tilespmem:s29], [sflag:$0x1] =	stream.indirect.gather @!p1 [hbm4b:s3+s28], $0x80, s0, s28, $0xb8;
	[tilespmem:$0x1C000] =	vst v63  }
0xea: {  	s28 =	simm.s32 $0x5900  }
0xeb: {  	v3 =	vld [tilespmem:s28+$0xFFFFFF70]  }
0xec: {  	v1 =	vld.idx.msk [tilespmem:v1+s13+$0x0], $0xffff  }
0xed: {  	v4 =	vld [tilespmem:s28+$0xFFFFFF00]  }
0xee: {  	v5 =	vld [tilespmem:s28+$0xFFFFFF20]  }
0xef: {  	v6 =	vld [tilespmem:s28+$0xFFFFFF30]  }
0xf0: {  	v2 =	vld [tilespmem:s28+$0xFFFFFF50]  }
0xf1: {  	s0 =	simm.s32 $0x1;
	v8 =	vld [tilespmem:s28+$0xFFFFFF10];
	v3 =	vmul.f32 v3, v1  }
0xf2: {  	v7 =	vld [tilespmem:s28+$0xFFFFFF60];
	v61 =	vmov s0;
	v4 =	vmul.f32 v4, v1  }
0xf3: {  	v60 =	vld [tilespmem:s28+$0xFFFFFF40];
	v5 =	vmul.f32 v5, v1;
	[tilespmem:s28+$0xFFFFFF70] =	vst v3;
	v3 =	vand.u32 $0x7D, v61  }
0xf4: {  	v6 =	vmul.f32 v6, v1;
	[tilespmem:s28+$0xFFFFFF00] =	vst v4;
	v3 =	vor.u32 v0, v3  }
0xf5: {  	v2 =	vmul.f32 v2, v1;
	[tilespmem:s28+$0xFFFFFF20] =	vst v5;
	v3 =	vbroadcast v3, $0x0  }
0xf6: {  	v4 =	vmul.f32 v8, v1;
	[tilespmem:s28+$0xFFFFFF30] =	vst v6  }
0xf7: {  	v5 =	vmul.f32 v7, v1;
	[tilespmem:s28+$0xFFFFFF50] =	vst v2  }
0xf8: {  	v1 =	vmul.f32 v60, v1;
	[tilespmem:s28+$0xFFFFFF10] =	vst v4  }
0xf9: {  	v6 =	vld [tilespmem:s28+$0xFFFFFFB0];
	[tilespmem:s28+$0xFFFFFF60] =	vst v5  }
0xfa: {  	[tilespmem:s28+$0xFFFFFF40] =	vst v1;
	v1 =	vld [tilespmem:s28+$0xFFFFFFD0]  }
0xfb: {  	v3 =	vld.idx.msk [tilespmem:v3+s13+$0x0], $0xffff  }
0xfc: {  	v4 =	vld [tilespmem:s28+$0xFFFFFF80]  }
0xfd: {  	v5 =	vld [tilespmem:s28+$0xFFFFFF90]  }
0xfe: {  	v7 =	vld [tilespmem:s28+$0xFFFFFFE0]  }
0xff: {  	v8 =	vld [tilespmem:s28+$0xFFFFFFA0]  }
0x100: {  	s0 =	simm.s32 $0x2;
	v1 =	vmul.f32 v1, v3  }
0x101: {  	v62 =	vld [tilespmem:s28+$0xFFFFFFC0];
	v63 =	vmov s0;
	v4 =	vmul.f32 v4, v3  }
0x102: {  	v2 =	vld [tilespmem:s28+$0xFFFFFFF0];
	v5 =	vmul.f32 v5, v3;
	[tilespmem:s28+$0xFFFFFFD0] =	vst v1;
	v1 =	vmul.f32 v6, v3;
	v6 =	vand.u32 $0x7E, v63  }
0x103: {  	[tilespmem:s28+$0xFFFFFF80] =	vst v4;
	v4 =	vmul.f32 v7, v3;
	v6 =	vor.u32 v0, v6  }
0x104: {  	[tilespmem:s28+$0xFFFFFF90] =	vst v5;
	v5 =	vmul.f32 v8, v3;
	v7 =	vbroadcast v6, $0x0  }
0x105: {  	[tilespmem:s28+$0xFFFFFFB0] =	vst v1;
	v1 =	vld [tilespmem:s28+$0x40]  }
0x106: {  	v6 =	vmul.f32 v62, v3;
	[tilespmem:s28+$0xFFFFFFA0] =	vst v5;
	v5 =	vld [tilespmem:s28+$0x20]  }
0x107: {  	[tilespmem:s28+$0xFFFFFFE0] =	vst v4;
	v3 =	vmul.f32 v2, v3;
	v2 =	vld [tilespmem:s28+$0x50]  }
0x108: {  	v4 =	vld [tilespmem:s28+$0x0];
	[tilespmem:s28+$0xFFFFFFC0] =	vst v6  }
0x109: {  	[tilespmem:s28+$0xFFFFFFF0] =	vst v3;
	v6 =	vld [tilespmem:s28+$0x10]  }
0x10a: {  	v3 =	vld.idx.msk [tilespmem:v7+s13+$0x0], $0xffff  }
0x10b: {  	s30 =	simm.s32 $0x7;
	s31 =	simm.s32 $0x5900;
	s29 =	simm.s32 $0x3;
	v7 =	vld [tilespmem:s28+$0x30]  }
.LBB2_8:
0x10c: {  	p1 =	sne.s32 s30, $0x4F  }
0x10d: {  	v8 =	vld [tilespmem:s28+$0x70];
	s31 =	sadd.s32 $0x200, s31;
	s0 =	smov.u32 s30;
	s30 =	sadd.s32 $0x4, s30  }
0x10e: {  	v9 =	vld [tilespmem:s28+$0x60];
	_ =	sdelay $0x1  }
0x10f: {  	v6 =	vmul.f32 v6, v3;
	v4 =	vmul.f32 v4, v3  }
0x110: {  	v10 =	vmov s29;
	s29 =	smov.u32 s0;
	v5 =	vmul.f32 v5, v3;
	v7 =	vmul.f32 v7, v3  }
0x111: {  	v1 =	vmul.f32 v1, v3;
	v2 =	vmul.f32 v2, v3;
	[tilespmem:s28+$0x10] =	vst v6;
	v6 =	vand.u32 $0x7F, v10  }
0x112: {  	[tilespmem:s28+$0x20] =	vst v5;
	v5 =	vmul.f32 v9, v3;
	v3 =	vmul.f32 v8, v3;
	v6 =	vor.u32 v0, v6  }
0x113: {  	[tilespmem:s28+$0x30] =	vst v7;
	v6 =	vbroadcast v6, $0x0;
	v7 =	vld [tilespmem:s28+$0x80]  }
0x114: {  	[tilespmem:s28+$0x40] =	vst v1;
	v8 =	vld [tilespmem:s28+$0xF0]  }
0x115: {  	v1 =	vld [tilespmem:s31+$0x40];
	[tilespmem:s28+$0x50] =	vst v2  }
0x116: {  	v2 =	vld [tilespmem:s31+$0x50];
	[tilespmem:s28+$0x70] =	vst v3  }
0x117: {  	[tilespmem:s28+$0x60] =	vst v5;
	v3 =	vld [tilespmem:s28+$0xB0]  }
0x118: {  	[tilespmem:s28+$0x0] =	vst v4;
	v4 =	vld [tilespmem:s28+$0xD0]  }
0x119: {  	v5 =	vld.idx.msk [tilespmem:v6+s13+$0x0], $0xffff  }
0x11a: {  	v6 =	vld [tilespmem:s28+$0x90]  }
0x11b: {  	v9 =	vld [tilespmem:s28+$0xA0]  }
0x11c: {  	v10 =	vld [tilespmem:s28+$0xC0]  }
0x11d: {  	v11 =	vld [tilespmem:s28+$0xE0];
	_ =	sdelay $0x1  }
0x11e: {  	s0 =	sadd.s32 $0xFFFFFFFD, s29;
	v7 =	vmul.f32 v7, v5;
	v6 =	vmul.f32 v6, v5  }
0x11f: {  	v12 =	vmov s0;
	v3 =	vmul.f32 v3, v5;
	v9 =	vmul.f32 v9, v5  }
0x120: {  	v12 =	vand.u32 $0x7C, v12;
	v4 =	vmul.f32 v4, v5;
	[tilespmem:s28+$0x80] =	vst v7;
	v7 =	vmul.f32 v10, v5  }
0x121: {  	v10 =	vor.u32 v0, v12;
	[tilespmem:s28+$0xA0] =	vst v9;
	v9 =	vmul.f32 v11, v5;
	v5 =	vmul.f32 v8, v5  }
0x122: {  	v8 =	vbroadcast v10, $0x0;
	[tilespmem:s28+$0xB0] =	vst v3  }
0x123: {  	[tilespmem:s28+$0xF0] =	vst v5  }
0x124: {  	v3 =	vld [tilespmem:s31+$0xFFFFFF50];
	[tilespmem:s28+$0xD0] =	vst v4  }
0x125: {  	v4 =	vld [tilespmem:s31+$0xFFFFFF30];
	[tilespmem:s28+$0xC0] =	vst v7  }
0x126: {  	v5 =	vld [tilespmem:s31+$0xFFFFFF60];
	[tilespmem:s28+$0x90] =	vst v6  }
0x127: {  	v6 =	vld [tilespmem:s31+$0xFFFFFF70];
	[tilespmem:s28+$0xE0] =	vst v9;
	s28 =	smov.u32 s31  }
0x128: {  	v7 =	vld.idx.msk [tilespmem:v8+s13+$0x0], $0xffff  }
0x129: {  	v8 =	vld [tilespmem:s31+$0xFFFFFF00]  }
0x12a: {  	v9 =	vld [tilespmem:s31+$0xFFFFFF20]  }
0x12b: {  	v10 =	vld [tilespmem:s31+$0xFFFFFF10]  }
0x12c: {  	v11 =	vld [tilespmem:s31+$0xFFFFFF40];
	_ =	sdelay $0x1  }
0x12d: {  	s0 =	sadd.s32 $0xFFFFFFFE, s29;
	v6 =	vmul.f32 v6, v7;
	v8 =	vmul.f32 v8, v7  }
0x12e: {  	v12 =	vmov s0;
	v5 =	vmul.f32 v5, v7;
	v9 =	vmul.f32 v9, v7  }
0x12f: {  	v4 =	vmul.f32 v4, v7;
	v10 =	vmul.f32 v10, v7;
	[tilespmem:s31+$0xFFFFFF70] =	vst v6;
	v6 =	vand.u32 $0x7D, v12  }
0x130: {  	v3 =	vmul.f32 v3, v7;
	[tilespmem:s31+$0xFFFFFF00] =	vst v8;
	v8 =	vmul.f32 v11, v7;
	v6 =	vor.u32 v0, v6  }
0x131: {  	[tilespmem:s31+$0xFFFFFF20] =	vst v9;
	v6 =	vbroadcast v6, $0x0  }
0x132: {  	[tilespmem:s31+$0xFFFFFF30] =	vst v4  }
0x133: {  	[tilespmem:s31+$0xFFFFFF50] =	vst v3;
	v3 =	vld [tilespmem:s31+$0xFFFFFFF0]  }
0x134: {  	[tilespmem:s31+$0xFFFFFF10] =	vst v10;
	v4 =	vld [tilespmem:s31+$0xFFFFFFC0]  }
0x135: {  	[tilespmem:s31+$0xFFFFFF60] =	vst v5;
	v5 =	vld [tilespmem:s31+$0xFFFFFFB0]  }
0x136: {  	[tilespmem:s31+$0xFFFFFF40] =	vst v8;
	v7 =	vld [tilespmem:s31+$0xFFFFFFD0]  }
0x137: {  	v6 =	vld.idx.msk [tilespmem:v6+s13+$0x0], $0xffff  }
0x138: {  	v8 =	vld [tilespmem:s31+$0xFFFFFF80]  }
0x139: {  	v9 =	vld [tilespmem:s31+$0xFFFFFF90]  }
0x13a: {  	v10 =	vld [tilespmem:s31+$0xFFFFFFA0]  }
0x13b: {  	v11 =	vld [tilespmem:s31+$0xFFFFFFE0];
	_ =	sdelay $0x1  }
0x13c: {  	s0 =	sadd.s32 $0xFFFFFFFF, s29;
	v7 =	vmul.f32 v7, v6;
	v8 =	vmul.f32 v8, v6  }
0x13d: {  	v12 =	vmov s0;
	v5 =	vmul.f32 v5, v6;
	v9 =	vmul.f32 v9, v6  }
0x13e: {  	v4 =	vmul.f32 v4, v6;
	v10 =	vmul.f32 v10, v6;
	[tilespmem:s31+$0xFFFFFFD0] =	vst v7;
	v7 =	vand.u32 $0x7E, v12  }
0x13f: {  	v3 =	vmul.f32 v3, v6;
	[tilespmem:s31+$0xFFFFFF80] =	vst v8;
	v8 =	vmul.f32 v11, v6;
	v6 =	vor.u32 v0, v7  }
0x140: {  	[tilespmem:s31+$0xFFFFFF90] =	vst v9;
	v7 =	vbroadcast v6, $0x0  }
0x141: {  	[tilespmem:s31+$0xFFFFFFB0] =	vst v5  }
0x142: {  	[tilespmem:s31+$0xFFFFFFE0] =	vst v8  }
0x143: {  	[tilespmem:s31+$0xFFFFFFA0] =	vst v10  }
.Ltmp5:
0x144: {  	[tilespmem:s31+$0xFFFFFFC0] =	vst v4;
	v5 =	vld [tilespmem:s31+$0x20];
	(pc) =	sbr.rel @p1 .LBB2_8-.Ltmp5, $4  }
0x145: {  	[tilespmem:s31+$0xFFFFFFF0] =	vst v3;
	v6 =	vld [tilespmem:s31+$0x10]  }
0x146: {  	v3 =	vld.idx.msk [tilespmem:v7+s13+$0x0], $0xffff  }
0x147: {  	v4 =	vld [tilespmem:s31+$0x0]  }
0x148: {  	v7 =	vld [tilespmem:s31+$0x30]  }
0x149: {  	_ =	sdelay $0x1  }
0x14a: {  	v6 =	vmul.f32 v6, v3  }
0x14b: {  	v8 =	vld [tilespmem:s28+$0x70];
	v10 =	vmov s29;
	v5 =	vmul.f32 v5, v3  }
0x14c: {  	v9 =	vld [tilespmem:s28+$0x60];
	v48 =	vand.u32 $0x7F, v10;
	v1 =	vmul.f32 v1, v3;
	[tilespmem:s28+$0x10] =	vst v6  }
0x14d: {  	v0 =	vor.u32 v0, v48;
	v2 =	vmul.f32 v2, v3;
	[tilespmem:s28+$0x20] =	vst v5  }
0x14e: {  	v0 =	vbroadcast v0, $0x0;
	v52 =	vmul.f32 v4, v3;
	[tilespmem:s28+$0x40] =	vst v1  }
0x14f: {  	v7 =	vmul.f32 v7, v3;
	[tilespmem:s28+$0x50] =	vst v2  }
0x150: {  	v49 =	vmul.f32 v8, v3;
	[tilespmem:s28+$0x0] =	vst v52  }
0x151: {  	v51 =	vmul.f32 v9, v3;
	[tilespmem:s28+$0x30] =	vst v7  }
0x152: {  	[tilespmem:s28+$0x70] =	vst v49  }
0x153: {  	v50 =	vld [tilespmem:s28+$0x80];
	[tilespmem:s28+$0x60] =	vst v51  }
0x154: {  	v0 =	vld.idx.msk [tilespmem:v0+s13+$0x0], $0xffff  }
0x155: {  	v53 =	vld [tilespmem:s28+$0xA0]  }
0x156: {  	v54 =	vld [tilespmem:s28+$0xB0]  }
0x157: {  	v55 =	vld [tilespmem:s28+$0xF0]  }
0x158: {  	v56 =	vld [tilespmem:s28+$0xD0]  }
0x159: {  	v57 =	vld [tilespmem:s28+$0xC0];
	v6 =	vmul.f32 v50, v0  }
0x15a: {  	v58 =	vld [tilespmem:s28+$0x90];
	v1 =	vmul.f32 v53, v0  }
0x15b: {  	v59 =	vld [tilespmem:s28+$0xE0];
	v2 =	vmul.f32 v54, v0;
	[tilespmem:s28+$0x80] =	vst v6  }
0x15c: {  	v60 =	vmul.f32 v55, v0;
	[tilespmem:s28+$0xA0] =	vst v1  }
0x15d: {  	s25 =	sadd.s32 $0x1, s25;
	v61 =	vmul.f32 v56, v0;
	[tilespmem:s28+$0xB0] =	vst v2  }
0x15e: {  	p1 =	sne.s32 s25, $0x5;
	v62 =	vmul.f32 v57, v0;
	[tilespmem:s28+$0xF0] =	vst v60  }
.Ltmp6:
0x15f: {  	v63 =	vmul.f32 v58, v0;
	[tilespmem:s28+$0xD0] =	vst v61;
	(pc) =	sbr.rel @p1 .LBB2_5-.Ltmp6, $4  }
0x160: {  	v0 =	vmul.f32 v59, v0;
	[tilespmem:s28+$0xC0] =	vst v62  }
0x161: {  	[tilespmem:s28+$0x90] =	vst v63  }
0x162: {  	s0 =	sadd.s32 $0x1000, s26;
	[tilespmem:s28+$0xE0] =	vst v0  }
0x163: {  	[spmem:s2] =	stream.indirect.scatter.add.f32 [tilespmem:s17], [sflag:$0x4], $0x80, s0, s15, $0xb8;
	[tilespmem:$0x1C000] =	vst v63  }
.Ltmp7:
0x164: {  	(pc) =	sbr.rel @p0 .LBB2_20-.Ltmp7, $4  }
0x165: {  	_ = 	snop  }
0x166: {  	_ =	swait.ge [sflag:s21], $0x2800  }
0x167: {  	[sflag:s21] =	ssyncset.done $0x0  }
0x168: {  	[sflag:s21] =	ssyncadd.s32 $0xFFFFD800  }
0x169: {  	_ =	swait.ge [sflag:s14], $0x500  }
0x16a: {  	[sflag:s14] =	ssyncset.done $0x0  }
0x16b: {  	[sflag:s14] =	ssyncadd.s32 $0xFFFFFB00  }
0x16c: {  	_ =	swait.ge [sflag:s14], $0x500  }
0x16d: {  	p0 =	seq.s32 s24, $0x0;
	[sflag:s14] =	ssyncset.done $0x0  }
.Ltmp8:
0x16e: {  	[sflag:s14] =	ssyncadd.s32 $0xFFFFFB00;
	(pc) =	sbr.rel @p0 .LBB2_19-.Ltmp8, $4  }
0x16f: {  	_ =	swait.ge [sflag:s14], $0x500  }
0x170: {  	[sflag:s14] =	ssyncset.done $0x0  }
0x171: {  	[sflag:s14] =	ssyncadd.s32 $0xFFFFFB00  }
0x172: {  	[tilespmem:s9], [sflag:$0x1] =	stream.indirect.gather [hbm4b:s3+s15], $0x80, s22, s15, $0xb8;
	[tilespmem:$0x1C000] =	vst v63  }
.LBB2_12:
0x173: {  	s0 =	sshll.u32 s23, $0xB  }
0x174: {  	s0 =	sadd.s32 s0, s16  }
0x175: {  	s0 =	sshrl.u32 s0, $0x3  }
0x176: {  	s24 =	simm.s32 $0x0;
	s25 =	sadd.s32 s4, s0  }
0x177: {  	[tilespmem:s24], [sflag:$0x5] =	stream.linear.gather [hbm4b:s25+s24], $0x500, $0x38;
	[tilespmem:$0x1C000] =	vst v63  }
0x178: {  	s31 =	sadd.s32 s6, s0  }
0x179: {  	[tilespmem:s12], [sflag:$0x5] =	stream.linear.gather [hbm4b:s31+s24], $0x500, $0x38;
	[tilespmem:$0x1C000] =	vst v63  }
0x17a: {  	s0 =	sadd.s32 s7, s0  }
0x17b: {  	[tilespmem:s13], [sflag:$0x5] =	stream.linear.gather [hbm4b:s0+s24], $0x500, $0x38;
	[tilespmem:$0x1C000] =	vst v63  }
.LBB2_13:
0x17c: {  	s0 =	sshll.u32 s24, $0x1;
	s25 =	simm.s32 $0x0  }
0x17d: {  	s26 =	sshll.u32 s0, $0x7;
	v1 =	vmov s25  }
0x17e: {  	_ =	swait.ge [sflag:s10], $0x2800;
	v0 =	vmov s26;
	v1 =	vand.u32 $0x7C, v1  }
0x17f: {  	p0 =	seq.s32 s24, $0x0;
	[sflag:s10] =	ssyncset.done $0x0;
	v1 =	vor.u32 v0, v1  }
0x180: {  	s28 =	simm.s32 @!p0 $0x4;
	[sflag:s10] =	ssyncadd.s32 $0xFFFFD800;
	v1 =	vbroadcast v1, $0x0  }
0x181: {  	s0 =	sor.u32 $0x1, s0;
	_ =	swait.ge @!p0 [sflag:s28], $0x2800  }
0x182: {  	s25 =	sshll.u32 s0, $0x7;
	[sflag:s28] =	ssyncset.done @!p0 $0x0  }
0x183: {  	s26 =	simm.s32 $0x3100;
	s0 =	sadd.s32 $0x800, s25;
	[sflag:s28] =	ssyncadd.s32 @!p0 $0xFFFFD800  }
0x184: {  	[tilespmem:s17], [sflag:$0x2] =	stream.indirect.gather [hbm4b:s3+s15], $0x80, s0, s15, $0xb8;
	[tilespmem:$0x1C000] =	vst v63  }
0x185: {  	v3 =	vld [tilespmem:s26+$0xFFFFFF70]  }
0x186: {  	v1 =	vld.idx.msk [tilespmem:v1+s18+$0x0], $0xffff  }
0x187: {  	v4 =	vld [tilespmem:s26+$0xFFFFFF00]  }
0x188: {  	v5 =	vld [tilespmem:s26+$0xFFFFFF20]  }
0x189: {  	v6 =	vld [tilespmem:s26+$0xFFFFFF30]  }
0x18a: {  	v2 =	vld [tilespmem:s26+$0xFFFFFF50]  }
0x18b: {  	s31 =	simm.s32 $0x1;
	v8 =	vld [tilespmem:s26+$0xFFFFFF10];
	v3 =	vmul.f32 v3, v1  }
0x18c: {  	v10 =	vmov s31;
	v7 =	vld [tilespmem:s26+$0xFFFFFF60];
	v4 =	vmul.f32 v4, v1  }
0x18d: {  	v9 =	vld [tilespmem:s26+$0xFFFFFF40];
	v5 =	vmul.f32 v5, v1;
	[tilespmem:s26+$0xFFFFFF70] =	vst v3;
	v3 =	vand.u32 $0x7D, v10  }
0x18e: {  	v6 =	vmul.f32 v6, v1;
	[tilespmem:s26+$0xFFFFFF00] =	vst v4;
	v3 =	vor.u32 v0, v3  }
0x18f: {  	v2 =	vmul.f32 v2, v1;
	[tilespmem:s26+$0xFFFFFF20] =	vst v5;
	v3 =	vbroadcast v3, $0x0  }
0x190: {  	v4 =	vmul.f32 v8, v1;
	[tilespmem:s26+$0xFFFFFF30] =	vst v6  }
0x191: {  	v5 =	vmul.f32 v7, v1;
	[tilespmem:s26+$0xFFFFFF50] =	vst v2  }
0x192: {  	v1 =	vmul.f32 v9, v1;
	[tilespmem:s26+$0xFFFFFF10] =	vst v4  }
0x193: {  	v6 =	vld [tilespmem:s26+$0xFFFFFFB0];
	[tilespmem:s26+$0xFFFFFF60] =	vst v5  }
0x194: {  	[tilespmem:s26+$0xFFFFFF40] =	vst v1;
	v1 =	vld [tilespmem:s26+$0xFFFFFFD0]  }
0x195: {  	v3 =	vld.idx.msk [tilespmem:v3+s18+$0x0], $0xffff  }
0x196: {  	v4 =	vld [tilespmem:s26+$0xFFFFFF80]  }
0x197: {  	v5 =	vld [tilespmem:s26+$0xFFFFFF90]  }
0x198: {  	v7 =	vld [tilespmem:s26+$0xFFFFFFE0]  }
0x199: {  	v8 =	vld [tilespmem:s26+$0xFFFFFFA0]  }
0x19a: {  	s31 =	simm.s32 $0x2;
	v1 =	vmul.f32 v1, v3  }
0x19b: {  	v63 =	vmov s31;
	v62 =	vld [tilespmem:s26+$0xFFFFFFC0];
	v4 =	vmul.f32 v4, v3  }
0x19c: {  	v2 =	vld [tilespmem:s26+$0xFFFFFFF0];
	v5 =	vmul.f32 v5, v3;
	[tilespmem:s26+$0xFFFFFFD0] =	vst v1;
	v1 =	vmul.f32 v6, v3;
	v6 =	vand.u32 $0x7E, v63  }
0x19d: {  	[tilespmem:s26+$0xFFFFFF80] =	vst v4;
	v4 =	vmul.f32 v7, v3;
	v6 =	vor.u32 v0, v6  }
0x19e: {  	[tilespmem:s26+$0xFFFFFF90] =	vst v5;
	v5 =	vmul.f32 v8, v3;
	v7 =	vbroadcast v6, $0x0  }
0x19f: {  	[tilespmem:s26+$0xFFFFFFB0] =	vst v1;
	v1 =	vld [tilespmem:s26+$0x40]  }
0x1a0: {  	v6 =	vmul.f32 v62, v3;
	[tilespmem:s26+$0xFFFFFFA0] =	vst v5;
	v5 =	vld [tilespmem:s26+$0x20]  }
0x1a1: {  	[tilespmem:s26+$0xFFFFFFE0] =	vst v4;
	v3 =	vmul.f32 v2, v3;
	v2 =	vld [tilespmem:s26+$0x50]  }
0x1a2: {  	v4 =	vld [tilespmem:s26+$0x0];
	[tilespmem:s26+$0xFFFFFFC0] =	vst v6  }
0x1a3: {  	[tilespmem:s26+$0xFFFFFFF0] =	vst v3;
	v6 =	vld [tilespmem:s26+$0x10]  }
0x1a4: {  	v3 =	vld.idx.msk [tilespmem:v7+s18+$0x0], $0xffff  }
0x1a5: {  	s29 =	simm.s32 $0x7;
	s30 =	simm.s32 $0x3100;
	s28 =	simm.s32 $0x3;
	v7 =	vld [tilespmem:s26+$0x30]  }
.LBB2_14:
0x1a6: {  	p0 =	sne.s32 s29, $0x4F  }
0x1a7: {  	v8 =	vld [tilespmem:s26+$0x70];
	s30 =	sadd.s32 $0x200, s30;
	s0 =	smov.u32 s29;
	s29 =	sadd.s32 $0x4, s29  }
0x1a8: {  	v9 =	vld [tilespmem:s26+$0x60];
	_ =	sdelay $0x1  }
0x1a9: {  	v6 =	vmul.f32 v6, v3;
	v4 =	vmul.f32 v4, v3  }
0x1aa: {  	v10 =	vmov s28;
	s28 =	smov.u32 s0;
	v5 =	vmul.f32 v5, v3;
	v7 =	vmul.f32 v7, v3  }
0x1ab: {  	v1 =	vmul.f32 v1, v3;
	v2 =	vmul.f32 v2, v3;
	[tilespmem:s26+$0x10] =	vst v6;
	v6 =	vand.u32 $0x7F, v10  }
0x1ac: {  	[tilespmem:s26+$0x20] =	vst v5;
	v5 =	vmul.f32 v9, v3;
	v3 =	vmul.f32 v8, v3;
	v6 =	vor.u32 v0, v6  }
0x1ad: {  	[tilespmem:s26+$0x30] =	vst v7;
	v6 =	vbroadcast v6, $0x0;
	v7 =	vld [tilespmem:s26+$0x80]  }
0x1ae: {  	[tilespmem:s26+$0x40] =	vst v1;
	v8 =	vld [tilespmem:s26+$0xF0]  }
0x1af: {  	v1 =	vld [tilespmem:s30+$0x40];
	[tilespmem:s26+$0x50] =	vst v2  }
0x1b0: {  	v2 =	vld [tilespmem:s30+$0x50];
	[tilespmem:s26+$0x70] =	vst v3  }
0x1b1: {  	[tilespmem:s26+$0x60] =	vst v5;
	v3 =	vld [tilespmem:s26+$0xB0]  }
0x1b2: {  	[tilespmem:s26+$0x0] =	vst v4;
	v4 =	vld [tilespmem:s26+$0xD0]  }
0x1b3: {  	v5 =	vld.idx.msk [tilespmem:v6+s18+$0x0], $0xffff  }
0x1b4: {  	v6 =	vld [tilespmem:s26+$0x90]  }
0x1b5: {  	v9 =	vld [tilespmem:s26+$0xA0]  }
0x1b6: {  	v10 =	vld [tilespmem:s26+$0xC0]  }
0x1b7: {  	v11 =	vld [tilespmem:s26+$0xE0];
	_ =	sdelay $0x1  }
0x1b8: {  	s0 =	sadd.s32 $0xFFFFFFFD, s28;
	v7 =	vmul.f32 v7, v5;
	v6 =	vmul.f32 v6, v5  }
0x1b9: {  	v12 =	vmov s0;
	v3 =	vmul.f32 v3, v5;
	v9 =	vmul.f32 v9, v5  }
0x1ba: {  	v12 =	vand.u32 $0x7C, v12;
	v4 =	vmul.f32 v4, v5;
	[tilespmem:s26+$0x80] =	vst v7;
	v7 =	vmul.f32 v10, v5  }
0x1bb: {  	v10 =	vor.u32 v0, v12;
	[tilespmem:s26+$0xA0] =	vst v9;
	v9 =	vmul.f32 v11, v5;
	v5 =	vmul.f32 v8, v5  }
0x1bc: {  	v8 =	vbroadcast v10, $0x0;
	[tilespmem:s26+$0xB0] =	vst v3  }
0x1bd: {  	[tilespmem:s26+$0xF0] =	vst v5  }
0x1be: {  	v3 =	vld [tilespmem:s30+$0xFFFFFF50];
	[tilespmem:s26+$0xD0] =	vst v4  }
0x1bf: {  	v4 =	vld [tilespmem:s30+$0xFFFFFF30];
	[tilespmem:s26+$0xC0] =	vst v7  }
0x1c0: {  	v5 =	vld [tilespmem:s30+$0xFFFFFF60];
	[tilespmem:s26+$0x90] =	vst v6  }
0x1c1: {  	v6 =	vld [tilespmem:s30+$0xFFFFFF70];
	[tilespmem:s26+$0xE0] =	vst v9;
	s26 =	smov.u32 s30  }
0x1c2: {  	v7 =	vld.idx.msk [tilespmem:v8+s18+$0x0], $0xffff  }
0x1c3: {  	v8 =	vld [tilespmem:s30+$0xFFFFFF00]  }
0x1c4: {  	v9 =	vld [tilespmem:s30+$0xFFFFFF20]  }
0x1c5: {  	v10 =	vld [tilespmem:s30+$0xFFFFFF10]  }
0x1c6: {  	v11 =	vld [tilespmem:s30+$0xFFFFFF40];
	_ =	sdelay $0x1  }
0x1c7: {  	s0 =	sadd.s32 $0xFFFFFFFE, s28;
	v6 =	vmul.f32 v6, v7;
	v8 =	vmul.f32 v8, v7  }
0x1c8: {  	v12 =	vmov s0;
	v5 =	vmul.f32 v5, v7;
	v9 =	vmul.f32 v9, v7  }
0x1c9: {  	v4 =	vmul.f32 v4, v7;
	v10 =	vmul.f32 v10, v7;
	[tilespmem:s30+$0xFFFFFF70] =	vst v6;
	v6 =	vand.u32 $0x7D, v12  }
0x1ca: {  	v3 =	vmul.f32 v3, v7;
	[tilespmem:s30+$0xFFFFFF00] =	vst v8;
	v8 =	vmul.f32 v11, v7;
	v6 =	vor.u32 v0, v6  }
0x1cb: {  	[tilespmem:s30+$0xFFFFFF20] =	vst v9;
	v6 =	vbroadcast v6, $0x0  }
0x1cc: {  	[tilespmem:s30+$0xFFFFFF30] =	vst v4  }
0x1cd: {  	[tilespmem:s30+$0xFFFFFF50] =	vst v3;
	v3 =	vld [tilespmem:s30+$0xFFFFFFF0]  }
0x1ce: {  	[tilespmem:s30+$0xFFFFFF10] =	vst v10;
	v4 =	vld [tilespmem:s30+$0xFFFFFFC0]  }
0x1cf: {  	[tilespmem:s30+$0xFFFFFF60] =	vst v5;
	v5 =	vld [tilespmem:s30+$0xFFFFFFB0]  }
0x1d0: {  	[tilespmem:s30+$0xFFFFFF40] =	vst v8;
	v7 =	vld [tilespmem:s30+$0xFFFFFFD0]  }
0x1d1: {  	v6 =	vld.idx.msk [tilespmem:v6+s18+$0x0], $0xffff  }
0x1d2: {  	v8 =	vld [tilespmem:s30+$0xFFFFFF80]  }
0x1d3: {  	v9 =	vld [tilespmem:s30+$0xFFFFFF90]  }
0x1d4: {  	v10 =	vld [tilespmem:s30+$0xFFFFFFA0]  }
0x1d5: {  	v11 =	vld [tilespmem:s30+$0xFFFFFFE0];
	_ =	sdelay $0x1  }
0x1d6: {  	s0 =	sadd.s32 $0xFFFFFFFF, s28;
	v7 =	vmul.f32 v7, v6;
	v8 =	vmul.f32 v8, v6  }
0x1d7: {  	v12 =	vmov s0;
	v5 =	vmul.f32 v5, v6;
	v9 =	vmul.f32 v9, v6  }
0x1d8: {  	v4 =	vmul.f32 v4, v6;
	v10 =	vmul.f32 v10, v6;
	[tilespmem:s30+$0xFFFFFFD0] =	vst v7;
	v7 =	vand.u32 $0x7E, v12  }
0x1d9: {  	v3 =	vmul.f32 v3, v6;
	[tilespmem:s30+$0xFFFFFF80] =	vst v8;
	v8 =	vmul.f32 v11, v6;
	v6 =	vor.u32 v0, v7  }
0x1da: {  	[tilespmem:s30+$0xFFFFFF90] =	vst v9;
	v7 =	vbroadcast v6, $0x0  }
0x1db: {  	[tilespmem:s30+$0xFFFFFFB0] =	vst v5  }
0x1dc: {  	[tilespmem:s30+$0xFFFFFFE0] =	vst v8  }
0x1dd: {  	[tilespmem:s30+$0xFFFFFFA0] =	vst v10  }
.Ltmp9:
0x1de: {  	[tilespmem:s30+$0xFFFFFFC0] =	vst v4;
	v5 =	vld [tilespmem:s30+$0x20];
	(pc) =	sbr.rel @p0 .LBB2_14-.Ltmp9, $4  }
0x1df: {  	[tilespmem:s30+$0xFFFFFFF0] =	vst v3;
	v6 =	vld [tilespmem:s30+$0x10]  }
0x1e0: {  	v3 =	vld.idx.msk [tilespmem:v7+s18+$0x0], $0xffff  }
0x1e1: {  	v4 =	vld [tilespmem:s30+$0x0]  }
0x1e2: {  	v7 =	vld [tilespmem:s30+$0x30]  }
0x1e3: {  	_ =	sdelay $0x1  }
0x1e4: {  	v6 =	vmul.f32 v6, v3  }
0x1e5: {  	v8 =	vld [tilespmem:s26+$0x70];
	v10 =	vmov s28;
	v5 =	vmul.f32 v5, v3  }
0x1e6: {  	v9 =	vld [tilespmem:s26+$0x60];
	v1 =	vmul.f32 v1, v3;
	[tilespmem:s26+$0x10] =	vst v6;
	v6 =	vand.u32 $0x7F, v10  }
0x1e7: {  	v2 =	vmul.f32 v2, v3;
	[tilespmem:s26+$0x20] =	vst v5;
	v0 =	vor.u32 v0, v6  }
0x1e8: {  	v7 =	vmul.f32 v7, v3;
	[tilespmem:s26+$0x40] =	vst v1;
	v0 =	vbroadcast v0, $0x0  }
0x1e9: {  	[tilespmem:s26+$0x50] =	vst v2;
	v2 =	vmul.f32 v4, v3  }
0x1ea: {  	v5 =	vmul.f32 v8, v3;
	[tilespmem:s26+$0x30] =	vst v7  }
0x1eb: {  	v1 =	vmul.f32 v9, v3;
	[tilespmem:s26+$0x0] =	vst v2  }
0x1ec: {  	[tilespmem:s26+$0x70] =	vst v5  }
0x1ed: {  	v6 =	vld [tilespmem:s26+$0x80];
	[tilespmem:s26+$0x60] =	vst v1  }
0x1ee: {  	v0 =	vld.idx.msk [tilespmem:v0+s18+$0x0], $0xffff  }
0x1ef: {  	v1 =	vld [tilespmem:s26+$0xA0]  }
0x1f0: {  	v2 =	vld [tilespmem:s26+$0xB0]  }
0x1f1: {  	v3 =	vld [tilespmem:s26+$0xF0]  }
0x1f2: {  	v4 =	vld [tilespmem:s26+$0xD0]  }
0x1f3: {  	v5 =	vld [tilespmem:s26+$0xC0];
	v6 =	vmul.f32 v6, v0  }
0x1f4: {  	v7 =	vld [tilespmem:s26+$0x90];
	v1 =	vmul.f32 v1, v0  }
0x1f5: {  	v8 =	vld [tilespmem:s26+$0xE0];
	v2 =	vmul.f32 v2, v0;
	[tilespmem:s26+$0x80] =	vst v6  }
0x1f6: {  	[tilespmem:s26+$0xA0] =	vst v1;
	v1 =	vmul.f32 v3, v0  }
0x1f7: {  	v3 =	vmul.f32 v4, v0;
	[tilespmem:s26+$0xB0] =	vst v2  }
0x1f8: {  	v2 =	vmul.f32 v5, v0;
	[tilespmem:s26+$0xF0] =	vst v1  }
0x1f9: {  	v1 =	vmul.f32 v7, v0;
	[tilespmem:s26+$0xD0] =	vst v3  }
0x1fa: {  	s0 =	sshll.u32 s24, $0xA;
	v0 =	vmul.f32 v8, v0;
	[tilespmem:s26+$0xC0] =	vst v2  }
0x1fb: {  	s28 =	sshrl.u32 s0, $0x2;
	[tilespmem:s26+$0x90] =	vst v1  }
0x1fc: {  	s31 =	sadd.s32 $0x1800, s28;
	[tilespmem:s26+$0xE0] =	vst v0  }
0x1fd: {  	[spmem:s2] =	stream.indirect.scatter.add.f32 [tilespmem:s9], [sflag:$0x3], $0x80, s31, s15, $0xb8;
	[tilespmem:$0x1C000] =	vst v63  }
0x1fe: {  	s31 =	simm.s32 $0x0  }
0x1ff: {  	_ =	swait.ge [sflag:s19], $0x2800;
	v1 =	vmov s31  }
0x200: {  	v0 =	vmov s25;
	[sflag:s19] =	ssyncset.done $0x0;
	v1 =	vand.u32 $0x7C, v1  }
0x201: {  	p0 =	seq.s32 s24, $0x4;
	[sflag:s19] =	ssyncadd.s32 $0xFFFFD800;
	v1 =	vor.u32 v0, v1  }
0x202: {  	s0 =	sshrl.u32 @!p0 s0, $0x2;
	_ =	swait.ge [sflag:s20], $0x2800;
	v1 =	vbroadcast v1, $0x0  }
0x203: {  	s0 =	sadd.s32 @!p0 $0x900, s0;
	[sflag:s20] =	ssyncset.done $0x0  }
0x204: {  	s28 =	simm.s32 @!p0 $0x3000;
	s26 =	simm.s32 @!p0 $0x50;
	[sflag:s20] =	ssyncadd.s32 $0xFFFFD800  }
0x205: {  	[tilespmem:s28], [sflag:$0x1] =	stream.indirect.gather @!p0 [hbm4b:s3+s26], $0x80, s0, s26, $0xb8;
	[tilespmem:$0x1C000] =	vst v63  }
0x206: {  	s26 =	simm.s32 $0x5900  }
0x207: {  	v3 =	vld [tilespmem:s26+$0xFFFFFF70]  }
0x208: {  	v1 =	vld.idx.msk [tilespmem:v1+s18+$0x0], $0xffff  }
0x209: {  	v4 =	vld [tilespmem:s26+$0xFFFFFF00]  }
0x20a: {  	v5 =	vld [tilespmem:s26+$0xFFFFFF20]  }
0x20b: {  	v6 =	vld [tilespmem:s26+$0xFFFFFF30]  }
0x20c: {  	v2 =	vld [tilespmem:s26+$0xFFFFFF50]  }
0x20d: {  	s31 =	simm.s32 $0x1;
	v8 =	vld [tilespmem:s26+$0xFFFFFF10];
	v3 =	vmul.f32 v3, v1  }
0x20e: {  	v61 =	vmov s31;
	v7 =	vld [tilespmem:s26+$0xFFFFFF60];
	v4 =	vmul.f32 v4, v1  }
0x20f: {  	v60 =	vld [tilespmem:s26+$0xFFFFFF40];
	v5 =	vmul.f32 v5, v1;
	[tilespmem:s26+$0xFFFFFF70] =	vst v3;
	v3 =	vand.u32 $0x7D, v61  }
0x210: {  	v6 =	vmul.f32 v6, v1;
	[tilespmem:s26+$0xFFFFFF00] =	vst v4;
	v3 =	vor.u32 v0, v3  }
0x211: {  	v2 =	vmul.f32 v2, v1;
	[tilespmem:s26+$0xFFFFFF20] =	vst v5;
	v3 =	vbroadcast v3, $0x0  }
0x212: {  	v4 =	vmul.f32 v8, v1;
	[tilespmem:s26+$0xFFFFFF30] =	vst v6  }
0x213: {  	v5 =	vmul.f32 v7, v1;
	[tilespmem:s26+$0xFFFFFF50] =	vst v2  }
0x214: {  	v1 =	vmul.f32 v60, v1;
	[tilespmem:s26+$0xFFFFFF10] =	vst v4  }
0x215: {  	v6 =	vld [tilespmem:s26+$0xFFFFFFB0];
	[tilespmem:s26+$0xFFFFFF60] =	vst v5  }
0x216: {  	[tilespmem:s26+$0xFFFFFF40] =	vst v1;
	v1 =	vld [tilespmem:s26+$0xFFFFFFD0]  }
0x217: {  	v3 =	vld.idx.msk [tilespmem:v3+s18+$0x0], $0xffff  }
0x218: {  	v4 =	vld [tilespmem:s26+$0xFFFFFF80]  }
0x219: {  	v5 =	vld [tilespmem:s26+$0xFFFFFF90]  }
0x21a: {  	v7 =	vld [tilespmem:s26+$0xFFFFFFE0]  }
0x21b: {  	v8 =	vld [tilespmem:s26+$0xFFFFFFA0]  }
0x21c: {  	s31 =	simm.s32 $0x2;
	v1 =	vmul.f32 v1, v3  }
0x21d: {  	v63 =	vmov s31;
	v62 =	vld [tilespmem:s26+$0xFFFFFFC0];
	v4 =	vmul.f32 v4, v3  }
0x21e: {  	v2 =	vld [tilespmem:s26+$0xFFFFFFF0];
	v5 =	vmul.f32 v5, v3;
	[tilespmem:s26+$0xFFFFFFD0] =	vst v1;
	v1 =	vmul.f32 v6, v3;
	v6 =	vand.u32 $0x7E, v63  }
0x21f: {  	[tilespmem:s26+$0xFFFFFF80] =	vst v4;
	v4 =	vmul.f32 v7, v3;
	v6 =	vor.u32 v0, v6  }
0x220: {  	[tilespmem:s26+$0xFFFFFF90] =	vst v5;
	v5 =	vmul.f32 v8, v3;
	v7 =	vbroadcast v6, $0x0  }
0x221: {  	[tilespmem:s26+$0xFFFFFFB0] =	vst v1;
	v1 =	vld [tilespmem:s26+$0x40]  }
0x222: {  	v6 =	vmul.f32 v62, v3;
	[tilespmem:s26+$0xFFFFFFA0] =	vst v5;
	v5 =	vld [tilespmem:s26+$0x20]  }
0x223: {  	[tilespmem:s26+$0xFFFFFFE0] =	vst v4;
	v3 =	vmul.f32 v2, v3;
	v2 =	vld [tilespmem:s26+$0x50]  }
0x224: {  	v4 =	vld [tilespmem:s26+$0x0];
	[tilespmem:s26+$0xFFFFFFC0] =	vst v6  }
0x225: {  	[tilespmem:s26+$0xFFFFFFF0] =	vst v3;
	v6 =	vld [tilespmem:s26+$0x10]  }
0x226: {  	v3 =	vld.idx.msk [tilespmem:v7+s18+$0x0], $0xffff  }
0x227: {  	s29 =	simm.s32 $0x7;
	s30 =	simm.s32 $0x5900;
	s28 =	simm.s32 $0x3;
	v7 =	vld [tilespmem:s26+$0x30]  }
.LBB2_16:
0x228: {  	p0 =	sne.s32 s29, $0x4F  }
0x229: {  	v8 =	vld [tilespmem:s26+$0x70];
	s30 =	sadd.s32 $0x200, s30;
	s0 =	smov.u32 s29;
	s29 =	sadd.s32 $0x4, s29  }
0x22a: {  	v9 =	vld [tilespmem:s26+$0x60];
	_ =	sdelay $0x1  }
0x22b: {  	v6 =	vmul.f32 v6, v3;
	v4 =	vmul.f32 v4, v3  }
0x22c: {  	v10 =	vmov s28;
	s28 =	smov.u32 s0;
	v5 =	vmul.f32 v5, v3;
	v7 =	vmul.f32 v7, v3  }
0x22d: {  	v1 =	vmul.f32 v1, v3;
	v2 =	vmul.f32 v2, v3;
	[tilespmem:s26+$0x10] =	vst v6;
	v6 =	vand.u32 $0x7F, v10  }
0x22e: {  	[tilespmem:s26+$0x20] =	vst v5;
	v5 =	vmul.f32 v9, v3;
	v3 =	vmul.f32 v8, v3;
	v6 =	vor.u32 v0, v6  }
0x22f: {  	[tilespmem:s26+$0x30] =	vst v7;
	v6 =	vbroadcast v6, $0x0;
	v7 =	vld [tilespmem:s26+$0x80]  }
0x230: {  	[tilespmem:s26+$0x40] =	vst v1;
	v8 =	vld [tilespmem:s26+$0xF0]  }
0x231: {  	v1 =	vld [tilespmem:s30+$0x40];
	[tilespmem:s26+$0x50] =	vst v2  }
0x232: {  	v2 =	vld [tilespmem:s30+$0x50];
	[tilespmem:s26+$0x70] =	vst v3  }
0x233: {  	[tilespmem:s26+$0x60] =	vst v5;
	v3 =	vld [tilespmem:s26+$0xB0]  }
0x234: {  	[tilespmem:s26+$0x0] =	vst v4;
	v4 =	vld [tilespmem:s26+$0xD0]  }
0x235: {  	v5 =	vld.idx.msk [tilespmem:v6+s18+$0x0], $0xffff  }
0x236: {  	v6 =	vld [tilespmem:s26+$0x90]  }
0x237: {  	v9 =	vld [tilespmem:s26+$0xA0]  }
0x238: {  	v10 =	vld [tilespmem:s26+$0xC0]  }
0x239: {  	v11 =	vld [tilespmem:s26+$0xE0];
	_ =	sdelay $0x1  }
0x23a: {  	s0 =	sadd.s32 $0xFFFFFFFD, s28;
	v7 =	vmul.f32 v7, v5;
	v6 =	vmul.f32 v6, v5  }
0x23b: {  	v12 =	vmov s0;
	v3 =	vmul.f32 v3, v5;
	v9 =	vmul.f32 v9, v5  }
0x23c: {  	v12 =	vand.u32 $0x7C, v12;
	v4 =	vmul.f32 v4, v5;
	[tilespmem:s26+$0x80] =	vst v7;
	v7 =	vmul.f32 v10, v5  }
0x23d: {  	v10 =	vor.u32 v0, v12;
	[tilespmem:s26+$0xA0] =	vst v9;
	v9 =	vmul.f32 v11, v5;
	v5 =	vmul.f32 v8, v5  }
0x23e: {  	v8 =	vbroadcast v10, $0x0;
	[tilespmem:s26+$0xB0] =	vst v3  }
0x23f: {  	[tilespmem:s26+$0xF0] =	vst v5  }
0x240: {  	v3 =	vld [tilespmem:s30+$0xFFFFFF50];
	[tilespmem:s26+$0xD0] =	vst v4  }
0x241: {  	v4 =	vld [tilespmem:s30+$0xFFFFFF30];
	[tilespmem:s26+$0xC0] =	vst v7  }
0x242: {  	v5 =	vld [tilespmem:s30+$0xFFFFFF60];
	[tilespmem:s26+$0x90] =	vst v6  }
0x243: {  	v6 =	vld [tilespmem:s30+$0xFFFFFF70];
	[tilespmem:s26+$0xE0] =	vst v9;
	s26 =	smov.u32 s30  }
0x244: {  	v7 =	vld.idx.msk [tilespmem:v8+s18+$0x0], $0xffff  }
0x245: {  	v8 =	vld [tilespmem:s30+$0xFFFFFF00]  }
0x246: {  	v9 =	vld [tilespmem:s30+$0xFFFFFF20]  }
0x247: {  	v10 =	vld [tilespmem:s30+$0xFFFFFF10]  }
0x248: {  	v11 =	vld [tilespmem:s30+$0xFFFFFF40];
	_ =	sdelay $0x1  }
0x249: {  	s0 =	sadd.s32 $0xFFFFFFFE, s28;
	v6 =	vmul.f32 v6, v7;
	v8 =	vmul.f32 v8, v7  }
0x24a: {  	v12 =	vmov s0;
	v5 =	vmul.f32 v5, v7;
	v9 =	vmul.f32 v9, v7  }
0x24b: {  	v4 =	vmul.f32 v4, v7;
	v10 =	vmul.f32 v10, v7;
	[tilespmem:s30+$0xFFFFFF70] =	vst v6;
	v6 =	vand.u32 $0x7D, v12  }
0x24c: {  	v3 =	vmul.f32 v3, v7;
	[tilespmem:s30+$0xFFFFFF00] =	vst v8;
	v8 =	vmul.f32 v11, v7;
	v6 =	vor.u32 v0, v6  }
0x24d: {  	[tilespmem:s30+$0xFFFFFF20] =	vst v9;
	v6 =	vbroadcast v6, $0x0  }
0x24e: {  	[tilespmem:s30+$0xFFFFFF30] =	vst v4  }
0x24f: {  	[tilespmem:s30+$0xFFFFFF50] =	vst v3;
	v3 =	vld [tilespmem:s30+$0xFFFFFFF0]  }
0x250: {  	[tilespmem:s30+$0xFFFFFF10] =	vst v10;
	v4 =	vld [tilespmem:s30+$0xFFFFFFC0]  }
0x251: {  	[tilespmem:s30+$0xFFFFFF60] =	vst v5;
	v5 =	vld [tilespmem:s30+$0xFFFFFFB0]  }
0x252: {  	[tilespmem:s30+$0xFFFFFF40] =	vst v8;
	v7 =	vld [tilespmem:s30+$0xFFFFFFD0]  }
0x253: {  	v6 =	vld.idx.msk [tilespmem:v6+s18+$0x0], $0xffff  }
0x254: {  	v8 =	vld [tilespmem:s30+$0xFFFFFF80]  }
0x255: {  	v9 =	vld [tilespmem:s30+$0xFFFFFF90]  }
0x256: {  	v10 =	vld [tilespmem:s30+$0xFFFFFFA0]  }
0x257: {  	v11 =	vld [tilespmem:s30+$0xFFFFFFE0];
	_ =	sdelay $0x1  }
0x258: {  	s0 =	sadd.s32 $0xFFFFFFFF, s28;
	v7 =	vmul.f32 v7, v6;
	v8 =	vmul.f32 v8, v6  }
0x259: {  	v12 =	vmov s0;
	v5 =	vmul.f32 v5, v6;
	v9 =	vmul.f32 v9, v6  }
0x25a: {  	v4 =	vmul.f32 v4, v6;
	v10 =	vmul.f32 v10, v6;
	[tilespmem:s30+$0xFFFFFFD0] =	vst v7;
	v7 =	vand.u32 $0x7E, v12  }
0x25b: {  	v3 =	vmul.f32 v3, v6;
	[tilespmem:s30+$0xFFFFFF80] =	vst v8;
	v8 =	vmul.f32 v11, v6;
	v6 =	vor.u32 v0, v7  }
0x25c: {  	[tilespmem:s30+$0xFFFFFF90] =	vst v9;
	v7 =	vbroadcast v6, $0x0  }
0x25d: {  	[tilespmem:s30+$0xFFFFFFB0] =	vst v5  }
0x25e: {  	[tilespmem:s30+$0xFFFFFFE0] =	vst v8  }
0x25f: {  	[tilespmem:s30+$0xFFFFFFA0] =	vst v10  }
.Ltmp10:
0x260: {  	[tilespmem:s30+$0xFFFFFFC0] =	vst v4;
	v5 =	vld [tilespmem:s30+$0x20];
	(pc) =	sbr.rel @p0 .LBB2_16-.Ltmp10, $4  }
0x261: {  	[tilespmem:s30+$0xFFFFFFF0] =	vst v3;
	v6 =	vld [tilespmem:s30+$0x10]  }
0x262: {  	v3 =	vld.idx.msk [tilespmem:v7+s18+$0x0], $0xffff  }
0x263: {  	v4 =	vld [tilespmem:s30+$0x0]  }
0x264: {  	v7 =	vld [tilespmem:s30+$0x30]  }
0x265: {  	_ =	sdelay $0x1  }
0x266: {  	v6 =	vmul.f32 v6, v3  }
0x267: {  	v8 =	vld [tilespmem:s26+$0x70];
	v10 =	vmov s28;
	v5 =	vmul.f32 v5, v3  }
0x268: {  	v9 =	vld [tilespmem:s26+$0x60];
	v48 =	vand.u32 $0x7F, v10;
	v1 =	vmul.f32 v1, v3;
	[tilespmem:s26+$0x10] =	vst v6  }
0x269: {  	v0 =	vor.u32 v0, v48;
	v2 =	vmul.f32 v2, v3;
	[tilespmem:s26+$0x20] =	vst v5  }
0x26a: {  	v0 =	vbroadcast v0, $0x0;
	v52 =	vmul.f32 v4, v3;
	[tilespmem:s26+$0x40] =	vst v1  }
0x26b: {  	v7 =	vmul.f32 v7, v3;
	[tilespmem:s26+$0x50] =	vst v2  }
0x26c: {  	v49 =	vmul.f32 v8, v3;
	[tilespmem:s26+$0x0] =	vst v52  }
0x26d: {  	v51 =	vmul.f32 v9, v3;
	[tilespmem:s26+$0x30] =	vst v7  }
0x26e: {  	[tilespmem:s26+$0x70] =	vst v49  }
0x26f: {  	v50 =	vld [tilespmem:s26+$0x80];
	[tilespmem:s26+$0x60] =	vst v51  }
0x270: {  	v0 =	vld.idx.msk [tilespmem:v0+s18+$0x0], $0xffff  }
0x271: {  	v53 =	vld [tilespmem:s26+$0xA0]  }
0x272: {  	v54 =	vld [tilespmem:s26+$0xB0]  }
0x273: {  	v55 =	vld [tilespmem:s26+$0xF0]  }
0x274: {  	v56 =	vld [tilespmem:s26+$0xD0]  }
0x275: {  	v57 =	vld [tilespmem:s26+$0xC0];
	v6 =	vmul.f32 v50, v0  }
0x276: {  	v58 =	vld [tilespmem:s26+$0x90];
	v1 =	vmul.f32 v53, v0  }
0x277: {  	v59 =	vld [tilespmem:s26+$0xE0];
	v2 =	vmul.f32 v54, v0;
	[tilespmem:s26+$0x80] =	vst v6  }
0x278: {  	v60 =	vmul.f32 v55, v0;
	[tilespmem:s26+$0xA0] =	vst v1  }
0x279: {  	s24 =	sadd.s32 $0x1, s24;
	v61 =	vmul.f32 v56, v0;
	[tilespmem:s26+$0xB0] =	vst v2  }
0x27a: {  	p0 =	sne.s32 s24, $0x5;
	v62 =	vmul.f32 v57, v0;
	[tilespmem:s26+$0xF0] =	vst v60  }
.Ltmp11:
0x27b: {  	v63 =	vmul.f32 v58, v0;
	[tilespmem:s26+$0xD0] =	vst v61;
	(pc) =	sbr.rel @p0 .LBB2_13-.Ltmp11, $4  }
0x27c: {  	v0 =	vmul.f32 v59, v0;
	[tilespmem:s26+$0xC0] =	vst v62  }
0x27d: {  	[tilespmem:s26+$0x90] =	vst v63  }
0x27e: {  	s0 =	sadd.s32 $0x1800, s25;
	[tilespmem:s26+$0xE0] =	vst v0  }
0x27f: {  	[spmem:s2] =	stream.indirect.scatter.add.f32 [tilespmem:s17], [sflag:$0x4], $0x80, s0, s15, $0xb8;
	[tilespmem:$0x1C000] =	vst v63  }
0x280: {  	_ =	swait.ge [sflag:s21], $0x2800  }
0x281: {  	[sflag:s21] =	ssyncset.done $0x0  }
0x282: {  	[sflag:s21] =	ssyncadd.s32 $0xFFFFD800  }
0x283: {  	_ =	swait.ge [sflag:s14], $0x500  }
0x284: {  	[sflag:s14] =	ssyncset.done $0x0  }
0x285: {  	[sflag:s14] =	ssyncadd.s32 $0xFFFFFB00  }
0x286: {  	_ =	swait.ge [sflag:s14], $0x500  }
0x287: {  	[sflag:s14] =	ssyncset.done $0x0  }
.Ltmp12:
0x288: {  	[sflag:s14] =	ssyncadd.s32 $0xFFFFFB00;
	(pc) =	sbr.rel .LBB2_19-.Ltmp12, $4  }
0x289: {  	_ =	swait.ge [sflag:s14], $0x500  }
0x28a: {  	[sflag:s14] =	ssyncset.done $0x0  }
0x28b: {  	[sflag:s14] =	ssyncadd.s32 $0xFFFFFB00  }
0x28c: {  	[tilespmem:s9], [sflag:$0x1] =	stream.indirect.gather [hbm4b:s3+s15], $0x80, s11, s15, $0xb8;
	[tilespmem:$0x1C000] =	vst v63  }
.LBB2_20:
0x28d: {  	s0 =	smul.u32 $0x2800, s1  }
0x28e: {  	s2 =	sshll.u32 s1, $0x6;
	[bflag:$0x0] =	sbarrier.arrive $0xFFFF;
	s3 =	sshrl.u32 s8, $0x3  }
0x28f: {  	s31 =	simm.s32 $0x6;
	s2 =	sor.u32 $0x1C06, s2;
	s0 =	sadd.s32 s5, s0  }
0x290: {  	[hbm:s0], [sflag:s2] =	dma.local [spmem:s3], $0x2800  }
0x291: {  	_ =	swait.ge [sflag:s31], $0x2800  }
0x292: {  	[sflag:s31] =	ssyncset.done $0x0  }
0x293: {  	[sflag:s31] =	ssyncadd.s32 $0xFFFFD800  }
0x294: {  	_ =	sfence.sel $0x180000  }
0x295: {  	[bflag:$0x0] =	sbarrier.arrive $0xFFFF  }
0x296: {  	_ =	strace $0x9000004A  }
0x297: {  	[bflag:$0x2] =	sbarrier.arrive $0xFFFF  }
0x298: {  	p0 =	sne.s32 s1, $0x0;
	s0 =	rddreg [dreg:$0x2]  }
0x299: {  	s0 =	sadd.s32 @!p0 $0x100000, s0  }
0x29a: {  	[sflag:s0] =	ssyncadd.tile.s32 @!p0 $0x1;
	_ =	shalt  }
.Lfunc_end2:
_tile_overlayer_lowered:
.L_overlay_start_2:
0x29b: {  	(tag) =	ssettag $0x2  }
0x29c: {  	s0 =	rddreg [dreg:$0x0];
	s2 =	stileid.u32  }
0x29d: {  	s1 =	rddreg [dreg:$0x1];
	p0 =	sne.s32 s2, $0x0  }
0x29e: {  	s3 =	rddreg [dreg:$0x2];
	[bflag:$0x3] =	sbarrier.arrive $0xFFFF;
	s2 =	simm.s32 @!p0 $0x1C06  }
0x29f: {  	[timem:s3], [sflag:s2] =	dma.local @!p0 [hbm:s0], s1  }
0x2a0: {  	s0 =	simm.s32 @!p0 $0x6  }
0x2a1: {  	_ =	swait.ge @!p0 [sflag:s0], s1  }
0x2a2: {  	s1 =	ssub.s32 @!p0 $0x0, s1;
	[sflag:s0] =	ssyncset.done @!p0 $0x0  }
0x2a3: {  	[sflag:s0] =	ssyncadd.s32 @!p0 s1  }
0x2a4: {  	[bflag:$0x3] =	sbarrier.arrive $0xFFFF  }
0x2a5: {  	_ =	shalt  }

// kernel: kernel.13.cloned.1.call-start
scs
__scs_entry_jumppad:
0x0: {  	(pc) =	sbr.rel $0x88, $3  }
0x1: {  	(tag) =	ssettag $0x0;
	lr =	simm.s32 $0x1  }
0x2: {  	[smem:$0x3F96] =	sst lr;
	_ =	strace $0xD0000000  }
0x3: {  	_ = 	snop  }
0x4: {  	_ = 	snop  }
0x5: {  	_ = 	snop  }
0x6: {  	_ = 	snop  }
0x7: {  	_ = 	snop  }
__scs_overlays_trampoline_lowered:
0x8: {  	[smem:$0x3FA5] =	sst s0  }
0x9: {  	[smem:$0x3FA6] =	sst s1  }
0xa: {  	[smem:$0x3FA7] =	sst s2  }
0xb: {  	[smem:$0x3FA8] =	sst s3  }
0xc: {  	[smem:$0x3FA9] =	sst s4  }
0xd: {  	[smem:$0x3FAA] =	sst s5  }
0xe: {  	[smem:$0x3FAB] =	sst s6  }
0xf: {  	[smem:$0x3FAC] =	sst s7  }
0x10: {  	[smem:$0x3FAD] =	sst s8  }
0x11: {  	[smem:$0x3FAE] =	sst s9;
	s0 =	simm.s32 @!p0 $0x0  }
0x12: {  	s1 =	sld [smem:$0x3F94];
	s0 =	simm.s32 @p0 $0x1  }
0x13: {  	[smem:$0x3FAF] =	sst s0;
	s0 =	simm.s32 @!p1 $0x0  }
0x14: {  	s2 =	sld [smem:$0x3F93];
	s0 =	simm.s32 @p1 $0x1  }
0x15: {  	[smem:$0x3FB0] =	sst s0;
	s0 =	simm.s32 @!p2 $0x0  }
0x16: {  	s3 =	sld [smem:$0x3FDB];
	s0 =	simm.s32 @p2 $0x1  }
0x17: {  	s4 =	simm.s32 $0x1BF5;
	[smem:$0x3FB2] =	sst s0  }
0x18: {  	s0 =	sld [smem:$0x3F95];
	_ =	swait.ge [sflag:s4], $0x0  }
0x19: {  	s7 =	sld [smem:$0x3F96]  }
0x1a: {  	s8 =	sadd.s32 $0xFFFFE003, lr  }
0x1b: {  	s9 =	sadd.s32 $0xFFFFFEF7, lr;
	s5 =	simm.s32 $0xFFFFFFFF;
	p2 =	slt.u32 s8, $0xFFFFF086  }
0x1c: {  	p1 =	slt.u32 s9, $0xF7A;
	s5 =	simm.s32 @!p2 $0x0  }
0x1d: {  	s5 =	simm.s32 @p1 $0x1;
	p0 =	seq.s32 s7, s2  }
0x1e: {  	s7 =	smul.u32 @!p0 $0xF7A, s2;
	p2 =	seq.s32 @!p0 s5, $0x0  }
0x1f: {  	s9 =	smul.u32 $0xF7A, s1;
	s8 =	simm.s32 @!p0 $0x1BF5;
	p2 =	por !p2, p0  }
0x20: {  	[sflag:s8] =	ssyncset.s32 @!p0 $0xFFFFF086;
	s6 =	sadd.s32 @!p0 s3, s7;
	s7 =	simm.s32 @!p0 $0x108  }
0x21: {  	s3 =	sadd.s32 s3, s9;
	s6 =	sadd.s32 @!p0 $0x88, s6;
	s7 =	simm.s32 @p2 $0x1082  }
0x22: {  	[simem:s7], [sflag:s8] =	dma.local @!p0 [hbm:s6], $0xF7A  }
0x23: {  	s9 =	sor.u32 $0xD0000000, s2;
	s6 =	simm.s32 $0x108;
	_ =	swait.ge @!p0 [sflag:s8], $0x0  }
0x24: {  	s3 =	sadd.s32 $0x88, s3;
	s6 =	simm.s32 @!p1 $0x1082;
	[sflag:s4] =	ssyncset.s32 $0xFFFFF086  }
0x25: {  	[simem:s6], [sflag:s4] =	dma.local [hbm:s3], $0xF7A  }
0x26: {  	[smem:$0x3F96] =	sst s1;
	(tag) =	ssettag s2;
	_ =	strace s9  }
0x27: {  	s1 =	sld [smem:$0x3FA6]  }
0x28: {  	s2 =	sld [smem:$0x3FA7]  }
0x29: {  	s4 =	sld [smem:$0x3FA9]  }
0x2a: {  	p0 =	seq.s32 s5, $0x0;
	s5 =	sld [smem:$0x3FAA]  }
0x2b: {  	s6 =	sld [smem:$0x3FAB]  }
0x2c: {  	s7 =	sld [smem:$0x3FAC]  }
0x2d: {  	s3 =	simm.s32 $0x108;
	s8 =	sld [smem:$0x3FAD]  }
0x2e: {  	s3 =	simm.s32 @!p0 $0x1082;
	s9 =	sld [smem:$0x3FAE]  }
0x2f: {  	lr =	sadd.s32 s0, s3;
	s0 =	sld [smem:$0x3FA5]  }
0x30: {  	s3 =	sld [smem:$0x3FA8]  }
0x31: {  	[smem:$0x3FB1] =	sst s10  }
0x32: {  	s10 =	sld [smem:$0x3FAF];
	_ =	sdelay $0x3  }
0x33: {  	p0 =	seq.s32 s10, $0x1;
	s10 =	sld [smem:$0x3FB1];
	_ =	sdelay $0x3  }
0x34: {  	[smem:$0x3FB1] =	sst s10  }
0x35: {  	s10 =	sld [smem:$0x3FB0];
	_ =	sdelay $0x3  }
0x36: {  	p1 =	seq.s32 s10, $0x1;
	s10 =	sld [smem:$0x3FB1];
	_ =	sdelay $0x3  }
0x37: {  	[smem:$0x3FB1] =	sst s10  }
0x38: {  	s10 =	sld [smem:$0x3FB2]  }
0x39: {  	_ = 	snop;
	(pc) =	sbr.ind lr, $3  }
0x3a: {  	_ = 	snop  }
0x3b: {  	_ = 	snop  }
0x3c: {  	p2 =	seq.s32 s10, $0x1;
	s10 =	sld [smem:$0x3FB1]  }
0x3d: {  	_ =	shalt  }
0x3e: {  	_ =	shalt  }
0x3f: {  	_ =	shalt  }
0x40: {  	_ =	shalt  }
0x41: {  	_ =	shalt  }
0x42: {  	_ =	shalt  }
0x43: {  	_ =	shalt  }
0x44: {  	_ =	shalt  }
0x45: {  	_ =	shalt  }
0x46: {  	_ =	shalt  }
0x47: {  	_ =	shalt  }
0x48: {  	_ =	shalt  }
0x49: {  	_ =	shalt  }
0x4a: {  	_ =	shalt  }
0x4b: {  	_ =	shalt  }
0x4c: {  	_ =	shalt  }
0x4d: {  	_ =	shalt  }
0x4e: {  	_ =	shalt  }
0x4f: {  	_ =	shalt  }
0x50: {  	_ =	shalt  }
0x51: {  	_ =	shalt  }
0x52: {  	_ =	shalt  }
0x53: {  	_ =	shalt  }
0x54: {  	_ =	shalt  }
0x55: {  	_ =	shalt  }
0x56: {  	_ =	shalt  }
0x57: {  	_ =	shalt  }
0x58: {  	_ =	shalt  }
0x59: {  	_ =	shalt  }
0x5a: {  	_ =	shalt  }
0x5b: {  	_ =	shalt  }
0x5c: {  	_ =	shalt  }
0x5d: {  	_ =	shalt  }
0x5e: {  	_ =	shalt  }
0x5f: {  	_ =	shalt  }
0x60: {  	_ =	shalt  }
0x61: {  	_ =	shalt  }
0x62: {  	_ =	shalt  }
0x63: {  	_ =	shalt  }
0x64: {  	_ =	shalt  }
0x65: {  	_ =	shalt  }
0x66: {  	_ =	shalt  }
0x67: {  	_ =	shalt  }
0x68: {  	_ =	shalt  }
0x69: {  	_ =	shalt  }
0x6a: {  	_ =	shalt  }
0x6b: {  	_ =	shalt  }
0x6c: {  	_ =	shalt  }
0x6d: {  	_ =	shalt  }
0x6e: {  	_ =	shalt  }
0x6f: {  	_ =	shalt  }
0x70: {  	_ =	shalt  }
0x71: {  	_ =	shalt  }
0x72: {  	_ =	shalt  }
0x73: {  	_ =	shalt  }
0x74: {  	_ =	shalt  }
0x75: {  	_ =	shalt  }
0x76: {  	_ =	shalt  }
0x77: {  	_ =	shalt  }
0x78: {  	_ =	shalt  }
0x79: {  	_ =	shalt  }
0x7a: {  	_ =	shalt  }
0x7b: {  	_ =	shalt  }
0x7c: {  	_ =	shalt  }
0x7d: {  	_ =	shalt  }
0x7e: {  	_ =	shalt  }
0x7f: {  	_ =	shalt  }
0x80: {  	_ =	shalt  }
0x81: {  	_ =	shalt  }
0x82: {  	_ =	shalt  }
0x83: {  	_ =	shalt  }
0x84: {  	_ =	shalt  }
0x85: {  	_ =	shalt  }
0x86: {  	_ =	shalt  }
0x87: {  	_ =	shalt  }
.Lfunc_end0:
.L_simem_size_0:
called_computation.2_lowered:
.L_overlay_start_0:
0x88: {  	s2 =	sld [smem:$0x3FD9]  }
0x89: {  	s3 =	sld [smem:$0x3FFE];
	_ =	sdelay $0x1  }
0x8a: {  	s1 =	srdreg.scid  }
0x8b: {  	s0 =	sand.u32 $0x1, s1  }
0x8c: {  	s17 =	sshll.u32 s0, $0xA;
	s2 =	sadd.s32 s3, s2  }
0x8d: {  	s2 =	sadd.s32 s2, s17  }
0x8e: {  	[smem:$0x3FBD] =	sst s2  }
0x8f: {  	_ = 	snop  }
0x90: {  	s2 =	sld [smem:$0x3FD0];
	(tm) =	ssettm $0x1  }
0x91: {  	s18 =	sld [smem:$0x3FFB];
	_ =	sdelay $0x3  }
0x92: {  	_ =	strace s18  }
0x93: {  	s3 =	sld [smem:$0x3FFC];
	_ =	sdelay $0x3  }
0x94: {  	_ =	strace s3  }
0x95: {  	s3 =	sld [smem:$0x3FFD];
	_ =	sdelay $0x3  }
0x96: {  	_ =	strace s3  }
0x97: {  	_ =	strace $0x8FFFFFFF  }
0x98: {  	s19 =	sld [smem:$0x3FDB];
	_ =	sdelay $0x1  }
0x99: {  	s4 =	simm.s32 $_scs_section_size  }
0x9a: {  	s5 =	simm.s32 $_size__tile_overlayer_lowered;
	s6 =	simm.s32 $_tile_overlayer_lowered  }
0x9b: {  	s22 =	simm.s32 $0x1BFF;
	s21 =	sshll.u32 s6, $0x1;
	s3 =	sadd.s32 s4, s19  }
0x9c: {  	s7 =	simm.s32 $0x0;
	s20 =	sshll.u32 s5, $0x1;
	s5 =	sadd.s32 s21, s3  }
0x9d: {  	[timem:s7], [sflag:s22] =	dma.local [hbm:s5], s20  }
0x9e: {  	_ =	swait.ge [sflag:s22], s20  }
0x9f: {  	s4 =	ssub.s32 $0x0, s20;
	[sflag:s22] =	ssyncset.done $0x0  }
0xa0: {  	[sflag:s22] =	ssyncadd.s32 s4;
	_ =	sdelay $0x1  }
0xa1: {  	s23 =	simm.s32 $0x1B8B  }
0xa2: {  	_ =	swait.ge [sflag:s23], $0x1  }
0xa3: {  	[sflag:s23] =	ssyncset.done $0x0  }
0xa4: {  	s25 =	simm.s32 $0x1B8E;
	s24 =	sld [smem:$0x3FFE];
	[sflag:s23] =	ssyncadd.s32 $0xFFFFFFFF  }
0xa5: {  	s26 =	simm.s32 $execute0_lowered;
	[smem:$0x3FD2] =	sst s25  }
0xa6: {  	s5 =	sshll.u32 s26, $0x1;
	_ =	strace $0x8000004C;
	[dreg:$0x1] =	wrdreg $0xFFFFFFFF  }
0xa7: {  	s28 =	simm.s32 $_size_execute0_lowered;
	s3 =	sadd.s32 s3, s5;
	[dreg:$0x0] =	wrdreg $0x0  }
0xa8: {  	s5 =	sshll.u32 s28, $0x1;
	[dreg:$0x2] =	wrdreg s3  }
0xa9: {  	[dreg:$0x3] =	wrdreg s5  }
0xaa: {  	[dreg:$0x4] =	wrdreg $0xC0  }
0xab: {  	_ =	task [dreg:s7], $0x5FFFF  }
0xac: {  	[dreg:$0x1] =	wrdreg $0xFFFFFFFF  }
0xad: {  	[dreg:$0x0] =	wrdreg $0x60  }
0xae: {  	[dreg:$0x2] =	wrdreg s2  }
0xaf: {  	[dreg:$0x3] =	wrdreg s24  }
0xb0: {  	[dreg:$0x4] =	wrdreg $0x9  }
0xb1: {  	_ =	task.clear_ibuf [dreg:s7], $0x5FFFF;
	_ =	strace $0x9000004C  }
0xb2: {  	s29 =	simm.s32 $0x9;
	_ =	strace $0x8000004E  }
0xb3: {  	_ =	swait.ge [sflag:s29], $0x1  }
0xb4: {  	[sflag:s29] =	ssyncadd.s32 $0xFFFFFFFF  }
0xb5: {  	_ =	strace $0x9000004E  }
0xb6: {  	_ =	sfence  }
0xb7: {  	s30 =	sld [smem:$0x0];
	_ =	sdelay $0x2  }
0xb8: {  	s31 =	sshll.u32 s1, $0xD;
	s1 =	sshrl.u32 s1, $0x2  }
0xb9: {  	s3 =	sand.u32 $0x4000, s31;
	s1 =	sadd.s32 s1, s30  }
0xba: {  	s0 =	sor.u32 s3, s0;
	s1 =	sshll.u32 s1, $0x11  }
0xbb: {  	s0 =	sor.u32 s1, s0  }
0xbc: {  	s0 =	sadd.s32 $0x8F2B, s0  }
0xbd: {  	[sflag:s0] =	ssyncadd.remote.s32 $0x1  }
0xbe: {  	_ =	sfence.sel $0xFFFF  }
0xbf: {  	[dreg:$0x0] =	wrdreg $0xFFFFFFFF;
	(pc) =	sbr.abs _section_cstart, $3  }
0xc0: {  	[dreg:$0x1] =	wrdreg $0xFFFFFFFF  }
0xc1: {  	_ =	task.clear_ibuf [dreg:s7], $0x2FFFF;
	_ =	strace $0x9FFFFFFF  }
0xc2: {  	(tm) =	ssettm $0x7FFFFFFF  }
0xc3: {  	_ =	shalt  }
tec
execute0_lowered:
.L_overlay_start_1:
0x0: {  	(tag) =	ssettag $0x1  }
0x1: {  	s2 =	rddreg [dreg:$0x0]  }
0x2: {  	s5 =	rddreg [dreg:$0x1]  }
0x3: {  	s0 =	rddreg [dreg:$0x2]  }
0x4: {  	s4 =	srdreg.scid;
	s1 =	stileid.u32  }
0x5: {  	s3 =	simm.s32 $0x0;
	s13 =	simm.s32 $0x5C00;
	s15 =	simm.s32 $0x80  }
0x6: {  	s16 =	simm.s32 $0x400;
	s17 =	simm.s32 $0x6880;
	s18 =	simm.s32 $0x2  }
0x7: {  	s19 =	simm.s32 $0x0;
	s6 =	sand.u32 $0x1, s4;
	s28 =	sshll.u32 s1, $0x1  }
0x8: {  	[smem:$0x7FF] =	sst s3;
	s29 =	sshrl.u32 s1, $0x2;
	s4 =	sadd.s32 $0x2000, s5  }
0x9: {  	s9 =	sadd.s32 $0x40200, s5;
	s10 =	sadd.s32 $0x3D000, s5;
	s14 =	sor.u32 s6, s28  }
0xa: {  	_ =	strace $0x8000004D;
	s7 =	smul.u32 $0x6400, s29;
	s6 =	ssub.s32 $0x2, s6  }
0xb: {  	s8 =	sshll.u32 s14, $0x7;
	s30 =	smul.u32 $0xC40, s14;
	s11 =	sshrl.u32 s6, $0x1  }
0xc: {  	p0 =	seq.s32 s14, $0x1F;
	p1 =	sne.s32 s14, $0x1F;
	s8 =	sand.u32 $0x380, s8  }
0xd: {  	s14 =	simm.s32 $0x1;
	s7 =	sor.u32 s7, s8;
	s31 =	sshrl.u32 s30, $0x3  }
0xe: {  	s11 =	ssub.s32 s6, s11;
	s7 =	sshrl.u32 s7, $0x3;
	s6 =	sadd.s32 s10, s31  }
0xf: {  	s8 =	sadd.s32 $0x15C, s31;
	s12 =	sadd.s32 s7, s5;
	s5 =	sadd.s32 s9, s31  }
0x10: {  	s7 =	sadd.s32 s9, s8;
	s8 =	sadd.s32 s10, s8;
	s10 =	smax.u32 s11, $0x1  }
0x11: {  	v0 =	vimm.s32 $0x0;
	s11 =	simm.s32 $0x2780;
	s9 =	sadd.s32 $0x2600, s12;
	s12 =	simm.s32 $0x4F80  }
.LBB2_1:
0x12: {  	[tilespmem:s3], [sflag:$0x1] =	stream.linear.gather [hbm4b:s2+s3], $0x2780, $0x38;
	[tilespmem:$0x7500] =	vst v63  }
0x13: {  	_ = 	snop  }
0x14: {  	[tilespmem:s11], [sflag:$0x1] =	stream.linear.gather [hbm4b:s4+s3], $0x2800, $0x38;
	[tilespmem:$0x7500] =	vst v63  }
0x15: {  	_ = 	snop  }
0x16: {  	[tilespmem:s12], [sflag:$0x1] =	stream.linear.gather [hbm4b:s5+s3], $0xAE0, $0x38;
	[tilespmem:$0x7500] =	vst v63  }
0x17: {  	_ = 	snop  }
0x18: {  	[tilespmem:s13], [sflag:$0x1] =	stream.linear.gather [hbm4b:s6+s3], $0xAE0, $0x38;
	[tilespmem:$0x7500] =	vst v63  }
0x19: {  	s20 =	simm.s32 @!p0 $0x0;
	s21 =	simm.s32 @!p0 $0x5A60  }
0x1a: {  	[tilespmem:s21], [sflag:$0x1] =	stream.linear.gather @!p0 [hbm4b:s7+s20], $0x160, $0x38;
	[tilespmem:$0x7500] =	vst v63  }
0x1b: {  	s21 =	simm.s32 @!p0 $0x66E0  }
0x1c: {  	[tilespmem:s21], [sflag:$0x1] =	stream.linear.gather @!p0 [hbm4b:s8+s20], $0x160, $0x38;
	[tilespmem:$0x7500] =	vst v63  }
0x1d: {  	s20 =	simm.s32 @!p0 $0x1  }
0x1e: {  	_ =	swait.ge @!p0 [sflag:s20], $0x160  }
0x1f: {  	[sflag:s20] =	ssyncset.done @!p0 $0x0  }
0x20: {  	[sflag:s20] =	ssyncadd.s32 @!p0 $0xFFFFFEA0  }
0x21: {  	_ =	swait.ge @!p0 [sflag:s20], $0x160  }
0x22: {  	[sflag:s20] =	ssyncset.done @!p0 $0x0  }
0x23: {  	[sflag:s20] =	ssyncadd.s32 @!p0 $0xFFFFFEA0  }
0x24: {  	_ =	swait.ge [sflag:s14], $0x2780  }
0x25: {  	[sflag:s14] =	ssyncset.done $0x0  }
0x26: {  	[sflag:s14] =	ssyncadd.s32 $0xFFFFD880  }
0x27: {  	_ =	swait.ge [sflag:s14], $0x2800  }
0x28: {  	[sflag:s14] =	ssyncset.done $0x0  }
0x29: {  	[sflag:s14] =	ssyncadd.s32 $0xFFFFD800  }
0x2a: {  	_ =	swait.ge [sflag:s14], $0xAE0  }
.Ltmp0:
0x2b: {  	[sflag:s14] =	ssyncset.done $0x0;
	(pc) =	sbr.rel @p1 .LBB2_5-.Ltmp0, $4  }
0x2c: {  	[sflag:s14] =	ssyncadd.s32 $0xFFFFF520  }
0x2d: {  	_ =	swait.ge [sflag:s14], $0xAE0  }
0x2e: {  	[sflag:s14] =	ssyncset.done $0x0  }
0x2f: {  	[sflag:s14] =	ssyncadd.s32 $0xFFFFF520  }
0x30: {  	s20 =	simm.s32 $0x40;
	s21 =	simm.s32 $0x0  }
.LBB2_3:
0x31: {  	p2 =	sne.s32 s20, $0x540;
	[tilespmem:s21+$0x5A60] =	vst v0;
	s22 =	smov.u32 s20;
	s20 =	sadd.s32 $0x40, s20  }
.Ltmp1:
0x32: {  	[tilespmem:s21+$0x66E0] =	vst v0;
	(pc) =	sbr.rel @p2 .LBB2_3-.Ltmp1, $2  }
0x33: {  	_ =	sdelay $0x2  }
0x34: {  	s21 =	sshra.s32 s22, $0x2  }
0x35: {  	[tilespmem:s21+$0x5A60] =	vst v0  }
0x36: {  	[tilespmem:s21+$0x66E0] =	vst v0  }
.LBB2_5:
0x37: {  	s20 =	simm.s32 $0x0  }
0x38: {  	v1 =	vld [tilespmem:s20+$0x5C00]  }
0x39: {  	v2 =	vld [tilespmem:s20+$0x4F80];
	_ =	sdelay $0x6  }
0x3a: {  	v1 =	vld.idx.msk [tilespmem:v1+s11+$0x0], $0xffff  }
0x3b: {  	v2 =	vld.idx.msk [tilespmem:v2+s3+$0x0], $0xffff;
	_ =	sdelay $0x4  }
0x3c: {  	v1 =	vadd.f32 v1, v2;
	_ =	sdelay $0x1  }
0x3d: {  	v1 =	vsub.f32 $0.0e+00, v1;
	_ =	sdelay $0x1  }
0x3e: {  	v1 =	vmul.f32 $1.442695020e+00, v1;
	_ =	sdelay $0x1  }
0x3f: {  	(erf) = vpow2.f32 v1;
	_ =	sdelay $0x8  }
0x40: {  	v1 =	vpop (erf)  }
0x41: {  	v1 =	vadd.f32 $1.000000000e+00, v1;
	_ =	sdelay $0x1  }
0x42: {  	(erf) = vrcp.f32 v1;
	_ =	sdelay $0x1  }
0x43: {  	s22 =	simm.s32 $0x10  }
0x44: {  	s21 =	simm.s32 $0x80;
	v1 =	vld [tilespmem:s22+$0x5C00]  }
.LBB2_6:
0x45: {  	p2 =	sne.s32 s21, $0x30C0;
	v2 =	vld [tilespmem:s22+$0x4F80];
	_ =	sdelay $0x4  }
0x46: {  	v3 =	vpop (erf)  }
0x47: {  	[tilespmem:s20+$0x6880] =	vst v3;
	s20 =	smov.u32 s22  }
0x48: {  	v1 =	vld.idx.msk [tilespmem:v1+s11+$0x0], $0xffff  }
0x49: {  	v2 =	vld.idx.msk [tilespmem:v2+s3+$0x0], $0xffff;
	_ =	sdelay $0x5  }
0x4a: {  	v1 =	vadd.f32 v1, v2;
	_ =	sdelay $0x1  }
0x4b: {  	v1 =	vsub.f32 $0.0e+00, v1;
	_ =	sdelay $0x1  }
0x4c: {  	v1 =	vmul.f32 $1.442695020e+00, v1;
	_ =	sdelay $0x1  }
0x4d: {  	(erf) = vpow2.f32 v1;
	_ =	sdelay $0x8  }
0x4e: {  	v1 =	vpop (erf)  }
0x4f: {  	v1 =	vadd.f32 $1.000000000e+00, v1  }
.Ltmp2:
0x50: {  	(pc) =	sbr.rel @p2 .LBB2_6-.Ltmp2, $3  }
0x51: {  	(erf) = vrcp.f32 v1;
	_ =	sdelay $0x1  }
0x52: {  	s22 =	sshra.s32 s21, $0x2  }
0x53: {  	s21 =	sadd.s32 $0x40, s21;
	v1 =	vld [tilespmem:s22+$0x5C00]  }
0x54: {  	_ = 	snop  }
0x55: {  	v2 =	vld [tilespmem:s22+$0x4F80];
	_ =	sdelay $0x4  }
0x56: {  	v3 =	vpop (erf)  }
0x57: {  	[tilespmem:s20+$0x6880] =	vst v3  }
0x58: {  	v1 =	vld.idx.msk [tilespmem:v1+s11+$0x0], $0xffff  }
0x59: {  	v2 =	vld.idx.msk [tilespmem:v2+s3+$0x0], $0xffff;
	_ =	sdelay $0x4  }
0x5a: {  	v1 =	vadd.f32 v1, v2;
	_ =	sdelay $0x1  }
0x5b: {  	v1 =	vsub.f32 $0.0e+00, v1;
	_ =	sdelay $0x1  }
0x5c: {  	v1 =	vmul.f32 $1.442695020e+00, v1;
	_ =	sdelay $0x1  }
0x5d: {  	(erf) = vpow2.f32 v1;
	_ =	sdelay $0x8  }
0x5e: {  	v1 =	vpop (erf)  }
0x5f: {  	v1 =	vadd.f32 $1.000000000e+00, v1;
	_ =	sdelay $0x1  }
0x60: {  	(erf) = vrcp.f32 v1;
	_ =	sdelay $0x7  }
0x61: {  	s19 =	sadd.s32 $0x1, s19  }
0x62: {  	p2 =	sne.s32 s19, s10;
	v1 =	vpop (erf)  }
.Ltmp3:
0x63: {  	[tilespmem:s22+$0x6880] =	vst v1;
	(pc) =	sbr.rel @p2 .LBB2_1-.Ltmp3, $4  }
0x64: {  	[hbm4b:s9+s15] =	stream.strided.scatter [tilespmem:s17], [sflag:$0x2], $0xC80, s16, s15, $0x38;
	[tilespmem:$0x7500] =	vst v63  }
0x65: {  	_ =	swait.ge [sflag:s18], $0xC80  }
0x66: {  	[sflag:s18] =	ssyncset.done $0x0  }
0x67: {  	[sflag:s18] =	ssyncadd.s32 $0xFFFFF380  }
0x68: {  	_ =	sfence.sel $0x180000  }
0x69: {  	[bflag:$0x0] =	sbarrier.arrive $0xFFFF  }
0x6a: {  	p0 =	sne.s32 s1, $0x0;
	_ =	strace $0x9000004D  }
0x6b: {  	s0 =	sadd.s32 @!p0 $0x100000, s0;
	[bflag:$0x2] =	sbarrier.arrive $0xFFFF  }
0x6c: {  	[sflag:s0] =	ssyncadd.tile.s32 @!p0 $0x1;
	_ =	shalt  }
.Lfunc_end2:
_tile_overlayer_lowered:
.L_overlay_start_2:
0x6d: {  	(tag) =	ssettag $0x2  }
0x6e: {  	s0 =	rddreg [dreg:$0x0];
	s2 =	stileid.u32  }
0x6f: {  	s1 =	rddreg [dreg:$0x1];
	p0 =	sne.s32 s2, $0x0  }
0x70: {  	s3 =	rddreg [dreg:$0x2];
	[bflag:$0x3] =	sbarrier.arrive $0xFFFF;
	s2 =	simm.s32 @!p0 $0x1C02  }
0x71: {  	[timem:s3], [sflag:s2] =	dma.local @!p0 [hbm:s0], s1  }
0x72: {  	s0 =	simm.s32 @!p0 $0x2  }
0x73: {  	_ =	swait.ge @!p0 [sflag:s0], s1  }
0x74: {  	s1 =	ssub.s32 @!p0 $0x0, s1;
	[sflag:s0] =	ssyncset.done @!p0 $0x0  }
0x75: {  	[sflag:s0] =	ssyncadd.s32 @!p0 s1  }
0x76: {  	[bflag:$0x3] =	sbarrier.arrive $0xFFFF  }
0x77: {  	_ =	shalt  }

// kernel: kernel.7.cloned.1.call-start
scs
__scs_entry_jumppad:
0x0: {  	(pc) =	sbr.rel $0x88, $3  }
0x1: {  	(tag) =	ssettag $0x0;
	lr =	simm.s32 $0x1  }
0x2: {  	[smem:$0x3F96] =	sst lr;
	_ =	strace $0xD0000000  }
0x3: {  	_ = 	snop  }
0x4: {  	_ = 	snop  }
0x5: {  	_ = 	snop  }
0x6: {  	_ = 	snop  }
0x7: {  	_ = 	snop  }
__scs_overlays_trampoline_lowered:
0x8: {  	[smem:$0x3FA5] =	sst s0  }
0x9: {  	[smem:$0x3FA6] =	sst s1  }
0xa: {  	[smem:$0x3FA7] =	sst s2  }
0xb: {  	[smem:$0x3FA8] =	sst s3  }
0xc: {  	[smem:$0x3FA9] =	sst s4  }
0xd: {  	[smem:$0x3FAA] =	sst s5  }
0xe: {  	[smem:$0x3FAB] =	sst s6  }
0xf: {  	[smem:$0x3FAC] =	sst s7  }
0x10: {  	[smem:$0x3FAD] =	sst s8  }
0x11: {  	[smem:$0x3FAE] =	sst s9;
	s0 =	simm.s32 @!p0 $0x0  }
0x12: {  	s1 =	sld [smem:$0x3F94];
	s0 =	simm.s32 @p0 $0x1  }
0x13: {  	[smem:$0x3FAF] =	sst s0;
	s0 =	simm.s32 @!p1 $0x0  }
0x14: {  	s2 =	sld [smem:$0x3F93];
	s0 =	simm.s32 @p1 $0x1  }
0x15: {  	[smem:$0x3FB0] =	sst s0;
	s0 =	simm.s32 @!p2 $0x0  }
0x16: {  	s3 =	sld [smem:$0x3FDB];
	s0 =	simm.s32 @p2 $0x1  }
0x17: {  	s4 =	simm.s32 $0x1BF5;
	[smem:$0x3FB2] =	sst s0  }
0x18: {  	s0 =	sld [smem:$0x3F95];
	_ =	swait.ge [sflag:s4], $0x0  }
0x19: {  	s7 =	sld [smem:$0x3F96]  }
0x1a: {  	s8 =	sadd.s32 $0xFFFFE003, lr  }
0x1b: {  	s9 =	sadd.s32 $0xFFFFFEF7, lr;
	s5 =	simm.s32 $0xFFFFFFFF;
	p2 =	slt.u32 s8, $0xFFFFF086  }
0x1c: {  	p1 =	slt.u32 s9, $0xF7A;
	s5 =	simm.s32 @!p2 $0x0  }
0x1d: {  	s5 =	simm.s32 @p1 $0x1;
	p0 =	seq.s32 s7, s2  }
0x1e: {  	s7 =	smul.u32 @!p0 $0xF7A, s2;
	p2 =	seq.s32 @!p0 s5, $0x0  }
0x1f: {  	s9 =	smul.u32 $0xF7A, s1;
	s8 =	simm.s32 @!p0 $0x1BF5;
	p2 =	por !p2, p0  }
0x20: {  	[sflag:s8] =	ssyncset.s32 @!p0 $0xFFFFF086;
	s6 =	sadd.s32 @!p0 s3, s7;
	s7 =	simm.s32 @!p0 $0x108  }
0x21: {  	s3 =	sadd.s32 s3, s9;
	s6 =	sadd.s32 @!p0 $0x88, s6;
	s7 =	simm.s32 @p2 $0x1082  }
0x22: {  	[simem:s7], [sflag:s8] =	dma.local @!p0 [hbm:s6], $0xF7A  }
0x23: {  	s9 =	sor.u32 $0xD0000000, s2;
	s6 =	simm.s32 $0x108;
	_ =	swait.ge @!p0 [sflag:s8], $0x0  }
0x24: {  	s3 =	sadd.s32 $0x88, s3;
	s6 =	simm.s32 @!p1 $0x1082;
	[sflag:s4] =	ssyncset.s32 $0xFFFFF086  }
0x25: {  	[simem:s6], [sflag:s4] =	dma.local [hbm:s3], $0xF7A  }
0x26: {  	[smem:$0x3F96] =	sst s1;
	(tag) =	ssettag s2;
	_ =	strace s9  }
0x27: {  	s1 =	sld [smem:$0x3FA6]  }
0x28: {  	s2 =	sld [smem:$0x3FA7]  }
0x29: {  	s4 =	sld [smem:$0x3FA9]  }
0x2a: {  	p0 =	seq.s32 s5, $0x0;
	s5 =	sld [smem:$0x3FAA]  }
0x2b: {  	s6 =	sld [smem:$0x3FAB]  }
0x2c: {  	s7 =	sld [smem:$0x3FAC]  }
0x2d: {  	s3 =	simm.s32 $0x108;
	s8 =	sld [smem:$0x3FAD]  }
0x2e: {  	s3 =	simm.s32 @!p0 $0x1082;
	s9 =	sld [smem:$0x3FAE]  }
0x2f: {  	lr =	sadd.s32 s0, s3;
	s0 =	sld [smem:$0x3FA5]  }
0x30: {  	s3 =	sld [smem:$0x3FA8]  }
0x31: {  	[smem:$0x3FB1] =	sst s10  }
0x32: {  	s10 =	sld [smem:$0x3FAF];
	_ =	sdelay $0x3  }
0x33: {  	p0 =	seq.s32 s10, $0x1;
	s10 =	sld [smem:$0x3FB1];
	_ =	sdelay $0x3  }
0x34: {  	[smem:$0x3FB1] =	sst s10  }
0x35: {  	s10 =	sld [smem:$0x3FB0];
	_ =	sdelay $0x3  }
0x36: {  	p1 =	seq.s32 s10, $0x1;
	s10 =	sld [smem:$0x3FB1];
	_ =	sdelay $0x3  }
0x37: {  	[smem:$0x3FB1] =	sst s10  }
0x38: {  	s10 =	sld [smem:$0x3FB2]  }
0x39: {  	_ = 	snop;
	(pc) =	sbr.ind lr, $3  }
0x3a: {  	_ = 	snop  }
0x3b: {  	_ = 	snop  }
0x3c: {  	p2 =	seq.s32 s10, $0x1;
	s10 =	sld [smem:$0x3FB1]  }
0x3d: {  	_ =	shalt  }
0x3e: {  	_ =	shalt  }
0x3f: {  	_ =	shalt  }
0x40: {  	_ =	shalt  }
0x41: {  	_ =	shalt  }
0x42: {  	_ =	shalt  }
0x43: {  	_ =	shalt  }
0x44: {  	_ =	shalt  }
0x45: {  	_ =	shalt  }
0x46: {  	_ =	shalt  }
0x47: {  	_ =	shalt  }
0x48: {  	_ =	shalt  }
0x49: {  	_ =	shalt  }
0x4a: {  	_ =	shalt  }
0x4b: {  	_ =	shalt  }
0x4c: {  	_ =	shalt  }
0x4d: {  	_ =	shalt  }
0x4e: {  	_ =	shalt  }
0x4f: {  	_ =	shalt  }
0x50: {  	_ =	shalt  }
0x51: {  	_ =	shalt  }
0x52: {  	_ =	shalt  }
0x53: {  	_ =	shalt  }
0x54: {  	_ =	shalt  }
0x55: {  	_ =	shalt  }
0x56: {  	_ =	shalt  }
0x57: {  	_ =	shalt  }
0x58: {  	_ =	shalt  }
0x59: {  	_ =	shalt  }
0x5a: {  	_ =	shalt  }
0x5b: {  	_ =	shalt  }
0x5c: {  	_ =	shalt  }
0x5d: {  	_ =	shalt  }
0x5e: {  	_ =	shalt  }
0x5f: {  	_ =	shalt  }
0x60: {  	_ =	shalt  }
0x61: {  	_ =	shalt  }
0x62: {  	_ =	shalt  }
0x63: {  	_ =	shalt  }
0x64: {  	_ =	shalt  }
0x65: {  	_ =	shalt  }
0x66: {  	_ =	shalt  }
0x67: {  	_ =	shalt  }
0x68: {  	_ =	shalt  }
0x69: {  	_ =	shalt  }
0x6a: {  	_ =	shalt  }
0x6b: {  	_ =	shalt  }
0x6c: {  	_ =	shalt  }
0x6d: {  	_ =	shalt  }
0x6e: {  	_ =	shalt  }
0x6f: {  	_ =	shalt  }
0x70: {  	_ =	shalt  }
0x71: {  	_ =	shalt  }
0x72: {  	_ =	shalt  }
0x73: {  	_ =	shalt  }
0x74: {  	_ =	shalt  }
0x75: {  	_ =	shalt  }
0x76: {  	_ =	shalt  }
0x77: {  	_ =	shalt  }
0x78: {  	_ =	shalt  }
0x79: {  	_ =	shalt  }
0x7a: {  	_ =	shalt  }
0x7b: {  	_ =	shalt  }
0x7c: {  	_ =	shalt  }
0x7d: {  	_ =	shalt  }
0x7e: {  	_ =	shalt  }
0x7f: {  	_ =	shalt  }
0x80: {  	_ =	shalt  }
0x81: {  	_ =	shalt  }
0x82: {  	_ =	shalt  }
0x83: {  	_ =	shalt  }
0x84: {  	_ =	shalt  }
0x85: {  	_ =	shalt  }
0x86: {  	_ =	shalt  }
0x87: {  	_ =	shalt  }
.Lfunc_end0:
.L_simem_size_0:
called_computation_lowered:
.L_overlay_start_0:
0x88: {  	s2 =	sld [smem:$0x3FD9]  }
0x89: {  	s3 =	sld [smem:$0x3FFE];
	_ =	sdelay $0x1  }
0x8a: {  	s1 =	srdreg.scid  }
0x8b: {  	s0 =	sand.u32 $0x1, s1  }
0x8c: {  	s16 =	sshll.u32 s0, $0xA;
	s2 =	sadd.s32 s3, s2  }
0x8d: {  	s2 =	sadd.s32 s2, s16  }
0x8e: {  	[smem:$0x3FBD] =	sst s2  }
0x8f: {  	_ = 	snop  }
0x90: {  	(tm) =	ssettm $0x1  }
0x91: {  	s17 =	sld [smem:$0x3FFB];
	_ =	sdelay $0x3  }
0x92: {  	_ =	strace s17  }
0x93: {  	s2 =	sld [smem:$0x3FFC];
	_ =	sdelay $0x3  }
0x94: {  	_ =	strace s2  }
0x95: {  	s2 =	sld [smem:$0x3FFD];
	_ =	sdelay $0x3  }
0x96: {  	_ =	strace s2  }
0x97: {  	_ =	strace $0x8FFFFFFF  }
0x98: {  	s18 =	sld [smem:$0x3FDB];
	_ =	sdelay $0x1  }
0x99: {  	s19 =	simm.s32 $_scs_section_size  }
0x9a: {  	s4 =	simm.s32 $_size__tile_overlayer_lowered;
	s5 =	simm.s32 $_tile_overlayer_lowered  }
0x9b: {  	s22 =	simm.s32 $0x1BFF;
	s21 =	sshll.u32 s5, $0x1;
	s2 =	sadd.s32 s19, s18  }
0x9c: {  	s6 =	simm.s32 $0x0;
	s20 =	sshll.u32 s4, $0x1;
	s4 =	sadd.s32 s21, s2  }
0x9d: {  	[timem:s6], [sflag:s22] =	dma.local [hbm:s4], s20  }
0x9e: {  	_ =	swait.ge [sflag:s22], s20  }
0x9f: {  	s3 =	ssub.s32 $0x0, s20;
	[sflag:s22] =	ssyncset.done $0x0  }
0xa0: {  	[sflag:s22] =	ssyncadd.s32 s3;
	_ =	sdelay $0x1  }
0xa1: {  	s23 =	simm.s32 $0x1B8B  }
0xa2: {  	_ =	swait.ge [sflag:s23], $0x1  }
0xa3: {  	[sflag:s23] =	ssyncset.done $0x0  }
0xa4: {  	s25 =	simm.s32 $0x1B8E;
	s24 =	sld [smem:$0x3FFE];
	[sflag:s23] =	ssyncadd.s32 $0xFFFFFFFF  }
0xa5: {  	s26 =	simm.s32 $execute0_lowered;
	[smem:$0x3FD2] =	sst s25  }
0xa6: {  	s4 =	sshll.u32 s26, $0x1;
	_ =	strace $0x80000046;
	[dreg:$0x1] =	wrdreg $0xFFFFFFFF  }
0xa7: {  	s28 =	simm.s32 $_size_execute0_lowered;
	s2 =	sadd.s32 s2, s4;
	[dreg:$0x0] =	wrdreg $0x0  }
0xa8: {  	s4 =	sshll.u32 s28, $0x1;
	[dreg:$0x2] =	wrdreg s2  }
0xa9: {  	[dreg:$0x3] =	wrdreg s4  }
0xaa: {  	[dreg:$0x4] =	wrdreg $0xC0  }
0xab: {  	_ =	task [dreg:s6], $0x5FFFF  }
0xac: {  	[dreg:$0x1] =	wrdreg $0xFFFFFFFF  }
0xad: {  	[dreg:$0x0] =	wrdreg $0x60  }
0xae: {  	[dreg:$0x2] =	wrdreg s24  }
0xaf: {  	[dreg:$0x3] =	wrdreg $0x9  }
0xb0: {  	_ =	task.clear_ibuf [dreg:s6], $0x4FFFF;
	_ =	strace $0x90000046  }
0xb1: {  	s29 =	simm.s32 $0x9;
	_ =	strace $0x80000048  }
0xb2: {  	_ =	swait.ge [sflag:s29], $0x1  }
0xb3: {  	[sflag:s29] =	ssyncadd.s32 $0xFFFFFFFF  }
0xb4: {  	_ =	strace $0x90000048  }
0xb5: {  	_ =	sfence  }
0xb6: {  	s30 =	sld [smem:$0x0];
	_ =	sdelay $0x2  }
0xb7: {  	s31 =	sshll.u32 s1, $0xD;
	s1 =	sshrl.u32 s1, $0x2  }
0xb8: {  	s3 =	sand.u32 $0x4000, s31;
	s1 =	sadd.s32 s1, s30  }
0xb9: {  	s0 =	sor.u32 s3, s0;
	s1 =	sshll.u32 s1, $0x11  }
0xba: {  	s0 =	sor.u32 s1, s0  }
0xbb: {  	s0 =	sadd.s32 $0x8F2B, s0  }
0xbc: {  	[sflag:s0] =	ssyncadd.remote.s32 $0x1  }
0xbd: {  	_ =	sfence.sel $0xFFFF  }
0xbe: {  	[dreg:$0x0] =	wrdreg $0xFFFFFFFF;
	(pc) =	sbr.abs _section_cstart, $3  }
0xbf: {  	[dreg:$0x1] =	wrdreg $0xFFFFFFFF  }
0xc0: {  	_ =	task.clear_ibuf [dreg:s6], $0x2FFFF;
	_ =	strace $0x9FFFFFFF  }
0xc1: {  	(tm) =	ssettm $0x7FFFFFFF  }
tec
execute0_lowered:
.L_overlay_start_1:
0x0: {  	(tag) =	ssettag $0x1  }
0x1: {  	s5 =	rddreg [dreg:$0x0]  }
0x2: {  	s0 =	rddreg [dreg:$0x1];
	s2 =	simm.s32 $0x0;
	s1 =	stileid.u32  }
0x3: {  	s3 =	srdreg.scid;
	s11 =	simm.s32 $0x80;
	s12 =	simm.s32 $0x400  }
0x4: {  	s13 =	simm.s32 $0x4F00;
	s14 =	simm.s32 $0x7680;
	s15 =	simm.s32 $0x1  }
0x5: {  	s16 =	simm.s32 $0xC580;
	s17 =	simm.s32 $0x9E00;
	s18 =	simm.s32 $0x0  }
0x6: {  	[smem:$0x7FF] =	sst s2;
	s4 =	sshrl.u32 s1, $0x2;
	s6 =	sand.u32 $0x1, s3  }
0x7: {  	s29 =	sshll.u32 s1, $0x8;
	s3 =	sadd.s32 $0x3CE00, s5;
	s7 =	smul.u32 $0x13C00, s4  }
0x8: {  	s8 =	sshll.u32 s6, $0x7;
	s9 =	sand.u32 $0x300, s29;
	s10 =	smul.u32 $0x14000, s4  }
0x9: {  	_ =	strace $0x80000047;
	s6 =	ssub.s32 $0x2, s6;
	s8 =	sor.u32 s8, s9  }
0xa: {  	s4 =	sadd.s32 $0x3D400, s5;
	s30 =	sshrl.u32 s6, $0x1;
	s7 =	sor.u32 s7, s8  }
0xb: {  	s8 =	sor.u32 s10, s8;
	s31 =	ssub.s32 s6, s30;
	s7 =	sshrl.u32 s7, $0x3  }
0xc: {  	s10 =	simm.s32 $0x2780;
	s8 =	sshrl.u32 s8, $0x3;
	s7 =	sadd.s32 s7, s5  }
0xd: {  	s9 =	smax.u32 s31, $0x1;
	s8 =	sadd.s32 s8, s5;
	s5 =	sadd.s32 $0x2000, s7  }
0xe: {  	v0 =	vimm.f32 $0.0e+00;
	s6 =	sadd.s32 $0xBE00, s7;
	s7 =	sadd.s32 $0x3DA00, s7;
	s8 =	sadd.s32 $0x47800, s8  }
.LBB2_1:
0xf: {  	[tilespmem:s2], [sflag:$0x1] =	stream.linear.gather [hbm4b:s3+s2], $0x2780, $0x38;
	[tilespmem:$0xED80] =	vst v63  }
0x10: {  	_ = 	snop  }
0x11: {  	[tilespmem:s10], [sflag:$0x1] =	stream.linear.gather [hbm4b:s4+s2], $0x2780, $0x38;
	[tilespmem:$0xED80] =	vst v63  }
0x12: {  	_ = 	snop  }
0x13: {  	[tilespmem:s13], [sflag:$0x1] =	stream.strided.gather [hbm4b:s5+s11], $0x2780, s12, s11, $0x38;
	[tilespmem:$0xED80] =	vst v63  }
0x14: {  	s19 =	simm.s32 $0x40;
	s20 =	simm.s32 $0x0  }
0x15: {  	[tilespmem:s14], [sflag:$0x1] =	stream.strided.gather [hbm4b:s6+s11], $0x2780, s12, s11, $0x38;
	[tilespmem:$0xED80] =	vst v63  }
.LBB2_2:
0x16: {  	p0 =	sne.s32 s19, $0x9FC0;
	[tilespmem:s20+$0xC580] =	vst v0;
	s20 =	smov.u32 s19;
	s19 =	sadd.s32 $0x40, s19  }
.Ltmp0:
0x17: {  	(pc) =	sbr.rel @p0 .LBB2_2-.Ltmp0, $2  }
0x18: {  	_ =	sdelay $0x2  }
0x19: {  	s20 =	sshra.s32 s20, $0x2  }
0x1a: {  	[tilespmem:s20+$0xC580] =	vst v0  }
0x1b: {  	_ =	swait.ge [sflag:s15], $0x2780  }
0x1c: {  	[sflag:s15] =	ssyncset.done $0x0  }
0x1d: {  	[sflag:s15] =	ssyncadd.s32 $0xFFFFD880  }
0x1e: {  	_ =	swait.ge [sflag:s15], $0x2780  }
0x1f: {  	[sflag:s15] =	ssyncset.done $0x0  }
0x20: {  	[sflag:s15] =	ssyncadd.s32 $0xFFFFD880  }
0x21: {  	_ =	swait.ge [sflag:s15], $0x2780  }
0x22: {  	[sflag:s15] =	ssyncset.done $0x0  }
0x23: {  	[sflag:s15] =	ssyncadd.s32 $0xFFFFD880  }
0x24: {  	_ =	swait.ge [sflag:s15], $0x2780  }
0x25: {  	[sflag:s15] =	ssyncset.done $0x0  }
0x26: {  	s19 =	simm.s32 $0x0;
	[sflag:s15] =	ssyncadd.s32 $0xFFFFD880  }
0x27: {  	v1 =	vld [tilespmem:s19+$0x7680]  }
0x28: {  	s20 =	simm.s32 $0x40;
	v2 =	vld [tilespmem:s19+$0x4F00]  }
.LBB2_4:
0x29: {  	p0 =	sne.s32 s20, $0x9C00;
	_ =	sdelay $0x5  }
0x2a: {  	v3 =	vld.idx.msk [tilespmem:v1+s10+$0x0], $0xffff  }
0x2b: {  	v2 =	vld.idx.msk [tilespmem:v2+s2+$0x0], $0xffff;
	_ =	sdelay $0x5  }
0x2c: {  	v2 =	vadd.f32 v3, v2;
	_ =	sdelay $0x1  }
0x2d: {  	v3 =	vmul.f32 $2.000000030e-01, v2  }
0x2e: {  	vm0 =	vge.f32 v2, $0.0e+00  }
0x2f: {  	v2 =	vsel vm0, v2, v3  }
0x30: {  	v2 =	vmul.f32 $1.442695020e+00, v2;
	_ =	sdelay $0x1  }
0x31: {  	(erf) = vpow2.f32 v2;
	_ =	sdelay $0x8  }
.Ltmp1:
0x32: {  	v2 =	vpop (erf);
	(pc) =	sbr.rel @p0 .LBB2_4-.Ltmp1, $4  }
0x33: {  	[tilespmem:s19+$0x9E00] =	vst v2  }
0x34: {  	s19 =	sshra.s32 s20, $0x2;
	[tilespmem:v1+s16+$0x0] =	vst.idx.add.f32.msk $0xffff, v2  }
0x35: {  	v1 =	vld [tilespmem:s19+$0x7680]  }
0x36: {  	s20 =	sadd.s32 $0x40, s20;
	v2 =	vld [tilespmem:s19+$0x4F00]  }
0x37: {  	_ =	sdelay $0x6  }
0x38: {  	v3 =	vld.idx.msk [tilespmem:v1+s10+$0x0], $0xffff  }
0x39: {  	v2 =	vld.idx.msk [tilespmem:v2+s2+$0x0], $0xffff;
	_ =	sdelay $0x4  }
0x3a: {  	v2 =	vadd.f32 v3, v2;
	_ =	sdelay $0x1  }
0x3b: {  	v3 =	vmul.f32 $2.000000030e-01, v2  }
0x3c: {  	vm0 =	vge.f32 v2, $0.0e+00  }
0x3d: {  	v2 =	vsel vm0, v2, v3  }
0x3e: {  	v2 =	vmul.f32 $1.442695020e+00, v2;
	_ =	sdelay $0x1  }
0x3f: {  	(erf) = vpow2.f32 v2;
	_ =	sdelay $0x8  }
0x40: {  	v2 =	vpop (erf)  }
0x41: {  	[tilespmem:s19+$0x9E00] =	vst v2  }
0x42: {  	[tilespmem:v1+s16+$0x0] =	vst.idx.add.f32.msk $0xffff, v2  }
0x43: {  	[hbm4b:s7+s11] =	stream.strided.scatter [tilespmem:s17], [sflag:$0x1], $0x2780, s12, s11, $0x38;
	[tilespmem:$0xED80] =	vst v63  }
0x44: {  	s18 =	sadd.s32 $0x1, s18  }
0x45: {  	[hbm4b:s8+s11] =	stream.strided.scatter [tilespmem:s16], [sflag:$0x1], $0x2800, s12, s11, $0x38;
	[tilespmem:$0xED80] =	vst v63  }
0x46: {  	p0 =	sne.s32 s18, s9;
	_ =	swait.ge [sflag:s15], $0x2780  }
.Ltmp2:
0x47: {  	[sflag:s15] =	ssyncset.done $0x0;
	(pc) =	sbr.rel @p0 .LBB2_1-.Ltmp2, $4  }
0x48: {  	[sflag:s15] =	ssyncadd.s32 $0xFFFFD880  }
0x49: {  	_ =	swait.ge [sflag:s15], $0x2800  }
0x4a: {  	[sflag:s15] =	ssyncset.done $0x0  }
0x4b: {  	[sflag:s15] =	ssyncadd.s32 $0xFFFFD800  }
0x4c: {  	_ =	sfence.sel $0x180000  }
0x4d: {  	[bflag:$0x0] =	sbarrier.arrive $0xFFFF  }
0x4e: {  	p0 =	sne.s32 s1, $0x0;
	_ =	strace $0x90000047  }
0x4f: {  	s0 =	sadd.s32 @!p0 $0x100000, s0;
	[bflag:$0x2] =	sbarrier.arrive $0xFFFF  }
0x50: {  	[sflag:s0] =	ssyncadd.tile.s32 @!p0 $0x1;
	_ =	shalt  }
.Lfunc_end2:
_tile_overlayer_lowered:
.L_overlay_start_2:
0x51: {  	(tag) =	ssettag $0x2  }
0x52: {  	s0 =	rddreg [dreg:$0x0];
	s2 =	stileid.u32  }
0x53: {  	s1 =	rddreg [dreg:$0x1];
	p0 =	sne.s32 s2, $0x0  }
0x54: {  	s3 =	rddreg [dreg:$0x2];
	[bflag:$0x3] =	sbarrier.arrive $0xFFFF;
	s2 =	simm.s32 @!p0 $0x1C02  }
0x55: {  	[timem:s3], [sflag:s2] =	dma.local @!p0 [hbm:s0], s1  }
0x56: {  	s0 =	simm.s32 @!p0 $0x2  }
0x57: {  	_ =	swait.ge @!p0 [sflag:s0], s1  }
0x58: {  	s1 =	ssub.s32 @!p0 $0x0, s1;
	[sflag:s0] =	ssyncset.done @!p0 $0x0  }
0x59: {  	[sflag:s0] =	ssyncadd.s32 @!p0 s1  }
0x5a: {  	[bflag:$0x3] =	sbarrier.arrive $0xFFFF  }
0x5b: {  	_ =	shalt  }

</sc_bundles>
